<compile_context>
chip_gen: v7x
topology: tpu7x:2x2x1
jax: 0.10.2.dev20260603
libtpu: 0.0.44.dev20260713+nightly
codegen_flags: <defaults>
</compile_context>

<pallas_src>
import functools

import jax
import jax.numpy as jnp
from jax import lax
from jax.experimental import pallas as pl
from jax.experimental.pallas import tpu as pltpu
from jax.experimental.pallas import tpu_sc as plsc

_NC = 2
_NS = 16
_NW = _NC * _NS
_L = 16

_SC_ROWS = 256
_CHUNK_ROWS = 4
_TC_BLOCK_ROWS = 256


def _tc_body(x_ref, mins_ref, flag_ref, *, last_dims_equal):
    mins_ref[...] = jnp.min(x_ref[...], axis=1)

    @pl.when(pl.program_id(0) == 0)
    def _():
        flag_ref[...] = jnp.full((1, 1), 1.0 if last_dims_equal else 0.0,
                                 jnp.float32)


def _sc_body(x_hbm, mins_hbm, flag_hbm, buf, out_v, flag_v, sem0, sem1,
             *, row_offset, rows, cols, last_dims_equal):
    rows_per_w = rows // _NW
    nchunks = rows_per_w // _CHUNK_ROWS
    wid = lax.axis_index("s") * _NC + lax.axis_index("c")
    out_base = wid * rows_per_w
    base = row_offset + out_base
    sems = (sem0, sem1)

    def issue(c, slot):
        return pltpu.async_copy(
            x_hbm.at[pl.ds(base + c * _CHUNK_ROWS, _CHUNK_ROWS)],
            buf.at[slot], sems[slot])

    def lane_min_splat(v):
        for sh in (8, 4, 2, 1):
            idx = jnp.bitwise_xor(lax.iota(jnp.int32, _L), sh)
            v = jnp.minimum(v, jnp.take_along_axis(v, idx, axis=0))
        return v

    def reduce_chunk(c, slot):
        nacc = 4
        for r in range(_CHUNK_ROWS):
            def step(j, accs):
                return tuple(
                    jnp.minimum(accs[i],
                                buf[slot, r, pl.ds((j * nacc + i) * _L, _L)])
                    for i in range(nacc))
            accs = lax.fori_loop(
                0, cols // (nacc * _L), step,
                tuple(jnp.full((_L,), jnp.inf, jnp.float32)
                      for _ in range(nacc)),
                unroll=8)
            acc = jnp.minimum(jnp.minimum(accs[0], accs[1]),
                              jnp.minimum(accs[2], accs[3]))
            out_v[c * _CHUNK_ROWS + r, :] = lane_min_splat(acc)

    dsc = issue(0, 0)
    for c in range(nchunks):
        slot = c % 2
        dsc.wait()
        if c + 1 < nchunks:
            dsc = issue(c + 1, (c + 1) % 2)
        reduce_chunk(c, slot)

    pltpu.sync_copy(out_v, mins_hbm.at[pl.ds(out_base, rows_per_w)])

    @pl.when(wid == 0)
    def _():
        flag_v[...] = jnp.full((_L,), 1.0 if last_dims_equal else 0.0,
                               jnp.float32)
        pltpu.sync_copy(flag_v, flag_hbm)


def kernel(x):
    b0, b1, k = x.shape
    rows = b0 * b1
    xr = x.reshape(rows, k)
    last_dims_equal = b1 == k
    tc_rows = rows - _SC_ROWS

    sc_body = functools.partial(_sc_body, row_offset=tc_rows, rows=_SC_ROWS,
                                cols=k, last_dims_equal=last_dims_equal)
    sc_rows_per_w = _SC_ROWS // _NW
    mins_sc, flag_sc = pl.kernel(
        sc_body,
        out_type=[
            jax.ShapeDtypeStruct((_SC_ROWS, _L), jnp.float32),
            jax.ShapeDtypeStruct((_L,), jnp.float32),
        ],
        mesh=plsc.VectorSubcoreMesh(core_axis_name="c", subcore_axis_name="s"),
        scratch_types=[
            pltpu.VMEM((2, _CHUNK_ROWS, k), jnp.float32),
            pltpu.VMEM((sc_rows_per_w, _L), jnp.float32),
            pltpu.VMEM((_L,), jnp.float32),
            pltpu.SemaphoreType.DMA,
            pltpu.SemaphoreType.DMA,
        ],
    )(xr)

    tc_body = functools.partial(_tc_body, last_dims_equal=last_dims_equal)
    mins_tc, flag_tc = pl.pallas_call(
        tc_body,
        grid=(tc_rows // _TC_BLOCK_ROWS,),
        in_specs=[pl.BlockSpec((_TC_BLOCK_ROWS, k), lambda i: (i, 0))],
        out_specs=[
            pl.BlockSpec((_TC_BLOCK_ROWS,), lambda i: (i,)),
            pl.BlockSpec((1, 1), lambda i: (0, 0)),
        ],
        out_shape=[
            jax.ShapeDtypeStruct((tc_rows,), jnp.float32),
            jax.ShapeDtypeStruct((1, 1), jnp.float32),
        ],
    )(xr)

    del mins_tc, mins_sc
    return jnp.maximum(flag_tc[0, 0], flag_sc[0]).astype(jnp.bool_)

# --- scband reference (transcript-rebuilt; emitter-appended) ---
"""Pipeline reference for scband-my-model-61933428415639 (READ-ONLY COPY).

The authoritative reference and input builder live on the scoring server;
editing this copy changes nothing except your own understanding.
"""

import jax, jax.numpy as jnp
import numpy as np


def setup_inputs(seed: int = 0) -> dict:
    key = jax.random.key(seed)
    x = jax.random.normal(key, (32, 32, 8192), dtype=jnp.float32)
    return {"x": x}


def reference(x):
    # torch.kthvalue(x, k=1, dim=2).values == min along dim 2
    values = jnp.min(x, axis=2)
    input_shape = x.shape
    output_shape = values.shape
    # module returns a bool tensor of whether last dims match
    return jnp.array(output_shape[-1] == input_shape[-1], dtype=jnp.bool_)

if __name__ == "__main__":
    import jax
    _d = setup_inputs()
    print(jax.jit(kernel)(*tuple(_d.values())))

</pallas_src>

<mosaic_0001>
#map = affine_map<(d0, d1) -> (0, 0)>
#map1 = affine_map<(d0, d1) -> (0)>
module attributes {stable_mosaic.version = 14 : i64} {
  func.func @_sc_body(%arg0: i32, %arg1: i32, %arg2: memref<1024x8192xf32, #tpu.memory_space<hbm>>, %arg3: memref<256x16xf32, #tpu.memory_space<hbm>>, %arg4: memref<16xf32, #tpu.memory_space<hbm>>, %arg5: memref<2x4x8192xf32, #tpu.memory_space<vmem>>, %arg6: memref<8x16xf32, #tpu.memory_space<vmem>>, %arg7: memref<16xf32, #tpu.memory_space<vmem>>, %arg8: memref<!tpu.dma_semaphore, #tpu.memory_space<semaphore_mem>>, %arg9: memref<!tpu.dma_semaphore, #tpu.memory_space<semaphore_mem>>) attributes {dimension_semantics = [#tpu.dimension_semantics<core_parallel>, #tpu.dimension_semantics<subcore_parallel>], iteration_bounds = array<i64: 2, 16>, scalar_prefetch = 0 : i64, scratch_operands = 5 : i64, tpu.core_type = #tpu.core_type<sc_vector_subcore>, window_params = [{transform_indices = #map}, {transform_indices = #map}, {transform_indices = #map1}]} {
    %mul3A = arith.constant 2 : i32
    %mul3A_0 = arith.muli %arg1, %mul3A : i32
    %add3A = arith.addi %mul3A_0, %arg0 : i32
    %mul3A_1 = arith.constant 8 : i32
    %mul3A_2 = arith.muli %add3A, %mul3A_1 : i32
    %add3A_3 = arith.constant 768 : i32
    %add3A_4 = arith.addi %add3A_3, %mul3A_2 : i32
    %add3A_5 = arith.constant 0 : i32
    %add3A_6 = arith.addi %add3A_4, %add3A_5 : i32
    %dma_start3A = arith.constant 0 : i32
    %dma_start3A_7 = arith.constant 0 : i32
    %dma_start3A_8 = arith.constant 0 : i32
    %dma_start3A_9 = tpu.memref_slice %arg5[%dma_start3A, %dma_start3A_7, %dma_start3A_8] : memref<2x4x8192xf32, #tpu.memory_space<vmem>> -> memref<1x4x8192xf32, #tpu.memory_space<vmem>>
    %dma_start3A_10 = tpu.memref_squeeze %dma_start3A_9 : memref<1x4x8192xf32, #tpu.memory_space<vmem>> -> memref<4x8192xf32, #tpu.memory_space<vmem>>
    %dma_start3A_11 = arith.constant 0 : i32
    %dma_start3A_12 = tpu.memref_slice %arg2[%add3A_6, %dma_start3A_11] : memref<1024x8192xf32, #tpu.memory_space<hbm>> -> memref<4x8192xf32, #tpu.memory_space<hbm>>
    %dma_start3A_13 = arith.constant 0 : i32
    %dma_start3A_14 = arith.constant 0 : i32
    %dma_start3A_15 = tpu.memref_slice %arg5[%dma_start3A, %dma_start3A_13, %dma_start3A_14] : memref<2x4x8192xf32, #tpu.memory_space<vmem>> -> memref<1x4x8192xf32, #tpu.memory_space<vmem>>
    %dma_start3A_16 = tpu.memref_squeeze %dma_start3A_15 : memref<1x4x8192xf32, #tpu.memory_space<vmem>> -> memref<4x8192xf32, #tpu.memory_space<vmem>>
    %dma_start3A_17 = arith.constant 0 : i32
    %dma_start3A_18 = tpu.memref_slice %arg2[%add3A_6, %dma_start3A_17] : memref<1024x8192xf32, #tpu.memory_space<hbm>> -> memref<4x8192xf32, #tpu.memory_space<hbm>>
    tpu.enqueue_dma source(%dma_start3A_18 : memref<4x8192xf32, #tpu.memory_space<hbm>>) target(%dma_start3A_16 : memref<4x8192xf32, #tpu.memory_space<vmem>>) target_semaphore(%arg8 : memref<!tpu.dma_semaphore, #tpu.memory_space<semaphore_mem>>)
    %dma_wait3A = arith.constant 0 : i32
    %dma_wait3A_19 = arith.constant 0 : i32
    %dma_wait3A_20 = arith.constant 0 : i32
    %dma_wait3A_21 = tpu.memref_slice %arg5[%dma_wait3A, %dma_wait3A_19, %dma_wait3A_20] : memref<2x4x8192xf32, #tpu.memory_space<vmem>> -> memref<1x4x8192xf32, #tpu.memory_space<vmem>>
    %dma_wait3A_22 = tpu.memref_squeeze %dma_wait3A_21 : memref<1x4x8192xf32, #tpu.memory_space<vmem>> -> memref<4x8192xf32, #tpu.memory_space<vmem>>
    %dma_wait3A_23 = arith.constant 0 : i32
    %dma_wait3A_24 = tpu.memref_slice %arg2[%add3A_6, %dma_wait3A_23] : memref<1024x8192xf32, #tpu.memory_space<hbm>> -> memref<4x8192xf32, #tpu.memory_space<hbm>>
    %dma_wait3A_25 = arith.constant 0 : i32
    %dma_wait3A_26 = arith.constant 0 : i32
    %dma_wait3A_27 = tpu.memref_slice %arg5[%dma_wait3A, %dma_wait3A_25, %dma_wait3A_26] : memref<2x4x8192xf32, #tpu.memory_space<vmem>> -> memref<1x4x8192xf32, #tpu.memory_space<vmem>>
    %dma_wait3A_28 = tpu.memref_squeeze %dma_wait3A_27 : memref<1x4x8192xf32, #tpu.memory_space<vmem>> -> memref<4x8192xf32, #tpu.memory_space<vmem>>
    %dma_wait3A_29 = arith.constant 0 : i32
    %dma_wait3A_30 = tpu.memref_slice %arg2[%add3A_6, %dma_wait3A_29] : memref<1024x8192xf32, #tpu.memory_space<hbm>> -> memref<4x8192xf32, #tpu.memory_space<hbm>>
    tpu.wait_dma2 semaphore(%arg8 : memref<!tpu.dma_semaphore, #tpu.memory_space<semaphore_mem>>) src(%dma_wait3A_30 : memref<4x8192xf32, #tpu.memory_space<hbm>>) dst(%dma_wait3A_28 : memref<4x8192xf32, #tpu.memory_space<vmem>>)
    %add3A_31 = arith.constant 4 : i32
    %add3A_32 = arith.addi %add3A_4, %add3A_31 : i32
    %dma_start3A_33 = arith.constant 1 : i32
    %dma_start3A_34 = arith.constant 0 : i32
    %dma_start3A_35 = arith.constant 0 : i32
    %dma_start3A_36 = tpu.memref_slice %arg5[%dma_start3A_33, %dma_start3A_34, %dma_start3A_35] : memref<2x4x8192xf32, #tpu.memory_space<vmem>> -> memref<1x4x8192xf32, #tpu.memory_space<vmem>>
    %dma_start3A_37 = tpu.memref_squeeze %dma_start3A_36 : memref<1x4x8192xf32, #tpu.memory_space<vmem>> -> memref<4x8192xf32, #tpu.memory_space<vmem>>
    %dma_start3A_38 = arith.constant 0 : i32
    %dma_start3A_39 = tpu.memref_slice %arg2[%add3A_32, %dma_start3A_38] : memref<1024x8192xf32, #tpu.memory_space<hbm>> -> memref<4x8192xf32, #tpu.memory_space<hbm>>
    %dma_start3A_40 = arith.constant 0 : i32
    %dma_start3A_41 = arith.constant 0 : i32
    %dma_start3A_42 = tpu.memref_slice %arg5[%dma_start3A_33, %dma_start3A_40, %dma_start3A_41] : memref<2x4x8192xf32, #tpu.memory_space<vmem>> -> memref<1x4x8192xf32, #tpu.memory_space<vmem>>
    %dma_start3A_43 = tpu.memref_squeeze %dma_start3A_42 : memref<1x4x8192xf32, #tpu.memory_space<vmem>> -> memref<4x8192xf32, #tpu.memory_space<vmem>>
    %dma_start3A_44 = arith.constant 0 : i32
    %dma_start3A_45 = tpu.memref_slice %arg2[%add3A_32, %dma_start3A_44] : memref<1024x8192xf32, #tpu.memory_space<hbm>> -> memref<4x8192xf32, #tpu.memory_space<hbm>>
    tpu.enqueue_dma source(%dma_start3A_45 : memref<4x8192xf32, #tpu.memory_space<hbm>>) target(%dma_start3A_43 : memref<4x8192xf32, #tpu.memory_space<vmem>>) target_semaphore(%arg9 : memref<!tpu.dma_semaphore, #tpu.memory_space<semaphore_mem>>)
    %broadcast_in_dim3A = arith.constant 0x7F800000 : f32
    %broadcast_in_dim3A_46 = vector.broadcast %broadcast_in_dim3A : f32 to vector<16xf32>
    %broadcast_in_dim3A_47 = arith.constant 0x7F800000 : f32
    %broadcast_in_dim3A_48 = vector.broadcast %broadcast_in_dim3A_47 : f32 to vector<16xf32>
    %broadcast_in_dim3A_49 = arith.constant 0x7F800000 : f32
    %broadcast_in_dim3A_50 = vector.broadcast %broadcast_in_dim3A_49 : f32 to vector<16xf32>
    %broadcast_in_dim3A_51 = arith.constant 0x7F800000 : f32
    %broadcast_in_dim3A_52 = vector.broadcast %broadcast_in_dim3A_51 : f32 to vector<16xf32>
    %scan3A = arith.constant 0 : i32
    %scan3A_53 = arith.constant 128 : i32
    %scan3A_54 = arith.addi %scan3A, %scan3A_53 : i32
    %scan3A_55 = arith.constant 8 : i32
    %scan3A_56:4 = scf.for %scan3A_715 = %scan3A to %scan3A_54 step %scan3A_55 iter_args(%scan3A_716 = %broadcast_in_dim3A_46, %scan3A_717 = %broadcast_in_dim3A_48, %scan3A_718 = %broadcast_in_dim3A_50, %scan3A_719 = %broadcast_in_dim3A_52) -> (vector<16xf32>, vector<16xf32>, vector<16xf32>, vector<16xf32>)  : i32 {
      %mul3A_720 = arith.constant 4 : i32
      %mul3A_721 = arith.muli %scan3A_715, %mul3A_720 : i32
      %add3A_722 = arith.constant 0 : i32
      %add3A_723 = arith.addi %mul3A_721, %add3A_722 : i32
      %mul3A_724 = arith.constant 16 : i32
      %mul3A_725 = arith.muli %add3A_723, %mul3A_724 : i32
      %get3A = arith.constant 0 : i32
      %get3A_726 = arith.constant 0 : i32
      %get3A_727 = arith.index_cast %get3A : i32 to index
      %get3A_728 = arith.index_cast %get3A_726 : i32 to index
      %get3A_729 = arith.index_cast %mul3A_725 : i32 to index
      %get3A_730 = tpu.vector_load %arg5[%get3A_727, %get3A_728, %get3A_729] {strides = array<i32>} : memref<2x4x8192xf32, #tpu.memory_space<vmem>>, vector<1x1x16xf32>,
      %get3A_731 = vector.shape_cast %get3A_730 : vector<1x1x16xf32> to vector<16xf32>
      %min3A_732 = arith.minimumf %scan3A_716, %get3A_731 : vector<16xf32>
      %mul3A_733 = arith.constant 4 : i32
      %mul3A_734 = arith.muli %scan3A_715, %mul3A_733 : i32
      %add3A_735 = arith.constant 1 : i32
      %add3A_736 = arith.addi %mul3A_734, %add3A_735 : i32
      %mul3A_737 = arith.constant 16 : i32
      %mul3A_738 = arith.muli %add3A_736, %mul3A_737 : i32
      %get3A_739 = arith.constant 0 : i32
      %get3A_740 = arith.constant 0 : i32
      %get3A_741 = arith.index_cast %get3A_739 : i32 to index
      %get3A_742 = arith.index_cast %get3A_740 : i32 to index
      %get3A_743 = arith.index_cast %mul3A_738 : i32 to index
      %get3A_744 = tpu.vector_load %arg5[%get3A_741, %get3A_742, %get3A_743] {strides = array<i32>} : memref<2x4x8192xf32, #tpu.memory_space<vmem>>, vector<1x1x16xf32>,
      %get3A_745 = vector.shape_cast %get3A_744 : vector<1x1x16xf32> to vector<16xf32>
      %min3A_746 = arith.minimumf %scan3A_717, %get3A_745 : vector<16xf32>
      %mul3A_747 = arith.constant 4 : i32
      %mul3A_748 = arith.muli %scan3A_715, %mul3A_747 : i32
      %add3A_749 = arith.constant 2 : i32
      %add3A_750 = arith.addi %mul3A_748, %add3A_749 : i32
      %mul3A_751 = arith.constant 16 : i32
      %mul3A_752 = arith.muli %add3A_750, %mul3A_751 : i32
      %get3A_753 = arith.constant 0 : i32
      %get3A_754 = arith.constant 0 : i32
      %get3A_755 = arith.index_cast %get3A_753 : i32 to index
      %get3A_756 = arith.index_cast %get3A_754 : i32 to index
      %get3A_757 = arith.index_cast %mul3A_752 : i32 to index
      %get3A_758 = tpu.vector_load %arg5[%get3A_755, %get3A_756, %get3A_757] {strides = array<i32>} : memref<2x4x8192xf32, #tpu.memory_space<vmem>>, vector<1x1x16xf32>,
      %get3A_759 = vector.shape_cast %get3A_758 : vector<1x1x16xf32> to vector<16xf32>
      %min3A_760 = arith.minimumf %scan3A_718, %get3A_759 : vector<16xf32>
      %mul3A_761 = arith.constant 4 : i32
      %mul3A_762 = arith.muli %scan3A_715, %mul3A_761 : i32
      %add3A_763 = arith.constant 3 : i32
      %add3A_764 = arith.addi %mul3A_762, %add3A_763 : i32
      %mul3A_765 = arith.constant 16 : i32
      %mul3A_766 = arith.muli %add3A_764, %mul3A_765 : i32
      %get3A_767 = arith.constant 0 : i32
      %get3A_768 = arith.constant 0 : i32
      %get3A_769 = arith.index_cast %get3A_767 : i32 to index
      %get3A_770 = arith.index_cast %get3A_768 : i32 to index
      %get3A_771 = arith.index_cast %mul3A_766 : i32 to index
      %get3A_772 = tpu.vector_load %arg5[%get3A_769, %get3A_770, %get3A_771] {strides = array<i32>} : memref<2x4x8192xf32, #tpu.memory_space<vmem>>, vector<1x1x16xf32>,
      %get3A_773 = vector.shape_cast %get3A_772 : vector<1x1x16xf32> to vector<16xf32>
      %min3A_774 = arith.minimumf %scan3A_719, %get3A_773 : vector<16xf32>
      %scan3A_775 = arith.constant 1 : i32
      %scan3A_776 = arith.addi %scan3A_715, %scan3A_775 : i32
      %mul3A_777 = arith.constant 4 : i32
      %mul3A_778 = arith.muli %scan3A_776, %mul3A_777 : i32
      %add3A_779 = arith.constant 0 : i32
      %add3A_780 = arith.addi %mul3A_778, %add3A_779 : i32
      %mul3A_781 = arith.constant 16 : i32
      %mul3A_782 = arith.muli %add3A_780, %mul3A_781 : i32
      %get3A_783 = arith.constant 0 : i32
      %get3A_784 = arith.constant 0 : i32
      %get3A_785 = arith.index_cast %get3A_783 : i32 to index
      %get3A_786 = arith.index_cast %get3A_784 : i32 to index
      %get3A_787 = arith.index_cast %mul3A_782 : i32 to index
      %get3A_788 = tpu.vector_load %arg5[%get3A_785, %get3A_786, %get3A_787] {strides = array<i32>} : memref<2x4x8192xf32, #tpu.memory_space<vmem>>, vector<1x1x16xf32>,
      %get3A_789 = vector.shape_cast %get3A_788 : vector<1x1x16xf32> to vector<16xf32>
      %min3A_790 = arith.minimumf %min3A_732, %get3A_789 : vector<16xf32>
      %mul3A_791 = arith.constant 4 : i32
      %mul3A_792 = arith.muli %scan3A_776, %mul3A_791 : i32
      %add3A_793 = arith.constant 1 : i32
      %add3A_794 = arith.addi %mul3A_792, %add3A_793 : i32
      %mul3A_795 = arith.constant 16 : i32
      %mul3A_796 = arith.muli %add3A_794, %mul3A_795 : i32
      %get3A_797 = arith.constant 0 : i32
      %get3A_798 = arith.constant 0 : i32
      %get3A_799 = arith.index_cast %get3A_797 : i32 to index
      %get3A_800 = arith.index_cast %get3A_798 : i32 to index
      %get3A_801 = arith.index_cast %mul3A_796 : i32 to index
      %get3A_802 = tpu.vector_load %arg5[%get3A_799, %get3A_800, %get3A_801] {strides = array<i32>} : memref<2x4x8192xf32, #tpu.memory_space<vmem>>, vector<1x1x16xf32>,
      %get3A_803 = vector.shape_cast %get3A_802 : vector<1x1x16xf32> to vector<16xf32>
      %min3A_804 = arith.minimumf %min3A_746, %get3A_803 : vector<16xf32>
      %mul3A_805 = arith.constant 4 : i32
      %mul3A_806 = arith.muli %scan3A_776, %mul3A_805 : i32
      %add3A_807 = arith.constant 2 : i32
      %add3A_808 = arith.addi %mul3A_806, %add3A_807 : i32
      %mul3A_809 = arith.constant 16 : i32
      %mul3A_810 = arith.muli %add3A_808, %mul3A_809 : i32
      %get3A_811 = arith.constant 0 : i32
      %get3A_812 = arith.constant 0 : i32
      %get3A_813 = arith.index_cast %get3A_811 : i32 to index
      %get3A_814 = arith.index_cast %get3A_812 : i32 to index
      %get3A_815 = arith.index_cast %mul3A_810 : i32 to index
      %get3A_816 = tpu.vector_load %arg5[%get3A_813, %get3A_814, %get3A_815] {strides = array<i32>} : memref<2x4x8192xf32, #tpu.memory_space<vmem>>, vector<1x1x16xf32>,
      %get3A_817 = vector.shape_cast %get3A_816 : vector<1x1x16xf32> to vector<16xf32>
      %min3A_818 = arith.minimumf %min3A_760, %get3A_817 : vector<16xf32>
      %mul3A_819 = arith.constant 4 : i32
      %mul3A_820 = arith.muli %scan3A_776, %mul3A_819 : i32
      %add3A_821 = arith.constant 3 : i32
      %add3A_822 = arith.addi %mul3A_820, %add3A_821 : i32
      %mul3A_823 = arith.constant 16 : i32
      %mul3A_824 = arith.muli %add3A_822, %mul3A_823 : i32
      %get3A_825 = arith.constant 0 : i32
      %get3A_826 = arith.constant 0 : i32
      %get3A_827 = arith.index_cast %get3A_825 : i32 to index
      %get3A_828 = arith.index_cast %get3A_826 : i32 to index
      %get3A_829 = arith.index_cast %mul3A_824 : i32 to index
      %get3A_830 = tpu.vector_load %arg5[%get3A_827, %get3A_828, %get3A_829] {strides = array<i32>} : memref<2x4x8192xf32, #tpu.memory_space<vmem>>, vector<1x1x16xf32>,
      %get3A_831 = vector.shape_cast %get3A_830 : vector<1x1x16xf32> to vector<16xf32>
      %min3A_832 = arith.minimumf %min3A_774, %get3A_831 : vector<16xf32>
      %scan3A_833 = arith.constant 2 : i32
      %scan3A_834 = arith.addi %scan3A_715, %scan3A_833 : i32
      %mul3A_835 = arith.constant 4 : i32
      %mul3A_836 = arith.muli %scan3A_834, %mul3A_835 : i32
      %add3A_837 = arith.constant 0 : i32
      %add3A_838 = arith.addi %mul3A_836, %add3A_837 : i32
      %mul3A_839 = arith.constant 16 : i32
      %mul3A_840 = arith.muli %add3A_838, %mul3A_839 : i32
      %get3A_841 = arith.constant 0 : i32
      %get3A_842 = arith.constant 0 : i32
      %get3A_843 = arith.index_cast %get3A_841 : i32 to index
      %get3A_844 = arith.index_cast %get3A_842 : i32 to index
      %get3A_845 = arith.index_cast %mul3A_840 : i32 to index
      %get3A_846 = tpu.vector_load %arg5[%get3A_843, %get3A_844, %get3A_845] {strides = array<i32>} : memref<2x4x8192xf32, #tpu.memory_space<vmem>>, vector<1x1x16xf32>,
      %get3A_847 = vector.shape_cast %get3A_846 : vector<1x1x16xf32> to vector<16xf32>
      %min3A_848 = arith.minimumf %min3A_790, %get3A_847 : vector<16xf32>
      %mul3A_849 = arith.constant 4 : i32
      %mul3A_850 = arith.muli %scan3A_834, %mul3A_849 : i32
      %add3A_851 = arith.constant 1 : i32
      %add3A_852 = arith.addi %mul3A_850, %add3A_851 : i32
      %mul3A_853 = arith.constant 16 : i32
      %mul3A_854 = arith.muli %add3A_852, %mul3A_853 : i32
      %get3A_855 = arith.constant 0 : i32
      %get3A_856 = arith.constant 0 : i32
      %get3A_857 = arith.index_cast %get3A_855 : i32 to index
      %get3A_858 = arith.index_cast %get3A_856 : i32 to index
      %get3A_859 = arith.index_cast %mul3A_854 : i32 to index
      %get3A_860 = tpu.vector_load %arg5[%get3A_857, %get3A_858, %get3A_859] {strides = array<i32>} : memref<2x4x8192xf32, #tpu.memory_space<vmem>>, vector<1x1x16xf32>,
      %get3A_861 = vector.shape_cast %get3A_860 : vector<1x1x16xf32> to vector<16xf32>
      %min3A_862 = arith.minimumf %min3A_804, %get3A_861 : vector<16xf32>
      %mul3A_863 = arith.constant 4 : i32
      %mul3A_864 = arith.muli %scan3A_834, %mul3A_863 : i32
      %add3A_865 = arith.constant 2 : i32
      %add3A_866 = arith.addi %mul3A_864, %add3A_865 : i32
      %mul3A_867 = arith.constant 16 : i32
      %mul3A_868 = arith.muli %add3A_866, %mul3A_867 : i32
      %get3A_869 = arith.constant 0 : i32
      %get3A_870 = arith.constant 0 : i32
      %get3A_871 = arith.index_cast %get3A_869 : i32 to index
      %get3A_872 = arith.index_cast %get3A_870 : i32 to index
      %get3A_873 = arith.index_cast %mul3A_868 : i32 to index
      %get3A_874 = tpu.vector_load %arg5[%get3A_871, %get3A_872, %get3A_873] {strides = array<i32>} : memref<2x4x8192xf32, #tpu.memory_space<vmem>>, vector<1x1x16xf32>,
      %get3A_875 = vector.shape_cast %get3A_874 : vector<1x1x16xf32> to vector<16xf32>
      %min3A_876 = arith.minimumf %min3A_818, %get3A_875 : vector<16xf32>
      %mul3A_877 = arith.constant 4 : i32
      %mul3A_878 = arith.muli %scan3A_834, %mul3A_877 : i32
      %add3A_879 = arith.constant 3 : i32
      %add3A_880 = arith.addi %mul3A_878, %add3A_879 : i32
      %mul3A_881 = arith.constant 16 : i32
      %mul3A_882 = arith.muli %add3A_880, %mul3A_881 : i32
      %get3A_883 = arith.constant 0 : i32
      %get3A_884 = arith.constant 0 : i32
      %get3A_885 = arith.index_cast %get3A_883 : i32 to index
      %get3A_886 = arith.index_cast %get3A_884 : i32 to index
      %get3A_887 = arith.index_cast %mul3A_882 : i32 to index
      %get3A_888 = tpu.vector_load %arg5[%get3A_885, %get3A_886, %get3A_887] {strides = array<i32>} : memref<2x4x8192xf32, #tpu.memory_space<vmem>>, vector<1x1x16xf32>,
      %get3A_889 = vector.shape_cast %get3A_888 : vector<1x1x16xf32> to vector<16xf32>
      %min3A_890 = arith.minimumf %min3A_832, %get3A_889 : vector<16xf32>
      %scan3A_891 = arith.constant 3 : i32
      %scan3A_892 = arith.addi %scan3A_715, %scan3A_891 : i32
      %mul3A_893 = arith.constant 4 : i32
      %mul3A_894 = arith.muli %scan3A_892, %mul3A_893 : i32
      %add3A_895 = arith.constant 0 : i32
      %add3A_896 = arith.addi %mul3A_894, %add3A_895 : i32
      %mul3A_897 = arith.constant 16 : i32
      %mul3A_898 = arith.muli %add3A_896, %mul3A_897 : i32
      %get3A_899 = arith.constant 0 : i32
      %get3A_900 = arith.constant 0 : i32
      %get3A_901 = arith.index_cast %get3A_899 : i32 to index
      %get3A_902 = arith.index_cast %get3A_900 : i32 to index
      %get3A_903 = arith.index_cast %mul3A_898 : i32 to index
      %get3A_904 = tpu.vector_load %arg5[%get3A_901, %get3A_902, %get3A_903] {strides = array<i32>} : memref<2x4x8192xf32, #tpu.memory_space<vmem>>, vector<1x1x16xf32>,
      %get3A_905 = vector.shape_cast %get3A_904 : vector<1x1x16xf32> to vector<16xf32>
      %min3A_906 = arith.minimumf %min3A_848, %get3A_905 : vector<16xf32>
      %mul3A_907 = arith.constant 4 : i32
      %mul3A_908 = arith.muli %scan3A_892, %mul3A_907 : i32
      %add3A_909 = arith.constant 1 : i32
      %add3A_910 = arith.addi %mul3A_908, %add3A_909 : i32
      %mul3A_911 = arith.constant 16 : i32
      %mul3A_912 = arith.muli %add3A_910, %mul3A_911 : i32
      %get3A_913 = arith.constant 0 : i32
      %get3A_914 = arith.constant 0 : i32
      %get3A_915 = arith.index_cast %get3A_913 : i32 to index
      %get3A_916 = arith.index_cast %get3A_914 : i32 to index
      %get3A_917 = arith.index_cast %mul3A_912 : i32 to index
      %get3A_918 = tpu.vector_load %arg5[%get3A_915, %get3A_916, %get3A_917] {strides = array<i32>} : memref<2x4x8192xf32, #tpu.memory_space<vmem>>, vector<1x1x16xf32>,
      %get3A_919 = vector.shape_cast %get3A_918 : vector<1x1x16xf32> to vector<16xf32>
      %min3A_920 = arith.minimumf %min3A_862, %get3A_919 : vector<16xf32>
      %mul3A_921 = arith.constant 4 : i32
      %mul3A_922 = arith.muli %scan3A_892, %mul3A_921 : i32
      %add3A_923 = arith.constant 2 : i32
      %add3A_924 = arith.addi %mul3A_922, %add3A_923 : i32
      %mul3A_925 = arith.constant 16 : i32
      %mul3A_926 = arith.muli %add3A_924, %mul3A_925 : i32
      %get3A_927 = arith.constant 0 : i32
      %get3A_928 = arith.constant 0 : i32
      %get3A_929 = arith.index_cast %get3A_927 : i32 to index
      %get3A_930 = arith.index_cast %get3A_928 : i32 to index
      %get3A_931 = arith.index_cast %mul3A_926 : i32 to index
      %get3A_932 = tpu.vector_load %arg5[%get3A_929, %get3A_930, %get3A_931] {strides = array<i32>} : memref<2x4x8192xf32, #tpu.memory_space<vmem>>, vector<1x1x16xf32>,
      %get3A_933 = vector.shape_cast %get3A_932 : vector<1x1x16xf32> to vector<16xf32>
      %min3A_934 = arith.minimumf %min3A_876, %get3A_933 : vector<16xf32>
      %mul3A_935 = arith.constant 4 : i32
      %mul3A_936 = arith.muli %scan3A_892, %mul3A_935 : i32
      %add3A_937 = arith.constant 3 : i32
      %add3A_938 = arith.addi %mul3A_936, %add3A_937 : i32
      %mul3A_939 = arith.constant 16 : i32
      %mul3A_940 = arith.muli %add3A_938, %mul3A_939 : i32
      %get3A_941 = arith.constant 0 : i32
      %get3A_942 = arith.constant 0 : i32
      %get3A_943 = arith.index_cast %get3A_941 : i32 to index
      %get3A_944 = arith.index_cast %get3A_942 : i32 to index
      %get3A_945 = arith.index_cast %mul3A_940 : i32 to index
      %get3A_946 = tpu.vector_load %arg5[%get3A_943, %get3A_944, %get3A_945] {strides = array<i32>} : memref<2x4x8192xf32, #tpu.memory_space<vmem>>, vector<1x1x16xf32>,
      %get3A_947 = vector.shape_cast %get3A_946 : vector<1x1x16xf32> to vector<16xf32>
      %min3A_948 = arith.minimumf %min3A_890, %get3A_947 : vector<16xf32>
      %scan3A_949 = arith.constant 4 : i32
      %scan3A_950 = arith.addi %scan3A_715, %scan3A_949 : i32
      %mul3A_951 = arith.constant 4 : i32
      %mul3A_952 = arith.muli %scan3A_950, %mul3A_951 : i32
      %add3A_953 = arith.constant 0 : i32
      %add3A_954 = arith.addi %mul3A_952, %add3A_953 : i32
      %mul3A_955 = arith.constant 16 : i32
      %mul3A_956 = arith.muli %add3A_954, %mul3A_955 : i32
      %get3A_957 = arith.constant 0 : i32
      %get3A_958 = arith.constant 0 : i32
      %get3A_959 = arith.index_cast %get3A_957 : i32 to index
      %get3A_960 = arith.index_cast %get3A_958 : i32 to index
      %get3A_961 = arith.index_cast %mul3A_956 : i32 to index
      %get3A_962 = tpu.vector_load %arg5[%get3A_959, %get3A_960, %get3A_961] {strides = array<i32>} : memref<2x4x8192xf32, #tpu.memory_space<vmem>>, vector<1x1x16xf32>,
      %get3A_963 = vector.shape_cast %get3A_962 : vector<1x1x16xf32> to vector<16xf32>
      %min3A_964 = arith.minimumf %min3A_906, %get3A_963 : vector<16xf32>
      %mul3A_965 = arith.constant 4 : i32
      %mul3A_966 = arith.muli %scan3A_950, %mul3A_965 : i32
      %add3A_967 = arith.constant 1 : i32
      %add3A_968 = arith.addi %mul3A_966, %add3A_967 : i32
      %mul3A_969 = arith.constant 16 : i32
      %mul3A_970 = arith.muli %add3A_968, %mul3A_969 : i32
      %get3A_971 = arith.constant 0 : i32
      %get3A_972 = arith.constant 0 : i32
      %get3A_973 = arith.index_cast %get3A_971 : i32 to index
      %get3A_974 = arith.index_cast %get3A_972 : i32 to index
      %get3A_975 = arith.index_cast %mul3A_970 : i32 to index
      %get3A_976 = tpu.vector_load %arg5[%get3A_973, %get3A_974, %get3A_975] {strides = array<i32>} : memref<2x4x8192xf32, #tpu.memory_space<vmem>>, vector<1x1x16xf32>,
      %get3A_977 = vector.shape_cast %get3A_976 : vector<1x1x16xf32> to vector<16xf32>
      %min3A_978 = arith.minimumf %min3A_920, %get3A_977 : vector<16xf32>
      %mul3A_979 = arith.constant 4 : i32
      %mul3A_980 = arith.muli %scan3A_950, %mul3A_979 : i32
      %add3A_981 = arith.constant 2 : i32
      %add3A_982 = arith.addi %mul3A_980, %add3A_981 : i32
      %mul3A_983 = arith.constant 16 : i32
      %mul3A_984 = arith.muli %add3A_982, %mul3A_983 : i32
      %get3A_985 = arith.constant 0 : i32
      %get3A_986 = arith.constant 0 : i32
      %get3A_987 = arith.index_cast %get3A_985 : i32 to index
      %get3A_988 = arith.index_cast %get3A_986 : i32 to index
      %get3A_989 = arith.index_cast %mul3A_984 : i32 to index
      %get3A_990 = tpu.vector_load %arg5[%get3A_987, %get3A_988, %get3A_989] {strides = array<i32>} : memref<2x4x8192xf32, #tpu.memory_space<vmem>>, vector<1x1x16xf32>,
      %get3A_991 = vector.shape_cast %get3A_990 : vector<1x1x16xf32> to vector<16xf32>
      %min3A_992 = arith.minimumf %min3A_934, %get3A_991 : vector<16xf32>
      %mul3A_993 = arith.constant 4 : i32
      %mul3A_994 = arith.muli %scan3A_950, %mul3A_993 : i32
      %add3A_995 = arith.constant 3 : i32
      %add3A_996 = arith.addi %mul3A_994, %add3A_995 : i32
      %mul3A_997 = arith.constant 16 : i32
      %mul3A_998 = arith.muli %add3A_996, %mul3A_997 : i32
      %get3A_999 = arith.constant 0 : i32
      %get3A_1000 = arith.constant 0 : i32
      %get3A_1001 = arith.index_cast %get3A_999 : i32 to index
      %get3A_1002 = arith.index_cast %get3A_1000 : i32 to index
      %get3A_1003 = arith.index_cast %mul3A_998 : i32 to index
      %get3A_1004 = tpu.vector_load %arg5[%get3A_1001, %get3A_1002, %get3A_1003] {strides = array<i32>} : memref<2x4x8192xf32, #tpu.memory_space<vmem>>, vector<1x1x16xf32>,
      %get3A_1005 = vector.shape_cast %get3A_1004 : vector<1x1x16xf32> to vector<16xf32>
      %min3A_1006 = arith.minimumf %min3A_948, %get3A_1005 : vector<16xf32>
      %scan3A_1007 = arith.constant 5 : i32
      %scan3A_1008 = arith.addi %scan3A_715, %scan3A_1007 : i32
      %mul3A_1009 = arith.constant 4 : i32
      %mul3A_1010 = arith.muli %scan3A_1008, %mul3A_1009 : i32
      %add3A_1011 = arith.constant 0 : i32
      %add3A_1012 = arith.addi %mul3A_1010, %add3A_1011 : i32
      %mul3A_1013 = arith.constant 16 : i32
      %mul3A_1014 = arith.muli %add3A_1012, %mul3A_1013 : i32
      %get3A_1015 = arith.constant 0 : i32
      %get3A_1016 = arith.constant 0 : i32
      %get3A_1017 = arith.index_cast %get3A_1015 : i32 to index
      %get3A_1018 = arith.index_cast %get3A_1016 : i32 to index
      %get3A_1019 = arith.index_cast %mul3A_1014 : i32 to index
      %get3A_1020 = tpu.vector_load %arg5[%get3A_1017, %get3A_1018, %get3A_1019] {strides = array<i32>} : memref<2x4x8192xf32, #tpu.memory_space<vmem>>, vector<1x1x16xf32>,
      %get3A_1021 = vector.shape_cast %get3A_1020 : vector<1x1x16xf32> to vector<16xf32>
      %min3A_1022 = arith.minimumf %min3A_964, %get3A_1021 : vector<16xf32>
      %mul3A_1023 = arith.constant 4 : i32
      %mul3A_1024 = arith.muli %scan3A_1008, %mul3A_1023 : i32
      %add3A_1025 = arith.constant 1 : i32
      %add3A_1026 = arith.addi %mul3A_1024, %add3A_1025 : i32
      %mul3A_1027 = arith.constant 16 : i32
      %mul3A_1028 = arith.muli %add3A_1026, %mul3A_1027 : i32
      %get3A_1029 = arith.constant 0 : i32
      %get3A_1030 = arith.constant 0 : i32
      %get3A_1031 = arith.index_cast %get3A_1029 : i32 to index
      %get3A_1032 = arith.index_cast %get3A_1030 : i32 to index
      %get3A_1033 = arith.index_cast %mul3A_1028 : i32 to index
      %get3A_1034 = tpu.vector_load %arg5[%get3A_1031, %get3A_1032, %get3A_1033] {strides = array<i32>} : memref<2x4x8192xf32, #tpu.memory_space<vmem>>, vector<1x1x16xf32>,
      %get3A_1035 = vector.shape_cast %get3A_1034 : vector<1x1x16xf32> to vector<16xf32>
      %min3A_1036 = arith.minimumf %min3A_978, %get3A_1035 : vector<16xf32>
      %mul3A_1037 = arith.constant 4 : i32
      %mul3A_1038 = arith.muli %scan3A_1008, %mul3A_1037 : i32
      %add3A_1039 = arith.constant 2 : i32
      %add3A_1040 = arith.addi %mul3A_1038, %add3A_1039 : i32
      %mul3A_1041 = arith.constant 16 : i32
      %mul3A_1042 = arith.muli %add3A_1040, %mul3A_1041 : i32
      %get3A_1043 = arith.constant 0 : i32
      %get3A_1044 = arith.constant 0 : i32
      %get3A_1045 = arith.index_cast %get3A_1043 : i32 to index
      %get3A_1046 = arith.index_cast %get3A_1044 : i32 to index
      %get3A_1047 = arith.index_cast %mul3A_1042 : i32 to index
      %get3A_1048 = tpu.vector_load %arg5[%get3A_1045, %get3A_1046, %get3A_1047] {strides = array<i32>} : memref<2x4x8192xf32, #tpu.memory_space<vmem>>, vector<1x1x16xf32>,
      %get3A_1049 = vector.shape_cast %get3A_1048 : vector<1x1x16xf32> to vector<16xf32>
      %min3A_1050 = arith.minimumf %min3A_992, %get3A_1049 : vector<16xf32>
      %mul3A_1051 = arith.constant 4 : i32
      %mul3A_1052 = arith.muli %scan3A_1008, %mul3A_1051 : i32
      %add3A_1053 = arith.constant 3 : i32
      %add3A_1054 = arith.addi %mul3A_1052, %add3A_1053 : i32
      %mul3A_1055 = arith.constant 16 : i32
      %mul3A_1056 = arith.muli %add3A_1054, %mul3A_1055 : i32
      %get3A_1057 = arith.constant 0 : i32
      %get3A_1058 = arith.constant 0 : i32
      %get3A_1059 = arith.index_cast %get3A_1057 : i32 to index
      %get3A_1060 = arith.index_cast %get3A_1058 : i32 to index
      %get3A_1061 = arith.index_cast %mul3A_1056 : i32 to index
      %get3A_1062 = tpu.vector_load %arg5[%get3A_1059, %get3A_1060, %get3A_1061] {strides = array<i32>} : memref<2x4x8192xf32, #tpu.memory_space<vmem>>, vector<1x1x16xf32>,
      %get3A_1063 = vector.shape_cast %get3A_1062 : vector<1x1x16xf32> to vector<16xf32>
      %min3A_1064 = arith.minimumf %min3A_1006, %get3A_1063 : vector<16xf32>
      %scan3A_1065 = arith.constant 6 : i32
      %scan3A_1066 = arith.addi %scan3A_715, %scan3A_1065 : i32
      %mul3A_1067 = arith.constant 4 : i32
      %mul3A_1068 = arith.muli %scan3A_1066, %mul3A_1067 : i32
      %add3A_1069 = arith.constant 0 : i32
      %add3A_1070 = arith.addi %mul3A_1068, %add3A_1069 : i32
      %mul3A_1071 = arith.constant 16 : i32
      %mul3A_1072 = arith.muli %add3A_1070, %mul3A_1071 : i32
      %get3A_1073 = arith.constant 0 : i32
      %get3A_1074 = arith.constant 0 : i32
      %get3A_1075 = arith.index_cast %get3A_1073 : i32 to index
      %get3A_1076 = arith.index_cast %get3A_1074 : i32 to index
      %get3A_1077 = arith.index_cast %mul3A_1072 : i32 to index
      %get3A_1078 = tpu.vector_load %arg5[%get3A_1075, %get3A_1076, %get3A_1077] {strides = array<i32>} : memref<2x4x8192xf32, #tpu.memory_space<vmem>>, vector<1x1x16xf32>,
      %get3A_1079 = vector.shape_cast %get3A_1078 : vector<1x1x16xf32> to vector<16xf32>
      %min3A_1080 = arith.minimumf %min3A_1022, %get3A_1079 : vector<16xf32>
      %mul3A_1081 = arith.constant 4 : i32
      %mul3A_1082 = arith.muli %scan3A_1066, %mul3A_1081 : i32
      %add3A_1083 = arith.constant 1 : i32
      %add3A_1084 = arith.addi %mul3A_1082, %add3A_1083 : i32
      %mul3A_1085 = arith.constant 16 : i32
      %mul3A_1086 = arith.muli %add3A_1084, %mul3A_1085 : i32
      %get3A_1087 = arith.constant 0 : i32
      %get3A_1088 = arith.constant 0 : i32
      %get3A_1089 = arith.index_cast %get3A_1087 : i32 to index
      %get3A_1090 = arith.index_cast %get3A_1088 : i32 to index
      %get3A_1091 = arith.index_cast %mul3A_1086 : i32 to index
      %get3A_1092 = tpu.vector_load %arg5[%get3A_1089, %get3A_1090, %get3A_1091] {strides = array<i32>} : memref<2x4x8192xf32, #tpu.memory_space<vmem>>, vector<1x1x16xf32>,
      %get3A_1093 = vector.shape_cast %get3A_1092 : vector<1x1x16xf32> to vector<16xf32>
      %min3A_1094 = arith.minimumf %min3A_1036, %get3A_1093 : vector<16xf32>
      %mul3A_1095 = arith.constant 4 : i32
      %mul3A_1096 = arith.muli %scan3A_1066, %mul3A_1095 : i32
      %add3A_1097 = arith.constant 2 : i32
      %add3A_1098 = arith.addi %mul3A_1096, %add3A_1097 : i32
      %mul3A_1099 = arith.constant 16 : i32
      %mul3A_1100 = arith.muli %add3A_1098, %mul3A_1099 : i32
      %get3A_1101 = arith.constant 0 : i32
      %get3A_1102 = arith.constant 0 : i32
      %get3A_1103 = arith.index_cast %get3A_1101 : i32 to index
      %get3A_1104 = arith.index_cast %get3A_1102 : i32 to index
      %get3A_1105 = arith.index_cast %mul3A_1100 : i32 to index
      %get3A_1106 = tpu.vector_load %arg5[%get3A_1103, %get3A_1104, %get3A_1105] {strides = array<i32>} : memref<2x4x8192xf32, #tpu.memory_space<vmem>>, vector<1x1x16xf32>,
      %get3A_1107 = vector.shape_cast %get3A_1106 : vector<1x1x16xf32> to vector<16xf32>
      %min3A_1108 = arith.minimumf %min3A_1050, %get3A_1107 : vector<16xf32>
      %mul3A_1109 = arith.constant 4 : i32
      %mul3A_1110 = arith.muli %scan3A_1066, %mul3A_1109 : i32
      %add3A_1111 = arith.constant 3 : i32
      %add3A_1112 = arith.addi %mul3A_1110, %add3A_1111 : i32
      %mul3A_1113 = arith.constant 16 : i32
      %mul3A_1114 = arith.muli %add3A_1112, %mul3A_1113 : i32
      %get3A_1115 = arith.constant 0 : i32
      %get3A_1116 = arith.constant 0 : i32
      %get3A_1117 = arith.index_cast %get3A_1115 : i32 to index
      %get3A_1118 = arith.index_cast %get3A_1116 : i32 to index
      %get3A_1119 = arith.index_cast %mul3A_1114 : i32 to index
      %get3A_1120 = tpu.vector_load %arg5[%get3A_1117, %get3A_1118, %get3A_1119] {strides = array<i32>} : memref<2x4x8192xf32, #tpu.memory_space<vmem>>, vector<1x1x16xf32>,
      %get3A_1121 = vector.shape_cast %get3A_1120 : vector<1x1x16xf32> to vector<16xf32>
      %min3A_1122 = arith.minimumf %min3A_1064, %get3A_1121 : vector<16xf32>
      %scan3A_1123 = arith.constant 7 : i32
      %scan3A_1124 = arith.addi %scan3A_715, %scan3A_1123 : i32
      %mul3A_1125 = arith.constant 4 : i32
      %mul3A_1126 = arith.muli %scan3A_1124, %mul3A_1125 : i32
      %add3A_1127 = arith.constant 0 : i32
      %add3A_1128 = arith.addi %mul3A_1126, %add3A_1127 : i32
      %mul3A_1129 = arith.constant 16 : i32
      %mul3A_1130 = arith.muli %add3A_1128, %mul3A_1129 : i32
      %get3A_1131 = arith.constant 0 : i32
      %get3A_1132 = arith.constant 0 : i32
      %get3A_1133 = arith.index_cast %get3A_1131 : i32 to index
      %get3A_1134 = arith.index_cast %get3A_1132 : i32 to index
      %get3A_1135 = arith.index_cast %mul3A_1130 : i32 to index
      %get3A_1136 = tpu.vector_load %arg5[%get3A_1133, %get3A_1134, %get3A_1135] {strides = array<i32>} : memref<2x4x8192xf32, #tpu.memory_space<vmem>>, vector<1x1x16xf32>,
      %get3A_1137 = vector.shape_cast %get3A_1136 : vector<1x1x16xf32> to vector<16xf32>
      %min3A_1138 = arith.minimumf %min3A_1080, %get3A_1137 : vector<16xf32>
      %mul3A_1139 = arith.constant 4 : i32
      %mul3A_1140 = arith.muli %scan3A_1124, %mul3A_1139 : i32
      %add3A_1141 = arith.constant 1 : i32
      %add3A_1142 = arith.addi %mul3A_1140, %add3A_1141 : i32
      %mul3A_1143 = arith.constant 16 : i32
      %mul3A_1144 = arith.muli %add3A_1142, %mul3A_1143 : i32
      %get3A_1145 = arith.constant 0 : i32
      %get3A_1146 = arith.constant 0 : i32
      %get3A_1147 = arith.index_cast %get3A_1145 : i32 to index
      %get3A_1148 = arith.index_cast %get3A_1146 : i32 to index
      %get3A_1149 = arith.index_cast %mul3A_1144 : i32 to index
      %get3A_1150 = tpu.vector_load %arg5[%get3A_1147, %get3A_1148, %get3A_1149] {strides = array<i32>} : memref<2x4x8192xf32, #tpu.memory_space<vmem>>, vector<1x1x16xf32>,
      %get3A_1151 = vector.shape_cast %get3A_1150 : vector<1x1x16xf32> to vector<16xf32>
      %min3A_1152 = arith.minimumf %min3A_1094, %get3A_1151 : vector<16xf32>
      %mul3A_1153 = arith.constant 4 : i32
      %mul3A_1154 = arith.muli %scan3A_1124, %mul3A_1153 : i32
      %add3A_1155 = arith.constant 2 : i32
      %add3A_1156 = arith.addi %mul3A_1154, %add3A_1155 : i32
      %mul3A_1157 = arith.constant 16 : i32
      %mul3A_1158 = arith.muli %add3A_1156, %mul3A_1157 : i32
      %get3A_1159 = arith.constant 0 : i32
      %get3A_1160 = arith.constant 0 : i32
      %get3A_1161 = arith.index_cast %get3A_1159 : i32 to index
      %get3A_1162 = arith.index_cast %get3A_1160 : i32 to index
      %get3A_1163 = arith.index_cast %mul3A_1158 : i32 to index
      %get3A_1164 = tpu.vector_load %arg5[%get3A_1161, %get3A_1162, %get3A_1163] {strides = array<i32>} : memref<2x4x8192xf32, #tpu.memory_space<vmem>>, vector<1x1x16xf32>,
      %get3A_1165 = vector.shape_cast %get3A_1164 : vector<1x1x16xf32> to vector<16xf32>
      %min3A_1166 = arith.minimumf %min3A_1108, %get3A_1165 : vector<16xf32>
      %mul3A_1167 = arith.constant 4 : i32
      %mul3A_1168 = arith.muli %scan3A_1124, %mul3A_1167 : i32
      %add3A_1169 = arith.constant 3 : i32
      %add3A_1170 = arith.addi %mul3A_1168, %add3A_1169 : i32
      %mul3A_1171 = arith.constant 16 : i32
      %mul3A_1172 = arith.muli %add3A_1170, %mul3A_1171 : i32
      %get3A_1173 = arith.constant 0 : i32
      %get3A_1174 = arith.constant 0 : i32
      %get3A_1175 = arith.index_cast %get3A_1173 : i32 to index
      %get3A_1176 = arith.index_cast %get3A_1174 : i32 to index
      %get3A_1177 = arith.index_cast %mul3A_1172 : i32 to index
      %get3A_1178 = tpu.vector_load %arg5[%get3A_1175, %get3A_1176, %get3A_1177] {strides = array<i32>} : memref<2x4x8192xf32, #tpu.memory_space<vmem>>, vector<1x1x16xf32>,
      %get3A_1179 = vector.shape_cast %get3A_1178 : vector<1x1x16xf32> to vector<16xf32>
      %min3A_1180 = arith.minimumf %min3A_1122, %get3A_1179 : vector<16xf32>
      scf.yield %min3A_1138, %min3A_1152, %min3A_1166, %min3A_1180 : vector<16xf32>, vector<16xf32>, vector<16xf32>, vector<16xf32>
    }
    %scan3A_57 = arith.constant 128 : i32
    %min3A = arith.minimumf %scan3A_56#0, %scan3A_56#1 : vector<16xf32>
    %min3A_58 = arith.minimumf %scan3A_56#2, %scan3A_56#3 : vector<16xf32>
    %min3A_59 = arith.minimumf %min3A, %min3A_58 : vector<16xf32>
    %iota3A = tpu.iota {dimensions = array<i32: 0>} : vector<16xi32>
    %xor3A = arith.constant 8 : i32
    %xor3A_60 = vector.broadcast %xor3A : i32 to vector<16xi32>
    %xor3A_61 = arith.xori %iota3A, %xor3A_60 : vector<16xi32>
    %lt3A = arith.constant 0 : i32
    %lt3A_62 = vector.broadcast %lt3A : i32 to vector<16xi32>
    %lt3A_63 = arith.cmpi slt, %xor3A_61, %lt3A_62 : vector<16xi32>
    %add3A_64 = arith.constant 16 : i32
    %add3A_65 = vector.broadcast %add3A_64 : i32 to vector<16xi32>
    %add3A_66 = arith.addi %xor3A_61, %add3A_65 : vector<16xi32>
    %select_n3A = arith.select %lt3A_63, %add3A_66, %xor3A_61 : vector<16xi1>, vector<16xi32>
    %reshape3A = vector.shape_cast %select_n3A : vector<16xi32> to vector<16x1xi32>
    %gather3A = vector.shape_cast %reshape3A : vector<16x1xi32> to vector<16xi32>
    %gather3A_67 = tpu.dynamic_gather %min3A_59[%gather3A] in [0] : vector<16xf32>, vector<16xi32> -> vector<16xf32>
    %min3A_68 = arith.minimumf %min3A_59, %gather3A_67 : vector<16xf32>
    %iota3A_69 = tpu.iota {dimensions = array<i32: 0>} : vector<16xi32>
    %xor3A_70 = arith.constant 4 : i32
    %xor3A_71 = vector.broadcast %xor3A_70 : i32 to vector<16xi32>
    %xor3A_72 = arith.xori %iota3A_69, %xor3A_71 : vector<16xi32>
    %lt3A_73 = arith.constant 0 : i32
    %lt3A_74 = vector.broadcast %lt3A_73 : i32 to vector<16xi32>
    %lt3A_75 = arith.cmpi slt, %xor3A_72, %lt3A_74 : vector<16xi32>
    %add3A_76 = arith.constant 16 : i32
    %add3A_77 = vector.broadcast %add3A_76 : i32 to vector<16xi32>
    %add3A_78 = arith.addi %xor3A_72, %add3A_77 : vector<16xi32>
    %select_n3A_79 = arith.select %lt3A_75, %add3A_78, %xor3A_72 : vector<16xi1>, vector<16xi32>
    %reshape3A_80 = vector.shape_cast %select_n3A_79 : vector<16xi32> to vector<16x1xi32>
    %gather3A_81 = vector.shape_cast %reshape3A_80 : vector<16x1xi32> to vector<16xi32>
    %gather3A_82 = tpu.dynamic_gather %min3A_68[%gather3A_81] in [0] : vector<16xf32>, vector<16xi32> -> vector<16xf32>
    %min3A_83 = arith.minimumf %min3A_68, %gather3A_82 : vector<16xf32>
    %iota3A_84 = tpu.iota {dimensions = array<i32: 0>} : vector<16xi32>
    %xor3A_85 = arith.constant 2 : i32
    %xor3A_86 = vector.broadcast %xor3A_85 : i32 to vector<16xi32>
    %xor3A_87 = arith.xori %iota3A_84, %xor3A_86 : vector<16xi32>
    %lt3A_88 = arith.constant 0 : i32
    %lt3A_89 = vector.broadcast %lt3A_88 : i32 to vector<16xi32>
    %lt3A_90 = arith.cmpi slt, %xor3A_87, %lt3A_89 : vector<16xi32>
    %add3A_91 = arith.constant 16 : i32
    %add3A_92 = vector.broadcast %add3A_91 : i32 to vector<16xi32>
    %add3A_93 = arith.addi %xor3A_87, %add3A_92 : vector<16xi32>
    %select_n3A_94 = arith.select %lt3A_90, %add3A_93, %xor3A_87 : vector<16xi1>, vector<16xi32>
    %reshape3A_95 = vector.shape_cast %select_n3A_94 : vector<16xi32> to vector<16x1xi32>
    %gather3A_96 = vector.shape_cast %reshape3A_95 : vector<16x1xi32> to vector<16xi32>
    %gather3A_97 = tpu.dynamic_gather %min3A_83[%gather3A_96] in [0] : vector<16xf32>, vector<16xi32> -> vector<16xf32>
    %min3A_98 = arith.minimumf %min3A_83, %gather3A_97 : vector<16xf32>
    %iota3A_99 = tpu.iota {dimensions = array<i32: 0>} : vector<16xi32>
    %xor3A_100 = arith.constant 1 : i32
    %xor3A_101 = vector.broadcast %xor3A_100 : i32 to vector<16xi32>
    %xor3A_102 = arith.xori %iota3A_99, %xor3A_101 : vector<16xi32>
    %lt3A_103 = arith.constant 0 : i32
    %lt3A_104 = vector.broadcast %lt3A_103 : i32 to vector<16xi32>
    %lt3A_105 = arith.cmpi slt, %xor3A_102, %lt3A_104 : vector<16xi32>
    %add3A_106 = arith.constant 16 : i32
    %add3A_107 = vector.broadcast %add3A_106 : i32 to vector<16xi32>
    %add3A_108 = arith.addi %xor3A_102, %add3A_107 : vector<16xi32>
    %select_n3A_109 = arith.select %lt3A_105, %add3A_108, %xor3A_102 : vector<16xi1>, vector<16xi32>
    %reshape3A_110 = vector.shape_cast %select_n3A_109 : vector<16xi32> to vector<16x1xi32>
    %gather3A_111 = vector.shape_cast %reshape3A_110 : vector<16x1xi32> to vector<16xi32>
    %gather3A_112 = tpu.dynamic_gather %min3A_98[%gather3A_111] in [0] : vector<16xf32>, vector<16xi32> -> vector<16xf32>
    %min3A_113 = arith.minimumf %min3A_98, %gather3A_112 : vector<16xf32>
    %swap3A = arith.constant 0 : i32
    %swap3A_114 = arith.index_cast %swap3A : i32 to index
    %swap3A_115 = arith.constant 0 : index
    %swap3A_116 = tpu.vector_load %arg6[%swap3A_114, %swap3A_115] {strides = array<i32>} : memref<8x16xf32, #tpu.memory_space<vmem>>, vector<1x16xf32>,
    %swap3A_117 = vector.shape_cast %swap3A_116 : vector<1x16xf32> to vector<16xf32>
    %swap3A_118 = vector.shape_cast %min3A_113 : vector<16xf32> to vector<1x16xf32>
    tpu.vector_store %arg6[%swap3A_114, %swap3A_115], %swap3A_118 {strides = array<i32>} : memref<8x16xf32, #tpu.memory_space<vmem>>, vector<1x16xf32>,
    %broadcast_in_dim3A_119 = arith.constant 0x7F800000 : f32
    %broadcast_in_dim3A_120 = vector.broadcast %broadcast_in_dim3A_119 : f32 to vector<16xf32>
    %broadcast_in_dim3A_121 = arith.constant 0x7F800000 : f32
    %broadcast_in_dim3A_122 = vector.broadcast %broadcast_in_dim3A_121 : f32 to vector<16xf32>
    %broadcast_in_dim3A_123 = arith.constant 0x7F800000 : f32
    %broadcast_in_dim3A_124 = vector.broadcast %broadcast_in_dim3A_123 : f32 to vector<16xf32>
    %broadcast_in_dim3A_125 = arith.constant 0x7F800000 : f32
    %broadcast_in_dim3A_126 = vector.broadcast %broadcast_in_dim3A_125 : f32 to vector<16xf32>
    %scan3A_127 = arith.constant 0 : i32
    %scan3A_128 = arith.constant 128 : i32
    %scan3A_129 = arith.addi %scan3A_127, %scan3A_128 : i32
    %scan3A_130 = arith.constant 8 : i32
    %scan3A_131:4 = scf.for %scan3A_715 = %scan3A_127 to %scan3A_129 step %scan3A_130 iter_args(%scan3A_716 = %broadcast_in_dim3A_120, %scan3A_717 = %broadcast_in_dim3A_122, %scan3A_718 = %broadcast_in_dim3A_124, %scan3A_719 = %broadcast_in_dim3A_126) -> (vector<16xf32>, vector<16xf32>, vector<16xf32>, vector<16xf32>)  : i32 {
      %mul3A_720 = arith.constant 4 : i32
      %mul3A_721 = arith.muli %scan3A_715, %mul3A_720 : i32
      %add3A_722 = arith.constant 0 : i32
      %add3A_723 = arith.addi %mul3A_721, %add3A_722 : i32
      %mul3A_724 = arith.constant 16 : i32
      %mul3A_725 = arith.muli %add3A_723, %mul3A_724 : i32
      %get3A = arith.constant 0 : i32
      %get3A_726 = arith.constant 1 : i32
      %get3A_727 = arith.index_cast %get3A : i32 to index
      %get3A_728 = arith.index_cast %get3A_726 : i32 to index
      %get3A_729 = arith.index_cast %mul3A_725 : i32 to index
      %get3A_730 = tpu.vector_load %arg5[%get3A_727, %get3A_728, %get3A_729] {strides = array<i32>} : memref<2x4x8192xf32, #tpu.memory_space<vmem>>, vector<1x1x16xf32>,
      %get3A_731 = vector.shape_cast %get3A_730 : vector<1x1x16xf32> to vector<16xf32>
      %min3A_732 = arith.minimumf %scan3A_716, %get3A_731 : vector<16xf32>
      %mul3A_733 = arith.constant 4 : i32
      %mul3A_734 = arith.muli %scan3A_715, %mul3A_733 : i32
      %add3A_735 = arith.constant 1 : i32
      %add3A_736 = arith.addi %mul3A_734, %add3A_735 : i32
      %mul3A_737 = arith.constant 16 : i32
      %mul3A_738 = arith.muli %add3A_736, %mul3A_737 : i32
      %get3A_739 = arith.constant 0 : i32
      %get3A_740 = arith.constant 1 : i32
      %get3A_741 = arith.index_cast %get3A_739 : i32 to index
      %get3A_742 = arith.index_cast %get3A_740 : i32 to index
      %get3A_743 = arith.index_cast %mul3A_738 : i32 to index
      %get3A_744 = tpu.vector_load %arg5[%get3A_741, %get3A_742, %get3A_743] {strides = array<i32>} : memref<2x4x8192xf32, #tpu.memory_space<vmem>>, vector<1x1x16xf32>,
      %get3A_745 = vector.shape_cast %get3A_744 : vector<1x1x16xf32> to vector<16xf32>
      %min3A_746 = arith.minimumf %scan3A_717, %get3A_745 : vector<16xf32>
      %mul3A_747 = arith.constant 4 : i32
      %mul3A_748 = arith.muli %scan3A_715, %mul3A_747 : i32
      %add3A_749 = arith.constant 2 : i32
      %add3A_750 = arith.addi %mul3A_748, %add3A_749 : i32
      %mul3A_751 = arith.constant 16 : i32
      %mul3A_752 = arith.muli %add3A_750, %mul3A_751 : i32
      %get3A_753 = arith.constant 0 : i32
      %get3A_754 = arith.constant 1 : i32
      %get3A_755 = arith.index_cast %get3A_753 : i32 to index
      %get3A_756 = arith.index_cast %get3A_754 : i32 to index
      %get3A_757 = arith.index_cast %mul3A_752 : i32 to index
      %get3A_758 = tpu.vector_load %arg5[%get3A_755, %get3A_756, %get3A_757] {strides = array<i32>} : memref<2x4x8192xf32, #tpu.memory_space<vmem>>, vector<1x1x16xf32>,
      %get3A_759 = vector.shape_cast %get3A_758 : vector<1x1x16xf32> to vector<16xf32>
      %min3A_760 = arith.minimumf %scan3A_718, %get3A_759 : vector<16xf32>
      %mul3A_761 = arith.constant 4 : i32
      %mul3A_762 = arith.muli %scan3A_715, %mul3A_761 : i32
      %add3A_763 = arith.constant 3 : i32
      %add3A_764 = arith.addi %mul3A_762, %add3A_763 : i32
      %mul3A_765 = arith.constant 16 : i32
      %mul3A_766 = arith.muli %add3A_764, %mul3A_765 : i32
      %get3A_767 = arith.constant 0 : i32
      %get3A_768 = arith.constant 1 : i32
      %get3A_769 = arith.index_cast %get3A_767 : i32 to index
      %get3A_770 = arith.index_cast %get3A_768 : i32 to index
      %get3A_771 = arith.index_cast %mul3A_766 : i32 to index
      %get3A_772 = tpu.vector_load %arg5[%get3A_769, %get3A_770, %get3A_771] {strides = array<i32>} : memref<2x4x8192xf32, #tpu.memory_space<vmem>>, vector<1x1x16xf32>,
      %get3A_773 = vector.shape_cast %get3A_772 : vector<1x1x16xf32> to vector<16xf32>
      %min3A_774 = arith.minimumf %scan3A_719, %get3A_773 : vector<16xf32>
      %scan3A_775 = arith.constant 1 : i32
      %scan3A_776 = arith.addi %scan3A_715, %scan3A_775 : i32
      %mul3A_777 = arith.constant 4 : i32
      %mul3A_778 = arith.muli %scan3A_776, %mul3A_777 : i32
      %add3A_779 = arith.constant 0 : i32
      %add3A_780 = arith.addi %mul3A_778, %add3A_779 : i32
      %mul3A_781 = arith.constant 16 : i32
      %mul3A_782 = arith.muli %add3A_780, %mul3A_781 : i32
      %get3A_783 = arith.constant 0 : i32
      %get3A_784 = arith.constant 1 : i32
      %get3A_785 = arith.index_cast %get3A_783 : i32 to index
      %get3A_786 = arith.index_cast %get3A_784 : i32 to index
      %get3A_787 = arith.index_cast %mul3A_782 : i32 to index
      %get3A_788 = tpu.vector_load %arg5[%get3A_785, %get3A_786, %get3A_787] {strides = array<i32>} : memref<2x4x8192xf32, #tpu.memory_space<vmem>>, vector<1x1x16xf32>,
      %get3A_789 = vector.shape_cast %get3A_788 : vector<1x1x16xf32> to vector<16xf32>
      %min3A_790 = arith.minimumf %min3A_732, %get3A_789 : vector<16xf32>
      %mul3A_791 = arith.constant 4 : i32
      %mul3A_792 = arith.muli %scan3A_776, %mul3A_791 : i32
      %add3A_793 = arith.constant 1 : i32
      %add3A_794 = arith.addi %mul3A_792, %add3A_793 : i32
      %mul3A_795 = arith.constant 16 : i32
      %mul3A_796 = arith.muli %add3A_794, %mul3A_795 : i32
      %get3A_797 = arith.constant 0 : i32
      %get3A_798 = arith.constant 1 : i32
      %get3A_799 = arith.index_cast %get3A_797 : i32 to index
      %get3A_800 = arith.index_cast %get3A_798 : i32 to index
      %get3A_801 = arith.index_cast %mul3A_796 : i32 to index
      %get3A_802 = tpu.vector_load %arg5[%get3A_799, %get3A_800, %get3A_801] {strides = array<i32>} : memref<2x4x8192xf32, #tpu.memory_space<vmem>>, vector<1x1x16xf32>,
      %get3A_803 = vector.shape_cast %get3A_802 : vector<1x1x16xf32> to vector<16xf32>
      %min3A_804 = arith.minimumf %min3A_746, %get3A_803 : vector<16xf32>
      %mul3A_805 = arith.constant 4 : i32
      %mul3A_806 = arith.muli %scan3A_776, %mul3A_805 : i32
      %add3A_807 = arith.constant 2 : i32
      %add3A_808 = arith.addi %mul3A_806, %add3A_807 : i32
      %mul3A_809 = arith.constant 16 : i32
      %mul3A_810 = arith.muli %add3A_808, %mul3A_809 : i32
      %get3A_811 = arith.constant 0 : i32
      %get3A_812 = arith.constant 1 : i32
      %get3A_813 = arith.index_cast %get3A_811 : i32 to index
      %get3A_814 = arith.index_cast %get3A_812 : i32 to index
      %get3A_815 = arith.index_cast %mul3A_810 : i32 to index
      %get3A_816 = tpu.vector_load %arg5[%get3A_813, %get3A_814, %get3A_815] {strides = array<i32>} : memref<2x4x8192xf32, #tpu.memory_space<vmem>>, vector<1x1x16xf32>,
      %get3A_817 = vector.shape_cast %get3A_816 : vector<1x1x16xf32> to vector<16xf32>
      %min3A_818 = arith.minimumf %min3A_760, %get3A_817 : vector<16xf32>
      %mul3A_819 = arith.constant 4 : i32
      %mul3A_820 = arith.muli %scan3A_776, %mul3A_819 : i32
      %add3A_821 = arith.constant 3 : i32
      %add3A_822 = arith.addi %mul3A_820, %add3A_821 : i32
      %mul3A_823 = arith.constant 16 : i32
      %mul3A_824 = arith.muli %add3A_822, %mul3A_823 : i32
      %get3A_825 = arith.constant 0 : i32
      %get3A_826 = arith.constant 1 : i32
      %get3A_827 = arith.index_cast %get3A_825 : i32 to index
      %get3A_828 = arith.index_cast %get3A_826 : i32 to index
      %get3A_829 = arith.index_cast %mul3A_824 : i32 to index
      %get3A_830 = tpu.vector_load %arg5[%get3A_827, %get3A_828, %get3A_829] {strides = array<i32>} : memref<2x4x8192xf32, #tpu.memory_space<vmem>>, vector<1x1x16xf32>,
      %get3A_831 = vector.shape_cast %get3A_830 : vector<1x1x16xf32> to vector<16xf32>
      %min3A_832 = arith.minimumf %min3A_774, %get3A_831 : vector<16xf32>
      %scan3A_833 = arith.constant 2 : i32
      %scan3A_834 = arith.addi %scan3A_715, %scan3A_833 : i32
      %mul3A_835 = arith.constant 4 : i32
      %mul3A_836 = arith.muli %scan3A_834, %mul3A_835 : i32
      %add3A_837 = arith.constant 0 : i32
      %add3A_838 = arith.addi %mul3A_836, %add3A_837 : i32
      %mul3A_839 = arith.constant 16 : i32
      %mul3A_840 = arith.muli %add3A_838, %mul3A_839 : i32
      %get3A_841 = arith.constant 0 : i32
      %get3A_842 = arith.constant 1 : i32
      %get3A_843 = arith.index_cast %get3A_841 : i32 to index
      %get3A_844 = arith.index_cast %get3A_842 : i32 to index
      %get3A_845 = arith.index_cast %mul3A_840 : i32 to index
      %get3A_846 = tpu.vector_load %arg5[%get3A_843, %get3A_844, %get3A_845] {strides = array<i32>} : memref<2x4x8192xf32, #tpu.memory_space<vmem>>, vector<1x1x16xf32>,
      %get3A_847 = vector.shape_cast %get3A_846 : vector<1x1x16xf32> to vector<16xf32>
      %min3A_848 = arith.minimumf %min3A_790, %get3A_847 : vector<16xf32>
      %mul3A_849 = arith.constant 4 : i32
      %mul3A_850 = arith.muli %scan3A_834, %mul3A_849 : i32
      %add3A_851 = arith.constant 1 : i32
      %add3A_852 = arith.addi %mul3A_850, %add3A_851 : i32
      %mul3A_853 = arith.constant 16 : i32
      %mul3A_854 = arith.muli %add3A_852, %mul3A_853 : i32
      %get3A_855 = arith.constant 0 : i32
      %get3A_856 = arith.constant 1 : i32
      %get3A_857 = arith.index_cast %get3A_855 : i32 to index
      %get3A_858 = arith.index_cast %get3A_856 : i32 to index
      %get3A_859 = arith.index_cast %mul3A_854 : i32 to index
      %get3A_860 = tpu.vector_load %arg5[%get3A_857, %get3A_858, %get3A_859] {strides = array<i32>} : memref<2x4x8192xf32, #tpu.memory_space<vmem>>, vector<1x1x16xf32>,
      %get3A_861 = vector.shape_cast %get3A_860 : vector<1x1x16xf32> to vector<16xf32>
      %min3A_862 = arith.minimumf %min3A_804, %get3A_861 : vector<16xf32>
      %mul3A_863 = arith.constant 4 : i32
      %mul3A_864 = arith.muli %scan3A_834, %mul3A_863 : i32
      %add3A_865 = arith.constant 2 : i32
      %add3A_866 = arith.addi %mul3A_864, %add3A_865 : i32
      %mul3A_867 = arith.constant 16 : i32
      %mul3A_868 = arith.muli %add3A_866, %mul3A_867 : i32
      %get3A_869 = arith.constant 0 : i32
      %get3A_870 = arith.constant 1 : i32
      %get3A_871 = arith.index_cast %get3A_869 : i32 to index
      %get3A_872 = arith.index_cast %get3A_870 : i32 to index
      %get3A_873 = arith.index_cast %mul3A_868 : i32 to index
      %get3A_874 = tpu.vector_load %arg5[%get3A_871, %get3A_872, %get3A_873] {strides = array<i32>} : memref<2x4x8192xf32, #tpu.memory_space<vmem>>, vector<1x1x16xf32>,
      %get3A_875 = vector.shape_cast %get3A_874 : vector<1x1x16xf32> to vector<16xf32>
      %min3A_876 = arith.minimumf %min3A_818, %get3A_875 : vector<16xf32>
      %mul3A_877 = arith.constant 4 : i32
      %mul3A_878 = arith.muli %scan3A_834, %mul3A_877 : i32
      %add3A_879 = arith.constant 3 : i32
      %add3A_880 = arith.addi %mul3A_878, %add3A_879 : i32
      %mul3A_881 = arith.constant 16 : i32
      %mul3A_882 = arith.muli %add3A_880, %mul3A_881 : i32
      %get3A_883 = arith.constant 0 : i32
      %get3A_884 = arith.constant 1 : i32
      %get3A_885 = arith.index_cast %get3A_883 : i32 to index
      %get3A_886 = arith.index_cast %get3A_884 : i32 to index
      %get3A_887 = arith.index_cast %mul3A_882 : i32 to index
      %get3A_888 = tpu.vector_load %arg5[%get3A_885, %get3A_886, %get3A_887] {strides = array<i32>} : memref<2x4x8192xf32, #tpu.memory_space<vmem>>, vector<1x1x16xf32>,
      %get3A_889 = vector.shape_cast %get3A_888 : vector<1x1x16xf32> to vector<16xf32>
      %min3A_890 = arith.minimumf %min3A_832, %get3A_889 : vector<16xf32>
      %scan3A_891 = arith.constant 3 : i32
      %scan3A_892 = arith.addi %scan3A_715, %scan3A_891 : i32
      %mul3A_893 = arith.constant 4 : i32
      %mul3A_894 = arith.muli %scan3A_892, %mul3A_893 : i32
      %add3A_895 = arith.constant 0 : i32
      %add3A_896 = arith.addi %mul3A_894, %add3A_895 : i32
      %mul3A_897 = arith.constant 16 : i32
      %mul3A_898 = arith.muli %add3A_896, %mul3A_897 : i32
      %get3A_899 = arith.constant 0 : i32
      %get3A_900 = arith.constant 1 : i32
      %get3A_901 = arith.index_cast %get3A_899 : i32 to index
      %get3A_902 = arith.index_cast %get3A_900 : i32 to index
      %get3A_903 = arith.index_cast %mul3A_898 : i32 to index
      %get3A_904 = tpu.vector_load %arg5[%get3A_901, %get3A_902, %get3A_903] {strides = array<i32>} : memref<2x4x8192xf32, #tpu.memory_space<vmem>>, vector<1x1x16xf32>,
      %get3A_905 = vector.shape_cast %get3A_904 : vector<1x1x16xf32> to vector<16xf32>
      %min3A_906 = arith.minimumf %min3A_848, %get3A_905 : vector<16xf32>
      %mul3A_907 = arith.constant 4 : i32
      %mul3A_908 = arith.muli %scan3A_892, %mul3A_907 : i32
      %add3A_909 = arith.constant 1 : i32
      %add3A_910 = arith.addi %mul3A_908, %add3A_909 : i32
      %mul3A_911 = arith.constant 16 : i32
      %mul3A_912 = arith.muli %add3A_910, %mul3A_911 : i32
      %get3A_913 = arith.constant 0 : i32
      %get3A_914 = arith.constant 1 : i32
      %get3A_915 = arith.index_cast %get3A_913 : i32 to index
      %get3A_916 = arith.index_cast %get3A_914 : i32 to index
      %get3A_917 = arith.index_cast %mul3A_912 : i32 to index
      %get3A_918 = tpu.vector_load %arg5[%get3A_915, %get3A_916, %get3A_917] {strides = array<i32>} : memref<2x4x8192xf32, #tpu.memory_space<vmem>>, vector<1x1x16xf32>,
      %get3A_919 = vector.shape_cast %get3A_918 : vector<1x1x16xf32> to vector<16xf32>
      %min3A_920 = arith.minimumf %min3A_862, %get3A_919 : vector<16xf32>
      %mul3A_921 = arith.constant 4 : i32
      %mul3A_922 = arith.muli %scan3A_892, %mul3A_921 : i32
      %add3A_923 = arith.constant 2 : i32
      %add3A_924 = arith.addi %mul3A_922, %add3A_923 : i32
      %mul3A_925 = arith.constant 16 : i32
      %mul3A_926 = arith.muli %add3A_924, %mul3A_925 : i32
      %get3A_927 = arith.constant 0 : i32
      %get3A_928 = arith.constant 1 : i32
      %get3A_929 = arith.index_cast %get3A_927 : i32 to index
      %get3A_930 = arith.index_cast %get3A_928 : i32 to index
      %get3A_931 = arith.index_cast %mul3A_926 : i32 to index
      %get3A_932 = tpu.vector_load %arg5[%get3A_929, %get3A_930, %get3A_931] {strides = array<i32>} : memref<2x4x8192xf32, #tpu.memory_space<vmem>>, vector<1x1x16xf32>,
      %get3A_933 = vector.shape_cast %get3A_932 : vector<1x1x16xf32> to vector<16xf32>
      %min3A_934 = arith.minimumf %min3A_876, %get3A_933 : vector<16xf32>
      %mul3A_935 = arith.constant 4 : i32
      %mul3A_936 = arith.muli %scan3A_892, %mul3A_935 : i32
      %add3A_937 = arith.constant 3 : i32
      %add3A_938 = arith.addi %mul3A_936, %add3A_937 : i32
      %mul3A_939 = arith.constant 16 : i32
      %mul3A_940 = arith.muli %add3A_938, %mul3A_939 : i32
      %get3A_941 = arith.constant 0 : i32
      %get3A_942 = arith.constant 1 : i32
      %get3A_943 = arith.index_cast %get3A_941 : i32 to index
      %get3A_944 = arith.index_cast %get3A_942 : i32 to index
      %get3A_945 = arith.index_cast %mul3A_940 : i32 to index
      %get3A_946 = tpu.vector_load %arg5[%get3A_943, %get3A_944, %get3A_945] {strides = array<i32>} : memref<2x4x8192xf32, #tpu.memory_space<vmem>>, vector<1x1x16xf32>,
      %get3A_947 = vector.shape_cast %get3A_946 : vector<1x1x16xf32> to vector<16xf32>
      %min3A_948 = arith.minimumf %min3A_890, %get3A_947 : vector<16xf32>
      %scan3A_949 = arith.constant 4 : i32
      %scan3A_950 = arith.addi %scan3A_715, %scan3A_949 : i32
      %mul3A_951 = arith.constant 4 : i32
      %mul3A_952 = arith.muli %scan3A_950, %mul3A_951 : i32
      %add3A_953 = arith.constant 0 : i32
      %add3A_954 = arith.addi %mul3A_952, %add3A_953 : i32
      %mul3A_955 = arith.constant 16 : i32
      %mul3A_956 = arith.muli %add3A_954, %mul3A_955 : i32
      %get3A_957 = arith.constant 0 : i32
      %get3A_958 = arith.constant 1 : i32
      %get3A_959 = arith.index_cast %get3A_957 : i32 to index
      %get3A_960 = arith.index_cast %get3A_958 : i32 to index
      %get3A_961 = arith.index_cast %mul3A_956 : i32 to index
      %get3A_962 = tpu.vector_load %arg5[%get3A_959, %get3A_960, %get3A_961] {strides = array<i32>} : memref<2x4x8192xf32, #tpu.memory_space<vmem>>, vector<1x1x16xf32>,
      %get3A_963 = vector.shape_cast %get3A_962 : vector<1x1x16xf32> to vector<16xf32>
      %min3A_964 = arith.minimumf %min3A_906, %get3A_963 : vector<16xf32>
      %mul3A_965 = arith.constant 4 : i32
      %mul3A_966 = arith.muli %scan3A_950, %mul3A_965 : i32
      %add3A_967 = arith.constant 1 : i32
      %add3A_968 = arith.addi %mul3A_966, %add3A_967 : i32
      %mul3A_969 = arith.constant 16 : i32
      %mul3A_970 = arith.muli %add3A_968, %mul3A_969 : i32
      %get3A_971 = arith.constant 0 : i32
      %get3A_972 = arith.constant 1 : i32
      %get3A_973 = arith.index_cast %get3A_971 : i32 to index
      %get3A_974 = arith.index_cast %get3A_972 : i32 to index
      %get3A_975 = arith.index_cast %mul3A_970 : i32 to index
      %get3A_976 = tpu.vector_load %arg5[%get3A_973, %get3A_974, %get3A_975] {strides = array<i32>} : memref<2x4x8192xf32, #tpu.memory_space<vmem>>, vector<1x1x16xf32>,
      %get3A_977 = vector.shape_cast %get3A_976 : vector<1x1x16xf32> to vector<16xf32>
      %min3A_978 = arith.minimumf %min3A_920, %get3A_977 : vector<16xf32>
      %mul3A_979 = arith.constant 4 : i32
      %mul3A_980 = arith.muli %scan3A_950, %mul3A_979 : i32
      %add3A_981 = arith.constant 2 : i32
      %add3A_982 = arith.addi %mul3A_980, %add3A_981 : i32
      %mul3A_983 = arith.constant 16 : i32
      %mul3A_984 = arith.muli %add3A_982, %mul3A_983 : i32
      %get3A_985 = arith.constant 0 : i32
      %get3A_986 = arith.constant 1 : i32
      %get3A_987 = arith.index_cast %get3A_985 : i32 to index
      %get3A_988 = arith.index_cast %get3A_986 : i32 to index
      %get3A_989 = arith.index_cast %mul3A_984 : i32 to index
      %get3A_990 = tpu.vector_load %arg5[%get3A_987, %get3A_988, %get3A_989] {strides = array<i32>} : memref<2x4x8192xf32, #tpu.memory_space<vmem>>, vector<1x1x16xf32>,
      %get3A_991 = vector.shape_cast %get3A_990 : vector<1x1x16xf32> to vector<16xf32>
      %min3A_992 = arith.minimumf %min3A_934, %get3A_991 : vector<16xf32>
      %mul3A_993 = arith.constant 4 : i32
      %mul3A_994 = arith.muli %scan3A_950, %mul3A_993 : i32
      %add3A_995 = arith.constant 3 : i32
      %add3A_996 = arith.addi %mul3A_994, %add3A_995 : i32
      %mul3A_997 = arith.constant 16 : i32
      %mul3A_998 = arith.muli %add3A_996, %mul3A_997 : i32
      %get3A_999 = arith.constant 0 : i32
      %get3A_1000 = arith.constant 1 : i32
      %get3A_1001 = arith.index_cast %get3A_999 : i32 to index
      %get3A_1002 = arith.index_cast %get3A_1000 : i32 to index
      %get3A_1003 = arith.index_cast %mul3A_998 : i32 to index
      %get3A_1004 = tpu.vector_load %arg5[%get3A_1001, %get3A_1002, %get3A_1003] {strides = array<i32>} : memref<2x4x8192xf32, #tpu.memory_space<vmem>>, vector<1x1x16xf32>,
      %get3A_1005 = vector.shape_cast %get3A_1004 : vector<1x1x16xf32> to vector<16xf32>
      %min3A_1006 = arith.minimumf %min3A_948, %get3A_1005 : vector<16xf32>
      %scan3A_1007 = arith.constant 5 : i32
      %scan3A_1008 = arith.addi %scan3A_715, %scan3A_1007 : i32
      %mul3A_1009 = arith.constant 4 : i32
      %mul3A_1010 = arith.muli %scan3A_1008, %mul3A_1009 : i32
      %add3A_1011 = arith.constant 0 : i32
      %add3A_1012 = arith.addi %mul3A_1010, %add3A_1011 : i32
      %mul3A_1013 = arith.constant 16 : i32
      %mul3A_1014 = arith.muli %add3A_1012, %mul3A_1013 : i32
      %get3A_1015 = arith.constant 0 : i32
      %get3A_1016 = arith.constant 1 : i32
      %get3A_1017 = arith.index_cast %get3A_1015 : i32 to index
      %get3A_1018 = arith.index_cast %get3A_1016 : i32 to index
      %get3A_1019 = arith.index_cast %mul3A_1014 : i32 to index
      %get3A_1020 = tpu.vector_load %arg5[%get3A_1017, %get3A_1018, %get3A_1019] {strides = array<i32>} : memref<2x4x8192xf32, #tpu.memory_space<vmem>>, vector<1x1x16xf32>,
      %get3A_1021 = vector.shape_cast %get3A_1020 : vector<1x1x16xf32> to vector<16xf32>
      %min3A_1022 = arith.minimumf %min3A_964, %get3A_1021 : vector<16xf32>
      %mul3A_1023 = arith.constant 4 : i32
      %mul3A_1024 = arith.muli %scan3A_1008, %mul3A_1023 : i32
      %add3A_1025 = arith.constant 1 : i32
      %add3A_1026 = arith.addi %mul3A_1024, %add3A_1025 : i32
      %mul3A_1027 = arith.constant 16 : i32
      %mul3A_1028 = arith.muli %add3A_1026, %mul3A_1027 : i32
      %get3A_1029 = arith.constant 0 : i32
      %get3A_1030 = arith.constant 1 : i32
      %get3A_1031 = arith.index_cast %get3A_1029 : i32 to index
      %get3A_1032 = arith.index_cast %get3A_1030 : i32 to index
      %get3A_1033 = arith.index_cast %mul3A_1028 : i32 to index
      %get3A_1034 = tpu.vector_load %arg5[%get3A_1031, %get3A_1032, %get3A_1033] {strides = array<i32>} : memref<2x4x8192xf32, #tpu.memory_space<vmem>>, vector<1x1x16xf32>,
      %get3A_1035 = vector.shape_cast %get3A_1034 : vector<1x1x16xf32> to vector<16xf32>
      %min3A_1036 = arith.minimumf %min3A_978, %get3A_1035 : vector<16xf32>
      %mul3A_1037 = arith.constant 4 : i32
      %mul3A_1038 = arith.muli %scan3A_1008, %mul3A_1037 : i32
      %add3A_1039 = arith.constant 2 : i32
      %add3A_1040 = arith.addi %mul3A_1038, %add3A_1039 : i32
      %mul3A_1041 = arith.constant 16 : i32
      %mul3A_1042 = arith.muli %add3A_1040, %mul3A_1041 : i32
      %get3A_1043 = arith.constant 0 : i32
      %get3A_1044 = arith.constant 1 : i32
      %get3A_1045 = arith.index_cast %get3A_1043 : i32 to index
      %get3A_1046 = arith.index_cast %get3A_1044 : i32 to index
      %get3A_1047 = arith.index_cast %mul3A_1042 : i32 to index
      %get3A_1048 = tpu.vector_load %arg5[%get3A_1045, %get3A_1046, %get3A_1047] {strides = array<i32>} : memref<2x4x8192xf32, #tpu.memory_space<vmem>>, vector<1x1x16xf32>,
      %get3A_1049 = vector.shape_cast %get3A_1048 : vector<1x1x16xf32> to vector<16xf32>
      %min3A_1050 = arith.minimumf %min3A_992, %get3A_1049 : vector<16xf32>
      %mul3A_1051 = arith.constant 4 : i32
      %mul3A_1052 = arith.muli %scan3A_1008, %mul3A_1051 : i32
      %add3A_1053 = arith.constant 3 : i32
      %add3A_1054 = arith.addi %mul3A_1052, %add3A_1053 : i32
      %mul3A_1055 = arith.constant 16 : i32
      %mul3A_1056 = arith.muli %add3A_1054, %mul3A_1055 : i32
      %get3A_1057 = arith.constant 0 : i32
      %get3A_1058 = arith.constant 1 : i32
      %get3A_1059 = arith.index_cast %get3A_1057 : i32 to index
      %get3A_1060 = arith.index_cast %get3A_1058 : i32 to index
      %get3A_1061 = arith.index_cast %mul3A_1056 : i32 to index
      %get3A_1062 = tpu.vector_load %arg5[%get3A_1059, %get3A_1060, %get3A_1061] {strides = array<i32>} : memref<2x4x8192xf32, #tpu.memory_space<vmem>>, vector<1x1x16xf32>,
      %get3A_1063 = vector.shape_cast %get3A_1062 : vector<1x1x16xf32> to vector<16xf32>
      %min3A_1064 = arith.minimumf %min3A_1006, %get3A_1063 : vector<16xf32>
      %scan3A_1065 = arith.constant 6 : i32
      %scan3A_1066 = arith.addi %scan3A_715, %scan3A_1065 : i32
      %mul3A_1067 = arith.constant 4 : i32
      %mul3A_1068 = arith.muli %scan3A_1066, %mul3A_1067 : i32
      %add3A_1069 = arith.constant 0 : i32
      %add3A_1070 = arith.addi %mul3A_1068, %add3A_1069 : i32
      %mul3A_1071 = arith.constant 16 : i32
      %mul3A_1072 = arith.muli %add3A_1070, %mul3A_1071 : i32
      %get3A_1073 = arith.constant 0 : i32
      %get3A_1074 = arith.constant 1 : i32
      %get3A_1075 = arith.index_cast %get3A_1073 : i32 to index
      %get3A_1076 = arith.index_cast %get3A_1074 : i32 to index
      %get3A_1077 = arith.index_cast %mul3A_1072 : i32 to index
      %get3A_1078 = tpu.vector_load %arg5[%get3A_1075, %get3A_1076, %get3A_1077] {strides = array<i32>} : memref<2x4x8192xf32, #tpu.memory_space<vmem>>, vector<1x1x16xf32>,
      %get3A_1079 = vector.shape_cast %get3A_1078 : vector<1x1x16xf32> to vector<16xf32>
      %min3A_1080 = arith.minimumf %min3A_1022, %get3A_1079 : vector<16xf32>
      %mul3A_1081 = arith.constant 4 : i32
      %mul3A_1082 = arith.muli %scan3A_1066, %mul3A_1081 : i32
      %add3A_1083 = arith.constant 1 : i32
      %add3A_1084 = arith.addi %mul3A_1082, %add3A_1083 : i32
      %mul3A_1085 = arith.constant 16 : i32
      %mul3A_1086 = arith.muli %add3A_1084, %mul3A_1085 : i32
      %get3A_1087 = arith.constant 0 : i32
      %get3A_1088 = arith.constant 1 : i32
      %get3A_1089 = arith.index_cast %get3A_1087 : i32 to index
      %get3A_1090 = arith.index_cast %get3A_1088 : i32 to index
      %get3A_1091 = arith.index_cast %mul3A_1086 : i32 to index
      %get3A_1092 = tpu.vector_load %arg5[%get3A_1089, %get3A_1090, %get3A_1091] {strides = array<i32>} : memref<2x4x8192xf32, #tpu.memory_space<vmem>>, vector<1x1x16xf32>,
      %get3A_1093 = vector.shape_cast %get3A_1092 : vector<1x1x16xf32> to vector<16xf32>
      %min3A_1094 = arith.minimumf %min3A_1036, %get3A_1093 : vector<16xf32>
      %mul3A_1095 = arith.constant 4 : i32
      %mul3A_1096 = arith.muli %scan3A_1066, %mul3A_1095 : i32
      %add3A_1097 = arith.constant 2 : i32
      %add3A_1098 = arith.addi %mul3A_1096, %add3A_1097 : i32
      %mul3A_1099 = arith.constant 16 : i32
      %mul3A_1100 = arith.muli %add3A_1098, %mul3A_1099 : i32
      %get3A_1101 = arith.constant 0 : i32
      %get3A_1102 = arith.constant 1 : i32
      %get3A_1103 = arith.index_cast %get3A_1101 : i32 to index
      %get3A_1104 = arith.index_cast %get3A_1102 : i32 to index
      %get3A_1105 = arith.index_cast %mul3A_1100 : i32 to index
      %get3A_1106 = tpu.vector_load %arg5[%get3A_1103, %get3A_1104, %get3A_1105] {strides = array<i32>} : memref<2x4x8192xf32, #tpu.memory_space<vmem>>, vector<1x1x16xf32>,
      %get3A_1107 = vector.shape_cast %get3A_1106 : vector<1x1x16xf32> to vector<16xf32>
      %min3A_1108 = arith.minimumf %min3A_1050, %get3A_1107 : vector<16xf32>
      %mul3A_1109 = arith.constant 4 : i32
      %mul3A_1110 = arith.muli %scan3A_1066, %mul3A_1109 : i32
      %add3A_1111 = arith.constant 3 : i32
      %add3A_1112 = arith.addi %mul3A_1110, %add3A_1111 : i32
      %mul3A_1113 = arith.constant 16 : i32
      %mul3A_1114 = arith.muli %add3A_1112, %mul3A_1113 : i32
      %get3A_1115 = arith.constant 0 : i32
      %get3A_1116 = arith.constant 1 : i32
      %get3A_1117 = arith.index_cast %get3A_1115 : i32 to index
      %get3A_1118 = arith.index_cast %get3A_1116 : i32 to index
      %get3A_1119 = arith.index_cast %mul3A_1114 : i32 to index
      %get3A_1120 = tpu.vector_load %arg5[%get3A_1117, %get3A_1118, %get3A_1119] {strides = array<i32>} : memref<2x4x8192xf32, #tpu.memory_space<vmem>>, vector<1x1x16xf32>,
      %get3A_1121 = vector.shape_cast %get3A_1120 : vector<1x1x16xf32> to vector<16xf32>
      %min3A_1122 = arith.minimumf %min3A_1064, %get3A_1121 : vector<16xf32>
      %scan3A_1123 = arith.constant 7 : i32
      %scan3A_1124 = arith.addi %scan3A_715, %scan3A_1123 : i32
      %mul3A_1125 = arith.constant 4 : i32
      %mul3A_1126 = arith.muli %scan3A_1124, %mul3A_1125 : i32
      %add3A_1127 = arith.constant 0 : i32
      %add3A_1128 = arith.addi %mul3A_1126, %add3A_1127 : i32
      %mul3A_1129 = arith.constant 16 : i32
      %mul3A_1130 = arith.muli %add3A_1128, %mul3A_1129 : i32
      %get3A_1131 = arith.constant 0 : i32
      %get3A_1132 = arith.constant 1 : i32
      %get3A_1133 = arith.index_cast %get3A_1131 : i32 to index
      %get3A_1134 = arith.index_cast %get3A_1132 : i32 to index
      %get3A_1135 = arith.index_cast %mul3A_1130 : i32 to index
      %get3A_1136 = tpu.vector_load %arg5[%get3A_1133, %get3A_1134, %get3A_1135] {strides = array<i32>} : memref<2x4x8192xf32, #tpu.memory_space<vmem>>, vector<1x1x16xf32>,
      %get3A_1137 = vector.shape_cast %get3A_1136 : vector<1x1x16xf32> to vector<16xf32>
      %min3A_1138 = arith.minimumf %min3A_1080, %get3A_1137 : vector<16xf32>
      %mul3A_1139 = arith.constant 4 : i32
      %mul3A_1140 = arith.muli %scan3A_1124, %mul3A_1139 : i32
      %add3A_1141 = arith.constant 1 : i32
      %add3A_1142 = arith.addi %mul3A_1140, %add3A_1141 : i32
      %mul3A_1143 = arith.constant 16 : i32
      %mul3A_1144 = arith.muli %add3A_1142, %mul3A_1143 : i32
      %get3A_1145 = arith.constant 0 : i32
      %get3A_1146 = arith.constant 1 : i32
      %get3A_1147 = arith.index_cast %get3A_1145 : i32 to index
      %get3A_1148 = arith.index_cast %get3A_1146 : i32 to index
      %get3A_1149 = arith.index_cast %mul3A_1144 : i32 to index
      %get3A_1150 = tpu.vector_load %arg5[%get3A_1147, %get3A_1148, %get3A_1149] {strides = array<i32>} : memref<2x4x8192xf32, #tpu.memory_space<vmem>>, vector<1x1x16xf32>,
      %get3A_1151 = vector.shape_cast %get3A_1150 : vector<1x1x16xf32> to vector<16xf32>
      %min3A_1152 = arith.minimumf %min3A_1094, %get3A_1151 : vector<16xf32>
      %mul3A_1153 = arith.constant 4 : i32
      %mul3A_1154 = arith.muli %scan3A_1124, %mul3A_1153 : i32
      %add3A_1155 = arith.constant 2 : i32
      %add3A_1156 = arith.addi %mul3A_1154, %add3A_1155 : i32
      %mul3A_1157 = arith.constant 16 : i32
      %mul3A_1158 = arith.muli %add3A_1156, %mul3A_1157 : i32
      %get3A_1159 = arith.constant 0 : i32
      %get3A_1160 = arith.constant 1 : i32
      %get3A_1161 = arith.index_cast %get3A_1159 : i32 to index
      %get3A_1162 = arith.index_cast %get3A_1160 : i32 to index
      %get3A_1163 = arith.index_cast %mul3A_1158 : i32 to index
      %get3A_1164 = tpu.vector_load %arg5[%get3A_1161, %get3A_1162, %get3A_1163] {strides = array<i32>} : memref<2x4x8192xf32, #tpu.memory_space<vmem>>, vector<1x1x16xf32>,
      %get3A_1165 = vector.shape_cast %get3A_1164 : vector<1x1x16xf32> to vector<16xf32>
      %min3A_1166 = arith.minimumf %min3A_1108, %get3A_1165 : vector<16xf32>
      %mul3A_1167 = arith.constant 4 : i32
      %mul3A_1168 = arith.muli %scan3A_1124, %mul3A_1167 : i32
      %add3A_1169 = arith.constant 3 : i32
      %add3A_1170 = arith.addi %mul3A_1168, %add3A_1169 : i32
      %mul3A_1171 = arith.constant 16 : i32
      %mul3A_1172 = arith.muli %add3A_1170, %mul3A_1171 : i32
      %get3A_1173 = arith.constant 0 : i32
      %get3A_1174 = arith.constant 1 : i32
      %get3A_1175 = arith.index_cast %get3A_1173 : i32 to index
      %get3A_1176 = arith.index_cast %get3A_1174 : i32 to index
      %get3A_1177 = arith.index_cast %mul3A_1172 : i32 to index
      %get3A_1178 = tpu.vector_load %arg5[%get3A_1175, %get3A_1176, %get3A_1177] {strides = array<i32>} : memref<2x4x8192xf32, #tpu.memory_space<vmem>>, vector<1x1x16xf32>,
      %get3A_1179 = vector.shape_cast %get3A_1178 : vector<1x1x16xf32> to vector<16xf32>
      %min3A_1180 = arith.minimumf %min3A_1122, %get3A_1179 : vector<16xf32>
      scf.yield %min3A_1138, %min3A_1152, %min3A_1166, %min3A_1180 : vector<16xf32>, vector<16xf32>, vector<16xf32>, vector<16xf32>
    }
    %scan3A_132 = arith.constant 128 : i32
    %min3A_133 = arith.minimumf %scan3A_131#0, %scan3A_131#1 : vector<16xf32>
    %min3A_134 = arith.minimumf %scan3A_131#2, %scan3A_131#3 : vector<16xf32>
    %min3A_135 = arith.minimumf %min3A_133, %min3A_134 : vector<16xf32>
    %iota3A_136 = tpu.iota {dimensions = array<i32: 0>} : vector<16xi32>
    %xor3A_137 = arith.constant 8 : i32
    %xor3A_138 = vector.broadcast %xor3A_137 : i32 to vector<16xi32>
    %xor3A_139 = arith.xori %iota3A_136, %xor3A_138 : vector<16xi32>
    %lt3A_140 = arith.constant 0 : i32
    %lt3A_141 = vector.broadcast %lt3A_140 : i32 to vector<16xi32>
    %lt3A_142 = arith.cmpi slt, %xor3A_139, %lt3A_141 : vector<16xi32>
    %add3A_143 = arith.constant 16 : i32
    %add3A_144 = vector.broadcast %add3A_143 : i32 to vector<16xi32>
    %add3A_145 = arith.addi %xor3A_139, %add3A_144 : vector<16xi32>
    %select_n3A_146 = arith.select %lt3A_142, %add3A_145, %xor3A_139 : vector<16xi1>, vector<16xi32>
    %reshape3A_147 = vector.shape_cast %select_n3A_146 : vector<16xi32> to vector<16x1xi32>
    %gather3A_148 = vector.shape_cast %reshape3A_147 : vector<16x1xi32> to vector<16xi32>
    %gather3A_149 = tpu.dynamic_gather %min3A_135[%gather3A_148] in [0] : vector<16xf32>, vector<16xi32> -> vector<16xf32>
    %min3A_150 = arith.minimumf %min3A_135, %gather3A_149 : vector<16xf32>
    %iota3A_151 = tpu.iota {dimensions = array<i32: 0>} : vector<16xi32>
    %xor3A_152 = arith.constant 4 : i32
    %xor3A_153 = vector.broadcast %xor3A_152 : i32 to vector<16xi32>
    %xor3A_154 = arith.xori %iota3A_151, %xor3A_153 : vector<16xi32>
    %lt3A_155 = arith.constant 0 : i32
    %lt3A_156 = vector.broadcast %lt3A_155 : i32 to vector<16xi32>
    %lt3A_157 = arith.cmpi slt, %xor3A_154, %lt3A_156 : vector<16xi32>
    %add3A_158 = arith.constant 16 : i32
    %add3A_159 = vector.broadcast %add3A_158 : i32 to vector<16xi32>
    %add3A_160 = arith.addi %xor3A_154, %add3A_159 : vector<16xi32>
    %select_n3A_161 = arith.select %lt3A_157, %add3A_160, %xor3A_154 : vector<16xi1>, vector<16xi32>
    %reshape3A_162 = vector.shape_cast %select_n3A_161 : vector<16xi32> to vector<16x1xi32>
    %gather3A_163 = vector.shape_cast %reshape3A_162 : vector<16x1xi32> to vector<16xi32>
    %gather3A_164 = tpu.dynamic_gather %min3A_150[%gather3A_163] in [0] : vector<16xf32>, vector<16xi32> -> vector<16xf32>
    %min3A_165 = arith.minimumf %min3A_150, %gather3A_164 : vector<16xf32>
    %iota3A_166 = tpu.iota {dimensions = array<i32: 0>} : vector<16xi32>
    %xor3A_167 = arith.constant 2 : i32
    %xor3A_168 = vector.broadcast %xor3A_167 : i32 to vector<16xi32>
    %xor3A_169 = arith.xori %iota3A_166, %xor3A_168 : vector<16xi32>
    %lt3A_170 = arith.constant 0 : i32
    %lt3A_171 = vector.broadcast %lt3A_170 : i32 to vector<16xi32>
    %lt3A_172 = arith.cmpi slt, %xor3A_169, %lt3A_171 : vector<16xi32>
    %add3A_173 = arith.constant 16 : i32
    %add3A_174 = vector.broadcast %add3A_173 : i32 to vector<16xi32>
    %add3A_175 = arith.addi %xor3A_169, %add3A_174 : vector<16xi32>
    %select_n3A_176 = arith.select %lt3A_172, %add3A_175, %xor3A_169 : vector<16xi1>, vector<16xi32>
    %reshape3A_177 = vector.shape_cast %select_n3A_176 : vector<16xi32> to vector<16x1xi32>
    %gather3A_178 = vector.shape_cast %reshape3A_177 : vector<16x1xi32> to vector<16xi32>
    %gather3A_179 = tpu.dynamic_gather %min3A_165[%gather3A_178] in [0] : vector<16xf32>, vector<16xi32> -> vector<16xf32>
    %min3A_180 = arith.minimumf %min3A_165, %gather3A_179 : vector<16xf32>
    %iota3A_181 = tpu.iota {dimensions = array<i32: 0>} : vector<16xi32>
    %xor3A_182 = arith.constant 1 : i32
    %xor3A_183 = vector.broadcast %xor3A_182 : i32 to vector<16xi32>
    %xor3A_184 = arith.xori %iota3A_181, %xor3A_183 : vector<16xi32>
    %lt3A_185 = arith.constant 0 : i32
    %lt3A_186 = vector.broadcast %lt3A_185 : i32 to vector<16xi32>
    %lt3A_187 = arith.cmpi slt, %xor3A_184, %lt3A_186 : vector<16xi32>
    %add3A_188 = arith.constant 16 : i32
    %add3A_189 = vector.broadcast %add3A_188 : i32 to vector<16xi32>
    %add3A_190 = arith.addi %xor3A_184, %add3A_189 : vector<16xi32>
    %select_n3A_191 = arith.select %lt3A_187, %add3A_190, %xor3A_184 : vector<16xi1>, vector<16xi32>
    %reshape3A_192 = vector.shape_cast %select_n3A_191 : vector<16xi32> to vector<16x1xi32>
    %gather3A_193 = vector.shape_cast %reshape3A_192 : vector<16x1xi32> to vector<16xi32>
    %gather3A_194 = tpu.dynamic_gather %min3A_180[%gather3A_193] in [0] : vector<16xf32>, vector<16xi32> -> vector<16xf32>
    %min3A_195 = arith.minimumf %min3A_180, %gather3A_194 : vector<16xf32>
    %swap3A_196 = arith.constant 1 : i32
    %swap3A_197 = arith.index_cast %swap3A_196 : i32 to index
    %swap3A_198 = arith.constant 0 : index
    %swap3A_199 = tpu.vector_load %arg6[%swap3A_197, %swap3A_198] {strides = array<i32>} : memref<8x16xf32, #tpu.memory_space<vmem>>, vector<1x16xf32>,
    %swap3A_200 = vector.shape_cast %swap3A_199 : vector<1x16xf32> to vector<16xf32>
    %swap3A_201 = vector.shape_cast %min3A_195 : vector<16xf32> to vector<1x16xf32>
    tpu.vector_store %arg6[%swap3A_197, %swap3A_198], %swap3A_201 {strides = array<i32>} : memref<8x16xf32, #tpu.memory_space<vmem>>, vector<1x16xf32>,
    %broadcast_in_dim3A_202 = arith.constant 0x7F800000 : f32
    %broadcast_in_dim3A_203 = vector.broadcast %broadcast_in_dim3A_202 : f32 to vector<16xf32>
    %broadcast_in_dim3A_204 = arith.constant 0x7F800000 : f32
    %broadcast_in_dim3A_205 = vector.broadcast %broadcast_in_dim3A_204 : f32 to vector<16xf32>
    %broadcast_in_dim3A_206 = arith.constant 0x7F800000 : f32
    %broadcast_in_dim3A_207 = vector.broadcast %broadcast_in_dim3A_206 : f32 to vector<16xf32>
    %broadcast_in_dim3A_208 = arith.constant 0x7F800000 : f32
    %broadcast_in_dim3A_209 = vector.broadcast %broadcast_in_dim3A_208 : f32 to vector<16xf32>
    %scan3A_210 = arith.constant 0 : i32
    %scan3A_211 = arith.constant 128 : i32
    %scan3A_212 = arith.addi %scan3A_210, %scan3A_211 : i32
    %scan3A_213 = arith.constant 8 : i32
    %scan3A_214:4 = scf.for %scan3A_715 = %scan3A_210 to %scan3A_212 step %scan3A_213 iter_args(%scan3A_716 = %broadcast_in_dim3A_203, %scan3A_717 = %broadcast_in_dim3A_205, %scan3A_718 = %broadcast_in_dim3A_207, %scan3A_719 = %broadcast_in_dim3A_209) -> (vector<16xf32>, vector<16xf32>, vector<16xf32>, vector<16xf32>)  : i32 {
      %mul3A_720 = arith.constant 4 : i32
      %mul3A_721 = arith.muli %scan3A_715, %mul3A_720 : i32
      %add3A_722 = arith.constant 0 : i32
      %add3A_723 = arith.addi %mul3A_721, %add3A_722 : i32
      %mul3A_724 = arith.constant 16 : i32
      %mul3A_725 = arith.muli %add3A_723, %mul3A_724 : i32
      %get3A = arith.constant 0 : i32
      %get3A_726 = arith.constant 2 : i32
      %get3A_727 = arith.index_cast %get3A : i32 to index
      %get3A_728 = arith.index_cast %get3A_726 : i32 to index
      %get3A_729 = arith.index_cast %mul3A_725 : i32 to index
      %get3A_730 = tpu.vector_load %arg5[%get3A_727, %get3A_728, %get3A_729] {strides = array<i32>} : memref<2x4x8192xf32, #tpu.memory_space<vmem>>, vector<1x1x16xf32>,
      %get3A_731 = vector.shape_cast %get3A_730 : vector<1x1x16xf32> to vector<16xf32>
      %min3A_732 = arith.minimumf %scan3A_716, %get3A_731 : vector<16xf32>
      %mul3A_733 = arith.constant 4 : i32
      %mul3A_734 = arith.muli %scan3A_715, %mul3A_733 : i32
      %add3A_735 = arith.constant 1 : i32
      %add3A_736 = arith.addi %mul3A_734, %add3A_735 : i32
      %mul3A_737 = arith.constant 16 : i32
      %mul3A_738 = arith.muli %add3A_736, %mul3A_737 : i32
      %get3A_739 = arith.constant 0 : i32
      %get3A_740 = arith.constant 2 : i32
      %get3A_741 = arith.index_cast %get3A_739 : i32 to index
      %get3A_742 = arith.index_cast %get3A_740 : i32 to index
      %get3A_743 = arith.index_cast %mul3A_738 : i32 to index
      %get3A_744 = tpu.vector_load %arg5[%get3A_741, %get3A_742, %get3A_743] {strides = array<i32>} : memref<2x4x8192xf32, #tpu.memory_space<vmem>>, vector<1x1x16xf32>,
      %get3A_745 = vector.shape_cast %get3A_744 : vector<1x1x16xf32> to vector<16xf32>
      %min3A_746 = arith.minimumf %scan3A_717, %get3A_745 : vector<16xf32>
      %mul3A_747 = arith.constant 4 : i32
      %mul3A_748 = arith.muli %scan3A_715, %mul3A_747 : i32
      %add3A_749 = arith.constant 2 : i32
      %add3A_750 = arith.addi %mul3A_748, %add3A_749 : i32
      %mul3A_751 = arith.constant 16 : i32
      %mul3A_752 = arith.muli %add3A_750, %mul3A_751 : i32
      %get3A_753 = arith.constant 0 : i32
      %get3A_754 = arith.constant 2 : i32
      %get3A_755 = arith.index_cast %get3A_753 : i32 to index
      %get3A_756 = arith.index_cast %get3A_754 : i32 to index
      %get3A_757 = arith.index_cast %mul3A_752 : i32 to index
      %get3A_758 = tpu.vector_load %arg5[%get3A_755, %get3A_756, %get3A_757] {strides = array<i32>} : memref<2x4x8192xf32, #tpu.memory_space<vmem>>, vector<1x1x16xf32>,
      %get3A_759 = vector.shape_cast %get3A_758 : vector<1x1x16xf32> to vector<16xf32>
      %min3A_760 = arith.minimumf %scan3A_718, %get3A_759 : vector<16xf32>
      %mul3A_761 = arith.constant 4 : i32
      %mul3A_762 = arith.muli %scan3A_715, %mul3A_761 : i32
      %add3A_763 = arith.constant 3 : i32
      %add3A_764 = arith.addi %mul3A_762, %add3A_763 : i32
      %mul3A_765 = arith.constant 16 : i32
      %mul3A_766 = arith.muli %add3A_764, %mul3A_765 : i32
      %get3A_767 = arith.constant 0 : i32
      %get3A_768 = arith.constant 2 : i32
      %get3A_769 = arith.index_cast %get3A_767 : i32 to index
      %get3A_770 = arith.index_cast %get3A_768 : i32 to index
      %get3A_771 = arith.index_cast %mul3A_766 : i32 to index
      %get3A_772 = tpu.vector_load %arg5[%get3A_769, %get3A_770, %get3A_771] {strides = array<i32>} : memref<2x4x8192xf32, #tpu.memory_space<vmem>>, vector<1x1x16xf32>,
      %get3A_773 = vector.shape_cast %get3A_772 : vector<1x1x16xf32> to vector<16xf32>
      %min3A_774 = arith.minimumf %scan3A_719, %get3A_773 : vector<16xf32>
      %scan3A_775 = arith.constant 1 : i32
      %scan3A_776 = arith.addi %scan3A_715, %scan3A_775 : i32
      %mul3A_777 = arith.constant 4 : i32
      %mul3A_778 = arith.muli %scan3A_776, %mul3A_777 : i32
      %add3A_779 = arith.constant 0 : i32
      %add3A_780 = arith.addi %mul3A_778, %add3A_779 : i32
      %mul3A_781 = arith.constant 16 : i32
      %mul3A_782 = arith.muli %add3A_780, %mul3A_781 : i32
      %get3A_783 = arith.constant 0 : i32
      %get3A_784 = arith.constant 2 : i32
      %get3A_785 = arith.index_cast %get3A_783 : i32 to index
      %get3A_786 = arith.index_cast %get3A_784 : i32 to index
      %get3A_787 = arith.index_cast %mul3A_782 : i32 to index
      %get3A_788 = tpu.vector_load %arg5[%get3A_785, %get3A_786, %get3A_787] {strides = array<i32>} : memref<2x4x8192xf32, #tpu.memory_space<vmem>>, vector<1x1x16xf32>,
      %get3A_789 = vector.shape_cast %get3A_788 : vector<1x1x16xf32> to vector<16xf32>
      %min3A_790 = arith.minimumf %min3A_732, %get3A_789 : vector<16xf32>
      %mul3A_791 = arith.constant 4 : i32
      %mul3A_792 = arith.muli %scan3A_776, %mul3A_791 : i32
      %add3A_793 = arith.constant 1 : i32
      %add3A_794 = arith.addi %mul3A_792, %add3A_793 : i32
      %mul3A_795 = arith.constant 16 : i32
      %mul3A_796 = arith.muli %add3A_794, %mul3A_795 : i32
      %get3A_797 = arith.constant 0 : i32
      %get3A_798 = arith.constant 2 : i32
      %get3A_799 = arith.index_cast %get3A_797 : i32 to index
      %get3A_800 = arith.index_cast %get3A_798 : i32 to index
      %get3A_801 = arith.index_cast %mul3A_796 : i32 to index
      %get3A_802 = tpu.vector_load %arg5[%get3A_799, %get3A_800, %get3A_801] {strides = array<i32>} : memref<2x4x8192xf32, #tpu.memory_space<vmem>>, vector<1x1x16xf32>,
      %get3A_803 = vector.shape_cast %get3A_802 : vector<1x1x16xf32> to vector<16xf32>
      %min3A_804 = arith.minimumf %min3A_746, %get3A_803 : vector<16xf32>
      %mul3A_805 = arith.constant 4 : i32
      %mul3A_806 = arith.muli %scan3A_776, %mul3A_805 : i32
      %add3A_807 = arith.constant 2 : i32
      %add3A_808 = arith.addi %mul3A_806, %add3A_807 : i32
      %mul3A_809 = arith.constant 16 : i32
      %mul3A_810 = arith.muli %add3A_808, %mul3A_809 : i32
      %get3A_811 = arith.constant 0 : i32
      %get3A_812 = arith.constant 2 : i32
      %get3A_813 = arith.index_cast %get3A_811 : i32 to index
      %get3A_814 = arith.index_cast %get3A_812 : i32 to index
      %get3A_815 = arith.index_cast %mul3A_810 : i32 to index
      %get3A_816 = tpu.vector_load %arg5[%get3A_813, %get3A_814, %get3A_815] {strides = array<i32>} : memref<2x4x8192xf32, #tpu.memory_space<vmem>>, vector<1x1x16xf32>,
      %get3A_817 = vector.shape_cast %get3A_816 : vector<1x1x16xf32> to vector<16xf32>
      %min3A_818 = arith.minimumf %min3A_760, %get3A_817 : vector<16xf32>
      %mul3A_819 = arith.constant 4 : i32
      %mul3A_820 = arith.muli %scan3A_776, %mul3A_819 : i32
      %add3A_821 = arith.constant 3 : i32
      %add3A_822 = arith.addi %mul3A_820, %add3A_821 : i32
      %mul3A_823 = arith.constant 16 : i32
      %mul3A_824 = arith.muli %add3A_822, %mul3A_823 : i32
      %get3A_825 = arith.constant 0 : i32
      %get3A_826 = arith.constant 2 : i32
      %get3A_827 = arith.index_cast %get3A_825 : i32 to index
      %get3A_828 = arith.index_cast %get3A_826 : i32 to index
      %get3A_829 = arith.index_cast %mul3A_824 : i32 to index
      %get3A_830 = tpu.vector_load %arg5[%get3A_827, %get3A_828, %get3A_829] {strides = array<i32>} : memref<2x4x8192xf32, #tpu.memory_space<vmem>>, vector<1x1x16xf32>,
      %get3A_831 = vector.shape_cast %get3A_830 : vector<1x1x16xf32> to vector<16xf32>
      %min3A_832 = arith.minimumf %min3A_774, %get3A_831 : vector<16xf32>
      %scan3A_833 = arith.constant 2 : i32
      %scan3A_834 = arith.addi %scan3A_715, %scan3A_833 : i32
      %mul3A_835 = arith.constant 4 : i32
      %mul3A_836 = arith.muli %scan3A_834, %mul3A_835 : i32
      %add3A_837 = arith.constant 0 : i32
      %add3A_838 = arith.addi %mul3A_836, %add3A_837 : i32
      %mul3A_839 = arith.constant 16 : i32
      %mul3A_840 = arith.muli %add3A_838, %mul3A_839 : i32
      %get3A_841 = arith.constant 0 : i32
      %get3A_842 = arith.constant 2 : i32
      %get3A_843 = arith.index_cast %get3A_841 : i32 to index
      %get3A_844 = arith.index_cast %get3A_842 : i32 to index
      %get3A_845 = arith.index_cast %mul3A_840 : i32 to index
      %get3A_846 = tpu.vector_load %arg5[%get3A_843, %get3A_844, %get3A_845] {strides = array<i32>} : memref<2x4x8192xf32, #tpu.memory_space<vmem>>, vector<1x1x16xf32>,
      %get3A_847 = vector.shape_cast %get3A_846 : vector<1x1x16xf32> to vector<16xf32>
      %min3A_848 = arith.minimumf %min3A_790, %get3A_847 : vector<16xf32>
      %mul3A_849 = arith.constant 4 : i32
      %mul3A_850 = arith.muli %scan3A_834, %mul3A_849 : i32
      %add3A_851 = arith.constant 1 : i32
      %add3A_852 = arith.addi %mul3A_850, %add3A_851 : i32
      %mul3A_853 = arith.constant 16 : i32
      %mul3A_854 = arith.muli %add3A_852, %mul3A_853 : i32
      %get3A_855 = arith.constant 0 : i32
      %get3A_856 = arith.constant 2 : i32
      %get3A_857 = arith.index_cast %get3A_855 : i32 to index
      %get3A_858 = arith.index_cast %get3A_856 : i32 to index
      %get3A_859 = arith.index_cast %mul3A_854 : i32 to index
      %get3A_860 = tpu.vector_load %arg5[%get3A_857, %get3A_858, %get3A_859] {strides = array<i32>} : memref<2x4x8192xf32, #tpu.memory_space<vmem>>, vector<1x1x16xf32>,
      %get3A_861 = vector.shape_cast %get3A_860 : vector<1x1x16xf32> to vector<16xf32>
      %min3A_862 = arith.minimumf %min3A_804, %get3A_861 : vector<16xf32>
      %mul3A_863 = arith.constant 4 : i32
      %mul3A_864 = arith.muli %scan3A_834, %mul3A_863 : i32
      %add3A_865 = arith.constant 2 : i32
      %add3A_866 = arith.addi %mul3A_864, %add3A_865 : i32
      %mul3A_867 = arith.constant 16 : i32
      %mul3A_868 = arith.muli %add3A_866, %mul3A_867 : i32
      %get3A_869 = arith.constant 0 : i32
      %get3A_870 = arith.constant 2 : i32
      %get3A_871 = arith.index_cast %get3A_869 : i32 to index
      %get3A_872 = arith.index_cast %get3A_870 : i32 to index
      %get3A_873 = arith.index_cast %mul3A_868 : i32 to index
      %get3A_874 = tpu.vector_load %arg5[%get3A_871, %get3A_872, %get3A_873] {strides = array<i32>} : memref<2x4x8192xf32, #tpu.memory_space<vmem>>, vector<1x1x16xf32>,
      %get3A_875 = vector.shape_cast %get3A_874 : vector<1x1x16xf32> to vector<16xf32>
      %min3A_876 = arith.minimumf %min3A_818, %get3A_875 : vector<16xf32>
      %mul3A_877 = arith.constant 4 : i32
      %mul3A_878 = arith.muli %scan3A_834, %mul3A_877 : i32
      %add3A_879 = arith.constant 3 : i32
      %add3A_880 = arith.addi %mul3A_878, %add3A_879 : i32
      %mul3A_881 = arith.constant 16 : i32
      %mul3A_882 = arith.muli %add3A_880, %mul3A_881 : i32
      %get3A_883 = arith.constant 0 : i32
      %get3A_884 = arith.constant 2 : i32
      %get3A_885 = arith.index_cast %get3A_883 : i32 to index
      %get3A_886 = arith.index_cast %get3A_884 : i32 to index
      %get3A_887 = arith.index_cast %mul3A_882 : i32 to index
      %get3A_888 = tpu.vector_load %arg5[%get3A_885, %get3A_886, %get3A_887] {strides = array<i32>} : memref<2x4x8192xf32, #tpu.memory_space<vmem>>, vector<1x1x16xf32>,
      %get3A_889 = vector.shape_cast %get3A_888 : vector<1x1x16xf32> to vector<16xf32>
      %min3A_890 = arith.minimumf %min3A_832, %get3A_889 : vector<16xf32>
      %scan3A_891 = arith.constant 3 : i32
      %scan3A_892 = arith.addi %scan3A_715, %scan3A_891 : i32
      %mul3A_893 = arith.constant 4 : i32
      %mul3A_894 = arith.muli %scan3A_892, %mul3A_893 : i32
      %add3A_895 = arith.constant 0 : i32
      %add3A_896 = arith.addi %mul3A_894, %add3A_895 : i32
      %mul3A_897 = arith.constant 16 : i32
      %mul3A_898 = arith.muli %add3A_896, %mul3A_897 : i32
      %get3A_899 = arith.constant 0 : i32
      %get3A_900 = arith.constant 2 : i32
      %get3A_901 = arith.index_cast %get3A_899 : i32 to index
      %get3A_902 = arith.index_cast %get3A_900 : i32 to index
      %get3A_903 = arith.index_cast %mul3A_898 : i32 to index
      %get3A_904 = tpu.vector_load %arg5[%get3A_901, %get3A_902, %get3A_903] {strides = array<i32>} : memref<2x4x8192xf32, #tpu.memory_space<vmem>>, vector<1x1x16xf32>,
      %get3A_905 = vector.shape_cast %get3A_904 : vector<1x1x16xf32> to vector<16xf32>
      %min3A_906 = arith.minimumf %min3A_848, %get3A_905 : vector<16xf32>
      %mul3A_907 = arith.constant 4 : i32
      %mul3A_908 = arith.muli %scan3A_892, %mul3A_907 : i32
      %add3A_909 = arith.constant 1 : i32
      %add3A_910 = arith.addi %mul3A_908, %add3A_909 : i32
      %mul3A_911 = arith.constant 16 : i32
      %mul3A_912 = arith.muli %add3A_910, %mul3A_911 : i32
      %get3A_913 = arith.constant 0 : i32
      %get3A_914 = arith.constant 2 : i32
      %get3A_915 = arith.index_cast %get3A_913 : i32 to index
      %get3A_916 = arith.index_cast %get3A_914 : i32 to index
      %get3A_917 = arith.index_cast %mul3A_912 : i32 to index
      %get3A_918 = tpu.vector_load %arg5[%get3A_915, %get3A_916, %get3A_917] {strides = array<i32>} : memref<2x4x8192xf32, #tpu.memory_space<vmem>>, vector<1x1x16xf32>,
      %get3A_919 = vector.shape_cast %get3A_918 : vector<1x1x16xf32> to vector<16xf32>
      %min3A_920 = arith.minimumf %min3A_862, %get3A_919 : vector<16xf32>
      %mul3A_921 = arith.constant 4 : i32
      %mul3A_922 = arith.muli %scan3A_892, %mul3A_921 : i32
      %add3A_923 = arith.constant 2 : i32
      %add3A_924 = arith.addi %mul3A_922, %add3A_923 : i32
      %mul3A_925 = arith.constant 16 : i32
      %mul3A_926 = arith.muli %add3A_924, %mul3A_925 : i32
      %get3A_927 = arith.constant 0 : i32
      %get3A_928 = arith.constant 2 : i32
      %get3A_929 = arith.index_cast %get3A_927 : i32 to index
      %get3A_930 = arith.index_cast %get3A_928 : i32 to index
      %get3A_931 = arith.index_cast %mul3A_926 : i32 to index
      %get3A_932 = tpu.vector_load %arg5[%get3A_929, %get3A_930, %get3A_931] {strides = array<i32>} : memref<2x4x8192xf32, #tpu.memory_space<vmem>>, vector<1x1x16xf32>,
      %get3A_933 = vector.shape_cast %get3A_932 : vector<1x1x16xf32> to vector<16xf32>
      %min3A_934 = arith.minimumf %min3A_876, %get3A_933 : vector<16xf32>
      %mul3A_935 = arith.constant 4 : i32
      %mul3A_936 = arith.muli %scan3A_892, %mul3A_935 : i32
      %add3A_937 = arith.constant 3 : i32
      %add3A_938 = arith.addi %mul3A_936, %add3A_937 : i32
      %mul3A_939 = arith.constant 16 : i32
      %mul3A_940 = arith.muli %add3A_938, %mul3A_939 : i32
      %get3A_941 = arith.constant 0 : i32
      %get3A_942 = arith.constant 2 : i32
      %get3A_943 = arith.index_cast %get3A_941 : i32 to index
      %get3A_944 = arith.index_cast %get3A_942 : i32 to index
      %get3A_945 = arith.index_cast %mul3A_940 : i32 to index
      %get3A_946 = tpu.vector_load %arg5[%get3A_943, %get3A_944, %get3A_945] {strides = array<i32>} : memref<2x4x8192xf32, #tpu.memory_space<vmem>>, vector<1x1x16xf32>,
      %get3A_947 = vector.shape_cast %get3A_946 : vector<1x1x16xf32> to vector<16xf32>
      %min3A_948 = arith.minimumf %min3A_890, %get3A_947 : vector<16xf32>
      %scan3A_949 = arith.constant 4 : i32
      %scan3A_950 = arith.addi %scan3A_715, %scan3A_949 : i32
      %mul3A_951 = arith.constant 4 : i32
      %mul3A_952 = arith.muli %scan3A_950, %mul3A_951 : i32
      %add3A_953 = arith.constant 0 : i32
      %add3A_954 = arith.addi %mul3A_952, %add3A_953 : i32
      %mul3A_955 = arith.constant 16 : i32
      %mul3A_956 = arith.muli %add3A_954, %mul3A_955 : i32
      %get3A_957 = arith.constant 0 : i32
      %get3A_958 = arith.constant 2 : i32
      %get3A_959 = arith.index_cast %get3A_957 : i32 to index
      %get3A_960 = arith.index_cast %get3A_958 : i32 to index
      %get3A_961 = arith.index_cast %mul3A_956 : i32 to index
      %get3A_962 = tpu.vector_load %arg5[%get3A_959, %get3A_960, %get3A_961] {strides = array<i32>} : memref<2x4x8192xf32, #tpu.memory_space<vmem>>, vector<1x1x16xf32>,
      %get3A_963 = vector.shape_cast %get3A_962 : vector<1x1x16xf32> to vector<16xf32>
      %min3A_964 = arith.minimumf %min3A_906, %get3A_963 : vector<16xf32>
      %mul3A_965 = arith.constant 4 : i32
      %mul3A_966 = arith.muli %scan3A_950, %mul3A_965 : i32
      %add3A_967 = arith.constant 1 : i32
      %add3A_968 = arith.addi %mul3A_966, %add3A_967 : i32
      %mul3A_969 = arith.constant 16 : i32
      %mul3A_970 = arith.muli %add3A_968, %mul3A_969 : i32
      %get3A_971 = arith.constant 0 : i32
      %get3A_972 = arith.constant 2 : i32
      %get3A_973 = arith.index_cast %get3A_971 : i32 to index
      %get3A_974 = arith.index_cast %get3A_972 : i32 to index
      %get3A_975 = arith.index_cast %mul3A_970 : i32 to index
      %get3A_976 = tpu.vector_load %arg5[%get3A_973, %get3A_974, %get3A_975] {strides = array<i32>} : memref<2x4x8192xf32, #tpu.memory_space<vmem>>, vector<1x1x16xf32>,
      %get3A_977 = vector.shape_cast %get3A_976 : vector<1x1x16xf32> to vector<16xf32>
      %min3A_978 = arith.minimumf %min3A_920, %get3A_977 : vector<16xf32>
      %mul3A_979 = arith.constant 4 : i32
      %mul3A_980 = arith.muli %scan3A_950, %mul3A_979 : i32
      %add3A_981 = arith.constant 2 : i32
      %add3A_982 = arith.addi %mul3A_980, %add3A_981 : i32
      %mul3A_983 = arith.constant 16 : i32
      %mul3A_984 = arith.muli %add3A_982, %mul3A_983 : i32
      %get3A_985 = arith.constant 0 : i32
      %get3A_986 = arith.constant 2 : i32
      %get3A_987 = arith.index_cast %get3A_985 : i32 to index
      %get3A_988 = arith.index_cast %get3A_986 : i32 to index
      %get3A_989 = arith.index_cast %mul3A_984 : i32 to index
      %get3A_990 = tpu.vector_load %arg5[%get3A_987, %get3A_988, %get3A_989] {strides = array<i32>} : memref<2x4x8192xf32, #tpu.memory_space<vmem>>, vector<1x1x16xf32>,
      %get3A_991 = vector.shape_cast %get3A_990 : vector<1x1x16xf32> to vector<16xf32>
      %min3A_992 = arith.minimumf %min3A_934, %get3A_991 : vector<16xf32>
      %mul3A_993 = arith.constant 4 : i32
      %mul3A_994 = arith.muli %scan3A_950, %mul3A_993 : i32
      %add3A_995 = arith.constant 3 : i32
      %add3A_996 = arith.addi %mul3A_994, %add3A_995 : i32
      %mul3A_997 = arith.constant 16 : i32
      %mul3A_998 = arith.muli %add3A_996, %mul3A_997 : i32
      %get3A_999 = arith.constant 0 : i32
      %get3A_1000 = arith.constant 2 : i32
      %get3A_1001 = arith.index_cast %get3A_999 : i32 to index
      %get3A_1002 = arith.index_cast %get3A_1000 : i32 to index
      %get3A_1003 = arith.index_cast %mul3A_998 : i32 to index
      %get3A_1004 = tpu.vector_load %arg5[%get3A_1001, %get3A_1002, %get3A_1003] {strides = array<i32>} : memref<2x4x8192xf32, #tpu.memory_space<vmem>>, vector<1x1x16xf32>,
      %get3A_1005 = vector.shape_cast %get3A_1004 : vector<1x1x16xf32> to vector<16xf32>
      %min3A_1006 = arith.minimumf %min3A_948, %get3A_1005 : vector<16xf32>
      %scan3A_1007 = arith.constant 5 : i32
      %scan3A_1008 = arith.addi %scan3A_715, %scan3A_1007 : i32
      %mul3A_1009 = arith.constant 4 : i32
      %mul3A_1010 = arith.muli %scan3A_1008, %mul3A_1009 : i32
      %add3A_1011 = arith.constant 0 : i32
      %add3A_1012 = arith.addi %mul3A_1010, %add3A_1011 : i32
      %mul3A_1013 = arith.constant 16 : i32
      %mul3A_1014 = arith.muli %add3A_1012, %mul3A_1013 : i32
      %get3A_1015 = arith.constant 0 : i32
      %get3A_1016 = arith.constant 2 : i32
      %get3A_1017 = arith.index_cast %get3A_1015 : i32 to index
      %get3A_1018 = arith.index_cast %get3A_1016 : i32 to index
      %get3A_1019 = arith.index_cast %mul3A_1014 : i32 to index
      %get3A_1020 = tpu.vector_load %arg5[%get3A_1017, %get3A_1018, %get3A_1019] {strides = array<i32>} : memref<2x4x8192xf32, #tpu.memory_space<vmem>>, vector<1x1x16xf32>,
      %get3A_1021 = vector.shape_cast %get3A_1020 : vector<1x1x16xf32> to vector<16xf32>
      %min3A_1022 = arith.minimumf %min3A_964, %get3A_1021 : vector<16xf32>
      %mul3A_1023 = arith.constant 4 : i32
      %mul3A_1024 = arith.muli %scan3A_1008, %mul3A_1023 : i32
      %add3A_1025 = arith.constant 1 : i32
      %add3A_1026 = arith.addi %mul3A_1024, %add3A_1025 : i32
      %mul3A_1027 = arith.constant 16 : i32
      %mul3A_1028 = arith.muli %add3A_1026, %mul3A_1027 : i32
      %get3A_1029 = arith.constant 0 : i32
      %get3A_1030 = arith.constant 2 : i32
      %get3A_1031 = arith.index_cast %get3A_1029 : i32 to index
      %get3A_1032 = arith.index_cast %get3A_1030 : i32 to index
      %get3A_1033 = arith.index_cast %mul3A_1028 : i32 to index
      %get3A_1034 = tpu.vector_load %arg5[%get3A_1031, %get3A_1032, %get3A_1033] {strides = array<i32>} : memref<2x4x8192xf32, #tpu.memory_space<vmem>>, vector<1x1x16xf32>,
      %get3A_1035 = vector.shape_cast %get3A_1034 : vector<1x1x16xf32> to vector<16xf32>
      %min3A_1036 = arith.minimumf %min3A_978, %get3A_1035 : vector<16xf32>
      %mul3A_1037 = arith.constant 4 : i32
      %mul3A_1038 = arith.muli %scan3A_1008, %mul3A_1037 : i32
      %add3A_1039 = arith.constant 2 : i32
      %add3A_1040 = arith.addi %mul3A_1038, %add3A_1039 : i32
      %mul3A_1041 = arith.constant 16 : i32
      %mul3A_1042 = arith.muli %add3A_1040, %mul3A_1041 : i32
      %get3A_1043 = arith.constant 0 : i32
      %get3A_1044 = arith.constant 2 : i32
      %get3A_1045 = arith.index_cast %get3A_1043 : i32 to index
      %get3A_1046 = arith.index_cast %get3A_1044 : i32 to index
      %get3A_1047 = arith.index_cast %mul3A_1042 : i32 to index
      %get3A_1048 = tpu.vector_load %arg5[%get3A_1045, %get3A_1046, %get3A_1047] {strides = array<i32>} : memref<2x4x8192xf32, #tpu.memory_space<vmem>>, vector<1x1x16xf32>,
      %get3A_1049 = vector.shape_cast %get3A_1048 : vector<1x1x16xf32> to vector<16xf32>
      %min3A_1050 = arith.minimumf %min3A_992, %get3A_1049 : vector<16xf32>
      %mul3A_1051 = arith.constant 4 : i32
      %mul3A_1052 = arith.muli %scan3A_1008, %mul3A_1051 : i32
      %add3A_1053 = arith.constant 3 : i32
      %add3A_1054 = arith.addi %mul3A_1052, %add3A_1053 : i32
      %mul3A_1055 = arith.constant 16 : i32
      %mul3A_1056 = arith.muli %add3A_1054, %mul3A_1055 : i32
      %get3A_1057 = arith.constant 0 : i32
      %get3A_1058 = arith.constant 2 : i32
      %get3A_1059 = arith.index_cast %get3A_1057 : i32 to index
      %get3A_1060 = arith.index_cast %get3A_1058 : i32 to index
      %get3A_1061 = arith.index_cast %mul3A_1056 : i32 to index
      %get3A_1062 = tpu.vector_load %arg5[%get3A_1059, %get3A_1060, %get3A_1061] {strides = array<i32>} : memref<2x4x8192xf32, #tpu.memory_space<vmem>>, vector<1x1x16xf32>,
      %get3A_1063 = vector.shape_cast %get3A_1062 : vector<1x1x16xf32> to vector<16xf32>
      %min3A_1064 = arith.minimumf %min3A_1006, %get3A_1063 : vector<16xf32>
      %scan3A_1065 = arith.constant 6 : i32
      %scan3A_1066 = arith.addi %scan3A_715, %scan3A_1065 : i32
      %mul3A_1067 = arith.constant 4 : i32
      %mul3A_1068 = arith.muli %scan3A_1066, %mul3A_1067 : i32
      %add3A_1069 = arith.constant 0 : i32
      %add3A_1070 = arith.addi %mul3A_1068, %add3A_1069 : i32
      %mul3A_1071 = arith.constant 16 : i32
      %mul3A_1072 = arith.muli %add3A_1070, %mul3A_1071 : i32
      %get3A_1073 = arith.constant 0 : i32
      %get3A_1074 = arith.constant 2 : i32
      %get3A_1075 = arith.index_cast %get3A_1073 : i32 to index
      %get3A_1076 = arith.index_cast %get3A_1074 : i32 to index
      %get3A_1077 = arith.index_cast %mul3A_1072 : i32 to index
      %get3A_1078 = tpu.vector_load %arg5[%get3A_1075, %get3A_1076, %get3A_1077] {strides = array<i32>} : memref<2x4x8192xf32, #tpu.memory_space<vmem>>, vector<1x1x16xf32>,
      %get3A_1079 = vector.shape_cast %get3A_1078 : vector<1x1x16xf32> to vector<16xf32>
      %min3A_1080 = arith.minimumf %min3A_1022, %get3A_1079 : vector<16xf32>
      %mul3A_1081 = arith.constant 4 : i32
      %mul3A_1082 = arith.muli %scan3A_1066, %mul3A_1081 : i32
      %add3A_1083 = arith.constant 1 : i32
      %add3A_1084 = arith.addi %mul3A_1082, %add3A_1083 : i32
      %mul3A_1085 = arith.constant 16 : i32
      %mul3A_1086 = arith.muli %add3A_1084, %mul3A_1085 : i32
      %get3A_1087 = arith.constant 0 : i32
      %get3A_1088 = arith.constant 2 : i32
      %get3A_1089 = arith.index_cast %get3A_1087 : i32 to index
      %get3A_1090 = arith.index_cast %get3A_1088 : i32 to index
      %get3A_1091 = arith.index_cast %mul3A_1086 : i32 to index
      %get3A_1092 = tpu.vector_load %arg5[%get3A_1089, %get3A_1090, %get3A_1091] {strides = array<i32>} : memref<2x4x8192xf32, #tpu.memory_space<vmem>>, vector<1x1x16xf32>,
      %get3A_1093 = vector.shape_cast %get3A_1092 : vector<1x1x16xf32> to vector<16xf32>
      %min3A_1094 = arith.minimumf %min3A_1036, %get3A_1093 : vector<16xf32>
      %mul3A_1095 = arith.constant 4 : i32
      %mul3A_1096 = arith.muli %scan3A_1066, %mul3A_1095 : i32
      %add3A_1097 = arith.constant 2 : i32
      %add3A_1098 = arith.addi %mul3A_1096, %add3A_1097 : i32
      %mul3A_1099 = arith.constant 16 : i32
      %mul3A_1100 = arith.muli %add3A_1098, %mul3A_1099 : i32
      %get3A_1101 = arith.constant 0 : i32
      %get3A_1102 = arith.constant 2 : i32
      %get3A_1103 = arith.index_cast %get3A_1101 : i32 to index
      %get3A_1104 = arith.index_cast %get3A_1102 : i32 to index
      %get3A_1105 = arith.index_cast %mul3A_1100 : i32 to index
      %get3A_1106 = tpu.vector_load %arg5[%get3A_1103, %get3A_1104, %get3A_1105] {strides = array<i32>} : memref<2x4x8192xf32, #tpu.memory_space<vmem>>, vector<1x1x16xf32>,
      %get3A_1107 = vector.shape_cast %get3A_1106 : vector<1x1x16xf32> to vector<16xf32>
      %min3A_1108 = arith.minimumf %min3A_1050, %get3A_1107 : vector<16xf32>
      %mul3A_1109 = arith.constant 4 : i32
      %mul3A_1110 = arith.muli %scan3A_1066, %mul3A_1109 : i32
      %add3A_1111 = arith.constant 3 : i32
      %add3A_1112 = arith.addi %mul3A_1110, %add3A_1111 : i32
      %mul3A_1113 = arith.constant 16 : i32
      %mul3A_1114 = arith.muli %add3A_1112, %mul3A_1113 : i32
      %get3A_1115 = arith.constant 0 : i32
      %get3A_1116 = arith.constant 2 : i32
      %get3A_1117 = arith.index_cast %get3A_1115 : i32 to index
      %get3A_1118 = arith.index_cast %get3A_1116 : i32 to index
      %get3A_1119 = arith.index_cast %mul3A_1114 : i32 to index
      %get3A_1120 = tpu.vector_load %arg5[%get3A_1117, %get3A_1118, %get3A_1119] {strides = array<i32>} : memref<2x4x8192xf32, #tpu.memory_space<vmem>>, vector<1x1x16xf32>,
      %get3A_1121 = vector.shape_cast %get3A_1120 : vector<1x1x16xf32> to vector<16xf32>
      %min3A_1122 = arith.minimumf %min3A_1064, %get3A_1121 : vector<16xf32>
      %scan3A_1123 = arith.constant 7 : i32
      %scan3A_1124 = arith.addi %scan3A_715, %scan3A_1123 : i32
      %mul3A_1125 = arith.constant 4 : i32
      %mul3A_1126 = arith.muli %scan3A_1124, %mul3A_1125 : i32
      %add3A_1127 = arith.constant 0 : i32
      %add3A_1128 = arith.addi %mul3A_1126, %add3A_1127 : i32
      %mul3A_1129 = arith.constant 16 : i32
      %mul3A_1130 = arith.muli %add3A_1128, %mul3A_1129 : i32
      %get3A_1131 = arith.constant 0 : i32
      %get3A_1132 = arith.constant 2 : i32
      %get3A_1133 = arith.index_cast %get3A_1131 : i32 to index
      %get3A_1134 = arith.index_cast %get3A_1132 : i32 to index
      %get3A_1135 = arith.index_cast %mul3A_1130 : i32 to index
      %get3A_1136 = tpu.vector_load %arg5[%get3A_1133, %get3A_1134, %get3A_1135] {strides = array<i32>} : memref<2x4x8192xf32, #tpu.memory_space<vmem>>, vector<1x1x16xf32>,
      %get3A_1137 = vector.shape_cast %get3A_1136 : vector<1x1x16xf32> to vector<16xf32>
      %min3A_1138 = arith.minimumf %min3A_1080, %get3A_1137 : vector<16xf32>
      %mul3A_1139 = arith.constant 4 : i32
      %mul3A_1140 = arith.muli %scan3A_1124, %mul3A_1139 : i32
      %add3A_1141 = arith.constant 1 : i32
      %add3A_1142 = arith.addi %mul3A_1140, %add3A_1141 : i32
      %mul3A_1143 = arith.constant 16 : i32
      %mul3A_1144 = arith.muli %add3A_1142, %mul3A_1143 : i32
      %get3A_1145 = arith.constant 0 : i32
      %get3A_1146 = arith.constant 2 : i32
      %get3A_1147 = arith.index_cast %get3A_1145 : i32 to index
      %get3A_1148 = arith.index_cast %get3A_1146 : i32 to index
      %get3A_1149 = arith.index_cast %mul3A_1144 : i32 to index
      %get3A_1150 = tpu.vector_load %arg5[%get3A_1147, %get3A_1148, %get3A_1149] {strides = array<i32>} : memref<2x4x8192xf32, #tpu.memory_space<vmem>>, vector<1x1x16xf32>,
      %get3A_1151 = vector.shape_cast %get3A_1150 : vector<1x1x16xf32> to vector<16xf32>
      %min3A_1152 = arith.minimumf %min3A_1094, %get3A_1151 : vector<16xf32>
      %mul3A_1153 = arith.constant 4 : i32
      %mul3A_1154 = arith.muli %scan3A_1124, %mul3A_1153 : i32
      %add3A_1155 = arith.constant 2 : i32
      %add3A_1156 = arith.addi %mul3A_1154, %add3A_1155 : i32
      %mul3A_1157 = arith.constant 16 : i32
      %mul3A_1158 = arith.muli %add3A_1156, %mul3A_1157 : i32
      %get3A_1159 = arith.constant 0 : i32
      %get3A_1160 = arith.constant 2 : i32
      %get3A_1161 = arith.index_cast %get3A_1159 : i32 to index
      %get3A_1162 = arith.index_cast %get3A_1160 : i32 to index
      %get3A_1163 = arith.index_cast %mul3A_1158 : i32 to index
      %get3A_1164 = tpu.vector_load %arg5[%get3A_1161, %get3A_1162, %get3A_1163] {strides = array<i32>} : memref<2x4x8192xf32, #tpu.memory_space<vmem>>, vector<1x1x16xf32>,
      %get3A_1165 = vector.shape_cast %get3A_1164 : vector<1x1x16xf32> to vector<16xf32>
      %min3A_1166 = arith.minimumf %min3A_1108, %get3A_1165 : vector<16xf32>
      %mul3A_1167 = arith.constant 4 : i32
      %mul3A_1168 = arith.muli %scan3A_1124, %mul3A_1167 : i32
      %add3A_1169 = arith.constant 3 : i32
      %add3A_1170 = arith.addi %mul3A_1168, %add3A_1169 : i32
      %mul3A_1171 = arith.constant 16 : i32
      %mul3A_1172 = arith.muli %add3A_1170, %mul3A_1171 : i32
      %get3A_1173 = arith.constant 0 : i32
      %get3A_1174 = arith.constant 2 : i32
      %get3A_1175 = arith.index_cast %get3A_1173 : i32 to index
      %get3A_1176 = arith.index_cast %get3A_1174 : i32 to index
      %get3A_1177 = arith.index_cast %mul3A_1172 : i32 to index
      %get3A_1178 = tpu.vector_load %arg5[%get3A_1175, %get3A_1176, %get3A_1177] {strides = array<i32>} : memref<2x4x8192xf32, #tpu.memory_space<vmem>>, vector<1x1x16xf32>,
      %get3A_1179 = vector.shape_cast %get3A_1178 : vector<1x1x16xf32> to vector<16xf32>
      %min3A_1180 = arith.minimumf %min3A_1122, %get3A_1179 : vector<16xf32>
      scf.yield %min3A_1138, %min3A_1152, %min3A_1166, %min3A_1180 : vector<16xf32>, vector<16xf32>, vector<16xf32>, vector<16xf32>
    }
    %scan3A_215 = arith.constant 128 : i32
    %min3A_216 = arith.minimumf %scan3A_214#0, %scan3A_214#1 : vector<16xf32>
    %min3A_217 = arith.minimumf %scan3A_214#2, %scan3A_214#3 : vector<16xf32>
    %min3A_218 = arith.minimumf %min3A_216, %min3A_217 : vector<16xf32>
    %iota3A_219 = tpu.iota {dimensions = array<i32: 0>} : vector<16xi32>
    %xor3A_220 = arith.constant 8 : i32
    %xor3A_221 = vector.broadcast %xor3A_220 : i32 to vector<16xi32>
    %xor3A_222 = arith.xori %iota3A_219, %xor3A_221 : vector<16xi32>
    %lt3A_223 = arith.constant 0 : i32
    %lt3A_224 = vector.broadcast %lt3A_223 : i32 to vector<16xi32>
    %lt3A_225 = arith.cmpi slt, %xor3A_222, %lt3A_224 : vector<16xi32>
    %add3A_226 = arith.constant 16 : i32
    %add3A_227 = vector.broadcast %add3A_226 : i32 to vector<16xi32>
    %add3A_228 = arith.addi %xor3A_222, %add3A_227 : vector<16xi32>
    %select_n3A_229 = arith.select %lt3A_225, %add3A_228, %xor3A_222 : vector<16xi1>, vector<16xi32>
    %reshape3A_230 = vector.shape_cast %select_n3A_229 : vector<16xi32> to vector<16x1xi32>
    %gather3A_231 = vector.shape_cast %reshape3A_230 : vector<16x1xi32> to vector<16xi32>
    %gather3A_232 = tpu.dynamic_gather %min3A_218[%gather3A_231] in [0] : vector<16xf32>, vector<16xi32> -> vector<16xf32>
    %min3A_233 = arith.minimumf %min3A_218, %gather3A_232 : vector<16xf32>
    %iota3A_234 = tpu.iota {dimensions = array<i32: 0>} : vector<16xi32>
    %xor3A_235 = arith.constant 4 : i32
    %xor3A_236 = vector.broadcast %xor3A_235 : i32 to vector<16xi32>
    %xor3A_237 = arith.xori %iota3A_234, %xor3A_236 : vector<16xi32>
    %lt3A_238 = arith.constant 0 : i32
    %lt3A_239 = vector.broadcast %lt3A_238 : i32 to vector<16xi32>
    %lt3A_240 = arith.cmpi slt, %xor3A_237, %lt3A_239 : vector<16xi32>
    %add3A_241 = arith.constant 16 : i32
    %add3A_242 = vector.broadcast %add3A_241 : i32 to vector<16xi32>
    %add3A_243 = arith.addi %xor3A_237, %add3A_242 : vector<16xi32>
    %select_n3A_244 = arith.select %lt3A_240, %add3A_243, %xor3A_237 : vector<16xi1>, vector<16xi32>
    %reshape3A_245 = vector.shape_cast %select_n3A_244 : vector<16xi32> to vector<16x1xi32>
    %gather3A_246 = vector.shape_cast %reshape3A_245 : vector<16x1xi32> to vector<16xi32>
    %gather3A_247 = tpu.dynamic_gather %min3A_233[%gather3A_246] in [0] : vector<16xf32>, vector<16xi32> -> vector<16xf32>
    %min3A_248 = arith.minimumf %min3A_233, %gather3A_247 : vector<16xf32>
    %iota3A_249 = tpu.iota {dimensions = array<i32: 0>} : vector<16xi32>
    %xor3A_250 = arith.constant 2 : i32
    %xor3A_251 = vector.broadcast %xor3A_250 : i32 to vector<16xi32>
    %xor3A_252 = arith.xori %iota3A_249, %xor3A_251 : vector<16xi32>
    %lt3A_253 = arith.constant 0 : i32
    %lt3A_254 = vector.broadcast %lt3A_253 : i32 to vector<16xi32>
    %lt3A_255 = arith.cmpi slt, %xor3A_252, %lt3A_254 : vector<16xi32>
    %add3A_256 = arith.constant 16 : i32
    %add3A_257 = vector.broadcast %add3A_256 : i32 to vector<16xi32>
    %add3A_258 = arith.addi %xor3A_252, %add3A_257 : vector<16xi32>
    %select_n3A_259 = arith.select %lt3A_255, %add3A_258, %xor3A_252 : vector<16xi1>, vector<16xi32>
    %reshape3A_260 = vector.shape_cast %select_n3A_259 : vector<16xi32> to vector<16x1xi32>
    %gather3A_261 = vector.shape_cast %reshape3A_260 : vector<16x1xi32> to vector<16xi32>
    %gather3A_262 = tpu.dynamic_gather %min3A_248[%gather3A_261] in [0] : vector<16xf32>, vector<16xi32> -> vector<16xf32>
    %min3A_263 = arith.minimumf %min3A_248, %gather3A_262 : vector<16xf32>
    %iota3A_264 = tpu.iota {dimensions = array<i32: 0>} : vector<16xi32>
    %xor3A_265 = arith.constant 1 : i32
    %xor3A_266 = vector.broadcast %xor3A_265 : i32 to vector<16xi32>
    %xor3A_267 = arith.xori %iota3A_264, %xor3A_266 : vector<16xi32>
    %lt3A_268 = arith.constant 0 : i32
    %lt3A_269 = vector.broadcast %lt3A_268 : i32 to vector<16xi32>
    %lt3A_270 = arith.cmpi slt, %xor3A_267, %lt3A_269 : vector<16xi32>
    %add3A_271 = arith.constant 16 : i32
    %add3A_272 = vector.broadcast %add3A_271 : i32 to vector<16xi32>
    %add3A_273 = arith.addi %xor3A_267, %add3A_272 : vector<16xi32>
    %select_n3A_274 = arith.select %lt3A_270, %add3A_273, %xor3A_267 : vector<16xi1>, vector<16xi32>
    %reshape3A_275 = vector.shape_cast %select_n3A_274 : vector<16xi32> to vector<16x1xi32>
    %gather3A_276 = vector.shape_cast %reshape3A_275 : vector<16x1xi32> to vector<16xi32>
    %gather3A_277 = tpu.dynamic_gather %min3A_263[%gather3A_276] in [0] : vector<16xf32>, vector<16xi32> -> vector<16xf32>
    %min3A_278 = arith.minimumf %min3A_263, %gather3A_277 : vector<16xf32>
    %swap3A_279 = arith.constant 2 : i32
    %swap3A_280 = arith.index_cast %swap3A_279 : i32 to index
    %swap3A_281 = arith.constant 0 : index
    %swap3A_282 = tpu.vector_load %arg6[%swap3A_280, %swap3A_281] {strides = array<i32>} : memref<8x16xf32, #tpu.memory_space<vmem>>, vector<1x16xf32>,
    %swap3A_283 = vector.shape_cast %swap3A_282 : vector<1x16xf32> to vector<16xf32>
    %swap3A_284 = vector.shape_cast %min3A_278 : vector<16xf32> to vector<1x16xf32>
    tpu.vector_store %arg6[%swap3A_280, %swap3A_281], %swap3A_284 {strides = array<i32>} : memref<8x16xf32, #tpu.memory_space<vmem>>, vector<1x16xf32>,
    %broadcast_in_dim3A_285 = arith.constant 0x7F800000 : f32
    %broadcast_in_dim3A_286 = vector.broadcast %broadcast_in_dim3A_285 : f32 to vector<16xf32>
    %broadcast_in_dim3A_287 = arith.constant 0x7F800000 : f32
    %broadcast_in_dim3A_288 = vector.broadcast %broadcast_in_dim3A_287 : f32 to vector<16xf32>
    %broadcast_in_dim3A_289 = arith.constant 0x7F800000 : f32
    %broadcast_in_dim3A_290 = vector.broadcast %broadcast_in_dim3A_289 : f32 to vector<16xf32>
    %broadcast_in_dim3A_291 = arith.constant 0x7F800000 : f32
    %broadcast_in_dim3A_292 = vector.broadcast %broadcast_in_dim3A_291 : f32 to vector<16xf32>
    %scan3A_293 = arith.constant 0 : i32
    %scan3A_294 = arith.constant 128 : i32
    %scan3A_295 = arith.addi %scan3A_293, %scan3A_294 : i32
    %scan3A_296 = arith.constant 8 : i32
    %scan3A_297:4 = scf.for %scan3A_715 = %scan3A_293 to %scan3A_295 step %scan3A_296 iter_args(%scan3A_716 = %broadcast_in_dim3A_286, %scan3A_717 = %broadcast_in_dim3A_288, %scan3A_718 = %broadcast_in_dim3A_290, %scan3A_719 = %broadcast_in_dim3A_292) -> (vector<16xf32>, vector<16xf32>, vector<16xf32>, vector<16xf32>)  : i32 {
      %mul3A_720 = arith.constant 4 : i32
      %mul3A_721 = arith.muli %scan3A_715, %mul3A_720 : i32
      %add3A_722 = arith.constant 0 : i32
      %add3A_723 = arith.addi %mul3A_721, %add3A_722 : i32
      %mul3A_724 = arith.constant 16 : i32
      %mul3A_725 = arith.muli %add3A_723, %mul3A_724 : i32
      %get3A = arith.constant 0 : i32
      %get3A_726 = arith.constant 3 : i32
      %get3A_727 = arith.index_cast %get3A : i32 to index
      %get3A_728 = arith.index_cast %get3A_726 : i32 to index
      %get3A_729 = arith.index_cast %mul3A_725 : i32 to index
      %get3A_730 = tpu.vector_load %arg5[%get3A_727, %get3A_728, %get3A_729] {strides = array<i32>} : memref<2x4x8192xf32, #tpu.memory_space<vmem>>, vector<1x1x16xf32>,
      %get3A_731 = vector.shape_cast %get3A_730 : vector<1x1x16xf32> to vector<16xf32>
      %min3A_732 = arith.minimumf %scan3A_716, %get3A_731 : vector<16xf32>
      %mul3A_733 = arith.constant 4 : i32
      %mul3A_734 = arith.muli %scan3A_715, %mul3A_733 : i32
      %add3A_735 = arith.constant 1 : i32
      %add3A_736 = arith.addi %mul3A_734, %add3A_735 : i32
      %mul3A_737 = arith.constant 16 : i32
      %mul3A_738 = arith.muli %add3A_736, %mul3A_737 : i32
      %get3A_739 = arith.constant 0 : i32
      %get3A_740 = arith.constant 3 : i32
      %get3A_741 = arith.index_cast %get3A_739 : i32 to index
      %get3A_742 = arith.index_cast %get3A_740 : i32 to index
      %get3A_743 = arith.index_cast %mul3A_738 : i32 to index
      %get3A_744 = tpu.vector_load %arg5[%get3A_741, %get3A_742, %get3A_743] {strides = array<i32>} : memref<2x4x8192xf32, #tpu.memory_space<vmem>>, vector<1x1x16xf32>,
      %get3A_745 = vector.shape_cast %get3A_744 : vector<1x1x16xf32> to vector<16xf32>
      %min3A_746 = arith.minimumf %scan3A_717, %get3A_745 : vector<16xf32>
      %mul3A_747 = arith.constant 4 : i32
      %mul3A_748 = arith.muli %scan3A_715, %mul3A_747 : i32
      %add3A_749 = arith.constant 2 : i32
      %add3A_750 = arith.addi %mul3A_748, %add3A_749 : i32
      %mul3A_751 = arith.constant 16 : i32
      %mul3A_752 = arith.muli %add3A_750, %mul3A_751 : i32
      %get3A_753 = arith.constant 0 : i32
      %get3A_754 = arith.constant 3 : i32
      %get3A_755 = arith.index_cast %get3A_753 : i32 to index
      %get3A_756 = arith.index_cast %get3A_754 : i32 to index
      %get3A_757 = arith.index_cast %mul3A_752 : i32 to index
      %get3A_758 = tpu.vector_load %arg5[%get3A_755, %get3A_756, %get3A_757] {strides = array<i32>} : memref<2x4x8192xf32, #tpu.memory_space<vmem>>, vector<1x1x16xf32>,
      %get3A_759 = vector.shape_cast %get3A_758 : vector<1x1x16xf32> to vector<16xf32>
      %min3A_760 = arith.minimumf %scan3A_718, %get3A_759 : vector<16xf32>
      %mul3A_761 = arith.constant 4 : i32
      %mul3A_762 = arith.muli %scan3A_715, %mul3A_761 : i32
      %add3A_763 = arith.constant 3 : i32
      %add3A_764 = arith.addi %mul3A_762, %add3A_763 : i32
      %mul3A_765 = arith.constant 16 : i32
      %mul3A_766 = arith.muli %add3A_764, %mul3A_765 : i32
      %get3A_767 = arith.constant 0 : i32
      %get3A_768 = arith.constant 3 : i32
      %get3A_769 = arith.index_cast %get3A_767 : i32 to index
      %get3A_770 = arith.index_cast %get3A_768 : i32 to index
      %get3A_771 = arith.index_cast %mul3A_766 : i32 to index
      %get3A_772 = tpu.vector_load %arg5[%get3A_769, %get3A_770, %get3A_771] {strides = array<i32>} : memref<2x4x8192xf32, #tpu.memory_space<vmem>>, vector<1x1x16xf32>,
      %get3A_773 = vector.shape_cast %get3A_772 : vector<1x1x16xf32> to vector<16xf32>
      %min3A_774 = arith.minimumf %scan3A_719, %get3A_773 : vector<16xf32>
      %scan3A_775 = arith.constant 1 : i32
      %scan3A_776 = arith.addi %scan3A_715, %scan3A_775 : i32
      %mul3A_777 = arith.constant 4 : i32
      %mul3A_778 = arith.muli %scan3A_776, %mul3A_777 : i32
      %add3A_779 = arith.constant 0 : i32
      %add3A_780 = arith.addi %mul3A_778, %add3A_779 : i32
      %mul3A_781 = arith.constant 16 : i32
      %mul3A_782 = arith.muli %add3A_780, %mul3A_781 : i32
      %get3A_783 = arith.constant 0 : i32
      %get3A_784 = arith.constant 3 : i32
      %get3A_785 = arith.index_cast %get3A_783 : i32 to index
      %get3A_786 = arith.index_cast %get3A_784 : i32 to index
      %get3A_787 = arith.index_cast %mul3A_782 : i32 to index
      %get3A_788 = tpu.vector_load %arg5[%get3A_785, %get3A_786, %get3A_787] {strides = array<i32>} : memref<2x4x8192xf32, #tpu.memory_space<vmem>>, vector<1x1x16xf32>,
      %get3A_789 = vector.shape_cast %get3A_788 : vector<1x1x16xf32> to vector<16xf32>
      %min3A_790 = arith.minimumf %min3A_732, %get3A_789 : vector<16xf32>
      %mul3A_791 = arith.constant 4 : i32
      %mul3A_792 = arith.muli %scan3A_776, %mul3A_791 : i32
      %add3A_793 = arith.constant 1 : i32
      %add3A_794 = arith.addi %mul3A_792, %add3A_793 : i32
      %mul3A_795 = arith.constant 16 : i32
      %mul3A_796 = arith.muli %add3A_794, %mul3A_795 : i32
      %get3A_797 = arith.constant 0 : i32
      %get3A_798 = arith.constant 3 : i32
      %get3A_799 = arith.index_cast %get3A_797 : i32 to index
      %get3A_800 = arith.index_cast %get3A_798 : i32 to index
      %get3A_801 = arith.index_cast %mul3A_796 : i32 to index
      %get3A_802 = tpu.vector_load %arg5[%get3A_799, %get3A_800, %get3A_801] {strides = array<i32>} : memref<2x4x8192xf32, #tpu.memory_space<vmem>>, vector<1x1x16xf32>,
      %get3A_803 = vector.shape_cast %get3A_802 : vector<1x1x16xf32> to vector<16xf32>
      %min3A_804 = arith.minimumf %min3A_746, %get3A_803 : vector<16xf32>
      %mul3A_805 = arith.constant 4 : i32
      %mul3A_806 = arith.muli %scan3A_776, %mul3A_805 : i32
      %add3A_807 = arith.constant 2 : i32
      %add3A_808 = arith.addi %mul3A_806, %add3A_807 : i32
      %mul3A_809 = arith.constant 16 : i32
      %mul3A_810 = arith.muli %add3A_808, %mul3A_809 : i32
      %get3A_811 = arith.constant 0 : i32
      %get3A_812 = arith.constant 3 : i32
      %get3A_813 = arith.index_cast %get3A_811 : i32 to index
      %get3A_814 = arith.index_cast %get3A_812 : i32 to index
      %get3A_815 = arith.index_cast %mul3A_810 : i32 to index
      %get3A_816 = tpu.vector_load %arg5[%get3A_813, %get3A_814, %get3A_815] {strides = array<i32>} : memref<2x4x8192xf32, #tpu.memory_space<vmem>>, vector<1x1x16xf32>,
      %get3A_817 = vector.shape_cast %get3A_816 : vector<1x1x16xf32> to vector<16xf32>
      %min3A_818 = arith.minimumf %min3A_760, %get3A_817 : vector<16xf32>
      %mul3A_819 = arith.constant 4 : i32
      %mul3A_820 = arith.muli %scan3A_776, %mul3A_819 : i32
      %add3A_821 = arith.constant 3 : i32
      %add3A_822 = arith.addi %mul3A_820, %add3A_821 : i32
      %mul3A_823 = arith.constant 16 : i32
      %mul3A_824 = arith.muli %add3A_822, %mul3A_823 : i32
      %get3A_825 = arith.constant 0 : i32
      %get3A_826 = arith.constant 3 : i32
      %get3A_827 = arith.index_cast %get3A_825 : i32 to index
      %get3A_828 = arith.index_cast %get3A_826 : i32 to index
      %get3A_829 = arith.index_cast %mul3A_824 : i32 to index
      %get3A_830 = tpu.vector_load %arg5[%get3A_827, %get3A_828, %get3A_829] {strides = array<i32>} : memref<2x4x8192xf32, #tpu.memory_space<vmem>>, vector<1x1x16xf32>,
      %get3A_831 = vector.shape_cast %get3A_830 : vector<1x1x16xf32> to vector<16xf32>
      %min3A_832 = arith.minimumf %min3A_774, %get3A_831 : vector<16xf32>
      %scan3A_833 = arith.constant 2 : i32
      %scan3A_834 = arith.addi %scan3A_715, %scan3A_833 : i32
      %mul3A_835 = arith.constant 4 : i32
      %mul3A_836 = arith.muli %scan3A_834, %mul3A_835 : i32
      %add3A_837 = arith.constant 0 : i32
      %add3A_838 = arith.addi %mul3A_836, %add3A_837 : i32
      %mul3A_839 = arith.constant 16 : i32
      %mul3A_840 = arith.muli %add3A_838, %mul3A_839 : i32
      %get3A_841 = arith.constant 0 : i32
      %get3A_842 = arith.constant 3 : i32
      %get3A_843 = arith.index_cast %get3A_841 : i32 to index
      %get3A_844 = arith.index_cast %get3A_842 : i32 to index
      %get3A_845 = arith.index_cast %mul3A_840 : i32 to index
      %get3A_846 = tpu.vector_load %arg5[%get3A_843, %get3A_844, %get3A_845] {strides = array<i32>} : memref<2x4x8192xf32, #tpu.memory_space<vmem>>, vector<1x1x16xf32>,
      %get3A_847 = vector.shape_cast %get3A_846 : vector<1x1x16xf32> to vector<16xf32>
      %min3A_848 = arith.minimumf %min3A_790, %get3A_847 : vector<16xf32>
      %mul3A_849 = arith.constant 4 : i32
      %mul3A_850 = arith.muli %scan3A_834, %mul3A_849 : i32
      %add3A_851 = arith.constant 1 : i32
      %add3A_852 = arith.addi %mul3A_850, %add3A_851 : i32
      %mul3A_853 = arith.constant 16 : i32
      %mul3A_854 = arith.muli %add3A_852, %mul3A_853 : i32
      %get3A_855 = arith.constant 0 : i32
      %get3A_856 = arith.constant 3 : i32
      %get3A_857 = arith.index_cast %get3A_855 : i32 to index
      %get3A_858 = arith.index_cast %get3A_856 : i32 to index
      %get3A_859 = arith.index_cast %mul3A_854 : i32 to index
      %get3A_860 = tpu.vector_load %arg5[%get3A_857, %get3A_858, %get3A_859] {strides = array<i32>} : memref<2x4x8192xf32, #tpu.memory_space<vmem>>, vector<1x1x16xf32>,
      %get3A_861 = vector.shape_cast %get3A_860 : vector<1x1x16xf32> to vector<16xf32>
      %min3A_862 = arith.minimumf %min3A_804, %get3A_861 : vector<16xf32>
      %mul3A_863 = arith.constant 4 : i32
      %mul3A_864 = arith.muli %scan3A_834, %mul3A_863 : i32
      %add3A_865 = arith.constant 2 : i32
      %add3A_866 = arith.addi %mul3A_864, %add3A_865 : i32
      %mul3A_867 = arith.constant 16 : i32
      %mul3A_868 = arith.muli %add3A_866, %mul3A_867 : i32
      %get3A_869 = arith.constant 0 : i32
      %get3A_870 = arith.constant 3 : i32
      %get3A_871 = arith.index_cast %get3A_869 : i32 to index
      %get3A_872 = arith.index_cast %get3A_870 : i32 to index
      %get3A_873 = arith.index_cast %mul3A_868 : i32 to index
      %get3A_874 = tpu.vector_load %arg5[%get3A_871, %get3A_872, %get3A_873] {strides = array<i32>} : memref<2x4x8192xf32, #tpu.memory_space<vmem>>, vector<1x1x16xf32>,
      %get3A_875 = vector.shape_cast %get3A_874 : vector<1x1x16xf32> to vector<16xf32>
      %min3A_876 = arith.minimumf %min3A_818, %get3A_875 : vector<16xf32>
      %mul3A_877 = arith.constant 4 : i32
      %mul3A_878 = arith.muli %scan3A_834, %mul3A_877 : i32
      %add3A_879 = arith.constant 3 : i32
      %add3A_880 = arith.addi %mul3A_878, %add3A_879 : i32
      %mul3A_881 = arith.constant 16 : i32
      %mul3A_882 = arith.muli %add3A_880, %mul3A_881 : i32
      %get3A_883 = arith.constant 0 : i32
      %get3A_884 = arith.constant 3 : i32
      %get3A_885 = arith.index_cast %get3A_883 : i32 to index
      %get3A_886 = arith.index_cast %get3A_884 : i32 to index
      %get3A_887 = arith.index_cast %mul3A_882 : i32 to index
      %get3A_888 = tpu.vector_load %arg5[%get3A_885, %get3A_886, %get3A_887] {strides = array<i32>} : memref<2x4x8192xf32, #tpu.memory_space<vmem>>, vector<1x1x16xf32>,
      %get3A_889 = vector.shape_cast %get3A_888 : vector<1x1x16xf32> to vector<16xf32>
      %min3A_890 = arith.minimumf %min3A_832, %get3A_889 : vector<16xf32>
      %scan3A_891 = arith.constant 3 : i32
      %scan3A_892 = arith.addi %scan3A_715, %scan3A_891 : i32
      %mul3A_893 = arith.constant 4 : i32
      %mul3A_894 = arith.muli %scan3A_892, %mul3A_893 : i32
      %add3A_895 = arith.constant 0 : i32
      %add3A_896 = arith.addi %mul3A_894, %add3A_895 : i32
      %mul3A_897 = arith.constant 16 : i32
      %mul3A_898 = arith.muli %add3A_896, %mul3A_897 : i32
      %get3A_899 = arith.constant 0 : i32
      %get3A_900 = arith.constant 3 : i32
      %get3A_901 = arith.index_cast %get3A_899 : i32 to index
      %get3A_902 = arith.index_cast %get3A_900 : i32 to index
      %get3A_903 = arith.index_cast %mul3A_898 : i32 to index
      %get3A_904 = tpu.vector_load %arg5[%get3A_901, %get3A_902, %get3A_903] {strides = array<i32>} : memref<2x4x8192xf32, #tpu.memory_space<vmem>>, vector<1x1x16xf32>,
      %get3A_905 = vector.shape_cast %get3A_904 : vector<1x1x16xf32> to vector<16xf32>
      %min3A_906 = arith.minimumf %min3A_848, %get3A_905 : vector<16xf32>
      %mul3A_907 = arith.constant 4 : i32
      %mul3A_908 = arith.muli %scan3A_892, %mul3A_907 : i32
      %add3A_909 = arith.constant 1 : i32
      %add3A_910 = arith.addi %mul3A_908, %add3A_909 : i32
      %mul3A_911 = arith.constant 16 : i32
      %mul3A_912 = arith.muli %add3A_910, %mul3A_911 : i32
      %get3A_913 = arith.constant 0 : i32
      %get3A_914 = arith.constant 3 : i32
      %get3A_915 = arith.index_cast %get3A_913 : i32 to index
      %get3A_916 = arith.index_cast %get3A_914 : i32 to index
      %get3A_917 = arith.index_cast %mul3A_912 : i32 to index
      %get3A_918 = tpu.vector_load %arg5[%get3A_915, %get3A_916, %get3A_917] {strides = array<i32>} : memref<2x4x8192xf32, #tpu.memory_space<vmem>>, vector<1x1x16xf32>,
      %get3A_919 = vector.shape_cast %get3A_918 : vector<1x1x16xf32> to vector<16xf32>
      %min3A_920 = arith.minimumf %min3A_862, %get3A_919 : vector<16xf32>
      %mul3A_921 = arith.constant 4 : i32
      %mul3A_922 = arith.muli %scan3A_892, %mul3A_921 : i32
      %add3A_923 = arith.constant 2 : i32
      %add3A_924 = arith.addi %mul3A_922, %add3A_923 : i32
      %mul3A_925 = arith.constant 16 : i32
      %mul3A_926 = arith.muli %add3A_924, %mul3A_925 : i32
      %get3A_927 = arith.constant 0 : i32
      %get3A_928 = arith.constant 3 : i32
      %get3A_929 = arith.index_cast %get3A_927 : i32 to index
      %get3A_930 = arith.index_cast %get3A_928 : i32 to index
      %get3A_931 = arith.index_cast %mul3A_926 : i32 to index
      %get3A_932 = tpu.vector_load %arg5[%get3A_929, %get3A_930, %get3A_931] {strides = array<i32>} : memref<2x4x8192xf32, #tpu.memory_space<vmem>>, vector<1x1x16xf32>,
      %get3A_933 = vector.shape_cast %get3A_932 : vector<1x1x16xf32> to vector<16xf32>
      %min3A_934 = arith.minimumf %min3A_876, %get3A_933 : vector<16xf32>
      %mul3A_935 = arith.constant 4 : i32
      %mul3A_936 = arith.muli %scan3A_892, %mul3A_935 : i32
      %add3A_937 = arith.constant 3 : i32
      %add3A_938 = arith.addi %mul3A_936, %add3A_937 : i32
      %mul3A_939 = arith.constant 16 : i32
      %mul3A_940 = arith.muli %add3A_938, %mul3A_939 : i32
      %get3A_941 = arith.constant 0 : i32
      %get3A_942 = arith.constant 3 : i32
      %get3A_943 = arith.index_cast %get3A_941 : i32 to index
      %get3A_944 = arith.index_cast %get3A_942 : i32 to index
      %get3A_945 = arith.index_cast %mul3A_940 : i32 to index
      %get3A_946 = tpu.vector_load %arg5[%get3A_943, %get3A_944, %get3A_945] {strides = array<i32>} : memref<2x4x8192xf32, #tpu.memory_space<vmem>>, vector<1x1x16xf32>,
      %get3A_947 = vector.shape_cast %get3A_946 : vector<1x1x16xf32> to vector<16xf32>
      %min3A_948 = arith.minimumf %min3A_890, %get3A_947 : vector<16xf32>
      %scan3A_949 = arith.constant 4 : i32
      %scan3A_950 = arith.addi %scan3A_715, %scan3A_949 : i32
      %mul3A_951 = arith.constant 4 : i32
      %mul3A_952 = arith.muli %scan3A_950, %mul3A_951 : i32
      %add3A_953 = arith.constant 0 : i32
      %add3A_954 = arith.addi %mul3A_952, %add3A_953 : i32
      %mul3A_955 = arith.constant 16 : i32
      %mul3A_956 = arith.muli %add3A_954, %mul3A_955 : i32
      %get3A_957 = arith.constant 0 : i32
      %get3A_958 = arith.constant 3 : i32
      %get3A_959 = arith.index_cast %get3A_957 : i32 to index
      %get3A_960 = arith.index_cast %get3A_958 : i32 to index
      %get3A_961 = arith.index_cast %mul3A_956 : i32 to index
      %get3A_962 = tpu.vector_load %arg5[%get3A_959, %get3A_960, %get3A_961] {strides = array<i32>} : memref<2x4x8192xf32, #tpu.memory_space<vmem>>, vector<1x1x16xf32>,
      %get3A_963 = vector.shape_cast %get3A_962 : vector<1x1x16xf32> to vector<16xf32>
      %min3A_964 = arith.minimumf %min3A_906, %get3A_963 : vector<16xf32>
      %mul3A_965 = arith.constant 4 : i32
      %mul3A_966 = arith.muli %scan3A_950, %mul3A_965 : i32
      %add3A_967 = arith.constant 1 : i32
      %add3A_968 = arith.addi %mul3A_966, %add3A_967 : i32
      %mul3A_969 = arith.constant 16 : i32
      %mul3A_970 = arith.muli %add3A_968, %mul3A_969 : i32
      %get3A_971 = arith.constant 0 : i32
      %get3A_972 = arith.constant 3 : i32
      %get3A_973 = arith.index_cast %get3A_971 : i32 to index
      %get3A_974 = arith.index_cast %get3A_972 : i32 to index
      %get3A_975 = arith.index_cast %mul3A_970 : i32 to index
      %get3A_976 = tpu.vector_load %arg5[%get3A_973, %get3A_974, %get3A_975] {strides = array<i32>} : memref<2x4x8192xf32, #tpu.memory_space<vmem>>, vector<1x1x16xf32>,
      %get3A_977 = vector.shape_cast %get3A_976 : vector<1x1x16xf32> to vector<16xf32>
      %min3A_978 = arith.minimumf %min3A_920, %get3A_977 : vector<16xf32>
      %mul3A_979 = arith.constant 4 : i32
      %mul3A_980 = arith.muli %scan3A_950, %mul3A_979 : i32
      %add3A_981 = arith.constant 2 : i32
      %add3A_982 = arith.addi %mul3A_980, %add3A_981 : i32
      %mul3A_983 = arith.constant 16 : i32
      %mul3A_984 = arith.muli %add3A_982, %mul3A_983 : i32
      %get3A_985 = arith.constant 0 : i32
      %get3A_986 = arith.constant 3 : i32
      %get3A_987 = arith.index_cast %get3A_985 : i32 to index
      %get3A_988 = arith.index_cast %get3A_986 : i32 to index
      %get3A_989 = arith.index_cast %mul3A_984 : i32 to index
      %get3A_990 = tpu.vector_load %arg5[%get3A_987, %get3A_988, %get3A_989] {strides = array<i32>} : memref<2x4x8192xf32, #tpu.memory_space<vmem>>, vector<1x1x16xf32>,
      %get3A_991 = vector.shape_cast %get3A_990 : vector<1x1x16xf32> to vector<16xf32>
      %min3A_992 = arith.minimumf %min3A_934, %get3A_991 : vector<16xf32>
      %mul3A_993 = arith.constant 4 : i32
      %mul3A_994 = arith.muli %scan3A_950, %mul3A_993 : i32
      %add3A_995 = arith.constant 3 : i32
      %add3A_996 = arith.addi %mul3A_994, %add3A_995 : i32
      %mul3A_997 = arith.constant 16 : i32
      %mul3A_998 = arith.muli %add3A_996, %mul3A_997 : i32
      %get3A_999 = arith.constant 0 : i32
      %get3A_1000 = arith.constant 3 : i32
      %get3A_1001 = arith.index_cast %get3A_999 : i32 to index
      %get3A_1002 = arith.index_cast %get3A_1000 : i32 to index
      %get3A_1003 = arith.index_cast %mul3A_998 : i32 to index
      %get3A_1004 = tpu.vector_load %arg5[%get3A_1001, %get3A_1002, %get3A_1003] {strides = array<i32>} : memref<2x4x8192xf32, #tpu.memory_space<vmem>>, vector<1x1x16xf32>,
      %get3A_1005 = vector.shape_cast %get3A_1004 : vector<1x1x16xf32> to vector<16xf32>
      %min3A_1006 = arith.minimumf %min3A_948, %get3A_1005 : vector<16xf32>
      %scan3A_1007 = arith.constant 5 : i32
      %scan3A_1008 = arith.addi %scan3A_715, %scan3A_1007 : i32
      %mul3A_1009 = arith.constant 4 : i32
      %mul3A_1010 = arith.muli %scan3A_1008, %mul3A_1009 : i32
      %add3A_1011 = arith.constant 0 : i32
      %add3A_1012 = arith.addi %mul3A_1010, %add3A_1011 : i32
      %mul3A_1013 = arith.constant 16 : i32
      %mul3A_1014 = arith.muli %add3A_1012, %mul3A_1013 : i32
      %get3A_1015 = arith.constant 0 : i32
      %get3A_1016 = arith.constant 3 : i32
      %get3A_1017 = arith.index_cast %get3A_1015 : i32 to index
      %get3A_1018 = arith.index_cast %get3A_1016 : i32 to index
      %get3A_1019 = arith.index_cast %mul3A_1014 : i32 to index
      %get3A_1020 = tpu.vector_load %arg5[%get3A_1017, %get3A_1018, %get3A_1019] {strides = array<i32>} : memref<2x4x8192xf32, #tpu.memory_space<vmem>>, vector<1x1x16xf32>,
      %get3A_1021 = vector.shape_cast %get3A_1020 : vector<1x1x16xf32> to vector<16xf32>
      %min3A_1022 = arith.minimumf %min3A_964, %get3A_1021 : vector<16xf32>
      %mul3A_1023 = arith.constant 4 : i32
      %mul3A_1024 = arith.muli %scan3A_1008, %mul3A_1023 : i32
      %add3A_1025 = arith.constant 1 : i32
      %add3A_1026 = arith.addi %mul3A_1024, %add3A_1025 : i32
      %mul3A_1027 = arith.constant 16 : i32
      %mul3A_1028 = arith.muli %add3A_1026, %mul3A_1027 : i32
      %get3A_1029 = arith.constant 0 : i32
      %get3A_1030 = arith.constant 3 : i32
      %get3A_1031 = arith.index_cast %get3A_1029 : i32 to index
      %get3A_1032 = arith.index_cast %get3A_1030 : i32 to index
      %get3A_1033 = arith.index_cast %mul3A_1028 : i32 to index
      %get3A_1034 = tpu.vector_load %arg5[%get3A_1031, %get3A_1032, %get3A_1033] {strides = array<i32>} : memref<2x4x8192xf32, #tpu.memory_space<vmem>>, vector<1x1x16xf32>,
      %get3A_1035 = vector.shape_cast %get3A_1034 : vector<1x1x16xf32> to vector<16xf32>
      %min3A_1036 = arith.minimumf %min3A_978, %get3A_1035 : vector<16xf32>
      %mul3A_1037 = arith.constant 4 : i32
      %mul3A_1038 = arith.muli %scan3A_1008, %mul3A_1037 : i32
      %add3A_1039 = arith.constant 2 : i32
      %add3A_1040 = arith.addi %mul3A_1038, %add3A_1039 : i32
      %mul3A_1041 = arith.constant 16 : i32
      %mul3A_1042 = arith.muli %add3A_1040, %mul3A_1041 : i32
      %get3A_1043 = arith.constant 0 : i32
      %get3A_1044 = arith.constant 3 : i32
      %get3A_1045 = arith.index_cast %get3A_1043 : i32 to index
      %get3A_1046 = arith.index_cast %get3A_1044 : i32 to index
      %get3A_1047 = arith.index_cast %mul3A_1042 : i32 to index
      %get3A_1048 = tpu.vector_load %arg5[%get3A_1045, %get3A_1046, %get3A_1047] {strides = array<i32>} : memref<2x4x8192xf32, #tpu.memory_space<vmem>>, vector<1x1x16xf32>,
      %get3A_1049 = vector.shape_cast %get3A_1048 : vector<1x1x16xf32> to vector<16xf32>
      %min3A_1050 = arith.minimumf %min3A_992, %get3A_1049 : vector<16xf32>
      %mul3A_1051 = arith.constant 4 : i32
      %mul3A_1052 = arith.muli %scan3A_1008, %mul3A_1051 : i32
      %add3A_1053 = arith.constant 3 : i32
      %add3A_1054 = arith.addi %mul3A_1052, %add3A_1053 : i32
      %mul3A_1055 = arith.constant 16 : i32
      %mul3A_1056 = arith.muli %add3A_1054, %mul3A_1055 : i32
      %get3A_1057 = arith.constant 0 : i32
      %get3A_1058 = arith.constant 3 : i32
      %get3A_1059 = arith.index_cast %get3A_1057 : i32 to index
      %get3A_1060 = arith.index_cast %get3A_1058 : i32 to index
      %get3A_1061 = arith.index_cast %mul3A_1056 : i32 to index
      %get3A_1062 = tpu.vector_load %arg5[%get3A_1059, %get3A_1060, %get3A_1061] {strides = array<i32>} : memref<2x4x8192xf32, #tpu.memory_space<vmem>>, vector<1x1x16xf32>,
      %get3A_1063 = vector.shape_cast %get3A_1062 : vector<1x1x16xf32> to vector<16xf32>
      %min3A_1064 = arith.minimumf %min3A_1006, %get3A_1063 : vector<16xf32>
      %scan3A_1065 = arith.constant 6 : i32
      %scan3A_1066 = arith.addi %scan3A_715, %scan3A_1065 : i32
      %mul3A_1067 = arith.constant 4 : i32
      %mul3A_1068 = arith.muli %scan3A_1066, %mul3A_1067 : i32
      %add3A_1069 = arith.constant 0 : i32
      %add3A_1070 = arith.addi %mul3A_1068, %add3A_1069 : i32
      %mul3A_1071 = arith.constant 16 : i32
      %mul3A_1072 = arith.muli %add3A_1070, %mul3A_1071 : i32
      %get3A_1073 = arith.constant 0 : i32
      %get3A_1074 = arith.constant 3 : i32
      %get3A_1075 = arith.index_cast %get3A_1073 : i32 to index
      %get3A_1076 = arith.index_cast %get3A_1074 : i32 to index
      %get3A_1077 = arith.index_cast %mul3A_1072 : i32 to index
      %get3A_1078 = tpu.vector_load %arg5[%get3A_1075, %get3A_1076, %get3A_1077] {strides = array<i32>} : memref<2x4x8192xf32, #tpu.memory_space<vmem>>, vector<1x1x16xf32>,
      %get3A_1079 = vector.shape_cast %get3A_1078 : vector<1x1x16xf32> to vector<16xf32>
      %min3A_1080 = arith.minimumf %min3A_1022, %get3A_1079 : vector<16xf32>
      %mul3A_1081 = arith.constant 4 : i32
      %mul3A_1082 = arith.muli %scan3A_1066, %mul3A_1081 : i32
      %add3A_1083 = arith.constant 1 : i32
      %add3A_1084 = arith.addi %mul3A_1082, %add3A_1083 : i32
      %mul3A_1085 = arith.constant 16 : i32
      %mul3A_1086 = arith.muli %add3A_1084, %mul3A_1085 : i32
      %get3A_1087 = arith.constant 0 : i32
      %get3A_1088 = arith.constant 3 : i32
      %get3A_1089 = arith.index_cast %get3A_1087 : i32 to index
      %get3A_1090 = arith.index_cast %get3A_1088 : i32 to index
      %get3A_1091 = arith.index_cast %mul3A_1086 : i32 to index
      %get3A_1092 = tpu.vector_load %arg5[%get3A_1089, %get3A_1090, %get3A_1091] {strides = array<i32>} : memref<2x4x8192xf32, #tpu.memory_space<vmem>>, vector<1x1x16xf32>,
      %get3A_1093 = vector.shape_cast %get3A_1092 : vector<1x1x16xf32> to vector<16xf32>
      %min3A_1094 = arith.minimumf %min3A_1036, %get3A_1093 : vector<16xf32>
      %mul3A_1095 = arith.constant 4 : i32
      %mul3A_1096 = arith.muli %scan3A_1066, %mul3A_1095 : i32
      %add3A_1097 = arith.constant 2 : i32
      %add3A_1098 = arith.addi %mul3A_1096, %add3A_1097 : i32
      %mul3A_1099 = arith.constant 16 : i32
      %mul3A_1100 = arith.muli %add3A_1098, %mul3A_1099 : i32
      %get3A_1101 = arith.constant 0 : i32
      %get3A_1102 = arith.constant 3 : i32
      %get3A_1103 = arith.index_cast %get3A_1101 : i32 to index
      %get3A_1104 = arith.index_cast %get3A_1102 : i32 to index
      %get3A_1105 = arith.index_cast %mul3A_1100 : i32 to index
      %get3A_1106 = tpu.vector_load %arg5[%get3A_1103, %get3A_1104, %get3A_1105] {strides = array<i32>} : memref<2x4x8192xf32, #tpu.memory_space<vmem>>, vector<1x1x16xf32>,
      %get3A_1107 = vector.shape_cast %get3A_1106 : vector<1x1x16xf32> to vector<16xf32>
      %min3A_1108 = arith.minimumf %min3A_1050, %get3A_1107 : vector<16xf32>
      %mul3A_1109 = arith.constant 4 : i32
      %mul3A_1110 = arith.muli %scan3A_1066, %mul3A_1109 : i32
      %add3A_1111 = arith.constant 3 : i32
      %add3A_1112 = arith.addi %mul3A_1110, %add3A_1111 : i32
      %mul3A_1113 = arith.constant 16 : i32
      %mul3A_1114 = arith.muli %add3A_1112, %mul3A_1113 : i32
      %get3A_1115 = arith.constant 0 : i32
      %get3A_1116 = arith.constant 3 : i32
      %get3A_1117 = arith.index_cast %get3A_1115 : i32 to index
      %get3A_1118 = arith.index_cast %get3A_1116 : i32 to index
      %get3A_1119 = arith.index_cast %mul3A_1114 : i32 to index
      %get3A_1120 = tpu.vector_load %arg5[%get3A_1117, %get3A_1118, %get3A_1119] {strides = array<i32>} : memref<2x4x8192xf32, #tpu.memory_space<vmem>>, vector<1x1x16xf32>,
      %get3A_1121 = vector.shape_cast %get3A_1120 : vector<1x1x16xf32> to vector<16xf32>
      %min3A_1122 = arith.minimumf %min3A_1064, %get3A_1121 : vector<16xf32>
      %scan3A_1123 = arith.constant 7 : i32
      %scan3A_1124 = arith.addi %scan3A_715, %scan3A_1123 : i32
      %mul3A_1125 = arith.constant 4 : i32
      %mul3A_1126 = arith.muli %scan3A_1124, %mul3A_1125 : i32
      %add3A_1127 = arith.constant 0 : i32
      %add3A_1128 = arith.addi %mul3A_1126, %add3A_1127 : i32
      %mul3A_1129 = arith.constant 16 : i32
      %mul3A_1130 = arith.muli %add3A_1128, %mul3A_1129 : i32
      %get3A_1131 = arith.constant 0 : i32
      %get3A_1132 = arith.constant 3 : i32
      %get3A_1133 = arith.index_cast %get3A_1131 : i32 to index
      %get3A_1134 = arith.index_cast %get3A_1132 : i32 to index
      %get3A_1135 = arith.index_cast %mul3A_1130 : i32 to index
      %get3A_1136 = tpu.vector_load %arg5[%get3A_1133, %get3A_1134, %get3A_1135] {strides = array<i32>} : memref<2x4x8192xf32, #tpu.memory_space<vmem>>, vector<1x1x16xf32>,
      %get3A_1137 = vector.shape_cast %get3A_1136 : vector<1x1x16xf32> to vector<16xf32>
      %min3A_1138 = arith.minimumf %min3A_1080, %get3A_1137 : vector<16xf32>
      %mul3A_1139 = arith.constant 4 : i32
      %mul3A_1140 = arith.muli %scan3A_1124, %mul3A_1139 : i32
      %add3A_1141 = arith.constant 1 : i32
      %add3A_1142 = arith.addi %mul3A_1140, %add3A_1141 : i32
      %mul3A_1143 = arith.constant 16 : i32
      %mul3A_1144 = arith.muli %add3A_1142, %mul3A_1143 : i32
      %get3A_1145 = arith.constant 0 : i32
      %get3A_1146 = arith.constant 3 : i32
      %get3A_1147 = arith.index_cast %get3A_1145 : i32 to index
      %get3A_1148 = arith.index_cast %get3A_1146 : i32 to index
      %get3A_1149 = arith.index_cast %mul3A_1144 : i32 to index
      %get3A_1150 = tpu.vector_load %arg5[%get3A_1147, %get3A_1148, %get3A_1149] {strides = array<i32>} : memref<2x4x8192xf32, #tpu.memory_space<vmem>>, vector<1x1x16xf32>,
      %get3A_1151 = vector.shape_cast %get3A_1150 : vector<1x1x16xf32> to vector<16xf32>
      %min3A_1152 = arith.minimumf %min3A_1094, %get3A_1151 : vector<16xf32>
      %mul3A_1153 = arith.constant 4 : i32
      %mul3A_1154 = arith.muli %scan3A_1124, %mul3A_1153 : i32
      %add3A_1155 = arith.constant 2 : i32
      %add3A_1156 = arith.addi %mul3A_1154, %add3A_1155 : i32
      %mul3A_1157 = arith.constant 16 : i32
      %mul3A_1158 = arith.muli %add3A_1156, %mul3A_1157 : i32
      %get3A_1159 = arith.constant 0 : i32
      %get3A_1160 = arith.constant 3 : i32
      %get3A_1161 = arith.index_cast %get3A_1159 : i32 to index
      %get3A_1162 = arith.index_cast %get3A_1160 : i32 to index
      %get3A_1163 = arith.index_cast %mul3A_1158 : i32 to index
      %get3A_1164 = tpu.vector_load %arg5[%get3A_1161, %get3A_1162, %get3A_1163] {strides = array<i32>} : memref<2x4x8192xf32, #tpu.memory_space<vmem>>, vector<1x1x16xf32>,
      %get3A_1165 = vector.shape_cast %get3A_1164 : vector<1x1x16xf32> to vector<16xf32>
      %min3A_1166 = arith.minimumf %min3A_1108, %get3A_1165 : vector<16xf32>
      %mul3A_1167 = arith.constant 4 : i32
      %mul3A_1168 = arith.muli %scan3A_1124, %mul3A_1167 : i32
      %add3A_1169 = arith.constant 3 : i32
      %add3A_1170 = arith.addi %mul3A_1168, %add3A_1169 : i32
      %mul3A_1171 = arith.constant 16 : i32
      %mul3A_1172 = arith.muli %add3A_1170, %mul3A_1171 : i32
      %get3A_1173 = arith.constant 0 : i32
      %get3A_1174 = arith.constant 3 : i32
      %get3A_1175 = arith.index_cast %get3A_1173 : i32 to index
      %get3A_1176 = arith.index_cast %get3A_1174 : i32 to index
      %get3A_1177 = arith.index_cast %mul3A_1172 : i32 to index
      %get3A_1178 = tpu.vector_load %arg5[%get3A_1175, %get3A_1176, %get3A_1177] {strides = array<i32>} : memref<2x4x8192xf32, #tpu.memory_space<vmem>>, vector<1x1x16xf32>,
      %get3A_1179 = vector.shape_cast %get3A_1178 : vector<1x1x16xf32> to vector<16xf32>
      %min3A_1180 = arith.minimumf %min3A_1122, %get3A_1179 : vector<16xf32>
      scf.yield %min3A_1138, %min3A_1152, %min3A_1166, %min3A_1180 : vector<16xf32>, vector<16xf32>, vector<16xf32>, vector<16xf32>
    }
    %scan3A_298 = arith.constant 128 : i32
    %min3A_299 = arith.minimumf %scan3A_297#0, %scan3A_297#1 : vector<16xf32>
    %min3A_300 = arith.minimumf %scan3A_297#2, %scan3A_297#3 : vector<16xf32>
    %min3A_301 = arith.minimumf %min3A_299, %min3A_300 : vector<16xf32>
    %iota3A_302 = tpu.iota {dimensions = array<i32: 0>} : vector<16xi32>
    %xor3A_303 = arith.constant 8 : i32
    %xor3A_304 = vector.broadcast %xor3A_303 : i32 to vector<16xi32>
    %xor3A_305 = arith.xori %iota3A_302, %xor3A_304 : vector<16xi32>
    %lt3A_306 = arith.constant 0 : i32
    %lt3A_307 = vector.broadcast %lt3A_306 : i32 to vector<16xi32>
    %lt3A_308 = arith.cmpi slt, %xor3A_305, %lt3A_307 : vector<16xi32>
    %add3A_309 = arith.constant 16 : i32
    %add3A_310 = vector.broadcast %add3A_309 : i32 to vector<16xi32>
    %add3A_311 = arith.addi %xor3A_305, %add3A_310 : vector<16xi32>
    %select_n3A_312 = arith.select %lt3A_308, %add3A_311, %xor3A_305 : vector<16xi1>, vector<16xi32>
    %reshape3A_313 = vector.shape_cast %select_n3A_312 : vector<16xi32> to vector<16x1xi32>
    %gather3A_314 = vector.shape_cast %reshape3A_313 : vector<16x1xi32> to vector<16xi32>
    %gather3A_315 = tpu.dynamic_gather %min3A_301[%gather3A_314] in [0] : vector<16xf32>, vector<16xi32> -> vector<16xf32>
    %min3A_316 = arith.minimumf %min3A_301, %gather3A_315 : vector<16xf32>
    %iota3A_317 = tpu.iota {dimensions = array<i32: 0>} : vector<16xi32>
    %xor3A_318 = arith.constant 4 : i32
    %xor3A_319 = vector.broadcast %xor3A_318 : i32 to vector<16xi32>
    %xor3A_320 = arith.xori %iota3A_317, %xor3A_319 : vector<16xi32>
    %lt3A_321 = arith.constant 0 : i32
    %lt3A_322 = vector.broadcast %lt3A_321 : i32 to vector<16xi32>
    %lt3A_323 = arith.cmpi slt, %xor3A_320, %lt3A_322 : vector<16xi32>
    %add3A_324 = arith.constant 16 : i32
    %add3A_325 = vector.broadcast %add3A_324 : i32 to vector<16xi32>
    %add3A_326 = arith.addi %xor3A_320, %add3A_325 : vector<16xi32>
    %select_n3A_327 = arith.select %lt3A_323, %add3A_326, %xor3A_320 : vector<16xi1>, vector<16xi32>
    %reshape3A_328 = vector.shape_cast %select_n3A_327 : vector<16xi32> to vector<16x1xi32>
    %gather3A_329 = vector.shape_cast %reshape3A_328 : vector<16x1xi32> to vector<16xi32>
    %gather3A_330 = tpu.dynamic_gather %min3A_316[%gather3A_329] in [0] : vector<16xf32>, vector<16xi32> -> vector<16xf32>
    %min3A_331 = arith.minimumf %min3A_316, %gather3A_330 : vector<16xf32>
    %iota3A_332 = tpu.iota {dimensions = array<i32: 0>} : vector<16xi32>
    %xor3A_333 = arith.constant 2 : i32
    %xor3A_334 = vector.broadcast %xor3A_333 : i32 to vector<16xi32>
    %xor3A_335 = arith.xori %iota3A_332, %xor3A_334 : vector<16xi32>
    %lt3A_336 = arith.constant 0 : i32
    %lt3A_337 = vector.broadcast %lt3A_336 : i32 to vector<16xi32>
    %lt3A_338 = arith.cmpi slt, %xor3A_335, %lt3A_337 : vector<16xi32>
    %add3A_339 = arith.constant 16 : i32
    %add3A_340 = vector.broadcast %add3A_339 : i32 to vector<16xi32>
    %add3A_341 = arith.addi %xor3A_335, %add3A_340 : vector<16xi32>
    %select_n3A_342 = arith.select %lt3A_338, %add3A_341, %xor3A_335 : vector<16xi1>, vector<16xi32>
    %reshape3A_343 = vector.shape_cast %select_n3A_342 : vector<16xi32> to vector<16x1xi32>
    %gather3A_344 = vector.shape_cast %reshape3A_343 : vector<16x1xi32> to vector<16xi32>
    %gather3A_345 = tpu.dynamic_gather %min3A_331[%gather3A_344] in [0] : vector<16xf32>, vector<16xi32> -> vector<16xf32>
    %min3A_346 = arith.minimumf %min3A_331, %gather3A_345 : vector<16xf32>
    %iota3A_347 = tpu.iota {dimensions = array<i32: 0>} : vector<16xi32>
    %xor3A_348 = arith.constant 1 : i32
    %xor3A_349 = vector.broadcast %xor3A_348 : i32 to vector<16xi32>
    %xor3A_350 = arith.xori %iota3A_347, %xor3A_349 : vector<16xi32>
    %lt3A_351 = arith.constant 0 : i32
    %lt3A_352 = vector.broadcast %lt3A_351 : i32 to vector<16xi32>
    %lt3A_353 = arith.cmpi slt, %xor3A_350, %lt3A_352 : vector<16xi32>
    %add3A_354 = arith.constant 16 : i32
    %add3A_355 = vector.broadcast %add3A_354 : i32 to vector<16xi32>
    %add3A_356 = arith.addi %xor3A_350, %add3A_355 : vector<16xi32>
    %select_n3A_357 = arith.select %lt3A_353, %add3A_356, %xor3A_350 : vector<16xi1>, vector<16xi32>
    %reshape3A_358 = vector.shape_cast %select_n3A_357 : vector<16xi32> to vector<16x1xi32>
    %gather3A_359 = vector.shape_cast %reshape3A_358 : vector<16x1xi32> to vector<16xi32>
    %gather3A_360 = tpu.dynamic_gather %min3A_346[%gather3A_359] in [0] : vector<16xf32>, vector<16xi32> -> vector<16xf32>
    %min3A_361 = arith.minimumf %min3A_346, %gather3A_360 : vector<16xf32>
    %swap3A_362 = arith.constant 3 : i32
    %swap3A_363 = arith.index_cast %swap3A_362 : i32 to index
    %swap3A_364 = arith.constant 0 : index
    %swap3A_365 = tpu.vector_load %arg6[%swap3A_363, %swap3A_364] {strides = array<i32>} : memref<8x16xf32, #tpu.memory_space<vmem>>, vector<1x16xf32>,
    %swap3A_366 = vector.shape_cast %swap3A_365 : vector<1x16xf32> to vector<16xf32>
    %swap3A_367 = vector.shape_cast %min3A_361 : vector<16xf32> to vector<1x16xf32>
    tpu.vector_store %arg6[%swap3A_363, %swap3A_364], %swap3A_367 {strides = array<i32>} : memref<8x16xf32, #tpu.memory_space<vmem>>, vector<1x16xf32>,
    %dma_wait3A_368 = arith.constant 1 : i32
    %dma_wait3A_369 = arith.constant 0 : i32
    %dma_wait3A_370 = arith.constant 0 : i32
    %dma_wait3A_371 = tpu.memref_slice %arg5[%dma_wait3A_368, %dma_wait3A_369, %dma_wait3A_370] : memref<2x4x8192xf32, #tpu.memory_space<vmem>> -> memref<1x4x8192xf32, #tpu.memory_space<vmem>>
    %dma_wait3A_372 = tpu.memref_squeeze %dma_wait3A_371 : memref<1x4x8192xf32, #tpu.memory_space<vmem>> -> memref<4x8192xf32, #tpu.memory_space<vmem>>
    %dma_wait3A_373 = arith.constant 0 : i32
    %dma_wait3A_374 = tpu.memref_slice %arg2[%add3A_32, %dma_wait3A_373] : memref<1024x8192xf32, #tpu.memory_space<hbm>> -> memref<4x8192xf32, #tpu.memory_space<hbm>>
    %dma_wait3A_375 = arith.constant 0 : i32
    %dma_wait3A_376 = arith.constant 0 : i32
    %dma_wait3A_377 = tpu.memref_slice %arg5[%dma_wait3A_368, %dma_wait3A_375, %dma_wait3A_376] : memref<2x4x8192xf32, #tpu.memory_space<vmem>> -> memref<1x4x8192xf32, #tpu.memory_space<vmem>>
    %dma_wait3A_378 = tpu.memref_squeeze %dma_wait3A_377 : memref<1x4x8192xf32, #tpu.memory_space<vmem>> -> memref<4x8192xf32, #tpu.memory_space<vmem>>
    %dma_wait3A_379 = arith.constant 0 : i32
    %dma_wait3A_380 = tpu.memref_slice %arg2[%add3A_32, %dma_wait3A_379] : memref<1024x8192xf32, #tpu.memory_space<hbm>> -> memref<4x8192xf32, #tpu.memory_space<hbm>>
    tpu.wait_dma2 semaphore(%arg9 : memref<!tpu.dma_semaphore, #tpu.memory_space<semaphore_mem>>) src(%dma_wait3A_380 : memref<4x8192xf32, #tpu.memory_space<hbm>>) dst(%dma_wait3A_378 : memref<4x8192xf32, #tpu.memory_space<vmem>>)
    %broadcast_in_dim3A_381 = arith.constant 0x7F800000 : f32
    %broadcast_in_dim3A_382 = vector.broadcast %broadcast_in_dim3A_381 : f32 to vector<16xf32>
    %broadcast_in_dim3A_383 = arith.constant 0x7F800000 : f32
    %broadcast_in_dim3A_384 = vector.broadcast %broadcast_in_dim3A_383 : f32 to vector<16xf32>
    %broadcast_in_dim3A_385 = arith.constant 0x7F800000 : f32
    %broadcast_in_dim3A_386 = vector.broadcast %broadcast_in_dim3A_385 : f32 to vector<16xf32>
    %broadcast_in_dim3A_387 = arith.constant 0x7F800000 : f32
    %broadcast_in_dim3A_388 = vector.broadcast %broadcast_in_dim3A_387 : f32 to vector<16xf32>
    %scan3A_389 = arith.constant 0 : i32
    %scan3A_390 = arith.constant 128 : i32
    %scan3A_391 = arith.addi %scan3A_389, %scan3A_390 : i32
    %scan3A_392 = arith.constant 8 : i32
    %scan3A_393:4 = scf.for %scan3A_715 = %scan3A_389 to %scan3A_391 step %scan3A_392 iter_args(%scan3A_716 = %broadcast_in_dim3A_382, %scan3A_717 = %broadcast_in_dim3A_384, %scan3A_718 = %broadcast_in_dim3A_386, %scan3A_719 = %broadcast_in_dim3A_388) -> (vector<16xf32>, vector<16xf32>, vector<16xf32>, vector<16xf32>)  : i32 {
      %mul3A_720 = arith.constant 4 : i32
      %mul3A_721 = arith.muli %scan3A_715, %mul3A_720 : i32
      %add3A_722 = arith.constant 0 : i32
      %add3A_723 = arith.addi %mul3A_721, %add3A_722 : i32
      %mul3A_724 = arith.constant 16 : i32
      %mul3A_725 = arith.muli %add3A_723, %mul3A_724 : i32
      %get3A = arith.constant 1 : i32
      %get3A_726 = arith.constant 0 : i32
      %get3A_727 = arith.index_cast %get3A : i32 to index
      %get3A_728 = arith.index_cast %get3A_726 : i32 to index
      %get3A_729 = arith.index_cast %mul3A_725 : i32 to index
      %get3A_730 = tpu.vector_load %arg5[%get3A_727, %get3A_728, %get3A_729] {strides = array<i32>} : memref<2x4x8192xf32, #tpu.memory_space<vmem>>, vector<1x1x16xf32>,
      %get3A_731 = vector.shape_cast %get3A_730 : vector<1x1x16xf32> to vector<16xf32>
      %min3A_732 = arith.minimumf %scan3A_716, %get3A_731 : vector<16xf32>
      %mul3A_733 = arith.constant 4 : i32
      %mul3A_734 = arith.muli %scan3A_715, %mul3A_733 : i32
      %add3A_735 = arith.constant 1 : i32
      %add3A_736 = arith.addi %mul3A_734, %add3A_735 : i32
      %mul3A_737 = arith.constant 16 : i32
      %mul3A_738 = arith.muli %add3A_736, %mul3A_737 : i32
      %get3A_739 = arith.constant 1 : i32
      %get3A_740 = arith.constant 0 : i32
      %get3A_741 = arith.index_cast %get3A_739 : i32 to index
      %get3A_742 = arith.index_cast %get3A_740 : i32 to index
      %get3A_743 = arith.index_cast %mul3A_738 : i32 to index
      %get3A_744 = tpu.vector_load %arg5[%get3A_741, %get3A_742, %get3A_743] {strides = array<i32>} : memref<2x4x8192xf32, #tpu.memory_space<vmem>>, vector<1x1x16xf32>,
      %get3A_745 = vector.shape_cast %get3A_744 : vector<1x1x16xf32> to vector<16xf32>
      %min3A_746 = arith.minimumf %scan3A_717, %get3A_745 : vector<16xf32>
      %mul3A_747 = arith.constant 4 : i32
      %mul3A_748 = arith.muli %scan3A_715, %mul3A_747 : i32
      %add3A_749 = arith.constant 2 : i32
      %add3A_750 = arith.addi %mul3A_748, %add3A_749 : i32
      %mul3A_751 = arith.constant 16 : i32
      %mul3A_752 = arith.muli %add3A_750, %mul3A_751 : i32
      %get3A_753 = arith.constant 1 : i32
      %get3A_754 = arith.constant 0 : i32
      %get3A_755 = arith.index_cast %get3A_753 : i32 to index
      %get3A_756 = arith.index_cast %get3A_754 : i32 to index
      %get3A_757 = arith.index_cast %mul3A_752 : i32 to index
      %get3A_758 = tpu.vector_load %arg5[%get3A_755, %get3A_756, %get3A_757] {strides = array<i32>} : memref<2x4x8192xf32, #tpu.memory_space<vmem>>, vector<1x1x16xf32>,
      %get3A_759 = vector.shape_cast %get3A_758 : vector<1x1x16xf32> to vector<16xf32>
      %min3A_760 = arith.minimumf %scan3A_718, %get3A_759 : vector<16xf32>
      %mul3A_761 = arith.constant 4 : i32
      %mul3A_762 = arith.muli %scan3A_715, %mul3A_761 : i32
      %add3A_763 = arith.constant 3 : i32
      %add3A_764 = arith.addi %mul3A_762, %add3A_763 : i32
      %mul3A_765 = arith.constant 16 : i32
      %mul3A_766 = arith.muli %add3A_764, %mul3A_765 : i32
      %get3A_767 = arith.constant 1 : i32
      %get3A_768 = arith.constant 0 : i32
      %get3A_769 = arith.index_cast %get3A_767 : i32 to index
      %get3A_770 = arith.index_cast %get3A_768 : i32 to index
      %get3A_771 = arith.index_cast %mul3A_766 : i32 to index
      %get3A_772 = tpu.vector_load %arg5[%get3A_769, %get3A_770, %get3A_771] {strides = array<i32>} : memref<2x4x8192xf32, #tpu.memory_space<vmem>>, vector<1x1x16xf32>,
      %get3A_773 = vector.shape_cast %get3A_772 : vector<1x1x16xf32> to vector<16xf32>
      %min3A_774 = arith.minimumf %scan3A_719, %get3A_773 : vector<16xf32>
      %scan3A_775 = arith.constant 1 : i32
      %scan3A_776 = arith.addi %scan3A_715, %scan3A_775 : i32
      %mul3A_777 = arith.constant 4 : i32
      %mul3A_778 = arith.muli %scan3A_776, %mul3A_777 : i32
      %add3A_779 = arith.constant 0 : i32
      %add3A_780 = arith.addi %mul3A_778, %add3A_779 : i32
      %mul3A_781 = arith.constant 16 : i32
      %mul3A_782 = arith.muli %add3A_780, %mul3A_781 : i32
      %get3A_783 = arith.constant 1 : i32
      %get3A_784 = arith.constant 0 : i32
      %get3A_785 = arith.index_cast %get3A_783 : i32 to index
      %get3A_786 = arith.index_cast %get3A_784 : i32 to index
      %get3A_787 = arith.index_cast %mul3A_782 : i32 to index
      %get3A_788 = tpu.vector_load %arg5[%get3A_785, %get3A_786, %get3A_787] {strides = array<i32>} : memref<2x4x8192xf32, #tpu.memory_space<vmem>>, vector<1x1x16xf32>,
      %get3A_789 = vector.shape_cast %get3A_788 : vector<1x1x16xf32> to vector<16xf32>
      %min3A_790 = arith.minimumf %min3A_732, %get3A_789 : vector<16xf32>
      %mul3A_791 = arith.constant 4 : i32
      %mul3A_792 = arith.muli %scan3A_776, %mul3A_791 : i32
      %add3A_793 = arith.constant 1 : i32
      %add3A_794 = arith.addi %mul3A_792, %add3A_793 : i32
      %mul3A_795 = arith.constant 16 : i32
      %mul3A_796 = arith.muli %add3A_794, %mul3A_795 : i32
      %get3A_797 = arith.constant 1 : i32
      %get3A_798 = arith.constant 0 : i32
      %get3A_799 = arith.index_cast %get3A_797 : i32 to index
      %get3A_800 = arith.index_cast %get3A_798 : i32 to index
      %get3A_801 = arith.index_cast %mul3A_796 : i32 to index
      %get3A_802 = tpu.vector_load %arg5[%get3A_799, %get3A_800, %get3A_801] {strides = array<i32>} : memref<2x4x8192xf32, #tpu.memory_space<vmem>>, vector<1x1x16xf32>,
      %get3A_803 = vector.shape_cast %get3A_802 : vector<1x1x16xf32> to vector<16xf32>
      %min3A_804 = arith.minimumf %min3A_746, %get3A_803 : vector<16xf32>
      %mul3A_805 = arith.constant 4 : i32
      %mul3A_806 = arith.muli %scan3A_776, %mul3A_805 : i32
      %add3A_807 = arith.constant 2 : i32
      %add3A_808 = arith.addi %mul3A_806, %add3A_807 : i32
      %mul3A_809 = arith.constant 16 : i32
      %mul3A_810 = arith.muli %add3A_808, %mul3A_809 : i32
      %get3A_811 = arith.constant 1 : i32
      %get3A_812 = arith.constant 0 : i32
      %get3A_813 = arith.index_cast %get3A_811 : i32 to index
      %get3A_814 = arith.index_cast %get3A_812 : i32 to index
      %get3A_815 = arith.index_cast %mul3A_810 : i32 to index
      %get3A_816 = tpu.vector_load %arg5[%get3A_813, %get3A_814, %get3A_815] {strides = array<i32>} : memref<2x4x8192xf32, #tpu.memory_space<vmem>>, vector<1x1x16xf32>,
      %get3A_817 = vector.shape_cast %get3A_816 : vector<1x1x16xf32> to vector<16xf32>
      %min3A_818 = arith.minimumf %min3A_760, %get3A_817 : vector<16xf32>
      %mul3A_819 = arith.constant 4 : i32
      %mul3A_820 = arith.muli %scan3A_776, %mul3A_819 : i32
      %add3A_821 = arith.constant 3 : i32
      %add3A_822 = arith.addi %mul3A_820, %add3A_821 : i32
      %mul3A_823 = arith.constant 16 : i32
      %mul3A_824 = arith.muli %add3A_822, %mul3A_823 : i32
      %get3A_825 = arith.constant 1 : i32
      %get3A_826 = arith.constant 0 : i32
      %get3A_827 = arith.index_cast %get3A_825 : i32 to index
      %get3A_828 = arith.index_cast %get3A_826 : i32 to index
      %get3A_829 = arith.index_cast %mul3A_824 : i32 to index
      %get3A_830 = tpu.vector_load %arg5[%get3A_827, %get3A_828, %get3A_829] {strides = array<i32>} : memref<2x4x8192xf32, #tpu.memory_space<vmem>>, vector<1x1x16xf32>,
      %get3A_831 = vector.shape_cast %get3A_830 : vector<1x1x16xf32> to vector<16xf32>
      %min3A_832 = arith.minimumf %min3A_774, %get3A_831 : vector<16xf32>
      %scan3A_833 = arith.constant 2 : i32
      %scan3A_834 = arith.addi %scan3A_715, %scan3A_833 : i32
      %mul3A_835 = arith.constant 4 : i32
      %mul3A_836 = arith.muli %scan3A_834, %mul3A_835 : i32
      %add3A_837 = arith.constant 0 : i32
      %add3A_838 = arith.addi %mul3A_836, %add3A_837 : i32
      %mul3A_839 = arith.constant 16 : i32
      %mul3A_840 = arith.muli %add3A_838, %mul3A_839 : i32
      %get3A_841 = arith.constant 1 : i32
      %get3A_842 = arith.constant 0 : i32
      %get3A_843 = arith.index_cast %get3A_841 : i32 to index
      %get3A_844 = arith.index_cast %get3A_842 : i32 to index
      %get3A_845 = arith.index_cast %mul3A_840 : i32 to index
      %get3A_846 = tpu.vector_load %arg5[%get3A_843, %get3A_844, %get3A_845] {strides = array<i32>} : memref<2x4x8192xf32, #tpu.memory_space<vmem>>, vector<1x1x16xf32>,
      %get3A_847 = vector.shape_cast %get3A_846 : vector<1x1x16xf32> to vector<16xf32>
      %min3A_848 = arith.minimumf %min3A_790, %get3A_847 : vector<16xf32>
      %mul3A_849 = arith.constant 4 : i32
      %mul3A_850 = arith.muli %scan3A_834, %mul3A_849 : i32
      %add3A_851 = arith.constant 1 : i32
      %add3A_852 = arith.addi %mul3A_850, %add3A_851 : i32
      %mul3A_853 = arith.constant 16 : i32
      %mul3A_854 = arith.muli %add3A_852, %mul3A_853 : i32
      %get3A_855 = arith.constant 1 : i32
      %get3A_856 = arith.constant 0 : i32
      %get3A_857 = arith.index_cast %get3A_855 : i32 to index
      %get3A_858 = arith.index_cast %get3A_856 : i32 to index
      %get3A_859 = arith.index_cast %mul3A_854 : i32 to index
      %get3A_860 = tpu.vector_load %arg5[%get3A_857, %get3A_858, %get3A_859] {strides = array<i32>} : memref<2x4x8192xf32, #tpu.memory_space<vmem>>, vector<1x1x16xf32>,
      %get3A_861 = vector.shape_cast %get3A_860 : vector<1x1x16xf32> to vector<16xf32>
      %min3A_862 = arith.minimumf %min3A_804, %get3A_861 : vector<16xf32>
      %mul3A_863 = arith.constant 4 : i32
      %mul3A_864 = arith.muli %scan3A_834, %mul3A_863 : i32
      %add3A_865 = arith.constant 2 : i32
      %add3A_866 = arith.addi %mul3A_864, %add3A_865 : i32
      %mul3A_867 = arith.constant 16 : i32
      %mul3A_868 = arith.muli %add3A_866, %mul3A_867 : i32
      %get3A_869 = arith.constant 1 : i32
      %get3A_870 = arith.constant 0 : i32
      %get3A_871 = arith.index_cast %get3A_869 : i32 to index
      %get3A_872 = arith.index_cast %get3A_870 : i32 to index
      %get3A_873 = arith.index_cast %mul3A_868 : i32 to index
      %get3A_874 = tpu.vector_load %arg5[%get3A_871, %get3A_872, %get3A_873] {strides = array<i32>} : memref<2x4x8192xf32, #tpu.memory_space<vmem>>, vector<1x1x16xf32>,
      %get3A_875 = vector.shape_cast %get3A_874 : vector<1x1x16xf32> to vector<16xf32>
      %min3A_876 = arith.minimumf %min3A_818, %get3A_875 : vector<16xf32>
      %mul3A_877 = arith.constant 4 : i32
      %mul3A_878 = arith.muli %scan3A_834, %mul3A_877 : i32
      %add3A_879 = arith.constant 3 : i32
      %add3A_880 = arith.addi %mul3A_878, %add3A_879 : i32
      %mul3A_881 = arith.constant 16 : i32
      %mul3A_882 = arith.muli %add3A_880, %mul3A_881 : i32
      %get3A_883 = arith.constant 1 : i32
      %get3A_884 = arith.constant 0 : i32
      %get3A_885 = arith.index_cast %get3A_883 : i32 to index
      %get3A_886 = arith.index_cast %get3A_884 : i32 to index
      %get3A_887 = arith.index_cast %mul3A_882 : i32 to index
      %get3A_888 = tpu.vector_load %arg5[%get3A_885, %get3A_886, %get3A_887] {strides = array<i32>} : memref<2x4x8192xf32, #tpu.memory_space<vmem>>, vector<1x1x16xf32>,
      %get3A_889 = vector.shape_cast %get3A_888 : vector<1x1x16xf32> to vector<16xf32>
      %min3A_890 = arith.minimumf %min3A_832, %get3A_889 : vector<16xf32>
      %scan3A_891 = arith.constant 3 : i32
      %scan3A_892 = arith.addi %scan3A_715, %scan3A_891 : i32
      %mul3A_893 = arith.constant 4 : i32
      %mul3A_894 = arith.muli %scan3A_892, %mul3A_893 : i32
      %add3A_895 = arith.constant 0 : i32
      %add3A_896 = arith.addi %mul3A_894, %add3A_895 : i32
      %mul3A_897 = arith.constant 16 : i32
      %mul3A_898 = arith.muli %add3A_896, %mul3A_897 : i32
      %get3A_899 = arith.constant 1 : i32
      %get3A_900 = arith.constant 0 : i32
      %get3A_901 = arith.index_cast %get3A_899 : i32 to index
      %get3A_902 = arith.index_cast %get3A_900 : i32 to index
      %get3A_903 = arith.index_cast %mul3A_898 : i32 to index
      %get3A_904 = tpu.vector_load %arg5[%get3A_901, %get3A_902, %get3A_903] {strides = array<i32>} : memref<2x4x8192xf32, #tpu.memory_space<vmem>>, vector<1x1x16xf32>,
      %get3A_905 = vector.shape_cast %get3A_904 : vector<1x1x16xf32> to vector<16xf32>
      %min3A_906 = arith.minimumf %min3A_848, %get3A_905 : vector<16xf32>
      %mul3A_907 = arith.constant 4 : i32
      %mul3A_908 = arith.muli %scan3A_892, %mul3A_907 : i32
      %add3A_909 = arith.constant 1 : i32
      %add3A_910 = arith.addi %mul3A_908, %add3A_909 : i32
      %mul3A_911 = arith.constant 16 : i32
      %mul3A_912 = arith.muli %add3A_910, %mul3A_911 : i32
      %get3A_913 = arith.constant 1 : i32
      %get3A_914 = arith.constant 0 : i32
      %get3A_915 = arith.index_cast %get3A_913 : i32 to index
      %get3A_916 = arith.index_cast %get3A_914 : i32 to index
      %get3A_917 = arith.index_cast %mul3A_912 : i32 to index
      %get3A_918 = tpu.vector_load %arg5[%get3A_915, %get3A_916, %get3A_917] {strides = array<i32>} : memref<2x4x8192xf32, #tpu.memory_space<vmem>>, vector<1x1x16xf32>,
      %get3A_919 = vector.shape_cast %get3A_918 : vector<1x1x16xf32> to vector<16xf32>
      %min3A_920 = arith.minimumf %min3A_862, %get3A_919 : vector<16xf32>
      %mul3A_921 = arith.constant 4 : i32
      %mul3A_922 = arith.muli %scan3A_892, %mul3A_921 : i32
      %add3A_923 = arith.constant 2 : i32
      %add3A_924 = arith.addi %mul3A_922, %add3A_923 : i32
      %mul3A_925 = arith.constant 16 : i32
      %mul3A_926 = arith.muli %add3A_924, %mul3A_925 : i32
      %get3A_927 = arith.constant 1 : i32
      %get3A_928 = arith.constant 0 : i32
      %get3A_929 = arith.index_cast %get3A_927 : i32 to index
      %get3A_930 = arith.index_cast %get3A_928 : i32 to index
      %get3A_931 = arith.index_cast %mul3A_926 : i32 to index
      %get3A_932 = tpu.vector_load %arg5[%get3A_929, %get3A_930, %get3A_931] {strides = array<i32>} : memref<2x4x8192xf32, #tpu.memory_space<vmem>>, vector<1x1x16xf32>,
      %get3A_933 = vector.shape_cast %get3A_932 : vector<1x1x16xf32> to vector<16xf32>
      %min3A_934 = arith.minimumf %min3A_876, %get3A_933 : vector<16xf32>
      %mul3A_935 = arith.constant 4 : i32
      %mul3A_936 = arith.muli %scan3A_892, %mul3A_935 : i32
      %add3A_937 = arith.constant 3 : i32
      %add3A_938 = arith.addi %mul3A_936, %add3A_937 : i32
      %mul3A_939 = arith.constant 16 : i32
      %mul3A_940 = arith.muli %add3A_938, %mul3A_939 : i32
      %get3A_941 = arith.constant 1 : i32
      %get3A_942 = arith.constant 0 : i32
      %get3A_943 = arith.index_cast %get3A_941 : i32 to index
      %get3A_944 = arith.index_cast %get3A_942 : i32 to index
      %get3A_945 = arith.index_cast %mul3A_940 : i32 to index
      %get3A_946 = tpu.vector_load %arg5[%get3A_943, %get3A_944, %get3A_945] {strides = array<i32>} : memref<2x4x8192xf32, #tpu.memory_space<vmem>>, vector<1x1x16xf32>,
      %get3A_947 = vector.shape_cast %get3A_946 : vector<1x1x16xf32> to vector<16xf32>
      %min3A_948 = arith.minimumf %min3A_890, %get3A_947 : vector<16xf32>
      %scan3A_949 = arith.constant 4 : i32
      %scan3A_950 = arith.addi %scan3A_715, %scan3A_949 : i32
      %mul3A_951 = arith.constant 4 : i32
      %mul3A_952 = arith.muli %scan3A_950, %mul3A_951 : i32
      %add3A_953 = arith.constant 0 : i32
      %add3A_954 = arith.addi %mul3A_952, %add3A_953 : i32
      %mul3A_955 = arith.constant 16 : i32
      %mul3A_956 = arith.muli %add3A_954, %mul3A_955 : i32
      %get3A_957 = arith.constant 1 : i32
      %get3A_958 = arith.constant 0 : i32
      %get3A_959 = arith.index_cast %get3A_957 : i32 to index
      %get3A_960 = arith.index_cast %get3A_958 : i32 to index
      %get3A_961 = arith.index_cast %mul3A_956 : i32 to index
      %get3A_962 = tpu.vector_load %arg5[%get3A_959, %get3A_960, %get3A_961] {strides = array<i32>} : memref<2x4x8192xf32, #tpu.memory_space<vmem>>, vector<1x1x16xf32>,
      %get3A_963 = vector.shape_cast %get3A_962 : vector<1x1x16xf32> to vector<16xf32>
      %min3A_964 = arith.minimumf %min3A_906, %get3A_963 : vector<16xf32>
      %mul3A_965 = arith.constant 4 : i32
      %mul3A_966 = arith.muli %scan3A_950, %mul3A_965 : i32
      %add3A_967 = arith.constant 1 : i32
      %add3A_968 = arith.addi %mul3A_966, %add3A_967 : i32
      %mul3A_969 = arith.constant 16 : i32
      %mul3A_970 = arith.muli %add3A_968, %mul3A_969 : i32
      %get3A_971 = arith.constant 1 : i32
      %get3A_972 = arith.constant 0 : i32
      %get3A_973 = arith.index_cast %get3A_971 : i32 to index
      %get3A_974 = arith.index_cast %get3A_972 : i32 to index
      %get3A_975 = arith.index_cast %mul3A_970 : i32 to index
      %get3A_976 = tpu.vector_load %arg5[%get3A_973, %get3A_974, %get3A_975] {strides = array<i32>} : memref<2x4x8192xf32, #tpu.memory_space<vmem>>, vector<1x1x16xf32>,
      %get3A_977 = vector.shape_cast %get3A_976 : vector<1x1x16xf32> to vector<16xf32>
      %min3A_978 = arith.minimumf %min3A_920, %get3A_977 : vector<16xf32>
      %mul3A_979 = arith.constant 4 : i32
      %mul3A_980 = arith.muli %scan3A_950, %mul3A_979 : i32
      %add3A_981 = arith.constant 2 : i32
      %add3A_982 = arith.addi %mul3A_980, %add3A_981 : i32
      %mul3A_983 = arith.constant 16 : i32
      %mul3A_984 = arith.muli %add3A_982, %mul3A_983 : i32
      %get3A_985 = arith.constant 1 : i32
      %get3A_986 = arith.constant 0 : i32
      %get3A_987 = arith.index_cast %get3A_985 : i32 to index
      %get3A_988 = arith.index_cast %get3A_986 : i32 to index
      %get3A_989 = arith.index_cast %mul3A_984 : i32 to index
      %get3A_990 = tpu.vector_load %arg5[%get3A_987, %get3A_988, %get3A_989] {strides = array<i32>} : memref<2x4x8192xf32, #tpu.memory_space<vmem>>, vector<1x1x16xf32>,
      %get3A_991 = vector.shape_cast %get3A_990 : vector<1x1x16xf32> to vector<16xf32>
      %min3A_992 = arith.minimumf %min3A_934, %get3A_991 : vector<16xf32>
      %mul3A_993 = arith.constant 4 : i32
      %mul3A_994 = arith.muli %scan3A_950, %mul3A_993 : i32
      %add3A_995 = arith.constant 3 : i32
      %add3A_996 = arith.addi %mul3A_994, %add3A_995 : i32
      %mul3A_997 = arith.constant 16 : i32
      %mul3A_998 = arith.muli %add3A_996, %mul3A_997 : i32
      %get3A_999 = arith.constant 1 : i32
      %get3A_1000 = arith.constant 0 : i32
      %get3A_1001 = arith.index_cast %get3A_999 : i32 to index
      %get3A_1002 = arith.index_cast %get3A_1000 : i32 to index
      %get3A_1003 = arith.index_cast %mul3A_998 : i32 to index
      %get3A_1004 = tpu.vector_load %arg5[%get3A_1001, %get3A_1002, %get3A_1003] {strides = array<i32>} : memref<2x4x8192xf32, #tpu.memory_space<vmem>>, vector<1x1x16xf32>,
      %get3A_1005 = vector.shape_cast %get3A_1004 : vector<1x1x16xf32> to vector<16xf32>
      %min3A_1006 = arith.minimumf %min3A_948, %get3A_1005 : vector<16xf32>
      %scan3A_1007 = arith.constant 5 : i32
      %scan3A_1008 = arith.addi %scan3A_715, %scan3A_1007 : i32
      %mul3A_1009 = arith.constant 4 : i32
      %mul3A_1010 = arith.muli %scan3A_1008, %mul3A_1009 : i32
      %add3A_1011 = arith.constant 0 : i32
      %add3A_1012 = arith.addi %mul3A_1010, %add3A_1011 : i32
      %mul3A_1013 = arith.constant 16 : i32
      %mul3A_1014 = arith.muli %add3A_1012, %mul3A_1013 : i32
      %get3A_1015 = arith.constant 1 : i32
      %get3A_1016 = arith.constant 0 : i32
      %get3A_1017 = arith.index_cast %get3A_1015 : i32 to index
      %get3A_1018 = arith.index_cast %get3A_1016 : i32 to index
      %get3A_1019 = arith.index_cast %mul3A_1014 : i32 to index
      %get3A_1020 = tpu.vector_load %arg5[%get3A_1017, %get3A_1018, %get3A_1019] {strides = array<i32>} : memref<2x4x8192xf32, #tpu.memory_space<vmem>>, vector<1x1x16xf32>,
      %get3A_1021 = vector.shape_cast %get3A_1020 : vector<1x1x16xf32> to vector<16xf32>
      %min3A_1022 = arith.minimumf %min3A_964, %get3A_1021 : vector<16xf32>
      %mul3A_1023 = arith.constant 4 : i32
      %mul3A_1024 = arith.muli %scan3A_1008, %mul3A_1023 : i32
      %add3A_1025 = arith.constant 1 : i32
      %add3A_1026 = arith.addi %mul3A_1024, %add3A_1025 : i32
      %mul3A_1027 = arith.constant 16 : i32
      %mul3A_1028 = arith.muli %add3A_1026, %mul3A_1027 : i32
      %get3A_1029 = arith.constant 1 : i32
      %get3A_1030 = arith.constant 0 : i32
      %get3A_1031 = arith.index_cast %get3A_1029 : i32 to index
      %get3A_1032 = arith.index_cast %get3A_1030 : i32 to index
      %get3A_1033 = arith.index_cast %mul3A_1028 : i32 to index
      %get3A_1034 = tpu.vector_load %arg5[%get3A_1031, %get3A_1032, %get3A_1033] {strides = array<i32>} : memref<2x4x8192xf32, #tpu.memory_space<vmem>>, vector<1x1x16xf32>,
      %get3A_1035 = vector.shape_cast %get3A_1034 : vector<1x1x16xf32> to vector<16xf32>
      %min3A_1036 = arith.minimumf %min3A_978, %get3A_1035 : vector<16xf32>
      %mul3A_1037 = arith.constant 4 : i32
      %mul3A_1038 = arith.muli %scan3A_1008, %mul3A_1037 : i32
      %add3A_1039 = arith.constant 2 : i32
      %add3A_1040 = arith.addi %mul3A_1038, %add3A_1039 : i32
      %mul3A_1041 = arith.constant 16 : i32
      %mul3A_1042 = arith.muli %add3A_1040, %mul3A_1041 : i32
      %get3A_1043 = arith.constant 1 : i32
      %get3A_1044 = arith.constant 0 : i32
      %get3A_1045 = arith.index_cast %get3A_1043 : i32 to index
      %get3A_1046 = arith.index_cast %get3A_1044 : i32 to index
      %get3A_1047 = arith.index_cast %mul3A_1042 : i32 to index
      %get3A_1048 = tpu.vector_load %arg5[%get3A_1045, %get3A_1046, %get3A_1047] {strides = array<i32>} : memref<2x4x8192xf32, #tpu.memory_space<vmem>>, vector<1x1x16xf32>,
      %get3A_1049 = vector.shape_cast %get3A_1048 : vector<1x1x16xf32> to vector<16xf32>
      %min3A_1050 = arith.minimumf %min3A_992, %get3A_1049 : vector<16xf32>
      %mul3A_1051 = arith.constant 4 : i32
      %mul3A_1052 = arith.muli %scan3A_1008, %mul3A_1051 : i32
      %add3A_1053 = arith.constant 3 : i32
      %add3A_1054 = arith.addi %mul3A_1052, %add3A_1053 : i32
      %mul3A_1055 = arith.constant 16 : i32
      %mul3A_1056 = arith.muli %add3A_1054, %mul3A_1055 : i32
      %get3A_1057 = arith.constant 1 : i32
      %get3A_1058 = arith.constant 0 : i32
      %get3A_1059 = arith.index_cast %get3A_1057 : i32 to index
      %get3A_1060 = arith.index_cast %get3A_1058 : i32 to index
      %get3A_1061 = arith.index_cast %mul3A_1056 : i32 to index
      %get3A_1062 = tpu.vector_load %arg5[%get3A_1059, %get3A_1060, %get3A_1061] {strides = array<i32>} : memref<2x4x8192xf32, #tpu.memory_space<vmem>>, vector<1x1x16xf32>,
      %get3A_1063 = vector.shape_cast %get3A_1062 : vector<1x1x16xf32> to vector<16xf32>
      %min3A_1064 = arith.minimumf %min3A_1006, %get3A_1063 : vector<16xf32>
      %scan3A_1065 = arith.constant 6 : i32
      %scan3A_1066 = arith.addi %scan3A_715, %scan3A_1065 : i32
      %mul3A_1067 = arith.constant 4 : i32
      %mul3A_1068 = arith.muli %scan3A_1066, %mul3A_1067 : i32
      %add3A_1069 = arith.constant 0 : i32
      %add3A_1070 = arith.addi %mul3A_1068, %add3A_1069 : i32
      %mul3A_1071 = arith.constant 16 : i32
      %mul3A_1072 = arith.muli %add3A_1070, %mul3A_1071 : i32
      %get3A_1073 = arith.constant 1 : i32
      %get3A_1074 = arith.constant 0 : i32
      %get3A_1075 = arith.index_cast %get3A_1073 : i32 to index
      %get3A_1076 = arith.index_cast %get3A_1074 : i32 to index
      %get3A_1077 = arith.index_cast %mul3A_1072 : i32 to index
      %get3A_1078 = tpu.vector_load %arg5[%get3A_1075, %get3A_1076, %get3A_1077] {strides = array<i32>} : memref<2x4x8192xf32, #tpu.memory_space<vmem>>, vector<1x1x16xf32>,
      %get3A_1079 = vector.shape_cast %get3A_1078 : vector<1x1x16xf32> to vector<16xf32>
      %min3A_1080 = arith.minimumf %min3A_1022, %get3A_1079 : vector<16xf32>
      %mul3A_1081 = arith.constant 4 : i32
      %mul3A_1082 = arith.muli %scan3A_1066, %mul3A_1081 : i32
      %add3A_1083 = arith.constant 1 : i32
      %add3A_1084 = arith.addi %mul3A_1082, %add3A_1083 : i32
      %mul3A_1085 = arith.constant 16 : i32
      %mul3A_1086 = arith.muli %add3A_1084, %mul3A_1085 : i32
      %get3A_1087 = arith.constant 1 : i32
      %get3A_1088 = arith.constant 0 : i32
      %get3A_1089 = arith.index_cast %get3A_1087 : i32 to index
      %get3A_1090 = arith.index_cast %get3A_1088 : i32 to index
      %get3A_1091 = arith.index_cast %mul3A_1086 : i32 to index
      %get3A_1092 = tpu.vector_load %arg5[%get3A_1089, %get3A_1090, %get3A_1091] {strides = array<i32>} : memref<2x4x8192xf32, #tpu.memory_space<vmem>>, vector<1x1x16xf32>,
      %get3A_1093 = vector.shape_cast %get3A_1092 : vector<1x1x16xf32> to vector<16xf32>
      %min3A_1094 = arith.minimumf %min3A_1036, %get3A_1093 : vector<16xf32>
      %mul3A_1095 = arith.constant 4 : i32
      %mul3A_1096 = arith.muli %scan3A_1066, %mul3A_1095 : i32
      %add3A_1097 = arith.constant 2 : i32
      %add3A_1098 = arith.addi %mul3A_1096, %add3A_1097 : i32
      %mul3A_1099 = arith.constant 16 : i32
      %mul3A_1100 = arith.muli %add3A_1098, %mul3A_1099 : i32
      %get3A_1101 = arith.constant 1 : i32
      %get3A_1102 = arith.constant 0 : i32
      %get3A_1103 = arith.index_cast %get3A_1101 : i32 to index
      %get3A_1104 = arith.index_cast %get3A_1102 : i32 to index
      %get3A_1105 = arith.index_cast %mul3A_1100 : i32 to index
      %get3A_1106 = tpu.vector_load %arg5[%get3A_1103, %get3A_1104, %get3A_1105] {strides = array<i32>} : memref<2x4x8192xf32, #tpu.memory_space<vmem>>, vector<1x1x16xf32>,
      %get3A_1107 = vector.shape_cast %get3A_1106 : vector<1x1x16xf32> to vector<16xf32>
      %min3A_1108 = arith.minimumf %min3A_1050, %get3A_1107 : vector<16xf32>
      %mul3A_1109 = arith.constant 4 : i32
      %mul3A_1110 = arith.muli %scan3A_1066, %mul3A_1109 : i32
      %add3A_1111 = arith.constant 3 : i32
      %add3A_1112 = arith.addi %mul3A_1110, %add3A_1111 : i32
      %mul3A_1113 = arith.constant 16 : i32
      %mul3A_1114 = arith.muli %add3A_1112, %mul3A_1113 : i32
      %get3A_1115 = arith.constant 1 : i32
      %get3A_1116 = arith.constant 0 : i32
      %get3A_1117 = arith.index_cast %get3A_1115 : i32 to index
      %get3A_1118 = arith.index_cast %get3A_1116 : i32 to index
      %get3A_1119 = arith.index_cast %mul3A_1114 : i32 to index
      %get3A_1120 = tpu.vector_load %arg5[%get3A_1117, %get3A_1118, %get3A_1119] {strides = array<i32>} : memref<2x4x8192xf32, #tpu.memory_space<vmem>>, vector<1x1x16xf32>,
      %get3A_1121 = vector.shape_cast %get3A_1120 : vector<1x1x16xf32> to vector<16xf32>
      %min3A_1122 = arith.minimumf %min3A_1064, %get3A_1121 : vector<16xf32>
      %scan3A_1123 = arith.constant 7 : i32
      %scan3A_1124 = arith.addi %scan3A_715, %scan3A_1123 : i32
      %mul3A_1125 = arith.constant 4 : i32
      %mul3A_1126 = arith.muli %scan3A_1124, %mul3A_1125 : i32
      %add3A_1127 = arith.constant 0 : i32
      %add3A_1128 = arith.addi %mul3A_1126, %add3A_1127 : i32
      %mul3A_1129 = arith.constant 16 : i32
      %mul3A_1130 = arith.muli %add3A_1128, %mul3A_1129 : i32
      %get3A_1131 = arith.constant 1 : i32
      %get3A_1132 = arith.constant 0 : i32
      %get3A_1133 = arith.index_cast %get3A_1131 : i32 to index
      %get3A_1134 = arith.index_cast %get3A_1132 : i32 to index
      %get3A_1135 = arith.index_cast %mul3A_1130 : i32 to index
      %get3A_1136 = tpu.vector_load %arg5[%get3A_1133, %get3A_1134, %get3A_1135] {strides = array<i32>} : memref<2x4x8192xf32, #tpu.memory_space<vmem>>, vector<1x1x16xf32>,
      %get3A_1137 = vector.shape_cast %get3A_1136 : vector<1x1x16xf32> to vector<16xf32>
      %min3A_1138 = arith.minimumf %min3A_1080, %get3A_1137 : vector<16xf32>
      %mul3A_1139 = arith.constant 4 : i32
      %mul3A_1140 = arith.muli %scan3A_1124, %mul3A_1139 : i32
      %add3A_1141 = arith.constant 1 : i32
      %add3A_1142 = arith.addi %mul3A_1140, %add3A_1141 : i32
      %mul3A_1143 = arith.constant 16 : i32
      %mul3A_1144 = arith.muli %add3A_1142, %mul3A_1143 : i32
      %get3A_1145 = arith.constant 1 : i32
      %get3A_1146 = arith.constant 0 : i32
      %get3A_1147 = arith.index_cast %get3A_1145 : i32 to index
      %get3A_1148 = arith.index_cast %get3A_1146 : i32 to index
      %get3A_1149 = arith.index_cast %mul3A_1144 : i32 to index
      %get3A_1150 = tpu.vector_load %arg5[%get3A_1147, %get3A_1148, %get3A_1149] {strides = array<i32>} : memref<2x4x8192xf32, #tpu.memory_space<vmem>>, vector<1x1x16xf32>,
      %get3A_1151 = vector.shape_cast %get3A_1150 : vector<1x1x16xf32> to vector<16xf32>
      %min3A_1152 = arith.minimumf %min3A_1094, %get3A_1151 : vector<16xf32>
      %mul3A_1153 = arith.constant 4 : i32
      %mul3A_1154 = arith.muli %scan3A_1124, %mul3A_1153 : i32
      %add3A_1155 = arith.constant 2 : i32
      %add3A_1156 = arith.addi %mul3A_1154, %add3A_1155 : i32
      %mul3A_1157 = arith.constant 16 : i32
      %mul3A_1158 = arith.muli %add3A_1156, %mul3A_1157 : i32
      %get3A_1159 = arith.constant 1 : i32
      %get3A_1160 = arith.constant 0 : i32
      %get3A_1161 = arith.index_cast %get3A_1159 : i32 to index
      %get3A_1162 = arith.index_cast %get3A_1160 : i32 to index
      %get3A_1163 = arith.index_cast %mul3A_1158 : i32 to index
      %get3A_1164 = tpu.vector_load %arg5[%get3A_1161, %get3A_1162, %get3A_1163] {strides = array<i32>} : memref<2x4x8192xf32, #tpu.memory_space<vmem>>, vector<1x1x16xf32>,
      %get3A_1165 = vector.shape_cast %get3A_1164 : vector<1x1x16xf32> to vector<16xf32>
      %min3A_1166 = arith.minimumf %min3A_1108, %get3A_1165 : vector<16xf32>
      %mul3A_1167 = arith.constant 4 : i32
      %mul3A_1168 = arith.muli %scan3A_1124, %mul3A_1167 : i32
      %add3A_1169 = arith.constant 3 : i32
      %add3A_1170 = arith.addi %mul3A_1168, %add3A_1169 : i32
      %mul3A_1171 = arith.constant 16 : i32
      %mul3A_1172 = arith.muli %add3A_1170, %mul3A_1171 : i32
      %get3A_1173 = arith.constant 1 : i32
      %get3A_1174 = arith.constant 0 : i32
      %get3A_1175 = arith.index_cast %get3A_1173 : i32 to index
      %get3A_1176 = arith.index_cast %get3A_1174 : i32 to index
      %get3A_1177 = arith.index_cast %mul3A_1172 : i32 to index
      %get3A_1178 = tpu.vector_load %arg5[%get3A_1175, %get3A_1176, %get3A_1177] {strides = array<i32>} : memref<2x4x8192xf32, #tpu.memory_space<vmem>>, vector<1x1x16xf32>,
      %get3A_1179 = vector.shape_cast %get3A_1178 : vector<1x1x16xf32> to vector<16xf32>
      %min3A_1180 = arith.minimumf %min3A_1122, %get3A_1179 : vector<16xf32>
      scf.yield %min3A_1138, %min3A_1152, %min3A_1166, %min3A_1180 : vector<16xf32>, vector<16xf32>, vector<16xf32>, vector<16xf32>
    }
    %scan3A_394 = arith.constant 128 : i32
    %min3A_395 = arith.minimumf %scan3A_393#0, %scan3A_393#1 : vector<16xf32>
    %min3A_396 = arith.minimumf %scan3A_393#2, %scan3A_393#3 : vector<16xf32>
    %min3A_397 = arith.minimumf %min3A_395, %min3A_396 : vector<16xf32>
    %iota3A_398 = tpu.iota {dimensions = array<i32: 0>} : vector<16xi32>
    %xor3A_399 = arith.constant 8 : i32
    %xor3A_400 = vector.broadcast %xor3A_399 : i32 to vector<16xi32>
    %xor3A_401 = arith.xori %iota3A_398, %xor3A_400 : vector<16xi32>
    %lt3A_402 = arith.constant 0 : i32
    %lt3A_403 = vector.broadcast %lt3A_402 : i32 to vector<16xi32>
    %lt3A_404 = arith.cmpi slt, %xor3A_401, %lt3A_403 : vector<16xi32>
    %add3A_405 = arith.constant 16 : i32
    %add3A_406 = vector.broadcast %add3A_405 : i32 to vector<16xi32>
    %add3A_407 = arith.addi %xor3A_401, %add3A_406 : vector<16xi32>
    %select_n3A_408 = arith.select %lt3A_404, %add3A_407, %xor3A_401 : vector<16xi1>, vector<16xi32>
    %reshape3A_409 = vector.shape_cast %select_n3A_408 : vector<16xi32> to vector<16x1xi32>
    %gather3A_410 = vector.shape_cast %reshape3A_409 : vector<16x1xi32> to vector<16xi32>
    %gather3A_411 = tpu.dynamic_gather %min3A_397[%gather3A_410] in [0] : vector<16xf32>, vector<16xi32> -> vector<16xf32>
    %min3A_412 = arith.minimumf %min3A_397, %gather3A_411 : vector<16xf32>
    %iota3A_413 = tpu.iota {dimensions = array<i32: 0>} : vector<16xi32>
    %xor3A_414 = arith.constant 4 : i32
    %xor3A_415 = vector.broadcast %xor3A_414 : i32 to vector<16xi32>
    %xor3A_416 = arith.xori %iota3A_413, %xor3A_415 : vector<16xi32>
    %lt3A_417 = arith.constant 0 : i32
    %lt3A_418 = vector.broadcast %lt3A_417 : i32 to vector<16xi32>
    %lt3A_419 = arith.cmpi slt, %xor3A_416, %lt3A_418 : vector<16xi32>
    %add3A_420 = arith.constant 16 : i32
    %add3A_421 = vector.broadcast %add3A_420 : i32 to vector<16xi32>
    %add3A_422 = arith.addi %xor3A_416, %add3A_421 : vector<16xi32>
    %select_n3A_423 = arith.select %lt3A_419, %add3A_422, %xor3A_416 : vector<16xi1>, vector<16xi32>
    %reshape3A_424 = vector.shape_cast %select_n3A_423 : vector<16xi32> to vector<16x1xi32>
    %gather3A_425 = vector.shape_cast %reshape3A_424 : vector<16x1xi32> to vector<16xi32>
    %gather3A_426 = tpu.dynamic_gather %min3A_412[%gather3A_425] in [0] : vector<16xf32>, vector<16xi32> -> vector<16xf32>
    %min3A_427 = arith.minimumf %min3A_412, %gather3A_426 : vector<16xf32>
    %iota3A_428 = tpu.iota {dimensions = array<i32: 0>} : vector<16xi32>
    %xor3A_429 = arith.constant 2 : i32
    %xor3A_430 = vector.broadcast %xor3A_429 : i32 to vector<16xi32>
    %xor3A_431 = arith.xori %iota3A_428, %xor3A_430 : vector<16xi32>
    %lt3A_432 = arith.constant 0 : i32
    %lt3A_433 = vector.broadcast %lt3A_432 : i32 to vector<16xi32>
    %lt3A_434 = arith.cmpi slt, %xor3A_431, %lt3A_433 : vector<16xi32>
    %add3A_435 = arith.constant 16 : i32
    %add3A_436 = vector.broadcast %add3A_435 : i32 to vector<16xi32>
    %add3A_437 = arith.addi %xor3A_431, %add3A_436 : vector<16xi32>
    %select_n3A_438 = arith.select %lt3A_434, %add3A_437, %xor3A_431 : vector<16xi1>, vector<16xi32>
    %reshape3A_439 = vector.shape_cast %select_n3A_438 : vector<16xi32> to vector<16x1xi32>
    %gather3A_440 = vector.shape_cast %reshape3A_439 : vector<16x1xi32> to vector<16xi32>
    %gather3A_441 = tpu.dynamic_gather %min3A_427[%gather3A_440] in [0] : vector<16xf32>, vector<16xi32> -> vector<16xf32>
    %min3A_442 = arith.minimumf %min3A_427, %gather3A_441 : vector<16xf32>
    %iota3A_443 = tpu.iota {dimensions = array<i32: 0>} : vector<16xi32>
    %xor3A_444 = arith.constant 1 : i32
    %xor3A_445 = vector.broadcast %xor3A_444 : i32 to vector<16xi32>
    %xor3A_446 = arith.xori %iota3A_443, %xor3A_445 : vector<16xi32>
    %lt3A_447 = arith.constant 0 : i32
    %lt3A_448 = vector.broadcast %lt3A_447 : i32 to vector<16xi32>
    %lt3A_449 = arith.cmpi slt, %xor3A_446, %lt3A_448 : vector<16xi32>
    %add3A_450 = arith.constant 16 : i32
    %add3A_451 = vector.broadcast %add3A_450 : i32 to vector<16xi32>
    %add3A_452 = arith.addi %xor3A_446, %add3A_451 : vector<16xi32>
    %select_n3A_453 = arith.select %lt3A_449, %add3A_452, %xor3A_446 : vector<16xi1>, vector<16xi32>
    %reshape3A_454 = vector.shape_cast %select_n3A_453 : vector<16xi32> to vector<16x1xi32>
    %gather3A_455 = vector.shape_cast %reshape3A_454 : vector<16x1xi32> to vector<16xi32>
    %gather3A_456 = tpu.dynamic_gather %min3A_442[%gather3A_455] in [0] : vector<16xf32>, vector<16xi32> -> vector<16xf32>
    %min3A_457 = arith.minimumf %min3A_442, %gather3A_456 : vector<16xf32>
    %swap3A_458 = arith.constant 4 : i32
    %swap3A_459 = arith.index_cast %swap3A_458 : i32 to index
    %swap3A_460 = arith.constant 0 : index
    %swap3A_461 = tpu.vector_load %arg6[%swap3A_459, %swap3A_460] {strides = array<i32>} : memref<8x16xf32, #tpu.memory_space<vmem>>, vector<1x16xf32>,
    %swap3A_462 = vector.shape_cast %swap3A_461 : vector<1x16xf32> to vector<16xf32>
    %swap3A_463 = vector.shape_cast %min3A_457 : vector<16xf32> to vector<1x16xf32>
    tpu.vector_store %arg6[%swap3A_459, %swap3A_460], %swap3A_463 {strides = array<i32>} : memref<8x16xf32, #tpu.memory_space<vmem>>, vector<1x16xf32>,
    %broadcast_in_dim3A_464 = arith.constant 0x7F800000 : f32
    %broadcast_in_dim3A_465 = vector.broadcast %broadcast_in_dim3A_464 : f32 to vector<16xf32>
    %broadcast_in_dim3A_466 = arith.constant 0x7F800000 : f32
    %broadcast_in_dim3A_467 = vector.broadcast %broadcast_in_dim3A_466 : f32 to vector<16xf32>
    %broadcast_in_dim3A_468 = arith.constant 0x7F800000 : f32
    %broadcast_in_dim3A_469 = vector.broadcast %broadcast_in_dim3A_468 : f32 to vector<16xf32>
    %broadcast_in_dim3A_470 = arith.constant 0x7F800000 : f32
    %broadcast_in_dim3A_471 = vector.broadcast %broadcast_in_dim3A_470 : f32 to vector<16xf32>
    %scan3A_472 = arith.constant 0 : i32
    %scan3A_473 = arith.constant 128 : i32
    %scan3A_474 = arith.addi %scan3A_472, %scan3A_473 : i32
    %scan3A_475 = arith.constant 8 : i32
    %scan3A_476:4 = scf.for %scan3A_715 = %scan3A_472 to %scan3A_474 step %scan3A_475 iter_args(%scan3A_716 = %broadcast_in_dim3A_465, %scan3A_717 = %broadcast_in_dim3A_467, %scan3A_718 = %broadcast_in_dim3A_469, %scan3A_719 = %broadcast_in_dim3A_471) -> (vector<16xf32>, vector<16xf32>, vector<16xf32>, vector<16xf32>)  : i32 {
      %mul3A_720 = arith.constant 4 : i32
      %mul3A_721 = arith.muli %scan3A_715, %mul3A_720 : i32
      %add3A_722 = arith.constant 0 : i32
      %add3A_723 = arith.addi %mul3A_721, %add3A_722 : i32
      %mul3A_724 = arith.constant 16 : i32
      %mul3A_725 = arith.muli %add3A_723, %mul3A_724 : i32
      %get3A = arith.constant 1 : i32
      %get3A_726 = arith.constant 1 : i32
      %get3A_727 = arith.index_cast %get3A : i32 to index
      %get3A_728 = arith.index_cast %get3A_726 : i32 to index
      %get3A_729 = arith.index_cast %mul3A_725 : i32 to index
      %get3A_730 = tpu.vector_load %arg5[%get3A_727, %get3A_728, %get3A_729] {strides = array<i32>} : memref<2x4x8192xf32, #tpu.memory_space<vmem>>, vector<1x1x16xf32>,
      %get3A_731 = vector.shape_cast %get3A_730 : vector<1x1x16xf32> to vector<16xf32>
      %min3A_732 = arith.minimumf %scan3A_716, %get3A_731 : vector<16xf32>
      %mul3A_733 = arith.constant 4 : i32
      %mul3A_734 = arith.muli %scan3A_715, %mul3A_733 : i32
      %add3A_735 = arith.constant 1 : i32
      %add3A_736 = arith.addi %mul3A_734, %add3A_735 : i32
      %mul3A_737 = arith.constant 16 : i32
      %mul3A_738 = arith.muli %add3A_736, %mul3A_737 : i32
      %get3A_739 = arith.constant 1 : i32
      %get3A_740 = arith.constant 1 : i32
      %get3A_741 = arith.index_cast %get3A_739 : i32 to index
      %get3A_742 = arith.index_cast %get3A_740 : i32 to index
      %get3A_743 = arith.index_cast %mul3A_738 : i32 to index
      %get3A_744 = tpu.vector_load %arg5[%get3A_741, %get3A_742, %get3A_743] {strides = array<i32>} : memref<2x4x8192xf32, #tpu.memory_space<vmem>>, vector<1x1x16xf32>,
      %get3A_745 = vector.shape_cast %get3A_744 : vector<1x1x16xf32> to vector<16xf32>
      %min3A_746 = arith.minimumf %scan3A_717, %get3A_745 : vector<16xf32>
      %mul3A_747 = arith.constant 4 : i32
      %mul3A_748 = arith.muli %scan3A_715, %mul3A_747 : i32
      %add3A_749 = arith.constant 2 : i32
      %add3A_750 = arith.addi %mul3A_748, %add3A_749 : i32
      %mul3A_751 = arith.constant 16 : i32
      %mul3A_752 = arith.muli %add3A_750, %mul3A_751 : i32
      %get3A_753 = arith.constant 1 : i32
      %get3A_754 = arith.constant 1 : i32
      %get3A_755 = arith.index_cast %get3A_753 : i32 to index
      %get3A_756 = arith.index_cast %get3A_754 : i32 to index
      %get3A_757 = arith.index_cast %mul3A_752 : i32 to index
      %get3A_758 = tpu.vector_load %arg5[%get3A_755, %get3A_756, %get3A_757] {strides = array<i32>} : memref<2x4x8192xf32, #tpu.memory_space<vmem>>, vector<1x1x16xf32>,
      %get3A_759 = vector.shape_cast %get3A_758 : vector<1x1x16xf32> to vector<16xf32>
      %min3A_760 = arith.minimumf %scan3A_718, %get3A_759 : vector<16xf32>
      %mul3A_761 = arith.constant 4 : i32
      %mul3A_762 = arith.muli %scan3A_715, %mul3A_761 : i32
      %add3A_763 = arith.constant 3 : i32
      %add3A_764 = arith.addi %mul3A_762, %add3A_763 : i32
      %mul3A_765 = arith.constant 16 : i32
      %mul3A_766 = arith.muli %add3A_764, %mul3A_765 : i32
      %get3A_767 = arith.constant 1 : i32
      %get3A_768 = arith.constant 1 : i32
      %get3A_769 = arith.index_cast %get3A_767 : i32 to index
      %get3A_770 = arith.index_cast %get3A_768 : i32 to index
      %get3A_771 = arith.index_cast %mul3A_766 : i32 to index
      %get3A_772 = tpu.vector_load %arg5[%get3A_769, %get3A_770, %get3A_771] {strides = array<i32>} : memref<2x4x8192xf32, #tpu.memory_space<vmem>>, vector<1x1x16xf32>,
      %get3A_773 = vector.shape_cast %get3A_772 : vector<1x1x16xf32> to vector<16xf32>
      %min3A_774 = arith.minimumf %scan3A_719, %get3A_773 : vector<16xf32>
      %scan3A_775 = arith.constant 1 : i32
      %scan3A_776 = arith.addi %scan3A_715, %scan3A_775 : i32
      %mul3A_777 = arith.constant 4 : i32
      %mul3A_778 = arith.muli %scan3A_776, %mul3A_777 : i32
      %add3A_779 = arith.constant 0 : i32
      %add3A_780 = arith.addi %mul3A_778, %add3A_779 : i32
      %mul3A_781 = arith.constant 16 : i32
      %mul3A_782 = arith.muli %add3A_780, %mul3A_781 : i32
      %get3A_783 = arith.constant 1 : i32
      %get3A_784 = arith.constant 1 : i32
      %get3A_785 = arith.index_cast %get3A_783 : i32 to index
      %get3A_786 = arith.index_cast %get3A_784 : i32 to index
      %get3A_787 = arith.index_cast %mul3A_782 : i32 to index
      %get3A_788 = tpu.vector_load %arg5[%get3A_785, %get3A_786, %get3A_787] {strides = array<i32>} : memref<2x4x8192xf32, #tpu.memory_space<vmem>>, vector<1x1x16xf32>,
      %get3A_789 = vector.shape_cast %get3A_788 : vector<1x1x16xf32> to vector<16xf32>
      %min3A_790 = arith.minimumf %min3A_732, %get3A_789 : vector<16xf32>
      %mul3A_791 = arith.constant 4 : i32
      %mul3A_792 = arith.muli %scan3A_776, %mul3A_791 : i32
      %add3A_793 = arith.constant 1 : i32
      %add3A_794 = arith.addi %mul3A_792, %add3A_793 : i32
      %mul3A_795 = arith.constant 16 : i32
      %mul3A_796 = arith.muli %add3A_794, %mul3A_795 : i32
      %get3A_797 = arith.constant 1 : i32
      %get3A_798 = arith.constant 1 : i32
      %get3A_799 = arith.index_cast %get3A_797 : i32 to index
      %get3A_800 = arith.index_cast %get3A_798 : i32 to index
      %get3A_801 = arith.index_cast %mul3A_796 : i32 to index
      %get3A_802 = tpu.vector_load %arg5[%get3A_799, %get3A_800, %get3A_801] {strides = array<i32>} : memref<2x4x8192xf32, #tpu.memory_space<vmem>>, vector<1x1x16xf32>,
      %get3A_803 = vector.shape_cast %get3A_802 : vector<1x1x16xf32> to vector<16xf32>
      %min3A_804 = arith.minimumf %min3A_746, %get3A_803 : vector<16xf32>
      %mul3A_805 = arith.constant 4 : i32
      %mul3A_806 = arith.muli %scan3A_776, %mul3A_805 : i32
      %add3A_807 = arith.constant 2 : i32
      %add3A_808 = arith.addi %mul3A_806, %add3A_807 : i32
      %mul3A_809 = arith.constant 16 : i32
      %mul3A_810 = arith.muli %add3A_808, %mul3A_809 : i32
      %get3A_811 = arith.constant 1 : i32
      %get3A_812 = arith.constant 1 : i32
      %get3A_813 = arith.index_cast %get3A_811 : i32 to index
      %get3A_814 = arith.index_cast %get3A_812 : i32 to index
      %get3A_815 = arith.index_cast %mul3A_810 : i32 to index
      %get3A_816 = tpu.vector_load %arg5[%get3A_813, %get3A_814, %get3A_815] {strides = array<i32>} : memref<2x4x8192xf32, #tpu.memory_space<vmem>>, vector<1x1x16xf32>,
      %get3A_817 = vector.shape_cast %get3A_816 : vector<1x1x16xf32> to vector<16xf32>
      %min3A_818 = arith.minimumf %min3A_760, %get3A_817 : vector<16xf32>
      %mul3A_819 = arith.constant 4 : i32
      %mul3A_820 = arith.muli %scan3A_776, %mul3A_819 : i32
      %add3A_821 = arith.constant 3 : i32
      %add3A_822 = arith.addi %mul3A_820, %add3A_821 : i32
      %mul3A_823 = arith.constant 16 : i32
      %mul3A_824 = arith.muli %add3A_822, %mul3A_823 : i32
      %get3A_825 = arith.constant 1 : i32
      %get3A_826 = arith.constant 1 : i32
      %get3A_827 = arith.index_cast %get3A_825 : i32 to index
      %get3A_828 = arith.index_cast %get3A_826 : i32 to index
      %get3A_829 = arith.index_cast %mul3A_824 : i32 to index
      %get3A_830 = tpu.vector_load %arg5[%get3A_827, %get3A_828, %get3A_829] {strides = array<i32>} : memref<2x4x8192xf32, #tpu.memory_space<vmem>>, vector<1x1x16xf32>,
      %get3A_831 = vector.shape_cast %get3A_830 : vector<1x1x16xf32> to vector<16xf32>
      %min3A_832 = arith.minimumf %min3A_774, %get3A_831 : vector<16xf32>
      %scan3A_833 = arith.constant 2 : i32
      %scan3A_834 = arith.addi %scan3A_715, %scan3A_833 : i32
      %mul3A_835 = arith.constant 4 : i32
      %mul3A_836 = arith.muli %scan3A_834, %mul3A_835 : i32
      %add3A_837 = arith.constant 0 : i32
      %add3A_838 = arith.addi %mul3A_836, %add3A_837 : i32
      %mul3A_839 = arith.constant 16 : i32
      %mul3A_840 = arith.muli %add3A_838, %mul3A_839 : i32
      %get3A_841 = arith.constant 1 : i32
      %get3A_842 = arith.constant 1 : i32
      %get3A_843 = arith.index_cast %get3A_841 : i32 to index
      %get3A_844 = arith.index_cast %get3A_842 : i32 to index
      %get3A_845 = arith.index_cast %mul3A_840 : i32 to index
      %get3A_846 = tpu.vector_load %arg5[%get3A_843, %get3A_844, %get3A_845] {strides = array<i32>} : memref<2x4x8192xf32, #tpu.memory_space<vmem>>, vector<1x1x16xf32>,
      %get3A_847 = vector.shape_cast %get3A_846 : vector<1x1x16xf32> to vector<16xf32>
      %min3A_848 = arith.minimumf %min3A_790, %get3A_847 : vector<16xf32>
      %mul3A_849 = arith.constant 4 : i32
      %mul3A_850 = arith.muli %scan3A_834, %mul3A_849 : i32
      %add3A_851 = arith.constant 1 : i32
      %add3A_852 = arith.addi %mul3A_850, %add3A_851 : i32
      %mul3A_853 = arith.constant 16 : i32
      %mul3A_854 = arith.muli %add3A_852, %mul3A_853 : i32
      %get3A_855 = arith.constant 1 : i32
      %get3A_856 = arith.constant 1 : i32
      %get3A_857 = arith.index_cast %get3A_855 : i32 to index
      %get3A_858 = arith.index_cast %get3A_856 : i32 to index
      %get3A_859 = arith.index_cast %mul3A_854 : i32 to index
      %get3A_860 = tpu.vector_load %arg5[%get3A_857, %get3A_858, %get3A_859] {strides = array<i32>} : memref<2x4x8192xf32, #tpu.memory_space<vmem>>, vector<1x1x16xf32>,
      %get3A_861 = vector.shape_cast %get3A_860 : vector<1x1x16xf32> to vector<16xf32>
      %min3A_862 = arith.minimumf %min3A_804, %get3A_861 : vector<16xf32>
      %mul3A_863 = arith.constant 4 : i32
      %mul3A_864 = arith.muli %scan3A_834, %mul3A_863 : i32
      %add3A_865 = arith.constant 2 : i32
      %add3A_866 = arith.addi %mul3A_864, %add3A_865 : i32
      %mul3A_867 = arith.constant 16 : i32
      %mul3A_868 = arith.muli %add3A_866, %mul3A_867 : i32
      %get3A_869 = arith.constant 1 : i32
      %get3A_870 = arith.constant 1 : i32
      %get3A_871 = arith.index_cast %get3A_869 : i32 to index
      %get3A_872 = arith.index_cast %get3A_870 : i32 to index
      %get3A_873 = arith.index_cast %mul3A_868 : i32 to index
      %get3A_874 = tpu.vector_load %arg5[%get3A_871, %get3A_872, %get3A_873] {strides = array<i32>} : memref<2x4x8192xf32, #tpu.memory_space<vmem>>, vector<1x1x16xf32>,
      %get3A_875 = vector.shape_cast %get3A_874 : vector<1x1x16xf32> to vector<16xf32>
      %min3A_876 = arith.minimumf %min3A_818, %get3A_875 : vector<16xf32>
      %mul3A_877 = arith.constant 4 : i32
      %mul3A_878 = arith.muli %scan3A_834, %mul3A_877 : i32
      %add3A_879 = arith.constant 3 : i32
      %add3A_880 = arith.addi %mul3A_878, %add3A_879 : i32
      %mul3A_881 = arith.constant 16 : i32
      %mul3A_882 = arith.muli %add3A_880, %mul3A_881 : i32
      %get3A_883 = arith.constant 1 : i32
      %get3A_884 = arith.constant 1 : i32
      %get3A_885 = arith.index_cast %get3A_883 : i32 to index
      %get3A_886 = arith.index_cast %get3A_884 : i32 to index
      %get3A_887 = arith.index_cast %mul3A_882 : i32 to index
      %get3A_888 = tpu.vector_load %arg5[%get3A_885, %get3A_886, %get3A_887] {strides = array<i32>} : memref<2x4x8192xf32, #tpu.memory_space<vmem>>, vector<1x1x16xf32>,
      %get3A_889 = vector.shape_cast %get3A_888 : vector<1x1x16xf32> to vector<16xf32>
      %min3A_890 = arith.minimumf %min3A_832, %get3A_889 : vector<16xf32>
      %scan3A_891 = arith.constant 3 : i32
      %scan3A_892 = arith.addi %scan3A_715, %scan3A_891 : i32
      %mul3A_893 = arith.constant 4 : i32
      %mul3A_894 = arith.muli %scan3A_892, %mul3A_893 : i32
      %add3A_895 = arith.constant 0 : i32
      %add3A_896 = arith.addi %mul3A_894, %add3A_895 : i32
      %mul3A_897 = arith.constant 16 : i32
      %mul3A_898 = arith.muli %add3A_896, %mul3A_897 : i32
      %get3A_899 = arith.constant 1 : i32
      %get3A_900 = arith.constant 1 : i32
      %get3A_901 = arith.index_cast %get3A_899 : i32 to index
      %get3A_902 = arith.index_cast %get3A_900 : i32 to index
      %get3A_903 = arith.index_cast %mul3A_898 : i32 to index
      %get3A_904 = tpu.vector_load %arg5[%get3A_901, %get3A_902, %get3A_903] {strides = array<i32>} : memref<2x4x8192xf32, #tpu.memory_space<vmem>>, vector<1x1x16xf32>,
      %get3A_905 = vector.shape_cast %get3A_904 : vector<1x1x16xf32> to vector<16xf32>
      %min3A_906 = arith.minimumf %min3A_848, %get3A_905 : vector<16xf32>
      %mul3A_907 = arith.constant 4 : i32
      %mul3A_908 = arith.muli %scan3A_892, %mul3A_907 : i32
      %add3A_909 = arith.constant 1 : i32
      %add3A_910 = arith.addi %mul3A_908, %add3A_909 : i32
      %mul3A_911 = arith.constant 16 : i32
      %mul3A_912 = arith.muli %add3A_910, %mul3A_911 : i32
      %get3A_913 = arith.constant 1 : i32
      %get3A_914 = arith.constant 1 : i32
      %get3A_915 = arith.index_cast %get3A_913 : i32 to index
      %get3A_916 = arith.index_cast %get3A_914 : i32 to index
      %get3A_917 = arith.index_cast %mul3A_912 : i32 to index
      %get3A_918 = tpu.vector_load %arg5[%get3A_915, %get3A_916, %get3A_917] {strides = array<i32>} : memref<2x4x8192xf32, #tpu.memory_space<vmem>>, vector<1x1x16xf32>,
      %get3A_919 = vector.shape_cast %get3A_918 : vector<1x1x16xf32> to vector<16xf32>
      %min3A_920 = arith.minimumf %min3A_862, %get3A_919 : vector<16xf32>
      %mul3A_921 = arith.constant 4 : i32
      %mul3A_922 = arith.muli %scan3A_892, %mul3A_921 : i32
      %add3A_923 = arith.constant 2 : i32
      %add3A_924 = arith.addi %mul3A_922, %add3A_923 : i32
      %mul3A_925 = arith.constant 16 : i32
      %mul3A_926 = arith.muli %add3A_924, %mul3A_925 : i32
      %get3A_927 = arith.constant 1 : i32
      %get3A_928 = arith.constant 1 : i32
      %get3A_929 = arith.index_cast %get3A_927 : i32 to index
      %get3A_930 = arith.index_cast %get3A_928 : i32 to index
      %get3A_931 = arith.index_cast %mul3A_926 : i32 to index
      %get3A_932 = tpu.vector_load %arg5[%get3A_929, %get3A_930, %get3A_931] {strides = array<i32>} : memref<2x4x8192xf32, #tpu.memory_space<vmem>>, vector<1x1x16xf32>,
      %get3A_933 = vector.shape_cast %get3A_932 : vector<1x1x16xf32> to vector<16xf32>
      %min3A_934 = arith.minimumf %min3A_876, %get3A_933 : vector<16xf32>
      %mul3A_935 = arith.constant 4 : i32
      %mul3A_936 = arith.muli %scan3A_892, %mul3A_935 : i32
      %add3A_937 = arith.constant 3 : i32
      %add3A_938 = arith.addi %mul3A_936, %add3A_937 : i32
      %mul3A_939 = arith.constant 16 : i32
      %mul3A_940 = arith.muli %add3A_938, %mul3A_939 : i32
      %get3A_941 = arith.constant 1 : i32
      %get3A_942 = arith.constant 1 : i32
      %get3A_943 = arith.index_cast %get3A_941 : i32 to index
      %get3A_944 = arith.index_cast %get3A_942 : i32 to index
      %get3A_945 = arith.index_cast %mul3A_940 : i32 to index
      %get3A_946 = tpu.vector_load %arg5[%get3A_943, %get3A_944, %get3A_945] {strides = array<i32>} : memref<2x4x8192xf32, #tpu.memory_space<vmem>>, vector<1x1x16xf32>,
      %get3A_947 = vector.shape_cast %get3A_946 : vector<1x1x16xf32> to vector<16xf32>
      %min3A_948 = arith.minimumf %min3A_890, %get3A_947 : vector<16xf32>
      %scan3A_949 = arith.constant 4 : i32
      %scan3A_950 = arith.addi %scan3A_715, %scan3A_949 : i32
      %mul3A_951 = arith.constant 4 : i32
      %mul3A_952 = arith.muli %scan3A_950, %mul3A_951 : i32
      %add3A_953 = arith.constant 0 : i32
      %add3A_954 = arith.addi %mul3A_952, %add3A_953 : i32
      %mul3A_955 = arith.constant 16 : i32
      %mul3A_956 = arith.muli %add3A_954, %mul3A_955 : i32
      %get3A_957 = arith.constant 1 : i32
      %get3A_958 = arith.constant 1 : i32
      %get3A_959 = arith.index_cast %get3A_957 : i32 to index
      %get3A_960 = arith.index_cast %get3A_958 : i32 to index
      %get3A_961 = arith.index_cast %mul3A_956 : i32 to index
      %get3A_962 = tpu.vector_load %arg5[%get3A_959, %get3A_960, %get3A_961] {strides = array<i32>} : memref<2x4x8192xf32, #tpu.memory_space<vmem>>, vector<1x1x16xf32>,
      %get3A_963 = vector.shape_cast %get3A_962 : vector<1x1x16xf32> to vector<16xf32>
      %min3A_964 = arith.minimumf %min3A_906, %get3A_963 : vector<16xf32>
      %mul3A_965 = arith.constant 4 : i32
      %mul3A_966 = arith.muli %scan3A_950, %mul3A_965 : i32
      %add3A_967 = arith.constant 1 : i32
      %add3A_968 = arith.addi %mul3A_966, %add3A_967 : i32
      %mul3A_969 = arith.constant 16 : i32
      %mul3A_970 = arith.muli %add3A_968, %mul3A_969 : i32
      %get3A_971 = arith.constant 1 : i32
      %get3A_972 = arith.constant 1 : i32
      %get3A_973 = arith.index_cast %get3A_971 : i32 to index
      %get3A_974 = arith.index_cast %get3A_972 : i32 to index
      %get3A_975 = arith.index_cast %mul3A_970 : i32 to index
      %get3A_976 = tpu.vector_load %arg5[%get3A_973, %get3A_974, %get3A_975] {strides = array<i32>} : memref<2x4x8192xf32, #tpu.memory_space<vmem>>, vector<1x1x16xf32>,
      %get3A_977 = vector.shape_cast %get3A_976 : vector<1x1x16xf32> to vector<16xf32>
      %min3A_978 = arith.minimumf %min3A_920, %get3A_977 : vector<16xf32>
      %mul3A_979 = arith.constant 4 : i32
      %mul3A_980 = arith.muli %scan3A_950, %mul3A_979 : i32
      %add3A_981 = arith.constant 2 : i32
      %add3A_982 = arith.addi %mul3A_980, %add3A_981 : i32
      %mul3A_983 = arith.constant 16 : i32
      %mul3A_984 = arith.muli %add3A_982, %mul3A_983 : i32
      %get3A_985 = arith.constant 1 : i32
      %get3A_986 = arith.constant 1 : i32
      %get3A_987 = arith.index_cast %get3A_985 : i32 to index
      %get3A_988 = arith.index_cast %get3A_986 : i32 to index
      %get3A_989 = arith.index_cast %mul3A_984 : i32 to index
      %get3A_990 = tpu.vector_load %arg5[%get3A_987, %get3A_988, %get3A_989] {strides = array<i32>} : memref<2x4x8192xf32, #tpu.memory_space<vmem>>, vector<1x1x16xf32>,
      %get3A_991 = vector.shape_cast %get3A_990 : vector<1x1x16xf32> to vector<16xf32>
      %min3A_992 = arith.minimumf %min3A_934, %get3A_991 : vector<16xf32>
      %mul3A_993 = arith.constant 4 : i32
      %mul3A_994 = arith.muli %scan3A_950, %mul3A_993 : i32
      %add3A_995 = arith.constant 3 : i32
      %add3A_996 = arith.addi %mul3A_994, %add3A_995 : i32
      %mul3A_997 = arith.constant 16 : i32
      %mul3A_998 = arith.muli %add3A_996, %mul3A_997 : i32
      %get3A_999 = arith.constant 1 : i32
      %get3A_1000 = arith.constant 1 : i32
      %get3A_1001 = arith.index_cast %get3A_999 : i32 to index
      %get3A_1002 = arith.index_cast %get3A_1000 : i32 to index
      %get3A_1003 = arith.index_cast %mul3A_998 : i32 to index
      %get3A_1004 = tpu.vector_load %arg5[%get3A_1001, %get3A_1002, %get3A_1003] {strides = array<i32>} : memref<2x4x8192xf32, #tpu.memory_space<vmem>>, vector<1x1x16xf32>,
      %get3A_1005 = vector.shape_cast %get3A_1004 : vector<1x1x16xf32> to vector<16xf32>
      %min3A_1006 = arith.minimumf %min3A_948, %get3A_1005 : vector<16xf32>
      %scan3A_1007 = arith.constant 5 : i32
      %scan3A_1008 = arith.addi %scan3A_715, %scan3A_1007 : i32
      %mul3A_1009 = arith.constant 4 : i32
      %mul3A_1010 = arith.muli %scan3A_1008, %mul3A_1009 : i32
      %add3A_1011 = arith.constant 0 : i32
      %add3A_1012 = arith.addi %mul3A_1010, %add3A_1011 : i32
      %mul3A_1013 = arith.constant 16 : i32
      %mul3A_1014 = arith.muli %add3A_1012, %mul3A_1013 : i32
      %get3A_1015 = arith.constant 1 : i32
      %get3A_1016 = arith.constant 1 : i32
      %get3A_1017 = arith.index_cast %get3A_1015 : i32 to index
      %get3A_1018 = arith.index_cast %get3A_1016 : i32 to index
      %get3A_1019 = arith.index_cast %mul3A_1014 : i32 to index
      %get3A_1020 = tpu.vector_load %arg5[%get3A_1017, %get3A_1018, %get3A_1019] {strides = array<i32>} : memref<2x4x8192xf32, #tpu.memory_space<vmem>>, vector<1x1x16xf32>,
      %get3A_1021 = vector.shape_cast %get3A_1020 : vector<1x1x16xf32> to vector<16xf32>
      %min3A_1022 = arith.minimumf %min3A_964, %get3A_1021 : vector<16xf32>
      %mul3A_1023 = arith.constant 4 : i32
      %mul3A_1024 = arith.muli %scan3A_1008, %mul3A_1023 : i32
      %add3A_1025 = arith.constant 1 : i32
      %add3A_1026 = arith.addi %mul3A_1024, %add3A_1025 : i32
      %mul3A_1027 = arith.constant 16 : i32
      %mul3A_1028 = arith.muli %add3A_1026, %mul3A_1027 : i32
      %get3A_1029 = arith.constant 1 : i32
      %get3A_1030 = arith.constant 1 : i32
      %get3A_1031 = arith.index_cast %get3A_1029 : i32 to index
      %get3A_1032 = arith.index_cast %get3A_1030 : i32 to index
      %get3A_1033 = arith.index_cast %mul3A_1028 : i32 to index
      %get3A_1034 = tpu.vector_load %arg5[%get3A_1031, %get3A_1032, %get3A_1033] {strides = array<i32>} : memref<2x4x8192xf32, #tpu.memory_space<vmem>>, vector<1x1x16xf32>,
      %get3A_1035 = vector.shape_cast %get3A_1034 : vector<1x1x16xf32> to vector<16xf32>
      %min3A_1036 = arith.minimumf %min3A_978, %get3A_1035 : vector<16xf32>
      %mul3A_1037 = arith.constant 4 : i32
      %mul3A_1038 = arith.muli %scan3A_1008, %mul3A_1037 : i32
      %add3A_1039 = arith.constant 2 : i32
      %add3A_1040 = arith.addi %mul3A_1038, %add3A_1039 : i32
      %mul3A_1041 = arith.constant 16 : i32
      %mul3A_1042 = arith.muli %add3A_1040, %mul3A_1041 : i32
      %get3A_1043 = arith.constant 1 : i32
      %get3A_1044 = arith.constant 1 : i32
      %get3A_1045 = arith.index_cast %get3A_1043 : i32 to index
      %get3A_1046 = arith.index_cast %get3A_1044 : i32 to index
      %get3A_1047 = arith.index_cast %mul3A_1042 : i32 to index
      %get3A_1048 = tpu.vector_load %arg5[%get3A_1045, %get3A_1046, %get3A_1047] {strides = array<i32>} : memref<2x4x8192xf32, #tpu.memory_space<vmem>>, vector<1x1x16xf32>,
      %get3A_1049 = vector.shape_cast %get3A_1048 : vector<1x1x16xf32> to vector<16xf32>
      %min3A_1050 = arith.minimumf %min3A_992, %get3A_1049 : vector<16xf32>
      %mul3A_1051 = arith.constant 4 : i32
      %mul3A_1052 = arith.muli %scan3A_1008, %mul3A_1051 : i32
      %add3A_1053 = arith.constant 3 : i32
      %add3A_1054 = arith.addi %mul3A_1052, %add3A_1053 : i32
      %mul3A_1055 = arith.constant 16 : i32
      %mul3A_1056 = arith.muli %add3A_1054, %mul3A_1055 : i32
      %get3A_1057 = arith.constant 1 : i32
      %get3A_1058 = arith.constant 1 : i32
      %get3A_1059 = arith.index_cast %get3A_1057 : i32 to index
      %get3A_1060 = arith.index_cast %get3A_1058 : i32 to index
      %get3A_1061 = arith.index_cast %mul3A_1056 : i32 to index
      %get3A_1062 = tpu.vector_load %arg5[%get3A_1059, %get3A_1060, %get3A_1061] {strides = array<i32>} : memref<2x4x8192xf32, #tpu.memory_space<vmem>>, vector<1x1x16xf32>,
      %get3A_1063 = vector.shape_cast %get3A_1062 : vector<1x1x16xf32> to vector<16xf32>
      %min3A_1064 = arith.minimumf %min3A_1006, %get3A_1063 : vector<16xf32>
      %scan3A_1065 = arith.constant 6 : i32
      %scan3A_1066 = arith.addi %scan3A_715, %scan3A_1065 : i32
      %mul3A_1067 = arith.constant 4 : i32
      %mul3A_1068 = arith.muli %scan3A_1066, %mul3A_1067 : i32
      %add3A_1069 = arith.constant 0 : i32
      %add3A_1070 = arith.addi %mul3A_1068, %add3A_1069 : i32
      %mul3A_1071 = arith.constant 16 : i32
      %mul3A_1072 = arith.muli %add3A_1070, %mul3A_1071 : i32
      %get3A_1073 = arith.constant 1 : i32
      %get3A_1074 = arith.constant 1 : i32
      %get3A_1075 = arith.index_cast %get3A_1073 : i32 to index
      %get3A_1076 = arith.index_cast %get3A_1074 : i32 to index
      %get3A_1077 = arith.index_cast %mul3A_1072 : i32 to index
      %get3A_1078 = tpu.vector_load %arg5[%get3A_1075, %get3A_1076, %get3A_1077] {strides = array<i32>} : memref<2x4x8192xf32, #tpu.memory_space<vmem>>, vector<1x1x16xf32>,
      %get3A_1079 = vector.shape_cast %get3A_1078 : vector<1x1x16xf32> to vector<16xf32>
      %min3A_1080 = arith.minimumf %min3A_1022, %get3A_1079 : vector<16xf32>
      %mul3A_1081 = arith.constant 4 : i32
      %mul3A_1082 = arith.muli %scan3A_1066, %mul3A_1081 : i32
      %add3A_1083 = arith.constant 1 : i32
      %add3A_1084 = arith.addi %mul3A_1082, %add3A_1083 : i32
      %mul3A_1085 = arith.constant 16 : i32
      %mul3A_1086 = arith.muli %add3A_1084, %mul3A_1085 : i32
      %get3A_1087 = arith.constant 1 : i32
      %get3A_1088 = arith.constant 1 : i32
      %get3A_1089 = arith.index_cast %get3A_1087 : i32 to index
      %get3A_1090 = arith.index_cast %get3A_1088 : i32 to index
      %get3A_1091 = arith.index_cast %mul3A_1086 : i32 to index
      %get3A_1092 = tpu.vector_load %arg5[%get3A_1089, %get3A_1090, %get3A_1091] {strides = array<i32>} : memref<2x4x8192xf32, #tpu.memory_space<vmem>>, vector<1x1x16xf32>,
      %get3A_1093 = vector.shape_cast %get3A_1092 : vector<1x1x16xf32> to vector<16xf32>
      %min3A_1094 = arith.minimumf %min3A_1036, %get3A_1093 : vector<16xf32>
      %mul3A_1095 = arith.constant 4 : i32
      %mul3A_1096 = arith.muli %scan3A_1066, %mul3A_1095 : i32
      %add3A_1097 = arith.constant 2 : i32
      %add3A_1098 = arith.addi %mul3A_1096, %add3A_1097 : i32
      %mul3A_1099 = arith.constant 16 : i32
      %mul3A_1100 = arith.muli %add3A_1098, %mul3A_1099 : i32
      %get3A_1101 = arith.constant 1 : i32
      %get3A_1102 = arith.constant 1 : i32
      %get3A_1103 = arith.index_cast %get3A_1101 : i32 to index
      %get3A_1104 = arith.index_cast %get3A_1102 : i32 to index
      %get3A_1105 = arith.index_cast %mul3A_1100 : i32 to index
      %get3A_1106 = tpu.vector_load %arg5[%get3A_1103, %get3A_1104, %get3A_1105] {strides = array<i32>} : memref<2x4x8192xf32, #tpu.memory_space<vmem>>, vector<1x1x16xf32>,
      %get3A_1107 = vector.shape_cast %get3A_1106 : vector<1x1x16xf32> to vector<16xf32>
      %min3A_1108 = arith.minimumf %min3A_1050, %get3A_1107 : vector<16xf32>
      %mul3A_1109 = arith.constant 4 : i32
      %mul3A_1110 = arith.muli %scan3A_1066, %mul3A_1109 : i32
      %add3A_1111 = arith.constant 3 : i32
      %add3A_1112 = arith.addi %mul3A_1110, %add3A_1111 : i32
      %mul3A_1113 = arith.constant 16 : i32
      %mul3A_1114 = arith.muli %add3A_1112, %mul3A_1113 : i32
      %get3A_1115 = arith.constant 1 : i32
      %get3A_1116 = arith.constant 1 : i32
      %get3A_1117 = arith.index_cast %get3A_1115 : i32 to index
      %get3A_1118 = arith.index_cast %get3A_1116 : i32 to index
      %get3A_1119 = arith.index_cast %mul3A_1114 : i32 to index
      %get3A_1120 = tpu.vector_load %arg5[%get3A_1117, %get3A_1118, %get3A_1119] {strides = array<i32>} : memref<2x4x8192xf32, #tpu.memory_space<vmem>>, vector<1x1x16xf32>,
      %get3A_1121 = vector.shape_cast %get3A_1120 : vector<1x1x16xf32> to vector<16xf32>
      %min3A_1122 = arith.minimumf %min3A_1064, %get3A_1121 : vector<16xf32>
      %scan3A_1123 = arith.constant 7 : i32
      %scan3A_1124 = arith.addi %scan3A_715, %scan3A_1123 : i32
      %mul3A_1125 = arith.constant 4 : i32
      %mul3A_1126 = arith.muli %scan3A_1124, %mul3A_1125 : i32
      %add3A_1127 = arith.constant 0 : i32
      %add3A_1128 = arith.addi %mul3A_1126, %add3A_1127 : i32
      %mul3A_1129 = arith.constant 16 : i32
      %mul3A_1130 = arith.muli %add3A_1128, %mul3A_1129 : i32
      %get3A_1131 = arith.constant 1 : i32
      %get3A_1132 = arith.constant 1 : i32
      %get3A_1133 = arith.index_cast %get3A_1131 : i32 to index
      %get3A_1134 = arith.index_cast %get3A_1132 : i32 to index
      %get3A_1135 = arith.index_cast %mul3A_1130 : i32 to index
      %get3A_1136 = tpu.vector_load %arg5[%get3A_1133, %get3A_1134, %get3A_1135] {strides = array<i32>} : memref<2x4x8192xf32, #tpu.memory_space<vmem>>, vector<1x1x16xf32>,
      %get3A_1137 = vector.shape_cast %get3A_1136 : vector<1x1x16xf32> to vector<16xf32>
      %min3A_1138 = arith.minimumf %min3A_1080, %get3A_1137 : vector<16xf32>
      %mul3A_1139 = arith.constant 4 : i32
      %mul3A_1140 = arith.muli %scan3A_1124, %mul3A_1139 : i32
      %add3A_1141 = arith.constant 1 : i32
      %add3A_1142 = arith.addi %mul3A_1140, %add3A_1141 : i32
      %mul3A_1143 = arith.constant 16 : i32
      %mul3A_1144 = arith.muli %add3A_1142, %mul3A_1143 : i32
      %get3A_1145 = arith.constant 1 : i32
      %get3A_1146 = arith.constant 1 : i32
      %get3A_1147 = arith.index_cast %get3A_1145 : i32 to index
      %get3A_1148 = arith.index_cast %get3A_1146 : i32 to index
      %get3A_1149 = arith.index_cast %mul3A_1144 : i32 to index
      %get3A_1150 = tpu.vector_load %arg5[%get3A_1147, %get3A_1148, %get3A_1149] {strides = array<i32>} : memref<2x4x8192xf32, #tpu.memory_space<vmem>>, vector<1x1x16xf32>,
      %get3A_1151 = vector.shape_cast %get3A_1150 : vector<1x1x16xf32> to vector<16xf32>
      %min3A_1152 = arith.minimumf %min3A_1094, %get3A_1151 : vector<16xf32>
      %mul3A_1153 = arith.constant 4 : i32
      %mul3A_1154 = arith.muli %scan3A_1124, %mul3A_1153 : i32
      %add3A_1155 = arith.constant 2 : i32
      %add3A_1156 = arith.addi %mul3A_1154, %add3A_1155 : i32
      %mul3A_1157 = arith.constant 16 : i32
      %mul3A_1158 = arith.muli %add3A_1156, %mul3A_1157 : i32
      %get3A_1159 = arith.constant 1 : i32
      %get3A_1160 = arith.constant 1 : i32
      %get3A_1161 = arith.index_cast %get3A_1159 : i32 to index
      %get3A_1162 = arith.index_cast %get3A_1160 : i32 to index
      %get3A_1163 = arith.index_cast %mul3A_1158 : i32 to index
      %get3A_1164 = tpu.vector_load %arg5[%get3A_1161, %get3A_1162, %get3A_1163] {strides = array<i32>} : memref<2x4x8192xf32, #tpu.memory_space<vmem>>, vector<1x1x16xf32>,
      %get3A_1165 = vector.shape_cast %get3A_1164 : vector<1x1x16xf32> to vector<16xf32>
      %min3A_1166 = arith.minimumf %min3A_1108, %get3A_1165 : vector<16xf32>
      %mul3A_1167 = arith.constant 4 : i32
      %mul3A_1168 = arith.muli %scan3A_1124, %mul3A_1167 : i32
      %add3A_1169 = arith.constant 3 : i32
      %add3A_1170 = arith.addi %mul3A_1168, %add3A_1169 : i32
      %mul3A_1171 = arith.constant 16 : i32
      %mul3A_1172 = arith.muli %add3A_1170, %mul3A_1171 : i32
      %get3A_1173 = arith.constant 1 : i32
      %get3A_1174 = arith.constant 1 : i32
      %get3A_1175 = arith.index_cast %get3A_1173 : i32 to index
      %get3A_1176 = arith.index_cast %get3A_1174 : i32 to index
      %get3A_1177 = arith.index_cast %mul3A_1172 : i32 to index
      %get3A_1178 = tpu.vector_load %arg5[%get3A_1175, %get3A_1176, %get3A_1177] {strides = array<i32>} : memref<2x4x8192xf32, #tpu.memory_space<vmem>>, vector<1x1x16xf32>,
      %get3A_1179 = vector.shape_cast %get3A_1178 : vector<1x1x16xf32> to vector<16xf32>
      %min3A_1180 = arith.minimumf %min3A_1122, %get3A_1179 : vector<16xf32>
      scf.yield %min3A_1138, %min3A_1152, %min3A_1166, %min3A_1180 : vector<16xf32>, vector<16xf32>, vector<16xf32>, vector<16xf32>
    }
    %scan3A_477 = arith.constant 128 : i32
    %min3A_478 = arith.minimumf %scan3A_476#0, %scan3A_476#1 : vector<16xf32>
    %min3A_479 = arith.minimumf %scan3A_476#2, %scan3A_476#3 : vector<16xf32>
    %min3A_480 = arith.minimumf %min3A_478, %min3A_479 : vector<16xf32>
    %iota3A_481 = tpu.iota {dimensions = array<i32: 0>} : vector<16xi32>
    %xor3A_482 = arith.constant 8 : i32
    %xor3A_483 = vector.broadcast %xor3A_482 : i32 to vector<16xi32>
    %xor3A_484 = arith.xori %iota3A_481, %xor3A_483 : vector<16xi32>
    %lt3A_485 = arith.constant 0 : i32
    %lt3A_486 = vector.broadcast %lt3A_485 : i32 to vector<16xi32>
    %lt3A_487 = arith.cmpi slt, %xor3A_484, %lt3A_486 : vector<16xi32>
    %add3A_488 = arith.constant 16 : i32
    %add3A_489 = vector.broadcast %add3A_488 : i32 to vector<16xi32>
    %add3A_490 = arith.addi %xor3A_484, %add3A_489 : vector<16xi32>
    %select_n3A_491 = arith.select %lt3A_487, %add3A_490, %xor3A_484 : vector<16xi1>, vector<16xi32>
    %reshape3A_492 = vector.shape_cast %select_n3A_491 : vector<16xi32> to vector<16x1xi32>
    %gather3A_493 = vector.shape_cast %reshape3A_492 : vector<16x1xi32> to vector<16xi32>
    %gather3A_494 = tpu.dynamic_gather %min3A_480[%gather3A_493] in [0] : vector<16xf32>, vector<16xi32> -> vector<16xf32>
    %min3A_495 = arith.minimumf %min3A_480, %gather3A_494 : vector<16xf32>
    %iota3A_496 = tpu.iota {dimensions = array<i32: 0>} : vector<16xi32>
    %xor3A_497 = arith.constant 4 : i32
    %xor3A_498 = vector.broadcast %xor3A_497 : i32 to vector<16xi32>
    %xor3A_499 = arith.xori %iota3A_496, %xor3A_498 : vector<16xi32>
    %lt3A_500 = arith.constant 0 : i32
    %lt3A_501 = vector.broadcast %lt3A_500 : i32 to vector<16xi32>
    %lt3A_502 = arith.cmpi slt, %xor3A_499, %lt3A_501 : vector<16xi32>
    %add3A_503 = arith.constant 16 : i32
    %add3A_504 = vector.broadcast %add3A_503 : i32 to vector<16xi32>
    %add3A_505 = arith.addi %xor3A_499, %add3A_504 : vector<16xi32>
    %select_n3A_506 = arith.select %lt3A_502, %add3A_505, %xor3A_499 : vector<16xi1>, vector<16xi32>
    %reshape3A_507 = vector.shape_cast %select_n3A_506 : vector<16xi32> to vector<16x1xi32>
    %gather3A_508 = vector.shape_cast %reshape3A_507 : vector<16x1xi32> to vector<16xi32>
    %gather3A_509 = tpu.dynamic_gather %min3A_495[%gather3A_508] in [0] : vector<16xf32>, vector<16xi32> -> vector<16xf32>
    %min3A_510 = arith.minimumf %min3A_495, %gather3A_509 : vector<16xf32>
    %iota3A_511 = tpu.iota {dimensions = array<i32: 0>} : vector<16xi32>
    %xor3A_512 = arith.constant 2 : i32
    %xor3A_513 = vector.broadcast %xor3A_512 : i32 to vector<16xi32>
    %xor3A_514 = arith.xori %iota3A_511, %xor3A_513 : vector<16xi32>
    %lt3A_515 = arith.constant 0 : i32
    %lt3A_516 = vector.broadcast %lt3A_515 : i32 to vector<16xi32>
    %lt3A_517 = arith.cmpi slt, %xor3A_514, %lt3A_516 : vector<16xi32>
    %add3A_518 = arith.constant 16 : i32
    %add3A_519 = vector.broadcast %add3A_518 : i32 to vector<16xi32>
    %add3A_520 = arith.addi %xor3A_514, %add3A_519 : vector<16xi32>
    %select_n3A_521 = arith.select %lt3A_517, %add3A_520, %xor3A_514 : vector<16xi1>, vector<16xi32>
    %reshape3A_522 = vector.shape_cast %select_n3A_521 : vector<16xi32> to vector<16x1xi32>
    %gather3A_523 = vector.shape_cast %reshape3A_522 : vector<16x1xi32> to vector<16xi32>
    %gather3A_524 = tpu.dynamic_gather %min3A_510[%gather3A_523] in [0] : vector<16xf32>, vector<16xi32> -> vector<16xf32>
    %min3A_525 = arith.minimumf %min3A_510, %gather3A_524 : vector<16xf32>
    %iota3A_526 = tpu.iota {dimensions = array<i32: 0>} : vector<16xi32>
    %xor3A_527 = arith.constant 1 : i32
    %xor3A_528 = vector.broadcast %xor3A_527 : i32 to vector<16xi32>
    %xor3A_529 = arith.xori %iota3A_526, %xor3A_528 : vector<16xi32>
    %lt3A_530 = arith.constant 0 : i32
    %lt3A_531 = vector.broadcast %lt3A_530 : i32 to vector<16xi32>
    %lt3A_532 = arith.cmpi slt, %xor3A_529, %lt3A_531 : vector<16xi32>
    %add3A_533 = arith.constant 16 : i32
    %add3A_534 = vector.broadcast %add3A_533 : i32 to vector<16xi32>
    %add3A_535 = arith.addi %xor3A_529, %add3A_534 : vector<16xi32>
    %select_n3A_536 = arith.select %lt3A_532, %add3A_535, %xor3A_529 : vector<16xi1>, vector<16xi32>
    %reshape3A_537 = vector.shape_cast %select_n3A_536 : vector<16xi32> to vector<16x1xi32>
    %gather3A_538 = vector.shape_cast %reshape3A_537 : vector<16x1xi32> to vector<16xi32>
    %gather3A_539 = tpu.dynamic_gather %min3A_525[%gather3A_538] in [0] : vector<16xf32>, vector<16xi32> -> vector<16xf32>
    %min3A_540 = arith.minimumf %min3A_525, %gather3A_539 : vector<16xf32>
    %swap3A_541 = arith.constant 5 : i32
    %swap3A_542 = arith.index_cast %swap3A_541 : i32 to index
    %swap3A_543 = arith.constant 0 : index
    %swap3A_544 = tpu.vector_load %arg6[%swap3A_542, %swap3A_543] {strides = array<i32>} : memref<8x16xf32, #tpu.memory_space<vmem>>, vector<1x16xf32>,
    %swap3A_545 = vector.shape_cast %swap3A_544 : vector<1x16xf32> to vector<16xf32>
    %swap3A_546 = vector.shape_cast %min3A_540 : vector<16xf32> to vector<1x16xf32>
    tpu.vector_store %arg6[%swap3A_542, %swap3A_543], %swap3A_546 {strides = array<i32>} : memref<8x16xf32, #tpu.memory_space<vmem>>, vector<1x16xf32>,
    %broadcast_in_dim3A_547 = arith.constant 0x7F800000 : f32
    %broadcast_in_dim3A_548 = vector.broadcast %broadcast_in_dim3A_547 : f32 to vector<16xf32>
    %broadcast_in_dim3A_549 = arith.constant 0x7F800000 : f32
    %broadcast_in_dim3A_550 = vector.broadcast %broadcast_in_dim3A_549 : f32 to vector<16xf32>
    %broadcast_in_dim3A_551 = arith.constant 0x7F800000 : f32
    %broadcast_in_dim3A_552 = vector.broadcast %broadcast_in_dim3A_551 : f32 to vector<16xf32>
    %broadcast_in_dim3A_553 = arith.constant 0x7F800000 : f32
    %broadcast_in_dim3A_554 = vector.broadcast %broadcast_in_dim3A_553 : f32 to vector<16xf32>
    %scan3A_555 = arith.constant 0 : i32
    %scan3A_556 = arith.constant 128 : i32
    %scan3A_557 = arith.addi %scan3A_555, %scan3A_556 : i32
    %scan3A_558 = arith.constant 8 : i32
    %scan3A_559:4 = scf.for %scan3A_715 = %scan3A_555 to %scan3A_557 step %scan3A_558 iter_args(%scan3A_716 = %broadcast_in_dim3A_548, %scan3A_717 = %broadcast_in_dim3A_550, %scan3A_718 = %broadcast_in_dim3A_552, %scan3A_719 = %broadcast_in_dim3A_554) -> (vector<16xf32>, vector<16xf32>, vector<16xf32>, vector<16xf32>)  : i32 {
      %mul3A_720 = arith.constant 4 : i32
      %mul3A_721 = arith.muli %scan3A_715, %mul3A_720 : i32
      %add3A_722 = arith.constant 0 : i32
      %add3A_723 = arith.addi %mul3A_721, %add3A_722 : i32
      %mul3A_724 = arith.constant 16 : i32
      %mul3A_725 = arith.muli %add3A_723, %mul3A_724 : i32
      %get3A = arith.constant 1 : i32
      %get3A_726 = arith.constant 2 : i32
      %get3A_727 = arith.index_cast %get3A : i32 to index
      %get3A_728 = arith.index_cast %get3A_726 : i32 to index
      %get3A_729 = arith.index_cast %mul3A_725 : i32 to index
      %get3A_730 = tpu.vector_load %arg5[%get3A_727, %get3A_728, %get3A_729] {strides = array<i32>} : memref<2x4x8192xf32, #tpu.memory_space<vmem>>, vector<1x1x16xf32>,
      %get3A_731 = vector.shape_cast %get3A_730 : vector<1x1x16xf32> to vector<16xf32>
      %min3A_732 = arith.minimumf %scan3A_716, %get3A_731 : vector<16xf32>
      %mul3A_733 = arith.constant 4 : i32
      %mul3A_734 = arith.muli %scan3A_715, %mul3A_733 : i32
      %add3A_735 = arith.constant 1 : i32
      %add3A_736 = arith.addi %mul3A_734, %add3A_735 : i32
      %mul3A_737 = arith.constant 16 : i32
      %mul3A_738 = arith.muli %add3A_736, %mul3A_737 : i32
      %get3A_739 = arith.constant 1 : i32
      %get3A_740 = arith.constant 2 : i32
      %get3A_741 = arith.index_cast %get3A_739 : i32 to index
      %get3A_742 = arith.index_cast %get3A_740 : i32 to index
      %get3A_743 = arith.index_cast %mul3A_738 : i32 to index
      %get3A_744 = tpu.vector_load %arg5[%get3A_741, %get3A_742, %get3A_743] {strides = array<i32>} : memref<2x4x8192xf32, #tpu.memory_space<vmem>>, vector<1x1x16xf32>,
      %get3A_745 = vector.shape_cast %get3A_744 : vector<1x1x16xf32> to vector<16xf32>
      %min3A_746 = arith.minimumf %scan3A_717, %get3A_745 : vector<16xf32>
      %mul3A_747 = arith.constant 4 : i32
      %mul3A_748 = arith.muli %scan3A_715, %mul3A_747 : i32
      %add3A_749 = arith.constant 2 : i32
      %add3A_750 = arith.addi %mul3A_748, %add3A_749 : i32
      %mul3A_751 = arith.constant 16 : i32
      %mul3A_752 = arith.muli %add3A_750, %mul3A_751 : i32
      %get3A_753 = arith.constant 1 : i32
      %get3A_754 = arith.constant 2 : i32
      %get3A_755 = arith.index_cast %get3A_753 : i32 to index
      %get3A_756 = arith.index_cast %get3A_754 : i32 to index
      %get3A_757 = arith.index_cast %mul3A_752 : i32 to index
      %get3A_758 = tpu.vector_load %arg5[%get3A_755, %get3A_756, %get3A_757] {strides = array<i32>} : memref<2x4x8192xf32, #tpu.memory_space<vmem>>, vector<1x1x16xf32>,
      %get3A_759 = vector.shape_cast %get3A_758 : vector<1x1x16xf32> to vector<16xf32>
      %min3A_760 = arith.minimumf %scan3A_718, %get3A_759 : vector<16xf32>
      %mul3A_761 = arith.constant 4 : i32
      %mul3A_762 = arith.muli %scan3A_715, %mul3A_761 : i32
      %add3A_763 = arith.constant 3 : i32
      %add3A_764 = arith.addi %mul3A_762, %add3A_763 : i32
      %mul3A_765 = arith.constant 16 : i32
      %mul3A_766 = arith.muli %add3A_764, %mul3A_765 : i32
      %get3A_767 = arith.constant 1 : i32
      %get3A_768 = arith.constant 2 : i32
      %get3A_769 = arith.index_cast %get3A_767 : i32 to index
      %get3A_770 = arith.index_cast %get3A_768 : i32 to index
      %get3A_771 = arith.index_cast %mul3A_766 : i32 to index
      %get3A_772 = tpu.vector_load %arg5[%get3A_769, %get3A_770, %get3A_771] {strides = array<i32>} : memref<2x4x8192xf32, #tpu.memory_space<vmem>>, vector<1x1x16xf32>,
      %get3A_773 = vector.shape_cast %get3A_772 : vector<1x1x16xf32> to vector<16xf32>
      %min3A_774 = arith.minimumf %scan3A_719, %get3A_773 : vector<16xf32>
      %scan3A_775 = arith.constant 1 : i32
      %scan3A_776 = arith.addi %scan3A_715, %scan3A_775 : i32
      %mul3A_777 = arith.constant 4 : i32
      %mul3A_778 = arith.muli %scan3A_776, %mul3A_777 : i32
      %add3A_779 = arith.constant 0 : i32
      %add3A_780 = arith.addi %mul3A_778, %add3A_779 : i32
      %mul3A_781 = arith.constant 16 : i32
      %mul3A_782 = arith.muli %add3A_780, %mul3A_781 : i32
      %get3A_783 = arith.constant 1 : i32
      %get3A_784 = arith.constant 2 : i32
      %get3A_785 = arith.index_cast %get3A_783 : i32 to index
      %get3A_786 = arith.index_cast %get3A_784 : i32 to index
      %get3A_787 = arith.index_cast %mul3A_782 : i32 to index
      %get3A_788 = tpu.vector_load %arg5[%get3A_785, %get3A_786, %get3A_787] {strides = array<i32>} : memref<2x4x8192xf32, #tpu.memory_space<vmem>>, vector<1x1x16xf32>,
      %get3A_789 = vector.shape_cast %get3A_788 : vector<1x1x16xf32> to vector<16xf32>
      %min3A_790 = arith.minimumf %min3A_732, %get3A_789 : vector<16xf32>
      %mul3A_791 = arith.constant 4 : i32
      %mul3A_792 = arith.muli %scan3A_776, %mul3A_791 : i32
      %add3A_793 = arith.constant 1 : i32
      %add3A_794 = arith.addi %mul3A_792, %add3A_793 : i32
      %mul3A_795 = arith.constant 16 : i32
      %mul3A_796 = arith.muli %add3A_794, %mul3A_795 : i32
      %get3A_797 = arith.constant 1 : i32
      %get3A_798 = arith.constant 2 : i32
      %get3A_799 = arith.index_cast %get3A_797 : i32 to index
      %get3A_800 = arith.index_cast %get3A_798 : i32 to index
      %get3A_801 = arith.index_cast %mul3A_796 : i32 to index
      %get3A_802 = tpu.vector_load %arg5[%get3A_799, %get3A_800, %get3A_801] {strides = array<i32>} : memref<2x4x8192xf32, #tpu.memory_space<vmem>>, vector<1x1x16xf32>,
      %get3A_803 = vector.shape_cast %get3A_802 : vector<1x1x16xf32> to vector<16xf32>
      %min3A_804 = arith.minimumf %min3A_746, %get3A_803 : vector<16xf32>
      %mul3A_805 = arith.constant 4 : i32
      %mul3A_806 = arith.muli %scan3A_776, %mul3A_805 : i32
      %add3A_807 = arith.constant 2 : i32
      %add3A_808 = arith.addi %mul3A_806, %add3A_807 : i32
      %mul3A_809 = arith.constant 16 : i32
      %mul3A_810 = arith.muli %add3A_808, %mul3A_809 : i32
      %get3A_811 = arith.constant 1 : i32
      %get3A_812 = arith.constant 2 : i32
      %get3A_813 = arith.index_cast %get3A_811 : i32 to index
      %get3A_814 = arith.index_cast %get3A_812 : i32 to index
      %get3A_815 = arith.index_cast %mul3A_810 : i32 to index
      %get3A_816 = tpu.vector_load %arg5[%get3A_813, %get3A_814, %get3A_815] {strides = array<i32>} : memref<2x4x8192xf32, #tpu.memory_space<vmem>>, vector<1x1x16xf32>,
      %get3A_817 = vector.shape_cast %get3A_816 : vector<1x1x16xf32> to vector<16xf32>
      %min3A_818 = arith.minimumf %min3A_760, %get3A_817 : vector<16xf32>
      %mul3A_819 = arith.constant 4 : i32
      %mul3A_820 = arith.muli %scan3A_776, %mul3A_819 : i32
      %add3A_821 = arith.constant 3 : i32
      %add3A_822 = arith.addi %mul3A_820, %add3A_821 : i32
      %mul3A_823 = arith.constant 16 : i32
      %mul3A_824 = arith.muli %add3A_822, %mul3A_823 : i32
      %get3A_825 = arith.constant 1 : i32
      %get3A_826 = arith.constant 2 : i32
      %get3A_827 = arith.index_cast %get3A_825 : i32 to index
      %get3A_828 = arith.index_cast %get3A_826 : i32 to index
      %get3A_829 = arith.index_cast %mul3A_824 : i32 to index
      %get3A_830 = tpu.vector_load %arg5[%get3A_827, %get3A_828, %get3A_829] {strides = array<i32>} : memref<2x4x8192xf32, #tpu.memory_space<vmem>>, vector<1x1x16xf32>,
      %get3A_831 = vector.shape_cast %get3A_830 : vector<1x1x16xf32> to vector<16xf32>
      %min3A_832 = arith.minimumf %min3A_774, %get3A_831 : vector<16xf32>
      %scan3A_833 = arith.constant 2 : i32
      %scan3A_834 = arith.addi %scan3A_715, %scan3A_833 : i32
      %mul3A_835 = arith.constant 4 : i32
      %mul3A_836 = arith.muli %scan3A_834, %mul3A_835 : i32
      %add3A_837 = arith.constant 0 : i32
      %add3A_838 = arith.addi %mul3A_836, %add3A_837 : i32
      %mul3A_839 = arith.constant 16 : i32
      %mul3A_840 = arith.muli %add3A_838, %mul3A_839 : i32
      %get3A_841 = arith.constant 1 : i32
      %get3A_842 = arith.constant 2 : i32
      %get3A_843 = arith.index_cast %get3A_841 : i32 to index
      %get3A_844 = arith.index_cast %get3A_842 : i32 to index
      %get3A_845 = arith.index_cast %mul3A_840 : i32 to index
      %get3A_846 = tpu.vector_load %arg5[%get3A_843, %get3A_844, %get3A_845] {strides = array<i32>} : memref<2x4x8192xf32, #tpu.memory_space<vmem>>, vector<1x1x16xf32>,
      %get3A_847 = vector.shape_cast %get3A_846 : vector<1x1x16xf32> to vector<16xf32>
      %min3A_848 = arith.minimumf %min3A_790, %get3A_847 : vector<16xf32>
      %mul3A_849 = arith.constant 4 : i32
      %mul3A_850 = arith.muli %scan3A_834, %mul3A_849 : i32
      %add3A_851 = arith.constant 1 : i32
      %add3A_852 = arith.addi %mul3A_850, %add3A_851 : i32
      %mul3A_853 = arith.constant 16 : i32
      %mul3A_854 = arith.muli %add3A_852, %mul3A_853 : i32
      %get3A_855 = arith.constant 1 : i32
      %get3A_856 = arith.constant 2 : i32
      %get3A_857 = arith.index_cast %get3A_855 : i32 to index
      %get3A_858 = arith.index_cast %get3A_856 : i32 to index
      %get3A_859 = arith.index_cast %mul3A_854 : i32 to index
      %get3A_860 = tpu.vector_load %arg5[%get3A_857, %get3A_858, %get3A_859] {strides = array<i32>} : memref<2x4x8192xf32, #tpu.memory_space<vmem>>, vector<1x1x16xf32>,
      %get3A_861 = vector.shape_cast %get3A_860 : vector<1x1x16xf32> to vector<16xf32>
      %min3A_862 = arith.minimumf %min3A_804, %get3A_861 : vector<16xf32>
      %mul3A_863 = arith.constant 4 : i32
      %mul3A_864 = arith.muli %scan3A_834, %mul3A_863 : i32
      %add3A_865 = arith.constant 2 : i32
      %add3A_866 = arith.addi %mul3A_864, %add3A_865 : i32
      %mul3A_867 = arith.constant 16 : i32
      %mul3A_868 = arith.muli %add3A_866, %mul3A_867 : i32
      %get3A_869 = arith.constant 1 : i32
      %get3A_870 = arith.constant 2 : i32
      %get3A_871 = arith.index_cast %get3A_869 : i32 to index
      %get3A_872 = arith.index_cast %get3A_870 : i32 to index
      %get3A_873 = arith.index_cast %mul3A_868 : i32 to index
      %get3A_874 = tpu.vector_load %arg5[%get3A_871, %get3A_872, %get3A_873] {strides = array<i32>} : memref<2x4x8192xf32, #tpu.memory_space<vmem>>, vector<1x1x16xf32>,
      %get3A_875 = vector.shape_cast %get3A_874 : vector<1x1x16xf32> to vector<16xf32>
      %min3A_876 = arith.minimumf %min3A_818, %get3A_875 : vector<16xf32>
      %mul3A_877 = arith.constant 4 : i32
      %mul3A_878 = arith.muli %scan3A_834, %mul3A_877 : i32
      %add3A_879 = arith.constant 3 : i32
      %add3A_880 = arith.addi %mul3A_878, %add3A_879 : i32
      %mul3A_881 = arith.constant 16 : i32
      %mul3A_882 = arith.muli %add3A_880, %mul3A_881 : i32
      %get3A_883 = arith.constant 1 : i32
      %get3A_884 = arith.constant 2 : i32
      %get3A_885 = arith.index_cast %get3A_883 : i32 to index
      %get3A_886 = arith.index_cast %get3A_884 : i32 to index
      %get3A_887 = arith.index_cast %mul3A_882 : i32 to index
      %get3A_888 = tpu.vector_load %arg5[%get3A_885, %get3A_886, %get3A_887] {strides = array<i32>} : memref<2x4x8192xf32, #tpu.memory_space<vmem>>, vector<1x1x16xf32>,
      %get3A_889 = vector.shape_cast %get3A_888 : vector<1x1x16xf32> to vector<16xf32>
      %min3A_890 = arith.minimumf %min3A_832, %get3A_889 : vector<16xf32>
      %scan3A_891 = arith.constant 3 : i32
      %scan3A_892 = arith.addi %scan3A_715, %scan3A_891 : i32
      %mul3A_893 = arith.constant 4 : i32
      %mul3A_894 = arith.muli %scan3A_892, %mul3A_893 : i32
      %add3A_895 = arith.constant 0 : i32
      %add3A_896 = arith.addi %mul3A_894, %add3A_895 : i32
      %mul3A_897 = arith.constant 16 : i32
      %mul3A_898 = arith.muli %add3A_896, %mul3A_897 : i32
      %get3A_899 = arith.constant 1 : i32
      %get3A_900 = arith.constant 2 : i32
      %get3A_901 = arith.index_cast %get3A_899 : i32 to index
      %get3A_902 = arith.index_cast %get3A_900 : i32 to index
      %get3A_903 = arith.index_cast %mul3A_898 : i32 to index
      %get3A_904 = tpu.vector_load %arg5[%get3A_901, %get3A_902, %get3A_903] {strides = array<i32>} : memref<2x4x8192xf32, #tpu.memory_space<vmem>>, vector<1x1x16xf32>,
      %get3A_905 = vector.shape_cast %get3A_904 : vector<1x1x16xf32> to vector<16xf32>
      %min3A_906 = arith.minimumf %min3A_848, %get3A_905 : vector<16xf32>
      %mul3A_907 = arith.constant 4 : i32
      %mul3A_908 = arith.muli %scan3A_892, %mul3A_907 : i32
      %add3A_909 = arith.constant 1 : i32
      %add3A_910 = arith.addi %mul3A_908, %add3A_909 : i32
      %mul3A_911 = arith.constant 16 : i32
      %mul3A_912 = arith.muli %add3A_910, %mul3A_911 : i32
      %get3A_913 = arith.constant 1 : i32
      %get3A_914 = arith.constant 2 : i32
      %get3A_915 = arith.index_cast %get3A_913 : i32 to index
      %get3A_916 = arith.index_cast %get3A_914 : i32 to index
      %get3A_917 = arith.index_cast %mul3A_912 : i32 to index
      %get3A_918 = tpu.vector_load %arg5[%get3A_915, %get3A_916, %get3A_917] {strides = array<i32>} : memref<2x4x8192xf32, #tpu.memory_space<vmem>>, vector<1x1x16xf32>,
      %get3A_919 = vector.shape_cast %get3A_918 : vector<1x1x16xf32> to vector<16xf32>
      %min3A_920 = arith.minimumf %min3A_862, %get3A_919 : vector<16xf32>
      %mul3A_921 = arith.constant 4 : i32
      %mul3A_922 = arith.muli %scan3A_892, %mul3A_921 : i32
      %add3A_923 = arith.constant 2 : i32
      %add3A_924 = arith.addi %mul3A_922, %add3A_923 : i32
      %mul3A_925 = arith.constant 16 : i32
      %mul3A_926 = arith.muli %add3A_924, %mul3A_925 : i32
      %get3A_927 = arith.constant 1 : i32
      %get3A_928 = arith.constant 2 : i32
      %get3A_929 = arith.index_cast %get3A_927 : i32 to index
      %get3A_930 = arith.index_cast %get3A_928 : i32 to index
      %get3A_931 = arith.index_cast %mul3A_926 : i32 to index
      %get3A_932 = tpu.vector_load %arg5[%get3A_929, %get3A_930, %get3A_931] {strides = array<i32>} : memref<2x4x8192xf32, #tpu.memory_space<vmem>>, vector<1x1x16xf32>,
      %get3A_933 = vector.shape_cast %get3A_932 : vector<1x1x16xf32> to vector<16xf32>
      %min3A_934 = arith.minimumf %min3A_876, %get3A_933 : vector<16xf32>
      %mul3A_935 = arith.constant 4 : i32
      %mul3A_936 = arith.muli %scan3A_892, %mul3A_935 : i32
      %add3A_937 = arith.constant 3 : i32
      %add3A_938 = arith.addi %mul3A_936, %add3A_937 : i32
      %mul3A_939 = arith.constant 16 : i32
      %mul3A_940 = arith.muli %add3A_938, %mul3A_939 : i32
      %get3A_941 = arith.constant 1 : i32
      %get3A_942 = arith.constant 2 : i32
      %get3A_943 = arith.index_cast %get3A_941 : i32 to index
      %get3A_944 = arith.index_cast %get3A_942 : i32 to index
      %get3A_945 = arith.index_cast %mul3A_940 : i32 to index
      %get3A_946 = tpu.vector_load %arg5[%get3A_943, %get3A_944, %get3A_945] {strides = array<i32>} : memref<2x4x8192xf32, #tpu.memory_space<vmem>>, vector<1x1x16xf32>,
      %get3A_947 = vector.shape_cast %get3A_946 : vector<1x1x16xf32> to vector<16xf32>
      %min3A_948 = arith.minimumf %min3A_890, %get3A_947 : vector<16xf32>
      %scan3A_949 = arith.constant 4 : i32
      %scan3A_950 = arith.addi %scan3A_715, %scan3A_949 : i32
      %mul3A_951 = arith.constant 4 : i32
      %mul3A_952 = arith.muli %scan3A_950, %mul3A_951 : i32
      %add3A_953 = arith.constant 0 : i32
      %add3A_954 = arith.addi %mul3A_952, %add3A_953 : i32
      %mul3A_955 = arith.constant 16 : i32
      %mul3A_956 = arith.muli %add3A_954, %mul3A_955 : i32
      %get3A_957 = arith.constant 1 : i32
      %get3A_958 = arith.constant 2 : i32
      %get3A_959 = arith.index_cast %get3A_957 : i32 to index
      %get3A_960 = arith.index_cast %get3A_958 : i32 to index
      %get3A_961 = arith.index_cast %mul3A_956 : i32 to index
      %get3A_962 = tpu.vector_load %arg5[%get3A_959, %get3A_960, %get3A_961] {strides = array<i32>} : memref<2x4x8192xf32, #tpu.memory_space<vmem>>, vector<1x1x16xf32>,
      %get3A_963 = vector.shape_cast %get3A_962 : vector<1x1x16xf32> to vector<16xf32>
      %min3A_964 = arith.minimumf %min3A_906, %get3A_963 : vector<16xf32>
      %mul3A_965 = arith.constant 4 : i32
      %mul3A_966 = arith.muli %scan3A_950, %mul3A_965 : i32
      %add3A_967 = arith.constant 1 : i32
      %add3A_968 = arith.addi %mul3A_966, %add3A_967 : i32
      %mul3A_969 = arith.constant 16 : i32
      %mul3A_970 = arith.muli %add3A_968, %mul3A_969 : i32
      %get3A_971 = arith.constant 1 : i32
      %get3A_972 = arith.constant 2 : i32
      %get3A_973 = arith.index_cast %get3A_971 : i32 to index
      %get3A_974 = arith.index_cast %get3A_972 : i32 to index
      %get3A_975 = arith.index_cast %mul3A_970 : i32 to index
      %get3A_976 = tpu.vector_load %arg5[%get3A_973, %get3A_974, %get3A_975] {strides = array<i32>} : memref<2x4x8192xf32, #tpu.memory_space<vmem>>, vector<1x1x16xf32>,
      %get3A_977 = vector.shape_cast %get3A_976 : vector<1x1x16xf32> to vector<16xf32>
      %min3A_978 = arith.minimumf %min3A_920, %get3A_977 : vector<16xf32>
      %mul3A_979 = arith.constant 4 : i32
      %mul3A_980 = arith.muli %scan3A_950, %mul3A_979 : i32
      %add3A_981 = arith.constant 2 : i32
      %add3A_982 = arith.addi %mul3A_980, %add3A_981 : i32
      %mul3A_983 = arith.constant 16 : i32
      %mul3A_984 = arith.muli %add3A_982, %mul3A_983 : i32
      %get3A_985 = arith.constant 1 : i32
      %get3A_986 = arith.constant 2 : i32
      %get3A_987 = arith.index_cast %get3A_985 : i32 to index
      %get3A_988 = arith.index_cast %get3A_986 : i32 to index
      %get3A_989 = arith.index_cast %mul3A_984 : i32 to index
      %get3A_990 = tpu.vector_load %arg5[%get3A_987, %get3A_988, %get3A_989] {strides = array<i32>} : memref<2x4x8192xf32, #tpu.memory_space<vmem>>, vector<1x1x16xf32>,
      %get3A_991 = vector.shape_cast %get3A_990 : vector<1x1x16xf32> to vector<16xf32>
      %min3A_992 = arith.minimumf %min3A_934, %get3A_991 : vector<16xf32>
      %mul3A_993 = arith.constant 4 : i32
      %mul3A_994 = arith.muli %scan3A_950, %mul3A_993 : i32
      %add3A_995 = arith.constant 3 : i32
      %add3A_996 = arith.addi %mul3A_994, %add3A_995 : i32
      %mul3A_997 = arith.constant 16 : i32
      %mul3A_998 = arith.muli %add3A_996, %mul3A_997 : i32
      %get3A_999 = arith.constant 1 : i32
      %get3A_1000 = arith.constant 2 : i32
      %get3A_1001 = arith.index_cast %get3A_999 : i32 to index
      %get3A_1002 = arith.index_cast %get3A_1000 : i32 to index
      %get3A_1003 = arith.index_cast %mul3A_998 : i32 to index
      %get3A_1004 = tpu.vector_load %arg5[%get3A_1001, %get3A_1002, %get3A_1003] {strides = array<i32>} : memref<2x4x8192xf32, #tpu.memory_space<vmem>>, vector<1x1x16xf32>,
      %get3A_1005 = vector.shape_cast %get3A_1004 : vector<1x1x16xf32> to vector<16xf32>
      %min3A_1006 = arith.minimumf %min3A_948, %get3A_1005 : vector<16xf32>
      %scan3A_1007 = arith.constant 5 : i32
      %scan3A_1008 = arith.addi %scan3A_715, %scan3A_1007 : i32
      %mul3A_1009 = arith.constant 4 : i32
      %mul3A_1010 = arith.muli %scan3A_1008, %mul3A_1009 : i32
      %add3A_1011 = arith.constant 0 : i32
      %add3A_1012 = arith.addi %mul3A_1010, %add3A_1011 : i32
      %mul3A_1013 = arith.constant 16 : i32
      %mul3A_1014 = arith.muli %add3A_1012, %mul3A_1013 : i32
      %get3A_1015 = arith.constant 1 : i32
      %get3A_1016 = arith.constant 2 : i32
      %get3A_1017 = arith.index_cast %get3A_1015 : i32 to index
      %get3A_1018 = arith.index_cast %get3A_1016 : i32 to index
      %get3A_1019 = arith.index_cast %mul3A_1014 : i32 to index
      %get3A_1020 = tpu.vector_load %arg5[%get3A_1017, %get3A_1018, %get3A_1019] {strides = array<i32>} : memref<2x4x8192xf32, #tpu.memory_space<vmem>>, vector<1x1x16xf32>,
      %get3A_1021 = vector.shape_cast %get3A_1020 : vector<1x1x16xf32> to vector<16xf32>
      %min3A_1022 = arith.minimumf %min3A_964, %get3A_1021 : vector<16xf32>
      %mul3A_1023 = arith.constant 4 : i32
      %mul3A_1024 = arith.muli %scan3A_1008, %mul3A_1023 : i32
      %add3A_1025 = arith.constant 1 : i32
      %add3A_1026 = arith.addi %mul3A_1024, %add3A_1025 : i32
      %mul3A_1027 = arith.constant 16 : i32
      %mul3A_1028 = arith.muli %add3A_1026, %mul3A_1027 : i32
      %get3A_1029 = arith.constant 1 : i32
      %get3A_1030 = arith.constant 2 : i32
      %get3A_1031 = arith.index_cast %get3A_1029 : i32 to index
      %get3A_1032 = arith.index_cast %get3A_1030 : i32 to index
      %get3A_1033 = arith.index_cast %mul3A_1028 : i32 to index
      %get3A_1034 = tpu.vector_load %arg5[%get3A_1031, %get3A_1032, %get3A_1033] {strides = array<i32>} : memref<2x4x8192xf32, #tpu.memory_space<vmem>>, vector<1x1x16xf32>,
      %get3A_1035 = vector.shape_cast %get3A_1034 : vector<1x1x16xf32> to vector<16xf32>
      %min3A_1036 = arith.minimumf %min3A_978, %get3A_1035 : vector<16xf32>
      %mul3A_1037 = arith.constant 4 : i32
      %mul3A_1038 = arith.muli %scan3A_1008, %mul3A_1037 : i32
      %add3A_1039 = arith.constant 2 : i32
      %add3A_1040 = arith.addi %mul3A_1038, %add3A_1039 : i32
      %mul3A_1041 = arith.constant 16 : i32
      %mul3A_1042 = arith.muli %add3A_1040, %mul3A_1041 : i32
      %get3A_1043 = arith.constant 1 : i32
      %get3A_1044 = arith.constant 2 : i32
      %get3A_1045 = arith.index_cast %get3A_1043 : i32 to index
      %get3A_1046 = arith.index_cast %get3A_1044 : i32 to index
      %get3A_1047 = arith.index_cast %mul3A_1042 : i32 to index
      %get3A_1048 = tpu.vector_load %arg5[%get3A_1045, %get3A_1046, %get3A_1047] {strides = array<i32>} : memref<2x4x8192xf32, #tpu.memory_space<vmem>>, vector<1x1x16xf32>,
      %get3A_1049 = vector.shape_cast %get3A_1048 : vector<1x1x16xf32> to vector<16xf32>
      %min3A_1050 = arith.minimumf %min3A_992, %get3A_1049 : vector<16xf32>
      %mul3A_1051 = arith.constant 4 : i32
      %mul3A_1052 = arith.muli %scan3A_1008, %mul3A_1051 : i32
      %add3A_1053 = arith.constant 3 : i32
      %add3A_1054 = arith.addi %mul3A_1052, %add3A_1053 : i32
      %mul3A_1055 = arith.constant 16 : i32
      %mul3A_1056 = arith.muli %add3A_1054, %mul3A_1055 : i32
      %get3A_1057 = arith.constant 1 : i32
      %get3A_1058 = arith.constant 2 : i32
      %get3A_1059 = arith.index_cast %get3A_1057 : i32 to index
      %get3A_1060 = arith.index_cast %get3A_1058 : i32 to index
      %get3A_1061 = arith.index_cast %mul3A_1056 : i32 to index
      %get3A_1062 = tpu.vector_load %arg5[%get3A_1059, %get3A_1060, %get3A_1061] {strides = array<i32>} : memref<2x4x8192xf32, #tpu.memory_space<vmem>>, vector<1x1x16xf32>,
      %get3A_1063 = vector.shape_cast %get3A_1062 : vector<1x1x16xf32> to vector<16xf32>
      %min3A_1064 = arith.minimumf %min3A_1006, %get3A_1063 : vector<16xf32>
      %scan3A_1065 = arith.constant 6 : i32
      %scan3A_1066 = arith.addi %scan3A_715, %scan3A_1065 : i32
      %mul3A_1067 = arith.constant 4 : i32
      %mul3A_1068 = arith.muli %scan3A_1066, %mul3A_1067 : i32
      %add3A_1069 = arith.constant 0 : i32
      %add3A_1070 = arith.addi %mul3A_1068, %add3A_1069 : i32
      %mul3A_1071 = arith.constant 16 : i32
      %mul3A_1072 = arith.muli %add3A_1070, %mul3A_1071 : i32
      %get3A_1073 = arith.constant 1 : i32
      %get3A_1074 = arith.constant 2 : i32
      %get3A_1075 = arith.index_cast %get3A_1073 : i32 to index
      %get3A_1076 = arith.index_cast %get3A_1074 : i32 to index
      %get3A_1077 = arith.index_cast %mul3A_1072 : i32 to index
      %get3A_1078 = tpu.vector_load %arg5[%get3A_1075, %get3A_1076, %get3A_1077] {strides = array<i32>} : memref<2x4x8192xf32, #tpu.memory_space<vmem>>, vector<1x1x16xf32>,
      %get3A_1079 = vector.shape_cast %get3A_1078 : vector<1x1x16xf32> to vector<16xf32>
      %min3A_1080 = arith.minimumf %min3A_1022, %get3A_1079 : vector<16xf32>
      %mul3A_1081 = arith.constant 4 : i32
      %mul3A_1082 = arith.muli %scan3A_1066, %mul3A_1081 : i32
      %add3A_1083 = arith.constant 1 : i32
      %add3A_1084 = arith.addi %mul3A_1082, %add3A_1083 : i32
      %mul3A_1085 = arith.constant 16 : i32
      %mul3A_1086 = arith.muli %add3A_1084, %mul3A_1085 : i32
      %get3A_1087 = arith.constant 1 : i32
      %get3A_1088 = arith.constant 2 : i32
      %get3A_1089 = arith.index_cast %get3A_1087 : i32 to index
      %get3A_1090 = arith.index_cast %get3A_1088 : i32 to index
      %get3A_1091 = arith.index_cast %mul3A_1086 : i32 to index
      %get3A_1092 = tpu.vector_load %arg5[%get3A_1089, %get3A_1090, %get3A_1091] {strides = array<i32>} : memref<2x4x8192xf32, #tpu.memory_space<vmem>>, vector<1x1x16xf32>,
      %get3A_1093 = vector.shape_cast %get3A_1092 : vector<1x1x16xf32> to vector<16xf32>
      %min3A_1094 = arith.minimumf %min3A_1036, %get3A_1093 : vector<16xf32>
      %mul3A_1095 = arith.constant 4 : i32
      %mul3A_1096 = arith.muli %scan3A_1066, %mul3A_1095 : i32
      %add3A_1097 = arith.constant 2 : i32
      %add3A_1098 = arith.addi %mul3A_1096, %add3A_1097 : i32
      %mul3A_1099 = arith.constant 16 : i32
      %mul3A_1100 = arith.muli %add3A_1098, %mul3A_1099 : i32
      %get3A_1101 = arith.constant 1 : i32
      %get3A_1102 = arith.constant 2 : i32
      %get3A_1103 = arith.index_cast %get3A_1101 : i32 to index
      %get3A_1104 = arith.index_cast %get3A_1102 : i32 to index
      %get3A_1105 = arith.index_cast %mul3A_1100 : i32 to index
      %get3A_1106 = tpu.vector_load %arg5[%get3A_1103, %get3A_1104, %get3A_1105] {strides = array<i32>} : memref<2x4x8192xf32, #tpu.memory_space<vmem>>, vector<1x1x16xf32>,
      %get3A_1107 = vector.shape_cast %get3A_1106 : vector<1x1x16xf32> to vector<16xf32>
      %min3A_1108 = arith.minimumf %min3A_1050, %get3A_1107 : vector<16xf32>
      %mul3A_1109 = arith.constant 4 : i32
      %mul3A_1110 = arith.muli %scan3A_1066, %mul3A_1109 : i32
      %add3A_1111 = arith.constant 3 : i32
      %add3A_1112 = arith.addi %mul3A_1110, %add3A_1111 : i32
      %mul3A_1113 = arith.constant 16 : i32
      %mul3A_1114 = arith.muli %add3A_1112, %mul3A_1113 : i32
      %get3A_1115 = arith.constant 1 : i32
      %get3A_1116 = arith.constant 2 : i32
      %get3A_1117 = arith.index_cast %get3A_1115 : i32 to index
      %get3A_1118 = arith.index_cast %get3A_1116 : i32 to index
      %get3A_1119 = arith.index_cast %mul3A_1114 : i32 to index
      %get3A_1120 = tpu.vector_load %arg5[%get3A_1117, %get3A_1118, %get3A_1119] {strides = array<i32>} : memref<2x4x8192xf32, #tpu.memory_space<vmem>>, vector<1x1x16xf32>,
      %get3A_1121 = vector.shape_cast %get3A_1120 : vector<1x1x16xf32> to vector<16xf32>
      %min3A_1122 = arith.minimumf %min3A_1064, %get3A_1121 : vector<16xf32>
      %scan3A_1123 = arith.constant 7 : i32
      %scan3A_1124 = arith.addi %scan3A_715, %scan3A_1123 : i32
      %mul3A_1125 = arith.constant 4 : i32
      %mul3A_1126 = arith.muli %scan3A_1124, %mul3A_1125 : i32
      %add3A_1127 = arith.constant 0 : i32
      %add3A_1128 = arith.addi %mul3A_1126, %add3A_1127 : i32
      %mul3A_1129 = arith.constant 16 : i32
      %mul3A_1130 = arith.muli %add3A_1128, %mul3A_1129 : i32
      %get3A_1131 = arith.constant 1 : i32
      %get3A_1132 = arith.constant 2 : i32
      %get3A_1133 = arith.index_cast %get3A_1131 : i32 to index
      %get3A_1134 = arith.index_cast %get3A_1132 : i32 to index
      %get3A_1135 = arith.index_cast %mul3A_1130 : i32 to index
      %get3A_1136 = tpu.vector_load %arg5[%get3A_1133, %get3A_1134, %get3A_1135] {strides = array<i32>} : memref<2x4x8192xf32, #tpu.memory_space<vmem>>, vector<1x1x16xf32>,
      %get3A_1137 = vector.shape_cast %get3A_1136 : vector<1x1x16xf32> to vector<16xf32>
      %min3A_1138 = arith.minimumf %min3A_1080, %get3A_1137 : vector<16xf32>
      %mul3A_1139 = arith.constant 4 : i32
      %mul3A_1140 = arith.muli %scan3A_1124, %mul3A_1139 : i32
      %add3A_1141 = arith.constant 1 : i32
      %add3A_1142 = arith.addi %mul3A_1140, %add3A_1141 : i32
      %mul3A_1143 = arith.constant 16 : i32
      %mul3A_1144 = arith.muli %add3A_1142, %mul3A_1143 : i32
      %get3A_1145 = arith.constant 1 : i32
      %get3A_1146 = arith.constant 2 : i32
      %get3A_1147 = arith.index_cast %get3A_1145 : i32 to index
      %get3A_1148 = arith.index_cast %get3A_1146 : i32 to index
      %get3A_1149 = arith.index_cast %mul3A_1144 : i32 to index
      %get3A_1150 = tpu.vector_load %arg5[%get3A_1147, %get3A_1148, %get3A_1149] {strides = array<i32>} : memref<2x4x8192xf32, #tpu.memory_space<vmem>>, vector<1x1x16xf32>,
      %get3A_1151 = vector.shape_cast %get3A_1150 : vector<1x1x16xf32> to vector<16xf32>
      %min3A_1152 = arith.minimumf %min3A_1094, %get3A_1151 : vector<16xf32>
      %mul3A_1153 = arith.constant 4 : i32
      %mul3A_1154 = arith.muli %scan3A_1124, %mul3A_1153 : i32
      %add3A_1155 = arith.constant 2 : i32
      %add3A_1156 = arith.addi %mul3A_1154, %add3A_1155 : i32
      %mul3A_1157 = arith.constant 16 : i32
      %mul3A_1158 = arith.muli %add3A_1156, %mul3A_1157 : i32
      %get3A_1159 = arith.constant 1 : i32
      %get3A_1160 = arith.constant 2 : i32
      %get3A_1161 = arith.index_cast %get3A_1159 : i32 to index
      %get3A_1162 = arith.index_cast %get3A_1160 : i32 to index
      %get3A_1163 = arith.index_cast %mul3A_1158 : i32 to index
      %get3A_1164 = tpu.vector_load %arg5[%get3A_1161, %get3A_1162, %get3A_1163] {strides = array<i32>} : memref<2x4x8192xf32, #tpu.memory_space<vmem>>, vector<1x1x16xf32>,
      %get3A_1165 = vector.shape_cast %get3A_1164 : vector<1x1x16xf32> to vector<16xf32>
      %min3A_1166 = arith.minimumf %min3A_1108, %get3A_1165 : vector<16xf32>
      %mul3A_1167 = arith.constant 4 : i32
      %mul3A_1168 = arith.muli %scan3A_1124, %mul3A_1167 : i32
      %add3A_1169 = arith.constant 3 : i32
      %add3A_1170 = arith.addi %mul3A_1168, %add3A_1169 : i32
      %mul3A_1171 = arith.constant 16 : i32
      %mul3A_1172 = arith.muli %add3A_1170, %mul3A_1171 : i32
      %get3A_1173 = arith.constant 1 : i32
      %get3A_1174 = arith.constant 2 : i32
      %get3A_1175 = arith.index_cast %get3A_1173 : i32 to index
      %get3A_1176 = arith.index_cast %get3A_1174 : i32 to index
      %get3A_1177 = arith.index_cast %mul3A_1172 : i32 to index
      %get3A_1178 = tpu.vector_load %arg5[%get3A_1175, %get3A_1176, %get3A_1177] {strides = array<i32>} : memref<2x4x8192xf32, #tpu.memory_space<vmem>>, vector<1x1x16xf32>,
      %get3A_1179 = vector.shape_cast %get3A_1178 : vector<1x1x16xf32> to vector<16xf32>
      %min3A_1180 = arith.minimumf %min3A_1122, %get3A_1179 : vector<16xf32>
      scf.yield %min3A_1138, %min3A_1152, %min3A_1166, %min3A_1180 : vector<16xf32>, vector<16xf32>, vector<16xf32>, vector<16xf32>
    }
    %scan3A_560 = arith.constant 128 : i32
    %min3A_561 = arith.minimumf %scan3A_559#0, %scan3A_559#1 : vector<16xf32>
    %min3A_562 = arith.minimumf %scan3A_559#2, %scan3A_559#3 : vector<16xf32>
    %min3A_563 = arith.minimumf %min3A_561, %min3A_562 : vector<16xf32>
    %iota3A_564 = tpu.iota {dimensions = array<i32: 0>} : vector<16xi32>
    %xor3A_565 = arith.constant 8 : i32
    %xor3A_566 = vector.broadcast %xor3A_565 : i32 to vector<16xi32>
    %xor3A_567 = arith.xori %iota3A_564, %xor3A_566 : vector<16xi32>
    %lt3A_568 = arith.constant 0 : i32
    %lt3A_569 = vector.broadcast %lt3A_568 : i32 to vector<16xi32>
    %lt3A_570 = arith.cmpi slt, %xor3A_567, %lt3A_569 : vector<16xi32>
    %add3A_571 = arith.constant 16 : i32
    %add3A_572 = vector.broadcast %add3A_571 : i32 to vector<16xi32>
    %add3A_573 = arith.addi %xor3A_567, %add3A_572 : vector<16xi32>
    %select_n3A_574 = arith.select %lt3A_570, %add3A_573, %xor3A_567 : vector<16xi1>, vector<16xi32>
    %reshape3A_575 = vector.shape_cast %select_n3A_574 : vector<16xi32> to vector<16x1xi32>
    %gather3A_576 = vector.shape_cast %reshape3A_575 : vector<16x1xi32> to vector<16xi32>
    %gather3A_577 = tpu.dynamic_gather %min3A_563[%gather3A_576] in [0] : vector<16xf32>, vector<16xi32> -> vector<16xf32>
    %min3A_578 = arith.minimumf %min3A_563, %gather3A_577 : vector<16xf32>
    %iota3A_579 = tpu.iota {dimensions = array<i32: 0>} : vector<16xi32>
    %xor3A_580 = arith.constant 4 : i32
    %xor3A_581 = vector.broadcast %xor3A_580 : i32 to vector<16xi32>
    %xor3A_582 = arith.xori %iota3A_579, %xor3A_581 : vector<16xi32>
    %lt3A_583 = arith.constant 0 : i32
    %lt3A_584 = vector.broadcast %lt3A_583 : i32 to vector<16xi32>
    %lt3A_585 = arith.cmpi slt, %xor3A_582, %lt3A_584 : vector<16xi32>
    %add3A_586 = arith.constant 16 : i32
    %add3A_587 = vector.broadcast %add3A_586 : i32 to vector<16xi32>
    %add3A_588 = arith.addi %xor3A_582, %add3A_587 : vector<16xi32>
    %select_n3A_589 = arith.select %lt3A_585, %add3A_588, %xor3A_582 : vector<16xi1>, vector<16xi32>
    %reshape3A_590 = vector.shape_cast %select_n3A_589 : vector<16xi32> to vector<16x1xi32>
    %gather3A_591 = vector.shape_cast %reshape3A_590 : vector<16x1xi32> to vector<16xi32>
    %gather3A_592 = tpu.dynamic_gather %min3A_578[%gather3A_591] in [0] : vector<16xf32>, vector<16xi32> -> vector<16xf32>
    %min3A_593 = arith.minimumf %min3A_578, %gather3A_592 : vector<16xf32>
    %iota3A_594 = tpu.iota {dimensions = array<i32: 0>} : vector<16xi32>
    %xor3A_595 = arith.constant 2 : i32
    %xor3A_596 = vector.broadcast %xor3A_595 : i32 to vector<16xi32>
    %xor3A_597 = arith.xori %iota3A_594, %xor3A_596 : vector<16xi32>
    %lt3A_598 = arith.constant 0 : i32
    %lt3A_599 = vector.broadcast %lt3A_598 : i32 to vector<16xi32>
    %lt3A_600 = arith.cmpi slt, %xor3A_597, %lt3A_599 : vector<16xi32>
    %add3A_601 = arith.constant 16 : i32
    %add3A_602 = vector.broadcast %add3A_601 : i32 to vector<16xi32>
    %add3A_603 = arith.addi %xor3A_597, %add3A_602 : vector<16xi32>
    %select_n3A_604 = arith.select %lt3A_600, %add3A_603, %xor3A_597 : vector<16xi1>, vector<16xi32>
    %reshape3A_605 = vector.shape_cast %select_n3A_604 : vector<16xi32> to vector<16x1xi32>
    %gather3A_606 = vector.shape_cast %reshape3A_605 : vector<16x1xi32> to vector<16xi32>
    %gather3A_607 = tpu.dynamic_gather %min3A_593[%gather3A_606] in [0] : vector<16xf32>, vector<16xi32> -> vector<16xf32>
    %min3A_608 = arith.minimumf %min3A_593, %gather3A_607 : vector<16xf32>
    %iota3A_609 = tpu.iota {dimensions = array<i32: 0>} : vector<16xi32>
    %xor3A_610 = arith.constant 1 : i32
    %xor3A_611 = vector.broadcast %xor3A_610 : i32 to vector<16xi32>
    %xor3A_612 = arith.xori %iota3A_609, %xor3A_611 : vector<16xi32>
    %lt3A_613 = arith.constant 0 : i32
    %lt3A_614 = vector.broadcast %lt3A_613 : i32 to vector<16xi32>
    %lt3A_615 = arith.cmpi slt, %xor3A_612, %lt3A_614 : vector<16xi32>
    %add3A_616 = arith.constant 16 : i32
    %add3A_617 = vector.broadcast %add3A_616 : i32 to vector<16xi32>
    %add3A_618 = arith.addi %xor3A_612, %add3A_617 : vector<16xi32>
    %select_n3A_619 = arith.select %lt3A_615, %add3A_618, %xor3A_612 : vector<16xi1>, vector<16xi32>
    %reshape3A_620 = vector.shape_cast %select_n3A_619 : vector<16xi32> to vector<16x1xi32>
    %gather3A_621 = vector.shape_cast %reshape3A_620 : vector<16x1xi32> to vector<16xi32>
    %gather3A_622 = tpu.dynamic_gather %min3A_608[%gather3A_621] in [0] : vector<16xf32>, vector<16xi32> -> vector<16xf32>
    %min3A_623 = arith.minimumf %min3A_608, %gather3A_622 : vector<16xf32>
    %swap3A_624 = arith.constant 6 : i32
    %swap3A_625 = arith.index_cast %swap3A_624 : i32 to index
    %swap3A_626 = arith.constant 0 : index
    %swap3A_627 = tpu.vector_load %arg6[%swap3A_625, %swap3A_626] {strides = array<i32>} : memref<8x16xf32, #tpu.memory_space<vmem>>, vector<1x16xf32>,
    %swap3A_628 = vector.shape_cast %swap3A_627 : vector<1x16xf32> to vector<16xf32>
    %swap3A_629 = vector.shape_cast %min3A_623 : vector<16xf32> to vector<1x16xf32>
    tpu.vector_store %arg6[%swap3A_625, %swap3A_626], %swap3A_629 {strides = array<i32>} : memref<8x16xf32, #tpu.memory_space<vmem>>, vector<1x16xf32>,
    %broadcast_in_dim3A_630 = arith.constant 0x7F800000 : f32
    %broadcast_in_dim3A_631 = vector.broadcast %broadcast_in_dim3A_630 : f32 to vector<16xf32>
    %broadcast_in_dim3A_632 = arith.constant 0x7F800000 : f32
    %broadcast_in_dim3A_633 = vector.broadcast %broadcast_in_dim3A_632 : f32 to vector<16xf32>
    %broadcast_in_dim3A_634 = arith.constant 0x7F800000 : f32
    %broadcast_in_dim3A_635 = vector.broadcast %broadcast_in_dim3A_634 : f32 to vector<16xf32>
    %broadcast_in_dim3A_636 = arith.constant 0x7F800000 : f32
    %broadcast_in_dim3A_637 = vector.broadcast %broadcast_in_dim3A_636 : f32 to vector<16xf32>
    %scan3A_638 = arith.constant 0 : i32
    %scan3A_639 = arith.constant 128 : i32
    %scan3A_640 = arith.addi %scan3A_638, %scan3A_639 : i32
    %scan3A_641 = arith.constant 8 : i32
    %scan3A_642:4 = scf.for %scan3A_715 = %scan3A_638 to %scan3A_640 step %scan3A_641 iter_args(%scan3A_716 = %broadcast_in_dim3A_631, %scan3A_717 = %broadcast_in_dim3A_633, %scan3A_718 = %broadcast_in_dim3A_635, %scan3A_719 = %broadcast_in_dim3A_637) -> (vector<16xf32>, vector<16xf32>, vector<16xf32>, vector<16xf32>)  : i32 {
      %mul3A_720 = arith.constant 4 : i32
      %mul3A_721 = arith.muli %scan3A_715, %mul3A_720 : i32
      %add3A_722 = arith.constant 0 : i32
      %add3A_723 = arith.addi %mul3A_721, %add3A_722 : i32
      %mul3A_724 = arith.constant 16 : i32
      %mul3A_725 = arith.muli %add3A_723, %mul3A_724 : i32
      %get3A = arith.constant 1 : i32
      %get3A_726 = arith.constant 3 : i32
      %get3A_727 = arith.index_cast %get3A : i32 to index
      %get3A_728 = arith.index_cast %get3A_726 : i32 to index
      %get3A_729 = arith.index_cast %mul3A_725 : i32 to index
      %get3A_730 = tpu.vector_load %arg5[%get3A_727, %get3A_728, %get3A_729] {strides = array<i32>} : memref<2x4x8192xf32, #tpu.memory_space<vmem>>, vector<1x1x16xf32>,
      %get3A_731 = vector.shape_cast %get3A_730 : vector<1x1x16xf32> to vector<16xf32>
      %min3A_732 = arith.minimumf %scan3A_716, %get3A_731 : vector<16xf32>
      %mul3A_733 = arith.constant 4 : i32
      %mul3A_734 = arith.muli %scan3A_715, %mul3A_733 : i32
      %add3A_735 = arith.constant 1 : i32
      %add3A_736 = arith.addi %mul3A_734, %add3A_735 : i32
      %mul3A_737 = arith.constant 16 : i32
      %mul3A_738 = arith.muli %add3A_736, %mul3A_737 : i32
      %get3A_739 = arith.constant 1 : i32
      %get3A_740 = arith.constant 3 : i32
      %get3A_741 = arith.index_cast %get3A_739 : i32 to index
      %get3A_742 = arith.index_cast %get3A_740 : i32 to index
      %get3A_743 = arith.index_cast %mul3A_738 : i32 to index
      %get3A_744 = tpu.vector_load %arg5[%get3A_741, %get3A_742, %get3A_743] {strides = array<i32>} : memref<2x4x8192xf32, #tpu.memory_space<vmem>>, vector<1x1x16xf32>,
      %get3A_745 = vector.shape_cast %get3A_744 : vector<1x1x16xf32> to vector<16xf32>
      %min3A_746 = arith.minimumf %scan3A_717, %get3A_745 : vector<16xf32>
      %mul3A_747 = arith.constant 4 : i32
      %mul3A_748 = arith.muli %scan3A_715, %mul3A_747 : i32
      %add3A_749 = arith.constant 2 : i32
      %add3A_750 = arith.addi %mul3A_748, %add3A_749 : i32
      %mul3A_751 = arith.constant 16 : i32
      %mul3A_752 = arith.muli %add3A_750, %mul3A_751 : i32
      %get3A_753 = arith.constant 1 : i32
      %get3A_754 = arith.constant 3 : i32
      %get3A_755 = arith.index_cast %get3A_753 : i32 to index
      %get3A_756 = arith.index_cast %get3A_754 : i32 to index
      %get3A_757 = arith.index_cast %mul3A_752 : i32 to index
      %get3A_758 = tpu.vector_load %arg5[%get3A_755, %get3A_756, %get3A_757] {strides = array<i32>} : memref<2x4x8192xf32, #tpu.memory_space<vmem>>, vector<1x1x16xf32>,
      %get3A_759 = vector.shape_cast %get3A_758 : vector<1x1x16xf32> to vector<16xf32>
      %min3A_760 = arith.minimumf %scan3A_718, %get3A_759 : vector<16xf32>
      %mul3A_761 = arith.constant 4 : i32
      %mul3A_762 = arith.muli %scan3A_715, %mul3A_761 : i32
      %add3A_763 = arith.constant 3 : i32
      %add3A_764 = arith.addi %mul3A_762, %add3A_763 : i32
      %mul3A_765 = arith.constant 16 : i32
      %mul3A_766 = arith.muli %add3A_764, %mul3A_765 : i32
      %get3A_767 = arith.constant 1 : i32
      %get3A_768 = arith.constant 3 : i32
      %get3A_769 = arith.index_cast %get3A_767 : i32 to index
      %get3A_770 = arith.index_cast %get3A_768 : i32 to index
      %get3A_771 = arith.index_cast %mul3A_766 : i32 to index
      %get3A_772 = tpu.vector_load %arg5[%get3A_769, %get3A_770, %get3A_771] {strides = array<i32>} : memref<2x4x8192xf32, #tpu.memory_space<vmem>>, vector<1x1x16xf32>,
      %get3A_773 = vector.shape_cast %get3A_772 : vector<1x1x16xf32> to vector<16xf32>
      %min3A_774 = arith.minimumf %scan3A_719, %get3A_773 : vector<16xf32>
      %scan3A_775 = arith.constant 1 : i32
      %scan3A_776 = arith.addi %scan3A_715, %scan3A_775 : i32
      %mul3A_777 = arith.constant 4 : i32
      %mul3A_778 = arith.muli %scan3A_776, %mul3A_777 : i32
      %add3A_779 = arith.constant 0 : i32
      %add3A_780 = arith.addi %mul3A_778, %add3A_779 : i32
      %mul3A_781 = arith.constant 16 : i32
      %mul3A_782 = arith.muli %add3A_780, %mul3A_781 : i32
      %get3A_783 = arith.constant 1 : i32
      %get3A_784 = arith.constant 3 : i32
      %get3A_785 = arith.index_cast %get3A_783 : i32 to index
      %get3A_786 = arith.index_cast %get3A_784 : i32 to index
      %get3A_787 = arith.index_cast %mul3A_782 : i32 to index
      %get3A_788 = tpu.vector_load %arg5[%get3A_785, %get3A_786, %get3A_787] {strides = array<i32>} : memref<2x4x8192xf32, #tpu.memory_space<vmem>>, vector<1x1x16xf32>,
      %get3A_789 = vector.shape_cast %get3A_788 : vector<1x1x16xf32> to vector<16xf32>
      %min3A_790 = arith.minimumf %min3A_732, %get3A_789 : vector<16xf32>
      %mul3A_791 = arith.constant 4 : i32
      %mul3A_792 = arith.muli %scan3A_776, %mul3A_791 : i32
      %add3A_793 = arith.constant 1 : i32
      %add3A_794 = arith.addi %mul3A_792, %add3A_793 : i32
      %mul3A_795 = arith.constant 16 : i32
      %mul3A_796 = arith.muli %add3A_794, %mul3A_795 : i32
      %get3A_797 = arith.constant 1 : i32
      %get3A_798 = arith.constant 3 : i32
      %get3A_799 = arith.index_cast %get3A_797 : i32 to index
      %get3A_800 = arith.index_cast %get3A_798 : i32 to index
      %get3A_801 = arith.index_cast %mul3A_796 : i32 to index
      %get3A_802 = tpu.vector_load %arg5[%get3A_799, %get3A_800, %get3A_801] {strides = array<i32>} : memref<2x4x8192xf32, #tpu.memory_space<vmem>>, vector<1x1x16xf32>,
      %get3A_803 = vector.shape_cast %get3A_802 : vector<1x1x16xf32> to vector<16xf32>
      %min3A_804 = arith.minimumf %min3A_746, %get3A_803 : vector<16xf32>
      %mul3A_805 = arith.constant 4 : i32
      %mul3A_806 = arith.muli %scan3A_776, %mul3A_805 : i32
      %add3A_807 = arith.constant 2 : i32
      %add3A_808 = arith.addi %mul3A_806, %add3A_807 : i32
      %mul3A_809 = arith.constant 16 : i32
      %mul3A_810 = arith.muli %add3A_808, %mul3A_809 : i32
      %get3A_811 = arith.constant 1 : i32
      %get3A_812 = arith.constant 3 : i32
      %get3A_813 = arith.index_cast %get3A_811 : i32 to index
      %get3A_814 = arith.index_cast %get3A_812 : i32 to index
      %get3A_815 = arith.index_cast %mul3A_810 : i32 to index
      %get3A_816 = tpu.vector_load %arg5[%get3A_813, %get3A_814, %get3A_815] {strides = array<i32>} : memref<2x4x8192xf32, #tpu.memory_space<vmem>>, vector<1x1x16xf32>,
      %get3A_817 = vector.shape_cast %get3A_816 : vector<1x1x16xf32> to vector<16xf32>
      %min3A_818 = arith.minimumf %min3A_760, %get3A_817 : vector<16xf32>
      %mul3A_819 = arith.constant 4 : i32
      %mul3A_820 = arith.muli %scan3A_776, %mul3A_819 : i32
      %add3A_821 = arith.constant 3 : i32
      %add3A_822 = arith.addi %mul3A_820, %add3A_821 : i32
      %mul3A_823 = arith.constant 16 : i32
      %mul3A_824 = arith.muli %add3A_822, %mul3A_823 : i32
      %get3A_825 = arith.constant 1 : i32
      %get3A_826 = arith.constant 3 : i32
      %get3A_827 = arith.index_cast %get3A_825 : i32 to index
      %get3A_828 = arith.index_cast %get3A_826 : i32 to index
      %get3A_829 = arith.index_cast %mul3A_824 : i32 to index
      %get3A_830 = tpu.vector_load %arg5[%get3A_827, %get3A_828, %get3A_829] {strides = array<i32>} : memref<2x4x8192xf32, #tpu.memory_space<vmem>>, vector<1x1x16xf32>,
      %get3A_831 = vector.shape_cast %get3A_830 : vector<1x1x16xf32> to vector<16xf32>
      %min3A_832 = arith.minimumf %min3A_774, %get3A_831 : vector<16xf32>
      %scan3A_833 = arith.constant 2 : i32
      %scan3A_834 = arith.addi %scan3A_715, %scan3A_833 : i32
      %mul3A_835 = arith.constant 4 : i32
      %mul3A_836 = arith.muli %scan3A_834, %mul3A_835 : i32
      %add3A_837 = arith.constant 0 : i32
      %add3A_838 = arith.addi %mul3A_836, %add3A_837 : i32
      %mul3A_839 = arith.constant 16 : i32
      %mul3A_840 = arith.muli %add3A_838, %mul3A_839 : i32
      %get3A_841 = arith.constant 1 : i32
      %get3A_842 = arith.constant 3 : i32
      %get3A_843 = arith.index_cast %get3A_841 : i32 to index
      %get3A_844 = arith.index_cast %get3A_842 : i32 to index
      %get3A_845 = arith.index_cast %mul3A_840 : i32 to index
      %get3A_846 = tpu.vector_load %arg5[%get3A_843, %get3A_844, %get3A_845] {strides = array<i32>} : memref<2x4x8192xf32, #tpu.memory_space<vmem>>, vector<1x1x16xf32>,
      %get3A_847 = vector.shape_cast %get3A_846 : vector<1x1x16xf32> to vector<16xf32>
      %min3A_848 = arith.minimumf %min3A_790, %get3A_847 : vector<16xf32>
      %mul3A_849 = arith.constant 4 : i32
      %mul3A_850 = arith.muli %scan3A_834, %mul3A_849 : i32
      %add3A_851 = arith.constant 1 : i32
      %add3A_852 = arith.addi %mul3A_850, %add3A_851 : i32
      %mul3A_853 = arith.constant 16 : i32
      %mul3A_854 = arith.muli %add3A_852, %mul3A_853 : i32
      %get3A_855 = arith.constant 1 : i32
      %get3A_856 = arith.constant 3 : i32
      %get3A_857 = arith.index_cast %get3A_855 : i32 to index
      %get3A_858 = arith.index_cast %get3A_856 : i32 to index
      %get3A_859 = arith.index_cast %mul3A_854 : i32 to index
      %get3A_860 = tpu.vector_load %arg5[%get3A_857, %get3A_858, %get3A_859] {strides = array<i32>} : memref<2x4x8192xf32, #tpu.memory_space<vmem>>, vector<1x1x16xf32>,
      %get3A_861 = vector.shape_cast %get3A_860 : vector<1x1x16xf32> to vector<16xf32>
      %min3A_862 = arith.minimumf %min3A_804, %get3A_861 : vector<16xf32>
      %mul3A_863 = arith.constant 4 : i32
      %mul3A_864 = arith.muli %scan3A_834, %mul3A_863 : i32
      %add3A_865 = arith.constant 2 : i32
      %add3A_866 = arith.addi %mul3A_864, %add3A_865 : i32
      %mul3A_867 = arith.constant 16 : i32
      %mul3A_868 = arith.muli %add3A_866, %mul3A_867 : i32
      %get3A_869 = arith.constant 1 : i32
      %get3A_870 = arith.constant 3 : i32
      %get3A_871 = arith.index_cast %get3A_869 : i32 to index
      %get3A_872 = arith.index_cast %get3A_870 : i32 to index
      %get3A_873 = arith.index_cast %mul3A_868 : i32 to index
      %get3A_874 = tpu.vector_load %arg5[%get3A_871, %get3A_872, %get3A_873] {strides = array<i32>} : memref<2x4x8192xf32, #tpu.memory_space<vmem>>, vector<1x1x16xf32>,
      %get3A_875 = vector.shape_cast %get3A_874 : vector<1x1x16xf32> to vector<16xf32>
      %min3A_876 = arith.minimumf %min3A_818, %get3A_875 : vector<16xf32>
      %mul3A_877 = arith.constant 4 : i32
      %mul3A_878 = arith.muli %scan3A_834, %mul3A_877 : i32
      %add3A_879 = arith.constant 3 : i32
      %add3A_880 = arith.addi %mul3A_878, %add3A_879 : i32
      %mul3A_881 = arith.constant 16 : i32
      %mul3A_882 = arith.muli %add3A_880, %mul3A_881 : i32
      %get3A_883 = arith.constant 1 : i32
      %get3A_884 = arith.constant 3 : i32
      %get3A_885 = arith.index_cast %get3A_883 : i32 to index
      %get3A_886 = arith.index_cast %get3A_884 : i32 to index
      %get3A_887 = arith.index_cast %mul3A_882 : i32 to index
      %get3A_888 = tpu.vector_load %arg5[%get3A_885, %get3A_886, %get3A_887] {strides = array<i32>} : memref<2x4x8192xf32, #tpu.memory_space<vmem>>, vector<1x1x16xf32>,
      %get3A_889 = vector.shape_cast %get3A_888 : vector<1x1x16xf32> to vector<16xf32>
      %min3A_890 = arith.minimumf %min3A_832, %get3A_889 : vector<16xf32>
      %scan3A_891 = arith.constant 3 : i32
      %scan3A_892 = arith.addi %scan3A_715, %scan3A_891 : i32
      %mul3A_893 = arith.constant 4 : i32
      %mul3A_894 = arith.muli %scan3A_892, %mul3A_893 : i32
      %add3A_895 = arith.constant 0 : i32
      %add3A_896 = arith.addi %mul3A_894, %add3A_895 : i32
      %mul3A_897 = arith.constant 16 : i32
      %mul3A_898 = arith.muli %add3A_896, %mul3A_897 : i32
      %get3A_899 = arith.constant 1 : i32
      %get3A_900 = arith.constant 3 : i32
      %get3A_901 = arith.index_cast %get3A_899 : i32 to index
      %get3A_902 = arith.index_cast %get3A_900 : i32 to index
      %get3A_903 = arith.index_cast %mul3A_898 : i32 to index
      %get3A_904 = tpu.vector_load %arg5[%get3A_901, %get3A_902, %get3A_903] {strides = array<i32>} : memref<2x4x8192xf32, #tpu.memory_space<vmem>>, vector<1x1x16xf32>,
      %get3A_905 = vector.shape_cast %get3A_904 : vector<1x1x16xf32> to vector<16xf32>
      %min3A_906 = arith.minimumf %min3A_848, %get3A_905 : vector<16xf32>
      %mul3A_907 = arith.constant 4 : i32
      %mul3A_908 = arith.muli %scan3A_892, %mul3A_907 : i32
      %add3A_909 = arith.constant 1 : i32
      %add3A_910 = arith.addi %mul3A_908, %add3A_909 : i32
      %mul3A_911 = arith.constant 16 : i32
      %mul3A_912 = arith.muli %add3A_910, %mul3A_911 : i32
      %get3A_913 = arith.constant 1 : i32
      %get3A_914 = arith.constant 3 : i32
      %get3A_915 = arith.index_cast %get3A_913 : i32 to index
      %get3A_916 = arith.index_cast %get3A_914 : i32 to index
      %get3A_917 = arith.index_cast %mul3A_912 : i32 to index
      %get3A_918 = tpu.vector_load %arg5[%get3A_915, %get3A_916, %get3A_917] {strides = array<i32>} : memref<2x4x8192xf32, #tpu.memory_space<vmem>>, vector<1x1x16xf32>,
      %get3A_919 = vector.shape_cast %get3A_918 : vector<1x1x16xf32> to vector<16xf32>
      %min3A_920 = arith.minimumf %min3A_862, %get3A_919 : vector<16xf32>
      %mul3A_921 = arith.constant 4 : i32
      %mul3A_922 = arith.muli %scan3A_892, %mul3A_921 : i32
      %add3A_923 = arith.constant 2 : i32
      %add3A_924 = arith.addi %mul3A_922, %add3A_923 : i32
      %mul3A_925 = arith.constant 16 : i32
      %mul3A_926 = arith.muli %add3A_924, %mul3A_925 : i32
      %get3A_927 = arith.constant 1 : i32
      %get3A_928 = arith.constant 3 : i32
      %get3A_929 = arith.index_cast %get3A_927 : i32 to index
      %get3A_930 = arith.index_cast %get3A_928 : i32 to index
      %get3A_931 = arith.index_cast %mul3A_926 : i32 to index
      %get3A_932 = tpu.vector_load %arg5[%get3A_929, %get3A_930, %get3A_931] {strides = array<i32>} : memref<2x4x8192xf32, #tpu.memory_space<vmem>>, vector<1x1x16xf32>,
      %get3A_933 = vector.shape_cast %get3A_932 : vector<1x1x16xf32> to vector<16xf32>
      %min3A_934 = arith.minimumf %min3A_876, %get3A_933 : vector<16xf32>
      %mul3A_935 = arith.constant 4 : i32
      %mul3A_936 = arith.muli %scan3A_892, %mul3A_935 : i32
      %add3A_937 = arith.constant 3 : i32
      %add3A_938 = arith.addi %mul3A_936, %add3A_937 : i32
      %mul3A_939 = arith.constant 16 : i32
      %mul3A_940 = arith.muli %add3A_938, %mul3A_939 : i32
      %get3A_941 = arith.constant 1 : i32
      %get3A_942 = arith.constant 3 : i32
      %get3A_943 = arith.index_cast %get3A_941 : i32 to index
      %get3A_944 = arith.index_cast %get3A_942 : i32 to index
      %get3A_945 = arith.index_cast %mul3A_940 : i32 to index
      %get3A_946 = tpu.vector_load %arg5[%get3A_943, %get3A_944, %get3A_945] {strides = array<i32>} : memref<2x4x8192xf32, #tpu.memory_space<vmem>>, vector<1x1x16xf32>,
      %get3A_947 = vector.shape_cast %get3A_946 : vector<1x1x16xf32> to vector<16xf32>
      %min3A_948 = arith.minimumf %min3A_890, %get3A_947 : vector<16xf32>
      %scan3A_949 = arith.constant 4 : i32
      %scan3A_950 = arith.addi %scan3A_715, %scan3A_949 : i32
      %mul3A_951 = arith.constant 4 : i32
      %mul3A_952 = arith.muli %scan3A_950, %mul3A_951 : i32
      %add3A_953 = arith.constant 0 : i32
      %add3A_954 = arith.addi %mul3A_952, %add3A_953 : i32
      %mul3A_955 = arith.constant 16 : i32
      %mul3A_956 = arith.muli %add3A_954, %mul3A_955 : i32
      %get3A_957 = arith.constant 1 : i32
      %get3A_958 = arith.constant 3 : i32
      %get3A_959 = arith.index_cast %get3A_957 : i32 to index
      %get3A_960 = arith.index_cast %get3A_958 : i32 to index
      %get3A_961 = arith.index_cast %mul3A_956 : i32 to index
      %get3A_962 = tpu.vector_load %arg5[%get3A_959, %get3A_960, %get3A_961] {strides = array<i32>} : memref<2x4x8192xf32, #tpu.memory_space<vmem>>, vector<1x1x16xf32>,
      %get3A_963 = vector.shape_cast %get3A_962 : vector<1x1x16xf32> to vector<16xf32>
      %min3A_964 = arith.minimumf %min3A_906, %get3A_963 : vector<16xf32>
      %mul3A_965 = arith.constant 4 : i32
      %mul3A_966 = arith.muli %scan3A_950, %mul3A_965 : i32
      %add3A_967 = arith.constant 1 : i32
      %add3A_968 = arith.addi %mul3A_966, %add3A_967 : i32
      %mul3A_969 = arith.constant 16 : i32
      %mul3A_970 = arith.muli %add3A_968, %mul3A_969 : i32
      %get3A_971 = arith.constant 1 : i32
      %get3A_972 = arith.constant 3 : i32
      %get3A_973 = arith.index_cast %get3A_971 : i32 to index
      %get3A_974 = arith.index_cast %get3A_972 : i32 to index
      %get3A_975 = arith.index_cast %mul3A_970 : i32 to index
      %get3A_976 = tpu.vector_load %arg5[%get3A_973, %get3A_974, %get3A_975] {strides = array<i32>} : memref<2x4x8192xf32, #tpu.memory_space<vmem>>, vector<1x1x16xf32>,
      %get3A_977 = vector.shape_cast %get3A_976 : vector<1x1x16xf32> to vector<16xf32>
      %min3A_978 = arith.minimumf %min3A_920, %get3A_977 : vector<16xf32>
      %mul3A_979 = arith.constant 4 : i32
      %mul3A_980 = arith.muli %scan3A_950, %mul3A_979 : i32
      %add3A_981 = arith.constant 2 : i32
      %add3A_982 = arith.addi %mul3A_980, %add3A_981 : i32
      %mul3A_983 = arith.constant 16 : i32
      %mul3A_984 = arith.muli %add3A_982, %mul3A_983 : i32
      %get3A_985 = arith.constant 1 : i32
      %get3A_986 = arith.constant 3 : i32
      %get3A_987 = arith.index_cast %get3A_985 : i32 to index
      %get3A_988 = arith.index_cast %get3A_986 : i32 to index
      %get3A_989 = arith.index_cast %mul3A_984 : i32 to index
      %get3A_990 = tpu.vector_load %arg5[%get3A_987, %get3A_988, %get3A_989] {strides = array<i32>} : memref<2x4x8192xf32, #tpu.memory_space<vmem>>, vector<1x1x16xf32>,
      %get3A_991 = vector.shape_cast %get3A_990 : vector<1x1x16xf32> to vector<16xf32>
      %min3A_992 = arith.minimumf %min3A_934, %get3A_991 : vector<16xf32>
      %mul3A_993 = arith.constant 4 : i32
      %mul3A_994 = arith.muli %scan3A_950, %mul3A_993 : i32
      %add3A_995 = arith.constant 3 : i32
      %add3A_996 = arith.addi %mul3A_994, %add3A_995 : i32
      %mul3A_997 = arith.constant 16 : i32
      %mul3A_998 = arith.muli %add3A_996, %mul3A_997 : i32
      %get3A_999 = arith.constant 1 : i32
      %get3A_1000 = arith.constant 3 : i32
      %get3A_1001 = arith.index_cast %get3A_999 : i32 to index
      %get3A_1002 = arith.index_cast %get3A_1000 : i32 to index
      %get3A_1003 = arith.index_cast %mul3A_998 : i32 to index
      %get3A_1004 = tpu.vector_load %arg5[%get3A_1001, %get3A_1002, %get3A_1003] {strides = array<i32>} : memref<2x4x8192xf32, #tpu.memory_space<vmem>>, vector<1x1x16xf32>,
      %get3A_1005 = vector.shape_cast %get3A_1004 : vector<1x1x16xf32> to vector<16xf32>
      %min3A_1006 = arith.minimumf %min3A_948, %get3A_1005 : vector<16xf32>
      %scan3A_1007 = arith.constant 5 : i32
      %scan3A_1008 = arith.addi %scan3A_715, %scan3A_1007 : i32
      %mul3A_1009 = arith.constant 4 : i32
      %mul3A_1010 = arith.muli %scan3A_1008, %mul3A_1009 : i32
      %add3A_1011 = arith.constant 0 : i32
      %add3A_1012 = arith.addi %mul3A_1010, %add3A_1011 : i32
      %mul3A_1013 = arith.constant 16 : i32
      %mul3A_1014 = arith.muli %add3A_1012, %mul3A_1013 : i32
      %get3A_1015 = arith.constant 1 : i32
      %get3A_1016 = arith.constant 3 : i32
      %get3A_1017 = arith.index_cast %get3A_1015 : i32 to index
      %get3A_1018 = arith.index_cast %get3A_1016 : i32 to index
      %get3A_1019 = arith.index_cast %mul3A_1014 : i32 to index
      %get3A_1020 = tpu.vector_load %arg5[%get3A_1017, %get3A_1018, %get3A_1019] {strides = array<i32>} : memref<2x4x8192xf32, #tpu.memory_space<vmem>>, vector<1x1x16xf32>,
      %get3A_1021 = vector.shape_cast %get3A_1020 : vector<1x1x16xf32> to vector<16xf32>
      %min3A_1022 = arith.minimumf %min3A_964, %get3A_1021 : vector<16xf32>
      %mul3A_1023 = arith.constant 4 : i32
      %mul3A_1024 = arith.muli %scan3A_1008, %mul3A_1023 : i32
      %add3A_1025 = arith.constant 1 : i32
      %add3A_1026 = arith.addi %mul3A_1024, %add3A_1025 : i32
      %mul3A_1027 = arith.constant 16 : i32
      %mul3A_1028 = arith.muli %add3A_1026, %mul3A_1027 : i32
      %get3A_1029 = arith.constant 1 : i32
      %get3A_1030 = arith.constant 3 : i32
      %get3A_1031 = arith.index_cast %get3A_1029 : i32 to index
      %get3A_1032 = arith.index_cast %get3A_1030 : i32 to index
      %get3A_1033 = arith.index_cast %mul3A_1028 : i32 to index
      %get3A_1034 = tpu.vector_load %arg5[%get3A_1031, %get3A_1032, %get3A_1033] {strides = array<i32>} : memref<2x4x8192xf32, #tpu.memory_space<vmem>>, vector<1x1x16xf32>,
      %get3A_1035 = vector.shape_cast %get3A_1034 : vector<1x1x16xf32> to vector<16xf32>
      %min3A_1036 = arith.minimumf %min3A_978, %get3A_1035 : vector<16xf32>
      %mul3A_1037 = arith.constant 4 : i32
      %mul3A_1038 = arith.muli %scan3A_1008, %mul3A_1037 : i32
      %add3A_1039 = arith.constant 2 : i32
      %add3A_1040 = arith.addi %mul3A_1038, %add3A_1039 : i32
      %mul3A_1041 = arith.constant 16 : i32
      %mul3A_1042 = arith.muli %add3A_1040, %mul3A_1041 : i32
      %get3A_1043 = arith.constant 1 : i32
      %get3A_1044 = arith.constant 3 : i32
      %get3A_1045 = arith.index_cast %get3A_1043 : i32 to index
      %get3A_1046 = arith.index_cast %get3A_1044 : i32 to index
      %get3A_1047 = arith.index_cast %mul3A_1042 : i32 to index
      %get3A_1048 = tpu.vector_load %arg5[%get3A_1045, %get3A_1046, %get3A_1047] {strides = array<i32>} : memref<2x4x8192xf32, #tpu.memory_space<vmem>>, vector<1x1x16xf32>,
      %get3A_1049 = vector.shape_cast %get3A_1048 : vector<1x1x16xf32> to vector<16xf32>
      %min3A_1050 = arith.minimumf %min3A_992, %get3A_1049 : vector<16xf32>
      %mul3A_1051 = arith.constant 4 : i32
      %mul3A_1052 = arith.muli %scan3A_1008, %mul3A_1051 : i32
      %add3A_1053 = arith.constant 3 : i32
      %add3A_1054 = arith.addi %mul3A_1052, %add3A_1053 : i32
      %mul3A_1055 = arith.constant 16 : i32
      %mul3A_1056 = arith.muli %add3A_1054, %mul3A_1055 : i32
      %get3A_1057 = arith.constant 1 : i32
      %get3A_1058 = arith.constant 3 : i32
      %get3A_1059 = arith.index_cast %get3A_1057 : i32 to index
      %get3A_1060 = arith.index_cast %get3A_1058 : i32 to index
      %get3A_1061 = arith.index_cast %mul3A_1056 : i32 to index
      %get3A_1062 = tpu.vector_load %arg5[%get3A_1059, %get3A_1060, %get3A_1061] {strides = array<i32>} : memref<2x4x8192xf32, #tpu.memory_space<vmem>>, vector<1x1x16xf32>,
      %get3A_1063 = vector.shape_cast %get3A_1062 : vector<1x1x16xf32> to vector<16xf32>
      %min3A_1064 = arith.minimumf %min3A_1006, %get3A_1063 : vector<16xf32>
      %scan3A_1065 = arith.constant 6 : i32
      %scan3A_1066 = arith.addi %scan3A_715, %scan3A_1065 : i32
      %mul3A_1067 = arith.constant 4 : i32
      %mul3A_1068 = arith.muli %scan3A_1066, %mul3A_1067 : i32
      %add3A_1069 = arith.constant 0 : i32
      %add3A_1070 = arith.addi %mul3A_1068, %add3A_1069 : i32
      %mul3A_1071 = arith.constant 16 : i32
      %mul3A_1072 = arith.muli %add3A_1070, %mul3A_1071 : i32
      %get3A_1073 = arith.constant 1 : i32
      %get3A_1074 = arith.constant 3 : i32
      %get3A_1075 = arith.index_cast %get3A_1073 : i32 to index
      %get3A_1076 = arith.index_cast %get3A_1074 : i32 to index
      %get3A_1077 = arith.index_cast %mul3A_1072 : i32 to index
      %get3A_1078 = tpu.vector_load %arg5[%get3A_1075, %get3A_1076, %get3A_1077] {strides = array<i32>} : memref<2x4x8192xf32, #tpu.memory_space<vmem>>, vector<1x1x16xf32>,
      %get3A_1079 = vector.shape_cast %get3A_1078 : vector<1x1x16xf32> to vector<16xf32>
      %min3A_1080 = arith.minimumf %min3A_1022, %get3A_1079 : vector<16xf32>
      %mul3A_1081 = arith.constant 4 : i32
      %mul3A_1082 = arith.muli %scan3A_1066, %mul3A_1081 : i32
      %add3A_1083 = arith.constant 1 : i32
      %add3A_1084 = arith.addi %mul3A_1082, %add3A_1083 : i32
      %mul3A_1085 = arith.constant 16 : i32
      %mul3A_1086 = arith.muli %add3A_1084, %mul3A_1085 : i32
      %get3A_1087 = arith.constant 1 : i32
      %get3A_1088 = arith.constant 3 : i32
      %get3A_1089 = arith.index_cast %get3A_1087 : i32 to index
      %get3A_1090 = arith.index_cast %get3A_1088 : i32 to index
      %get3A_1091 = arith.index_cast %mul3A_1086 : i32 to index
      %get3A_1092 = tpu.vector_load %arg5[%get3A_1089, %get3A_1090, %get3A_1091] {strides = array<i32>} : memref<2x4x8192xf32, #tpu.memory_space<vmem>>, vector<1x1x16xf32>,
      %get3A_1093 = vector.shape_cast %get3A_1092 : vector<1x1x16xf32> to vector<16xf32>
      %min3A_1094 = arith.minimumf %min3A_1036, %get3A_1093 : vector<16xf32>
      %mul3A_1095 = arith.constant 4 : i32
      %mul3A_1096 = arith.muli %scan3A_1066, %mul3A_1095 : i32
      %add3A_1097 = arith.constant 2 : i32
      %add3A_1098 = arith.addi %mul3A_1096, %add3A_1097 : i32
      %mul3A_1099 = arith.constant 16 : i32
      %mul3A_1100 = arith.muli %add3A_1098, %mul3A_1099 : i32
      %get3A_1101 = arith.constant 1 : i32
      %get3A_1102 = arith.constant 3 : i32
      %get3A_1103 = arith.index_cast %get3A_1101 : i32 to index
      %get3A_1104 = arith.index_cast %get3A_1102 : i32 to index
      %get3A_1105 = arith.index_cast %mul3A_1100 : i32 to index
      %get3A_1106 = tpu.vector_load %arg5[%get3A_1103, %get3A_1104, %get3A_1105] {strides = array<i32>} : memref<2x4x8192xf32, #tpu.memory_space<vmem>>, vector<1x1x16xf32>,
      %get3A_1107 = vector.shape_cast %get3A_1106 : vector<1x1x16xf32> to vector<16xf32>
      %min3A_1108 = arith.minimumf %min3A_1050, %get3A_1107 : vector<16xf32>
      %mul3A_1109 = arith.constant 4 : i32
      %mul3A_1110 = arith.muli %scan3A_1066, %mul3A_1109 : i32
      %add3A_1111 = arith.constant 3 : i32
      %add3A_1112 = arith.addi %mul3A_1110, %add3A_1111 : i32
      %mul3A_1113 = arith.constant 16 : i32
      %mul3A_1114 = arith.muli %add3A_1112, %mul3A_1113 : i32
      %get3A_1115 = arith.constant 1 : i32
      %get3A_1116 = arith.constant 3 : i32
      %get3A_1117 = arith.index_cast %get3A_1115 : i32 to index
      %get3A_1118 = arith.index_cast %get3A_1116 : i32 to index
      %get3A_1119 = arith.index_cast %mul3A_1114 : i32 to index
      %get3A_1120 = tpu.vector_load %arg5[%get3A_1117, %get3A_1118, %get3A_1119] {strides = array<i32>} : memref<2x4x8192xf32, #tpu.memory_space<vmem>>, vector<1x1x16xf32>,
      %get3A_1121 = vector.shape_cast %get3A_1120 : vector<1x1x16xf32> to vector<16xf32>
      %min3A_1122 = arith.minimumf %min3A_1064, %get3A_1121 : vector<16xf32>
      %scan3A_1123 = arith.constant 7 : i32
      %scan3A_1124 = arith.addi %scan3A_715, %scan3A_1123 : i32
      %mul3A_1125 = arith.constant 4 : i32
      %mul3A_1126 = arith.muli %scan3A_1124, %mul3A_1125 : i32
      %add3A_1127 = arith.constant 0 : i32
      %add3A_1128 = arith.addi %mul3A_1126, %add3A_1127 : i32
      %mul3A_1129 = arith.constant 16 : i32
      %mul3A_1130 = arith.muli %add3A_1128, %mul3A_1129 : i32
      %get3A_1131 = arith.constant 1 : i32
      %get3A_1132 = arith.constant 3 : i32
      %get3A_1133 = arith.index_cast %get3A_1131 : i32 to index
      %get3A_1134 = arith.index_cast %get3A_1132 : i32 to index
      %get3A_1135 = arith.index_cast %mul3A_1130 : i32 to index
      %get3A_1136 = tpu.vector_load %arg5[%get3A_1133, %get3A_1134, %get3A_1135] {strides = array<i32>} : memref<2x4x8192xf32, #tpu.memory_space<vmem>>, vector<1x1x16xf32>,
      %get3A_1137 = vector.shape_cast %get3A_1136 : vector<1x1x16xf32> to vector<16xf32>
      %min3A_1138 = arith.minimumf %min3A_1080, %get3A_1137 : vector<16xf32>
      %mul3A_1139 = arith.constant 4 : i32
      %mul3A_1140 = arith.muli %scan3A_1124, %mul3A_1139 : i32
      %add3A_1141 = arith.constant 1 : i32
      %add3A_1142 = arith.addi %mul3A_1140, %add3A_1141 : i32
      %mul3A_1143 = arith.constant 16 : i32
      %mul3A_1144 = arith.muli %add3A_1142, %mul3A_1143 : i32
      %get3A_1145 = arith.constant 1 : i32
      %get3A_1146 = arith.constant 3 : i32
      %get3A_1147 = arith.index_cast %get3A_1145 : i32 to index
      %get3A_1148 = arith.index_cast %get3A_1146 : i32 to index
      %get3A_1149 = arith.index_cast %mul3A_1144 : i32 to index
      %get3A_1150 = tpu.vector_load %arg5[%get3A_1147, %get3A_1148, %get3A_1149] {strides = array<i32>} : memref<2x4x8192xf32, #tpu.memory_space<vmem>>, vector<1x1x16xf32>,
      %get3A_1151 = vector.shape_cast %get3A_1150 : vector<1x1x16xf32> to vector<16xf32>
      %min3A_1152 = arith.minimumf %min3A_1094, %get3A_1151 : vector<16xf32>
      %mul3A_1153 = arith.constant 4 : i32
      %mul3A_1154 = arith.muli %scan3A_1124, %mul3A_1153 : i32
      %add3A_1155 = arith.constant 2 : i32
      %add3A_1156 = arith.addi %mul3A_1154, %add3A_1155 : i32
      %mul3A_1157 = arith.constant 16 : i32
      %mul3A_1158 = arith.muli %add3A_1156, %mul3A_1157 : i32
      %get3A_1159 = arith.constant 1 : i32
      %get3A_1160 = arith.constant 3 : i32
      %get3A_1161 = arith.index_cast %get3A_1159 : i32 to index
      %get3A_1162 = arith.index_cast %get3A_1160 : i32 to index
      %get3A_1163 = arith.index_cast %mul3A_1158 : i32 to index
      %get3A_1164 = tpu.vector_load %arg5[%get3A_1161, %get3A_1162, %get3A_1163] {strides = array<i32>} : memref<2x4x8192xf32, #tpu.memory_space<vmem>>, vector<1x1x16xf32>,
      %get3A_1165 = vector.shape_cast %get3A_1164 : vector<1x1x16xf32> to vector<16xf32>
      %min3A_1166 = arith.minimumf %min3A_1108, %get3A_1165 : vector<16xf32>
      %mul3A_1167 = arith.constant 4 : i32
      %mul3A_1168 = arith.muli %scan3A_1124, %mul3A_1167 : i32
      %add3A_1169 = arith.constant 3 : i32
      %add3A_1170 = arith.addi %mul3A_1168, %add3A_1169 : i32
      %mul3A_1171 = arith.constant 16 : i32
      %mul3A_1172 = arith.muli %add3A_1170, %mul3A_1171 : i32
      %get3A_1173 = arith.constant 1 : i32
      %get3A_1174 = arith.constant 3 : i32
      %get3A_1175 = arith.index_cast %get3A_1173 : i32 to index
      %get3A_1176 = arith.index_cast %get3A_1174 : i32 to index
      %get3A_1177 = arith.index_cast %mul3A_1172 : i32 to index
      %get3A_1178 = tpu.vector_load %arg5[%get3A_1175, %get3A_1176, %get3A_1177] {strides = array<i32>} : memref<2x4x8192xf32, #tpu.memory_space<vmem>>, vector<1x1x16xf32>,
      %get3A_1179 = vector.shape_cast %get3A_1178 : vector<1x1x16xf32> to vector<16xf32>
      %min3A_1180 = arith.minimumf %min3A_1122, %get3A_1179 : vector<16xf32>
      scf.yield %min3A_1138, %min3A_1152, %min3A_1166, %min3A_1180 : vector<16xf32>, vector<16xf32>, vector<16xf32>, vector<16xf32>
    }
    %scan3A_643 = arith.constant 128 : i32
    %min3A_644 = arith.minimumf %scan3A_642#0, %scan3A_642#1 : vector<16xf32>
    %min3A_645 = arith.minimumf %scan3A_642#2, %scan3A_642#3 : vector<16xf32>
    %min3A_646 = arith.minimumf %min3A_644, %min3A_645 : vector<16xf32>
    %iota3A_647 = tpu.iota {dimensions = array<i32: 0>} : vector<16xi32>
    %xor3A_648 = arith.constant 8 : i32
    %xor3A_649 = vector.broadcast %xor3A_648 : i32 to vector<16xi32>
    %xor3A_650 = arith.xori %iota3A_647, %xor3A_649 : vector<16xi32>
    %lt3A_651 = arith.constant 0 : i32
    %lt3A_652 = vector.broadcast %lt3A_651 : i32 to vector<16xi32>
    %lt3A_653 = arith.cmpi slt, %xor3A_650, %lt3A_652 : vector<16xi32>
    %add3A_654 = arith.constant 16 : i32
    %add3A_655 = vector.broadcast %add3A_654 : i32 to vector<16xi32>
    %add3A_656 = arith.addi %xor3A_650, %add3A_655 : vector<16xi32>
    %select_n3A_657 = arith.select %lt3A_653, %add3A_656, %xor3A_650 : vector<16xi1>, vector<16xi32>
    %reshape3A_658 = vector.shape_cast %select_n3A_657 : vector<16xi32> to vector<16x1xi32>
    %gather3A_659 = vector.shape_cast %reshape3A_658 : vector<16x1xi32> to vector<16xi32>
    %gather3A_660 = tpu.dynamic_gather %min3A_646[%gather3A_659] in [0] : vector<16xf32>, vector<16xi32> -> vector<16xf32>
    %min3A_661 = arith.minimumf %min3A_646, %gather3A_660 : vector<16xf32>
    %iota3A_662 = tpu.iota {dimensions = array<i32: 0>} : vector<16xi32>
    %xor3A_663 = arith.constant 4 : i32
    %xor3A_664 = vector.broadcast %xor3A_663 : i32 to vector<16xi32>
    %xor3A_665 = arith.xori %iota3A_662, %xor3A_664 : vector<16xi32>
    %lt3A_666 = arith.constant 0 : i32
    %lt3A_667 = vector.broadcast %lt3A_666 : i32 to vector<16xi32>
    %lt3A_668 = arith.cmpi slt, %xor3A_665, %lt3A_667 : vector<16xi32>
    %add3A_669 = arith.constant 16 : i32
    %add3A_670 = vector.broadcast %add3A_669 : i32 to vector<16xi32>
    %add3A_671 = arith.addi %xor3A_665, %add3A_670 : vector<16xi32>
    %select_n3A_672 = arith.select %lt3A_668, %add3A_671, %xor3A_665 : vector<16xi1>, vector<16xi32>
    %reshape3A_673 = vector.shape_cast %select_n3A_672 : vector<16xi32> to vector<16x1xi32>
    %gather3A_674 = vector.shape_cast %reshape3A_673 : vector<16x1xi32> to vector<16xi32>
    %gather3A_675 = tpu.dynamic_gather %min3A_661[%gather3A_674] in [0] : vector<16xf32>, vector<16xi32> -> vector<16xf32>
    %min3A_676 = arith.minimumf %min3A_661, %gather3A_675 : vector<16xf32>
    %iota3A_677 = tpu.iota {dimensions = array<i32: 0>} : vector<16xi32>
    %xor3A_678 = arith.constant 2 : i32
    %xor3A_679 = vector.broadcast %xor3A_678 : i32 to vector<16xi32>
    %xor3A_680 = arith.xori %iota3A_677, %xor3A_679 : vector<16xi32>
    %lt3A_681 = arith.constant 0 : i32
    %lt3A_682 = vector.broadcast %lt3A_681 : i32 to vector<16xi32>
    %lt3A_683 = arith.cmpi slt, %xor3A_680, %lt3A_682 : vector<16xi32>
    %add3A_684 = arith.constant 16 : i32
    %add3A_685 = vector.broadcast %add3A_684 : i32 to vector<16xi32>
    %add3A_686 = arith.addi %xor3A_680, %add3A_685 : vector<16xi32>
    %select_n3A_687 = arith.select %lt3A_683, %add3A_686, %xor3A_680 : vector<16xi1>, vector<16xi32>
    %reshape3A_688 = vector.shape_cast %select_n3A_687 : vector<16xi32> to vector<16x1xi32>
    %gather3A_689 = vector.shape_cast %reshape3A_688 : vector<16x1xi32> to vector<16xi32>
    %gather3A_690 = tpu.dynamic_gather %min3A_676[%gather3A_689] in [0] : vector<16xf32>, vector<16xi32> -> vector<16xf32>
    %min3A_691 = arith.minimumf %min3A_676, %gather3A_690 : vector<16xf32>
    %iota3A_692 = tpu.iota {dimensions = array<i32: 0>} : vector<16xi32>
    %xor3A_693 = arith.constant 1 : i32
    %xor3A_694 = vector.broadcast %xor3A_693 : i32 to vector<16xi32>
    %xor3A_695 = arith.xori %iota3A_692, %xor3A_694 : vector<16xi32>
    %lt3A_696 = arith.constant 0 : i32
    %lt3A_697 = vector.broadcast %lt3A_696 : i32 to vector<16xi32>
    %lt3A_698 = arith.cmpi slt, %xor3A_695, %lt3A_697 : vector<16xi32>
    %add3A_699 = arith.constant 16 : i32
    %add3A_700 = vector.broadcast %add3A_699 : i32 to vector<16xi32>
    %add3A_701 = arith.addi %xor3A_695, %add3A_700 : vector<16xi32>
    %select_n3A_702 = arith.select %lt3A_698, %add3A_701, %xor3A_695 : vector<16xi1>, vector<16xi32>
    %reshape3A_703 = vector.shape_cast %select_n3A_702 : vector<16xi32> to vector<16x1xi32>
    %gather3A_704 = vector.shape_cast %reshape3A_703 : vector<16x1xi32> to vector<16xi32>
    %gather3A_705 = tpu.dynamic_gather %min3A_691[%gather3A_704] in [0] : vector<16xf32>, vector<16xi32> -> vector<16xf32>
    %min3A_706 = arith.minimumf %min3A_691, %gather3A_705 : vector<16xf32>
    %swap3A_707 = arith.constant 7 : i32
    %swap3A_708 = arith.index_cast %swap3A_707 : i32 to index
    %swap3A_709 = arith.constant 0 : index
    %swap3A_710 = tpu.vector_load %arg6[%swap3A_708, %swap3A_709] {strides = array<i32>} : memref<8x16xf32, #tpu.memory_space<vmem>>, vector<1x16xf32>,
    %swap3A_711 = vector.shape_cast %swap3A_710 : vector<1x16xf32> to vector<16xf32>
    %swap3A_712 = vector.shape_cast %min3A_706 : vector<16xf32> to vector<1x16xf32>
    tpu.vector_store %arg6[%swap3A_708, %swap3A_709], %swap3A_712 {strides = array<i32>} : memref<8x16xf32, #tpu.memory_space<vmem>>, vector<1x16xf32>,
    "tpu.region"() ({
      %run_scoped3A = tpu.sem_alloc : memref<!tpu.dma_semaphore, #tpu.memory_space<semaphore_mem>>
      %dma_start3A_715 = arith.constant 0 : i32
      %dma_start3A_716 = tpu.memref_slice %arg3[%mul3A_2, %dma_start3A_715] : memref<256x16xf32, #tpu.memory_space<hbm>> -> memref<8x16xf32, #tpu.memory_space<hbm>>
      %dma_start3A_717 = arith.constant 0 : i32
      %dma_start3A_718 = tpu.memref_slice %arg3[%mul3A_2, %dma_start3A_717] : memref<256x16xf32, #tpu.memory_space<hbm>> -> memref<8x16xf32, #tpu.memory_space<hbm>>
      tpu.enqueue_dma source(%arg6 : memref<8x16xf32, #tpu.memory_space<vmem>>) target(%dma_start3A_718 : memref<8x16xf32, #tpu.memory_space<hbm>>) target_semaphore(%run_scoped3A : memref<!tpu.dma_semaphore, #tpu.memory_space<semaphore_mem>>)
      %dma_wait3A_719 = arith.constant 0 : i32
      %dma_wait3A_720 = tpu.memref_slice %arg3[%mul3A_2, %dma_wait3A_719] : memref<256x16xf32, #tpu.memory_space<hbm>> -> memref<8x16xf32, #tpu.memory_space<hbm>>
      %dma_wait3A_721 = arith.constant 0 : i32
      %dma_wait3A_722 = tpu.memref_slice %arg3[%mul3A_2, %dma_wait3A_721] : memref<256x16xf32, #tpu.memory_space<hbm>> -> memref<8x16xf32, #tpu.memory_space<hbm>>
      tpu.wait_dma2 semaphore(%run_scoped3A : memref<!tpu.dma_semaphore, #tpu.memory_space<semaphore_mem>>) src(%arg6 : memref<8x16xf32, #tpu.memory_space<vmem>>) dst(%dma_wait3A_722 : memref<8x16xf32, #tpu.memory_space<hbm>>)
      tpu.yield
    }) : () -> ()
    %eq3A = arith.constant 0 : i32
    %eq3A_713 = arith.cmpi eq, %add3A, %eq3A : i32
    %convert_element_type3A = arith.extui %eq3A_713 : i1 to i32
    %cond3A = arith.constant 0 : i32
    %cond3A_714 = arith.cmpi ne, %convert_element_type3A, %cond3A : i32
    scf.if %cond3A_714 {
      %broadcast_in_dim3A_715 = arith.constant 0.000000e+00 : f32
      %broadcast_in_dim3A_716 = vector.broadcast %broadcast_in_dim3A_715 : f32 to vector<16xf32>
      %swap3A_717 = arith.constant 0 : index
      %swap3A_718 = tpu.vector_load %arg7[%swap3A_717] {strides = array<i32>} : memref<16xf32, #tpu.memory_space<vmem>>, vector<16xf32>,
      %swap3A_719 = vector.shape_cast %swap3A_718 : vector<16xf32> to vector<16xf32>
      %swap3A_720 = vector.shape_cast %broadcast_in_dim3A_716 : vector<16xf32> to vector<16xf32>
      tpu.vector_store %arg7[%swap3A_717], %swap3A_720 {strides = array<i32>} : memref<16xf32, #tpu.memory_space<vmem>>, vector<16xf32>,
      "tpu.region"() ({
        %run_scoped3A = tpu.sem_alloc : memref<!tpu.dma_semaphore, #tpu.memory_space<semaphore_mem>>
        tpu.enqueue_dma source(%arg7 : memref<16xf32, #tpu.memory_space<vmem>>) target(%arg4 : memref<16xf32, #tpu.memory_space<hbm>>) target_semaphore(%run_scoped3A : memref<!tpu.dma_semaphore, #tpu.memory_space<semaphore_mem>>)
        tpu.wait_dma2 semaphore(%run_scoped3A : memref<!tpu.dma_semaphore, #tpu.memory_space<semaphore_mem>>) src(%arg7 : memref<16xf32, #tpu.memory_space<vmem>>) dst(%arg4 : memref<16xf32, #tpu.memory_space<hbm>>)
        tpu.yield
      }) : () -> ()
    } else {
    }
    return
  }
}

module attributes {stable_mosaic.version = 14 : i64} {
  func.func @_tc_body(%arg0: i32, %arg1: memref<256x8192xf32, #tpu.memory_space<vmem>>, %arg2: memref<256xf32, #tpu.memory_space<vmem>>, %arg3: memref<1x1xf32, #tpu.memory_space<vmem>>) attributes {dimension_semantics = [#tpu.dimension_semantics<arbitrary>], iteration_bounds = array<i64: 3>, scalar_prefetch = 0 : i64, scratch_operands = 0 : i64, tpu.core_type = #tpu.core_type<tc>, window_params = [{transform_indices = @transform_0, window_bounds = array<i64: 256, 8192>}, {transform_indices = @transform_1, window_bounds = array<i64: 256>}, {pipeline_mode = #tpu.pipeline_mode<synchronous>, transform_indices = @transform_2, window_bounds = array<i64: 1, 1>}]} {
    %get3A = arith.constant 0 : index
    %get3A_0 = arith.constant 0 : index
    %get3A_1 = vector.load %arg1[%get3A, %get3A_0] : memref<256x8192xf32, #tpu.memory_space<vmem>>, vector<256x8192xf32>
    %reduce_min3A = arith.constant dense<0x7F800000> : vector<256xf32>
    %reduce_min3A_2 = vector.multi_reduction <minimumf>, %get3A_1, %reduce_min3A [1] : vector<256x8192xf32> to vector<256xf32>
    %swap3A = arith.constant 0 : index
    %swap3A_3 = vector.load %arg2[%swap3A] : memref<256xf32, #tpu.memory_space<vmem>>, vector<256xf32>
    tpu.vector_store %arg2[%swap3A], %reduce_min3A_2 {strides = array<i32>} : memref<256xf32, #tpu.memory_space<vmem>>, vector<256xf32>,
    %eq3A = arith.constant 0 : i32
    %eq3A_4 = arith.cmpi eq, %arg0, %eq3A : i32
    %convert_element_type3A = arith.extui %eq3A_4 : i1 to i32
    %cond3A = arith.constant 0 : i32
    %cond3A_5 = arith.cmpi ne, %convert_element_type3A, %cond3A : i32
    scf.if %cond3A_5 {
      %broadcast_in_dim3A = arith.constant 0.000000e+00 : f32
      %broadcast_in_dim3A_6 = vector.broadcast %broadcast_in_dim3A : f32 to vector<1x1xf32>
      %swap3A_7 = arith.constant 0 : index
      %swap3A_8 = arith.constant 0 : index
      %swap3A_9 = vector.load %arg3[%swap3A_7, %swap3A_8] : memref<1x1xf32, #tpu.memory_space<vmem>>, vector<1x1xf32>
      tpu.vector_store %arg3[%swap3A_7, %swap3A_8], %broadcast_in_dim3A_6 {strides = array<i32>} : memref<1x1xf32, #tpu.memory_space<vmem>>, vector<1x1xf32>,
    } else {
    }
    return
  }
  func.func @transform_0(%arg0: i32) -> (i32, i32) {
    %c0_i32 = arith.constant 0 : i32
    %c0_i32_0 = arith.constant 0 : i32
    return %arg0, %c0_i32 : i32, i32
  }
  func.func @transform_1(%arg0: i32) -> i32 {
    %c0_i32 = arith.constant 0 : i32
    return %arg0 : i32
  }
  func.func @transform_2(%arg0: i32) -> (i32, i32) {
    %c0_i32 = arith.constant 0 : i32
    %c0_i32_0 = arith.constant 0 : i32
    %c0_i32_1 = arith.constant 0 : i32
    return %c0_i32, %c0_i32_0 : i32, i32
  }
}

</mosaic_0001>

<sc_bundles>
// kernel: kernel.4.cloned.1.call-start
scs
__scs_entry_jumppad:
0x0: {  	(pc) =	sbr.rel $0x88, $3  }
0x1: {  	(tag) =	ssettag $0x0;
	lr =	simm.s32 $0x1  }
0x2: {  	[smem:$0x3FA0] =	sst lr;
	_ =	strace $0xD0000000  }
0x3: {  	_ = 	snop  }
0x4: {  	_ = 	snop  }
0x5: {  	_ = 	snop  }
0x6: {  	_ = 	snop  }
0x7: {  	_ = 	snop  }
__scs_overlays_trampoline_lowered:
0x8: {  	[smem:$0x3FAF] =	sst s0  }
0x9: {  	[smem:$0x3FB0] =	sst s1  }
0xa: {  	[smem:$0x3FB1] =	sst s2  }
0xb: {  	[smem:$0x3FB2] =	sst s3  }
0xc: {  	[smem:$0x3FB3] =	sst s4  }
0xd: {  	[smem:$0x3FB4] =	sst s5  }
0xe: {  	[smem:$0x3FB5] =	sst s6  }
0xf: {  	[smem:$0x3FB6] =	sst s7  }
0x10: {  	[smem:$0x3FB7] =	sst s8  }
0x11: {  	[smem:$0x3FB8] =	sst s9;
	s0 =	simm.s32 @!p0 $0x0  }
0x12: {  	s1 =	sld [smem:$0x3F9E];
	s0 =	simm.s32 @p0 $0x1  }
0x13: {  	[smem:$0x3FB9] =	sst s0;
	s0 =	simm.s32 @!p1 $0x0  }
0x14: {  	s2 =	sld [smem:$0x3F9D];
	s0 =	simm.s32 @p1 $0x1  }
0x15: {  	[smem:$0x3FBA] =	sst s0;
	s0 =	simm.s32 @!p2 $0x0  }
0x16: {  	s3 =	sld [smem:$0x3FDB];
	s0 =	simm.s32 @p2 $0x1  }
0x17: {  	s4 =	simm.s32 $0x1BF5;
	[smem:$0x3FBC] =	sst s0  }
0x18: {  	s0 =	sld [smem:$0x3F9F];
	_ =	swait.ge [sflag:s4], $0x0  }
0x19: {  	s7 =	sld [smem:$0x3FA0]  }
0x1a: {  	s8 =	sadd.s32 $0xFFFFE003, lr  }
0x1b: {  	s9 =	sadd.s32 $0xFFFFFEF7, lr;
	s5 =	simm.s32 $0xFFFFFFFF;
	p2 =	slt.u32 s8, $0xFFFFF086  }
0x1c: {  	p1 =	slt.u32 s9, $0xF7A;
	s5 =	simm.s32 @!p2 $0x0  }
0x1d: {  	s5 =	simm.s32 @p1 $0x1;
	p0 =	seq.s32 s7, s2  }
0x1e: {  	s7 =	smul.u32 @!p0 $0xF7A, s2;
	p2 =	seq.s32 @!p0 s5, $0x0  }
0x1f: {  	s9 =	smul.u32 $0xF7A, s1;
	s8 =	simm.s32 @!p0 $0x1BF5;
	p2 =	por !p2, p0  }
0x20: {  	[sflag:s8] =	ssyncset.s32 @!p0 $0xFFFFF086;
	s6 =	sadd.s32 @!p0 s3, s7;
	s7 =	simm.s32 @!p0 $0x108  }
0x21: {  	s3 =	sadd.s32 s3, s9;
	s6 =	sadd.s32 @!p0 $0x88, s6;
	s7 =	simm.s32 @p2 $0x1082  }
0x22: {  	[simem:s7], [sflag:s8] =	dma.local @!p0 [hbm:s6], $0xF7A  }
0x23: {  	s9 =	sor.u32 $0xD0000000, s2;
	s6 =	simm.s32 $0x108;
	_ =	swait.ge @!p0 [sflag:s8], $0x0  }
0x24: {  	s3 =	sadd.s32 $0x88, s3;
	s6 =	simm.s32 @!p1 $0x1082;
	[sflag:s4] =	ssyncset.s32 $0xFFFFF086  }
0x25: {  	[simem:s6], [sflag:s4] =	dma.local [hbm:s3], $0xF7A  }
0x26: {  	[smem:$0x3FA0] =	sst s1;
	(tag) =	ssettag s2;
	_ =	strace s9  }
0x27: {  	s1 =	sld [smem:$0x3FB0]  }
0x28: {  	s2 =	sld [smem:$0x3FB1]  }
0x29: {  	s4 =	sld [smem:$0x3FB3]  }
0x2a: {  	p0 =	seq.s32 s5, $0x0;
	s5 =	sld [smem:$0x3FB4]  }
0x2b: {  	s6 =	sld [smem:$0x3FB5]  }
0x2c: {  	s7 =	sld [smem:$0x3FB6]  }
0x2d: {  	s3 =	simm.s32 $0x108;
	s8 =	sld [smem:$0x3FB7]  }
0x2e: {  	s3 =	simm.s32 @!p0 $0x1082;
	s9 =	sld [smem:$0x3FB8]  }
0x2f: {  	lr =	sadd.s32 s0, s3;
	s0 =	sld [smem:$0x3FAF]  }
0x30: {  	s3 =	sld [smem:$0x3FB2]  }
0x31: {  	[smem:$0x3FBB] =	sst s10  }
0x32: {  	s10 =	sld [smem:$0x3FB9];
	_ =	sdelay $0x3  }
0x33: {  	p0 =	seq.s32 s10, $0x1;
	s10 =	sld [smem:$0x3FBB];
	_ =	sdelay $0x3  }
0x34: {  	[smem:$0x3FBB] =	sst s10  }
0x35: {  	s10 =	sld [smem:$0x3FBA];
	_ =	sdelay $0x3  }
0x36: {  	p1 =	seq.s32 s10, $0x1;
	s10 =	sld [smem:$0x3FBB];
	_ =	sdelay $0x3  }
0x37: {  	[smem:$0x3FBB] =	sst s10  }
0x38: {  	s10 =	sld [smem:$0x3FBC]  }
0x39: {  	_ = 	snop;
	(pc) =	sbr.ind lr, $3  }
0x3a: {  	_ = 	snop  }
0x3b: {  	_ = 	snop  }
0x3c: {  	p2 =	seq.s32 s10, $0x1;
	s10 =	sld [smem:$0x3FBB]  }
0x3d: {  	_ =	shalt  }
0x3e: {  	_ =	shalt  }
0x3f: {  	_ =	shalt  }
0x40: {  	_ =	shalt  }
0x41: {  	_ =	shalt  }
0x42: {  	_ =	shalt  }
0x43: {  	_ =	shalt  }
0x44: {  	_ =	shalt  }
0x45: {  	_ =	shalt  }
0x46: {  	_ =	shalt  }
0x47: {  	_ =	shalt  }
0x48: {  	_ =	shalt  }
0x49: {  	_ =	shalt  }
0x4a: {  	_ =	shalt  }
0x4b: {  	_ =	shalt  }
0x4c: {  	_ =	shalt  }
0x4d: {  	_ =	shalt  }
0x4e: {  	_ =	shalt  }
0x4f: {  	_ =	shalt  }
0x50: {  	_ =	shalt  }
0x51: {  	_ =	shalt  }
0x52: {  	_ =	shalt  }
0x53: {  	_ =	shalt  }
0x54: {  	_ =	shalt  }
0x55: {  	_ =	shalt  }
0x56: {  	_ =	shalt  }
0x57: {  	_ =	shalt  }
0x58: {  	_ =	shalt  }
0x59: {  	_ =	shalt  }
0x5a: {  	_ =	shalt  }
0x5b: {  	_ =	shalt  }
0x5c: {  	_ =	shalt  }
0x5d: {  	_ =	shalt  }
0x5e: {  	_ =	shalt  }
0x5f: {  	_ =	shalt  }
0x60: {  	_ =	shalt  }
0x61: {  	_ =	shalt  }
0x62: {  	_ =	shalt  }
0x63: {  	_ =	shalt  }
0x64: {  	_ =	shalt  }
0x65: {  	_ =	shalt  }
0x66: {  	_ =	shalt  }
0x67: {  	_ =	shalt  }
0x68: {  	_ =	shalt  }
0x69: {  	_ =	shalt  }
0x6a: {  	_ =	shalt  }
0x6b: {  	_ =	shalt  }
0x6c: {  	_ =	shalt  }
0x6d: {  	_ =	shalt  }
0x6e: {  	_ =	shalt  }
0x6f: {  	_ =	shalt  }
0x70: {  	_ =	shalt  }
0x71: {  	_ =	shalt  }
0x72: {  	_ =	shalt  }
0x73: {  	_ =	shalt  }
0x74: {  	_ =	shalt  }
0x75: {  	_ =	shalt  }
0x76: {  	_ =	shalt  }
0x77: {  	_ =	shalt  }
0x78: {  	_ =	shalt  }
0x79: {  	_ =	shalt  }
0x7a: {  	_ =	shalt  }
0x7b: {  	_ =	shalt  }
0x7c: {  	_ =	shalt  }
0x7d: {  	_ =	shalt  }
0x7e: {  	_ =	shalt  }
0x7f: {  	_ =	shalt  }
0x80: {  	_ =	shalt  }
0x81: {  	_ =	shalt  }
0x82: {  	_ =	shalt  }
0x83: {  	_ =	shalt  }
0x84: {  	_ =	shalt  }
0x85: {  	_ =	shalt  }
0x86: {  	_ =	shalt  }
0x87: {  	_ =	shalt  }
.Lfunc_end0:
.L_simem_size_0:
called_computation_lowered:
.L_overlay_start_0:
0x88: {  	s2 =	sld [smem:$0x3FD9]  }
0x89: {  	s3 =	sld [smem:$0x3FFE];
	_ =	sdelay $0x1  }
0x8a: {  	s1 =	srdreg.scid  }
0x8b: {  	s0 =	sand.u32 $0x1, s1  }
0x8c: {  	s17 =	sshll.u32 s0, $0xA;
	s2 =	sadd.s32 s3, s2  }
0x8d: {  	s2 =	sadd.s32 s2, s17  }
0x8e: {  	[smem:$0x3FC7] =	sst s2  }
0x8f: {  	_ = 	snop  }
0x90: {  	s2 =	sld [smem:$0x3FC9];
	(tm) =	ssettm $0x1  }
0x91: {  	s18 =	sld [smem:$0x3FFB];
	_ =	sdelay $0x3  }
0x92: {  	_ =	strace s18  }
0x93: {  	s3 =	sld [smem:$0x3FFC];
	_ =	sdelay $0x3  }
0x94: {  	_ =	strace s3  }
0x95: {  	s3 =	sld [smem:$0x3FFD];
	_ =	sdelay $0x3  }
0x96: {  	_ =	strace s3  }
0x97: {  	_ =	strace $0x8FFFFFFF  }
0x98: {  	s19 =	sld [smem:$0x3FDB];
	_ =	sdelay $0x1  }
0x99: {  	s4 =	simm.s32 $_scs_section_size  }
0x9a: {  	s5 =	simm.s32 $_size__tile_overlayer_lowered;
	s6 =	simm.s32 $_tile_overlayer_lowered  }
0x9b: {  	s22 =	simm.s32 $0x1BFF;
	s21 =	sshll.u32 s6, $0x1;
	s3 =	sadd.s32 s4, s19  }
0x9c: {  	s7 =	simm.s32 $0x0;
	s20 =	sshll.u32 s5, $0x1;
	s5 =	sadd.s32 s21, s3  }
0x9d: {  	[timem:s7], [sflag:s22] =	dma.local [hbm:s5], s20  }
0x9e: {  	_ =	swait.ge [sflag:s22], s20  }
0x9f: {  	s4 =	ssub.s32 $0x0, s20;
	[sflag:s22] =	ssyncset.done $0x0  }
0xa0: {  	[sflag:s22] =	ssyncadd.s32 s4;
	_ =	sdelay $0x1  }
0xa1: {  	s23 =	simm.s32 $0x1B8B  }
0xa2: {  	_ =	swait.ge [sflag:s23], $0x1  }
0xa3: {  	[sflag:s23] =	ssyncset.done $0x0  }
0xa4: {  	s25 =	simm.s32 $0x1B8E;
	s24 =	sld [smem:$0x3FFE];
	[sflag:s23] =	ssyncadd.s32 $0xFFFFFFFF  }
0xa5: {  	s26 =	simm.s32 $execute0_lowered;
	[smem:$0x3FD2] =	sst s25  }
0xa6: {  	s5 =	sshll.u32 s26, $0x1;
	_ =	strace $0x80000046;
	[dreg:$0x1] =	wrdreg $0xFFFFFFFF  }
0xa7: {  	s28 =	simm.s32 $_size_execute0_lowered;
	s3 =	sadd.s32 s3, s5;
	[dreg:$0x0] =	wrdreg $0x0  }
0xa8: {  	s5 =	sshll.u32 s28, $0x1;
	[dreg:$0x2] =	wrdreg s3  }
0xa9: {  	[dreg:$0x3] =	wrdreg s5  }
0xaa: {  	[dreg:$0x4] =	wrdreg $0xC0  }
0xab: {  	_ =	task [dreg:s7], $0x5FFFF  }
0xac: {  	[dreg:$0x1] =	wrdreg $0xFFFFFFFF  }
0xad: {  	[dreg:$0x0] =	wrdreg $0x60  }
0xae: {  	[dreg:$0x2] =	wrdreg s2  }
0xaf: {  	[dreg:$0x3] =	wrdreg s24  }
0xb0: {  	[dreg:$0x4] =	wrdreg $0x9  }
0xb1: {  	_ =	task.clear_ibuf [dreg:s7], $0x5FFFF;
	_ =	strace $0x90000046  }
0xb2: {  	s29 =	simm.s32 $0x9;
	_ =	strace $0x80000048  }
0xb3: {  	_ =	swait.ge [sflag:s29], $0x1  }
0xb4: {  	[sflag:s29] =	ssyncadd.s32 $0xFFFFFFFF  }
0xb5: {  	_ =	strace $0x90000048  }
0xb6: {  	_ =	sfence  }
0xb7: {  	s30 =	sld [smem:$0x0];
	_ =	sdelay $0x2  }
0xb8: {  	s31 =	sshll.u32 s1, $0xD;
	s1 =	sshrl.u32 s1, $0x2  }
0xb9: {  	s3 =	sand.u32 $0x4000, s31;
	s1 =	sadd.s32 s1, s30  }
0xba: {  	s0 =	sor.u32 s3, s0;
	s1 =	sshll.u32 s1, $0x11  }
0xbb: {  	s0 =	sor.u32 s1, s0  }
0xbc: {  	s0 =	sadd.s32 $0x8F2B, s0  }
0xbd: {  	[sflag:s0] =	ssyncadd.remote.s32 $0x1  }
0xbe: {  	_ =	sfence.sel $0xFFFF  }
0xbf: {  	[dreg:$0x0] =	wrdreg $0xFFFFFFFF;
	(pc) =	sbr.abs _section_cstart, $3  }
0xc0: {  	[dreg:$0x1] =	wrdreg $0xFFFFFFFF  }
0xc1: {  	_ =	task.clear_ibuf [dreg:s7], $0x2FFFF;
	_ =	strace $0x9FFFFFFF  }
0xc2: {  	(tm) =	ssettm $0x7FFFFFFF  }
0xc3: {  	_ =	shalt  }
tec
execute0_lowered:
.L_overlay_start_1:
0x0: {  	(tag) =	ssettag $0x1  }
0x1: {  	s4 =	rddreg [dreg:$0x0]  }
0x2: {  	v0 =	vimm.s32 $0xFEDCBA98;
	s3 =	rddreg [dreg:$0x1]  }
0x3: {  	s0 =	rddreg [dreg:$0x2];
	s1 =	simm.s32 $0x0;
	v1 =	vimm.s32 $0x76543210;
	v2 =	vimm.s32 $0xBA98FEDC;
	v3 =	vimm.s32 $0x32107654  }
0x4: {  	s5 =	srdreg.scid;
	s2 =	stileid.u32;
	v4 =	vimm.s32 $0xDCFE98BA;
	v5 =	vimm.s32 $0x54761032;
	v6 =	vimm.s32 $0xEFCDAB89;
	s9 =	simm.s32 $0x1  }
0x5: {  	v7 =	vimm.s32 $0x67452301;
	s10 =	simm.s32 $0x8000;
	s11 =	simm.s32 $0x2;
	s13 =	simm.s32 $0x3;
	v0 =	vunpack.c.l.s4.s8 v0;
	v1 =	vunpack.c.l.s4.s8 v1  }
0x6: {  	[smem:$0x7FF] =	sst s1;
	s5 =	sand.u32 $0x1, s5;
	s6 =	sshll.u32 s2, $0x1;
	v2 =	vunpack.c.l.s4.s8 v2;
	v3 =	vunpack.c.l.s4.s8 v3;
	v4 =	vunpack.c.l.s4.s8 v4  }
0x7: {  	s14 =	simm.s32 $0x0;
	v5 =	vunpack.c.l.s4.s8 v5;
	v6 =	vunpack.c.l.s4.s8 v6;
	v7 =	vunpack.c.l.s4.s8 v7;
	_ =	strace $0x80000047;
	s12 =	sor.u32 s5, s6  }
0x8: {  	s5 =	ssub.s32 $0x2, s5;
	v0 =	vunpack.c.0.s8.s32 v0;
	v1 =	vunpack.c.0.s8.s32 v1;
	s6 =	sshll.u32 s12, $0x7;
	s7 =	sshll.u32 s12, $0xD;
	v2 =	vunpack.c.0.s8.s32 v2  }
0x9: {  	s8 =	sshrl.u32 s5, $0x1;
	v3 =	vunpack.c.0.s8.s32 v3;
	v4 =	vunpack.c.0.s8.s32 v4;
	v5 =	vunpack.c.0.s8.s32 v5;
	p0 =	sne.s32 s12, $0x0;
	s12 =	simm.s32 $0x10000  }
0xa: {  	v6 =	vunpack.c.0.s8.s32 v6;
	v7 =	vunpack.c.0.s8.s32 v7;
	s6 =	sadd.s32 s6, s3;
	s3 =	sadd.s32 $0x1A00, s3;
	s31 =	sadd.s32 s7, s4;
	v0 =	vand.u32 $0xF, v0  }
0xb: {  	s8 =	ssub.s32 s5, s8;
	s4 =	sadd.s32 $0xC0000, s31;
	s5 =	sadd.s32 $0xC0040, s31;
	v0 =	vcombine.low v0, v1;
	v1 =	vcombine.low v3, v2  }
0xc: {  	s6 =	sadd.s32 $0xA00, s6;
	s7 =	smax.u32 s8, $0x1;
	s8 =	simm.s32 $0x200;
	v2 =	vcombine.low v5, v4;
	v3 =	vcombine.low v7, v6  }
.LBB2_1:
0xd: {  	s16 =	simm.s32 $0x400  }
0xe: {  	[tilespmem:s1], [sflag:$0x1] =	stream.strided.gather [hbm4b:s4+s8], $0x8000, s16, s8, $0x38;
	[tilespmem:$0x10480] =	vst v63  }
0xf: {  	_ =	swait.ge [sflag:s9], $0x8000  }
0x10: {  	[sflag:s9] =	ssyncset.done $0x0  }
0x11: {  	[sflag:s9] =	ssyncadd.s32 $0xFFFF8000  }
0x12: {  	[tilespmem:s10], [sflag:$0x2] =	stream.strided.gather [hbm4b:s5+s8], $0x8000, s16, s8, $0x38;
	[tilespmem:$0x10480] =	vst v63  }
0x13: {  	v12 =	vld [tilespmem:s16+$0x240]  }
0x14: {  	v4 =	vld [tilespmem:s16+$0x250]  }
0x15: {  	v5 =	vld [tilespmem:s16+$0x260]  }
0x16: {  	v15 =	vld [tilespmem:s16+$0x200]  }
0x17: {  	v6 =	vld [tilespmem:s16+$0x210]  }
0x18: {  	v7 =	vld [tilespmem:s16+$0x220]  }
0x19: {  	v16 =	vld [tilespmem:s16+$0x40]  }
0x1a: {  	v8 =	vld [tilespmem:s16+$0x50]  }
0x1b: {  	v9 =	vld [tilespmem:s16+$0x60]  }
0x1c: {  	v17 =	vld [tilespmem:s16+$0x0]  }
0x1d: {  	v10 =	vld [tilespmem:s16+$0x10]  }
0x1e: {  	v11 =	vld [tilespmem:s16+$0x20]  }
0x1f: {  	v18 =	vld [tilespmem:s16+$0xFFFFFE40]  }
0x20: {  	v13 =	vld [tilespmem:s16+$0xFFFFFE50]  }
0x21: {  	v14 =	vld [tilespmem:s16+$0xFFFFFE60]  }
0x22: {  	v19 =	vld [tilespmem:s16+$0xFFFFFE00]  }
0x23: {  	v20 =	vld [tilespmem:s16+$0xFFFFFC00]  }
0x24: {  	v21 =	vld [tilespmem:s16+$0xFFFFFC40]  }
0x25: {  	v22 =	vld [tilespmem:s16+$0xFFFFFE10]  }
0x26: {  	v23 =	vld [tilespmem:s16+$0xFFFFFE20]  }
0x27: {  	v25 =	vld [tilespmem:s16+$0xFFFFFC50]  }
0x28: {  	v24 =	vimm.f32 $+Inf;
	v26 =	vld [tilespmem:s16+$0xFFFFFC60]  }
0x29: {  	v27 =	vld [tilespmem:s16+$0xFFFFFC10];
	v20 =	vmin.f32 v24, v20  }
0x2a: {  	v20 =	vmin.f32 v20, v21;
	v21 =	vld [tilespmem:s16+$0xFFFFFC20]  }
0x2b: {  	v19 =	vmin.f32 v20, v19;
	v20 =	vld [tilespmem:s16+$0xFFFFFC30]  }
0x2c: {  	v18 =	vmin.f32 v19, v18;
	v19 =	vld [tilespmem:s16+$0xFFFFFC70]  }
0x2d: {  	v28 =	vld [tilespmem:s16+$0xFFFFFE30];
	v17 =	vmin.f32 v18, v17  }
0x2e: {  	v17 =	vmin.f32 v17, v16;
	v16 =	vld [tilespmem:s16+$0xFFFFFE70]  }
0x2f: {  	v18 =	vmin.f32 v24, v27;
	v17 =	vmin.f32 v17, v15;
	v15 =	vld [tilespmem:s16+$0x30]  }
0x30: {  	v21 =	vmin.f32 v24, v21;
	v12 =	vmin.f32 v17, v12;
	v20 =	vmin.f32 v24, v20;
	v17 =	vld [tilespmem:s16+$0x70]  }
0x31: {  	v63 =	vmin.f32 v18, v25;
	v18 =	vld [tilespmem:s16+$0x230];
	v21 =	vmin.f32 v21, v26;
	v19 =	vmin.f32 v20, v19  }
0x32: {  	s15 =	simm.s32 $0x0;
	v20 =	vmin.f32 v63, v22;
	v21 =	vmin.f32 v21, v23;
	v22 =	vmin.f32 v19, v28;
	v19 =	vld [tilespmem:s16+$0x270];
	s16 =	simm.s32 $0xC00  }
.LBB2_2:
0x33: {  	v23 =	vld [tilespmem:s16+$0x240];
	v13 =	vmin.f32 v20, v13;
	v14 =	vmin.f32 v21, v14;
	v16 =	vmin.f32 v22, v16  }
0x34: {  	v20 =	vld [tilespmem:s16+$0x250];
	v10 =	vmin.f32 v13, v10;
	v11 =	vmin.f32 v14, v11;
	v13 =	vmin.f32 v16, v15  }
0x35: {  	v14 =	vld [tilespmem:s16+$0x260];
	v8 =	vmin.f32 v10, v8;
	v9 =	vmin.f32 v11, v9;
	v10 =	vmin.f32 v13, v17  }
0x36: {  	v15 =	vld [tilespmem:s16+$0x200];
	v8 =	vmin.f32 v8, v6;
	v7 =	vmin.f32 v9, v7;
	v9 =	vmin.f32 v10, v18  }
0x37: {  	v6 =	vld [tilespmem:s16+$0x210];
	v17 =	vmin.f32 v8, v4;
	v18 =	vmin.f32 v7, v5;
	v19 =	vmin.f32 v9, v19  }
0x38: {  	v7 =	vld [tilespmem:s16+$0x220]  }
0x39: {  	v16 =	vld [tilespmem:s16+$0x40];
	v4 =	vmov v20  }
0x3a: {  	v8 =	vld [tilespmem:s16+$0x50];
	v5 =	vmov v14  }
0x3b: {  	v9 =	vld [tilespmem:s16+$0x60]  }
0x3c: {  	v20 =	vld [tilespmem:s16+$0x0]  }
0x3d: {  	v10 =	vld [tilespmem:s16+$0x10]  }
0x3e: {  	v11 =	vld [tilespmem:s16+$0x20]  }
0x3f: {  	v21 =	vld [tilespmem:s16+$0xFFFFFE40]  }
0x40: {  	v13 =	vld [tilespmem:s16+$0xFFFFFE50]  }
0x41: {  	v14 =	vld [tilespmem:s16+$0xFFFFFE60]  }
0x42: {  	v22 =	vld [tilespmem:s16+$0xFFFFFE00]  }
0x43: {  	v24 =	vld [tilespmem:s16+$0xFFFFFC00]  }
0x44: {  	v25 =	vld [tilespmem:s16+$0xFFFFFC40]  }
0x45: {  	v26 =	vld [tilespmem:s16+$0xFFFFFE10]  }
0x46: {  	v27 =	vld [tilespmem:s16+$0xFFFFFE20]  }
0x47: {  	v28 =	vld [tilespmem:s16+$0xFFFFFC50]  }
0x48: {  	v12 =	vmin.f32 v12, v24;
	v24 =	vld [tilespmem:s16+$0xFFFFFC60]  }
0x49: {  	v29 =	vld [tilespmem:s16+$0xFFFFFC10];
	v12 =	vmin.f32 v12, v25  }
0x4a: {  	v25 =	vld [tilespmem:s16+$0xFFFFFC20];
	v12 =	vmin.f32 v12, v22  }
0x4b: {  	s15 =	sadd.s32 $0x8, s15;
	v22 =	vld [tilespmem:s16+$0xFFFFFC30];
	v12 =	vmin.f32 v12, v21  }
0x4c: {  	p1 =	slt.u32 s15, $0x78;
	v21 =	vld [tilespmem:s16+$0xFFFFFC70];
	v12 =	vmin.f32 v12, v20  }
0x4d: {  	v30 =	vld [tilespmem:s16+$0xFFFFFE30];
	v12 =	vmin.f32 v12, v16  }
.Ltmp0:
0x4e: {  	v16 =	vld [tilespmem:s16+$0xFFFFFE70];
	v12 =	vmin.f32 v12, v15;
	(pc) =	sbr.rel @p1 .LBB2_2-.Ltmp0, $4  }
0x4f: {  	v15 =	vld [tilespmem:s16+$0x30];
	v12 =	vmin.f32 v12, v23  }
0x50: {  	v20 =	vmin.f32 v17, v29;
	v18 =	vmin.f32 v18, v25;
	v19 =	vmin.f32 v19, v22;
	v17 =	vld [tilespmem:s16+$0x70]  }
0x51: {  	v20 =	vmin.f32 v20, v28;
	v22 =	vmin.f32 v18, v24;
	v19 =	vmin.f32 v19, v21;
	v18 =	vld [tilespmem:s16+$0x230]  }
0x52: {  	v20 =	vmin.f32 v20, v26;
	v21 =	vmin.f32 v22, v27;
	v22 =	vmin.f32 v19, v30;
	v19 =	vld [tilespmem:s16+$0x270];
	s16 =	sadd.s32 $0x800, s16  }
0x53: {  	v13 =	vmin.f32 v20, v13;
	v14 =	vmin.f32 v21, v14;
	v16 =	vmin.f32 v22, v16  }
0x54: {  	v10 =	vmin.f32 v13, v10;
	v11 =	vmin.f32 v14, v11;
	v13 =	vmin.f32 v16, v15  }
0x55: {  	v8 =	vmin.f32 v10, v8;
	v9 =	vmin.f32 v11, v9;
	v10 =	vmin.f32 v13, v17  }
0x56: {  	v6 =	vmin.f32 v8, v6;
	v7 =	vmin.f32 v9, v7;
	v8 =	vmin.f32 v10, v18  }
0x57: {  	v4 =	vmin.f32 v6, v4;
	v5 =	vmin.f32 v7, v5;
	v6 =	vmin.f32 v8, v19  }
0x58: {  	v4 =	vmin.f32 v12, v4;
	v5 =	vmin.f32 v5, v6  }
0x59: {  	v4 =	vmin.f32 v4, v5  }
0x5a: {  	v5 =	vperm.xlane v4, v0;
	_ =	sdelay $0x1  }
0x5b: {  	v4 =	vmin.f32 v4, v5  }
0x5c: {  	v5 =	vperm.xlane v4, v1;
	_ =	sdelay $0x1  }
0x5d: {  	v4 =	vmin.f32 v4, v5  }
0x5e: {  	v5 =	vperm.xlane v4, v2;
	_ =	sdelay $0x1  }
0x5f: {  	v4 =	vmin.f32 v4, v5  }
0x60: {  	v5 =	vperm.xlane v4, v3;
	_ =	sdelay $0x1  }
0x61: {  	v4 =	vmin.f32 v4, v5  }
0x62: {  	s16 =	simm.s32 $0x480;
	[tilespmem:$0x10000] =	vst v4  }
0x63: {  	v12 =	vld [tilespmem:s16+$0x240]  }
0x64: {  	v4 =	vld [tilespmem:s16+$0x250]  }
0x65: {  	v5 =	vld [tilespmem:s16+$0x260]  }
0x66: {  	v15 =	vld [tilespmem:s16+$0x200]  }
0x67: {  	v6 =	vld [tilespmem:s16+$0x210]  }
0x68: {  	v7 =	vld [tilespmem:s16+$0x220]  }
0x69: {  	v16 =	vld [tilespmem:s16+$0x40]  }
0x6a: {  	v8 =	vld [tilespmem:s16+$0x50]  }
0x6b: {  	v9 =	vld [tilespmem:s16+$0x60]  }
0x6c: {  	v17 =	vld [tilespmem:s16+$0x0]  }
0x6d: {  	v10 =	vld [tilespmem:s16+$0x10]  }
0x6e: {  	v11 =	vld [tilespmem:s16+$0x20]  }
0x6f: {  	v18 =	vld [tilespmem:s16+$0xFFFFFE40]  }
0x70: {  	v13 =	vld [tilespmem:s16+$0xFFFFFE50]  }
0x71: {  	v14 =	vld [tilespmem:s16+$0xFFFFFE60]  }
0x72: {  	v19 =	vld [tilespmem:s16+$0xFFFFFE00]  }
0x73: {  	v20 =	vld [tilespmem:s16+$0xFFFFFC00]  }
0x74: {  	v21 =	vld [tilespmem:s16+$0xFFFFFC40]  }
0x75: {  	v22 =	vld [tilespmem:s16+$0xFFFFFE10]  }
0x76: {  	v23 =	vld [tilespmem:s16+$0xFFFFFE20]  }
0x77: {  	v25 =	vld [tilespmem:s16+$0xFFFFFC50]  }
0x78: {  	v24 =	vimm.f32 $+Inf;
	v26 =	vld [tilespmem:s16+$0xFFFFFC60]  }
0x79: {  	v27 =	vld [tilespmem:s16+$0xFFFFFC10];
	v20 =	vmin.f32 v24, v20  }
0x7a: {  	v20 =	vmin.f32 v20, v21;
	v21 =	vld [tilespmem:s16+$0xFFFFFC20]  }
0x7b: {  	v19 =	vmin.f32 v20, v19;
	v20 =	vld [tilespmem:s16+$0xFFFFFC30]  }
0x7c: {  	v18 =	vmin.f32 v19, v18;
	v19 =	vld [tilespmem:s16+$0xFFFFFC70]  }
0x7d: {  	v28 =	vld [tilespmem:s16+$0xFFFFFE30];
	v17 =	vmin.f32 v18, v17  }
0x7e: {  	v17 =	vmin.f32 v17, v16;
	v16 =	vld [tilespmem:s16+$0xFFFFFE70]  }
0x7f: {  	v18 =	vmin.f32 v24, v27;
	v17 =	vmin.f32 v17, v15;
	v15 =	vld [tilespmem:s16+$0x30]  }
0x80: {  	v21 =	vmin.f32 v24, v21;
	v12 =	vmin.f32 v17, v12;
	v20 =	vmin.f32 v24, v20;
	v17 =	vld [tilespmem:s16+$0x70]  }
0x81: {  	v63 =	vmin.f32 v18, v25;
	v18 =	vld [tilespmem:s16+$0x230];
	v21 =	vmin.f32 v21, v26;
	v19 =	vmin.f32 v20, v19  }
0x82: {  	s15 =	simm.s32 $0x0;
	v20 =	vmin.f32 v63, v22;
	v21 =	vmin.f32 v21, v23;
	v22 =	vmin.f32 v19, v28;
	v19 =	vld [tilespmem:s16+$0x270];
	s16 =	simm.s32 $0xC80  }
.LBB2_4:
0x83: {  	v23 =	vld [tilespmem:s16+$0x240];
	v13 =	vmin.f32 v20, v13;
	v14 =	vmin.f32 v21, v14;
	v16 =	vmin.f32 v22, v16  }
0x84: {  	v20 =	vld [tilespmem:s16+$0x250];
	v10 =	vmin.f32 v13, v10;
	v11 =	vmin.f32 v14, v11;
	v13 =	vmin.f32 v16, v15  }
0x85: {  	v14 =	vld [tilespmem:s16+$0x260];
	v8 =	vmin.f32 v10, v8;
	v9 =	vmin.f32 v11, v9;
	v10 =	vmin.f32 v13, v17  }
0x86: {  	v15 =	vld [tilespmem:s16+$0x200];
	v8 =	vmin.f32 v8, v6;
	v7 =	vmin.f32 v9, v7;
	v9 =	vmin.f32 v10, v18  }
0x87: {  	v6 =	vld [tilespmem:s16+$0x210];
	v17 =	vmin.f32 v8, v4;
	v18 =	vmin.f32 v7, v5;
	v19 =	vmin.f32 v9, v19  }
0x88: {  	v7 =	vld [tilespmem:s16+$0x220]  }
0x89: {  	v16 =	vld [tilespmem:s16+$0x40];
	v4 =	vmov v20  }
0x8a: {  	v8 =	vld [tilespmem:s16+$0x50];
	v5 =	vmov v14  }
0x8b: {  	v9 =	vld [tilespmem:s16+$0x60]  }
0x8c: {  	v20 =	vld [tilespmem:s16+$0x0]  }
0x8d: {  	v10 =	vld [tilespmem:s16+$0x10]  }
0x8e: {  	v11 =	vld [tilespmem:s16+$0x20]  }
0x8f: {  	v21 =	vld [tilespmem:s16+$0xFFFFFE40]  }
0x90: {  	v13 =	vld [tilespmem:s16+$0xFFFFFE50]  }
0x91: {  	v14 =	vld [tilespmem:s16+$0xFFFFFE60]  }
0x92: {  	v22 =	vld [tilespmem:s16+$0xFFFFFE00]  }
0x93: {  	v24 =	vld [tilespmem:s16+$0xFFFFFC00]  }
0x94: {  	v25 =	vld [tilespmem:s16+$0xFFFFFC40]  }
0x95: {  	v26 =	vld [tilespmem:s16+$0xFFFFFE10]  }
0x96: {  	v27 =	vld [tilespmem:s16+$0xFFFFFE20]  }
0x97: {  	v28 =	vld [tilespmem:s16+$0xFFFFFC50]  }
0x98: {  	v12 =	vmin.f32 v12, v24;
	v24 =	vld [tilespmem:s16+$0xFFFFFC60]  }
0x99: {  	v29 =	vld [tilespmem:s16+$0xFFFFFC10];
	v12 =	vmin.f32 v12, v25  }
0x9a: {  	v25 =	vld [tilespmem:s16+$0xFFFFFC20];
	v12 =	vmin.f32 v12, v22  }
0x9b: {  	s15 =	sadd.s32 $0x8, s15;
	v22 =	vld [tilespmem:s16+$0xFFFFFC30];
	v12 =	vmin.f32 v12, v21  }
0x9c: {  	p1 =	slt.u32 s15, $0x78;
	v21 =	vld [tilespmem:s16+$0xFFFFFC70];
	v12 =	vmin.f32 v12, v20  }
0x9d: {  	v30 =	vld [tilespmem:s16+$0xFFFFFE30];
	v12 =	vmin.f32 v12, v16  }
.Ltmp1:
0x9e: {  	v16 =	vld [tilespmem:s16+$0xFFFFFE70];
	v12 =	vmin.f32 v12, v15;
	(pc) =	sbr.rel @p1 .LBB2_4-.Ltmp1, $4  }
0x9f: {  	v15 =	vld [tilespmem:s16+$0x30];
	v12 =	vmin.f32 v12, v23  }
0xa0: {  	v20 =	vmin.f32 v17, v29;
	v18 =	vmin.f32 v18, v25;
	v19 =	vmin.f32 v19, v22;
	v17 =	vld [tilespmem:s16+$0x70]  }
0xa1: {  	v20 =	vmin.f32 v20, v28;
	v22 =	vmin.f32 v18, v24;
	v19 =	vmin.f32 v19, v21;
	v18 =	vld [tilespmem:s16+$0x230]  }
0xa2: {  	v20 =	vmin.f32 v20, v26;
	v21 =	vmin.f32 v22, v27;
	v22 =	vmin.f32 v19, v30;
	v19 =	vld [tilespmem:s16+$0x270];
	s16 =	sadd.s32 $0x800, s16  }
0xa3: {  	v13 =	vmin.f32 v20, v13;
	v14 =	vmin.f32 v21, v14;
	v16 =	vmin.f32 v22, v16  }
0xa4: {  	v10 =	vmin.f32 v13, v10;
	v11 =	vmin.f32 v14, v11;
	v13 =	vmin.f32 v16, v15  }
0xa5: {  	v8 =	vmin.f32 v10, v8;
	v9 =	vmin.f32 v11, v9;
	v10 =	vmin.f32 v13, v17  }
0xa6: {  	v6 =	vmin.f32 v8, v6;
	v7 =	vmin.f32 v9, v7;
	v8 =	vmin.f32 v10, v18  }
0xa7: {  	v4 =	vmin.f32 v6, v4;
	v5 =	vmin.f32 v7, v5;
	v6 =	vmin.f32 v8, v19  }
0xa8: {  	v4 =	vmin.f32 v12, v4;
	v5 =	vmin.f32 v5, v6  }
0xa9: {  	v4 =	vmin.f32 v4, v5  }
0xaa: {  	v5 =	vperm.xlane v4, v0;
	_ =	sdelay $0x1  }
0xab: {  	v4 =	vmin.f32 v4, v5  }
0xac: {  	v5 =	vperm.xlane v4, v1;
	_ =	sdelay $0x1  }
0xad: {  	v4 =	vmin.f32 v4, v5  }
0xae: {  	v5 =	vperm.xlane v4, v2;
	_ =	sdelay $0x1  }
0xaf: {  	v4 =	vmin.f32 v4, v5  }
0xb0: {  	v5 =	vperm.xlane v4, v3;
	_ =	sdelay $0x1  }
0xb1: {  	v4 =	vmin.f32 v4, v5  }
0xb2: {  	s16 =	simm.s32 $0x500;
	[tilespmem:$0x10080] =	vst v4  }
0xb3: {  	v12 =	vld [tilespmem:s16+$0x240]  }
0xb4: {  	v4 =	vld [tilespmem:s16+$0x250]  }
0xb5: {  	v5 =	vld [tilespmem:s16+$0x260]  }
0xb6: {  	v15 =	vld [tilespmem:s16+$0x200]  }
0xb7: {  	v6 =	vld [tilespmem:s16+$0x210]  }
0xb8: {  	v7 =	vld [tilespmem:s16+$0x220]  }
0xb9: {  	v16 =	vld [tilespmem:s16+$0x40]  }
0xba: {  	v8 =	vld [tilespmem:s16+$0x50]  }
0xbb: {  	v9 =	vld [tilespmem:s16+$0x60]  }
0xbc: {  	v17 =	vld [tilespmem:s16+$0x0]  }
0xbd: {  	v10 =	vld [tilespmem:s16+$0x10]  }
0xbe: {  	v11 =	vld [tilespmem:s16+$0x20]  }
0xbf: {  	v18 =	vld [tilespmem:s16+$0xFFFFFE40]  }
0xc0: {  	v13 =	vld [tilespmem:s16+$0xFFFFFE50]  }
0xc1: {  	v14 =	vld [tilespmem:s16+$0xFFFFFE60]  }
0xc2: {  	v19 =	vld [tilespmem:s16+$0xFFFFFE00]  }
0xc3: {  	v20 =	vld [tilespmem:s16+$0xFFFFFC00]  }
0xc4: {  	v21 =	vld [tilespmem:s16+$0xFFFFFC40]  }
0xc5: {  	v22 =	vld [tilespmem:s16+$0xFFFFFE10]  }
0xc6: {  	v23 =	vld [tilespmem:s16+$0xFFFFFE20]  }
0xc7: {  	v25 =	vld [tilespmem:s16+$0xFFFFFC50]  }
0xc8: {  	v24 =	vimm.f32 $+Inf;
	v26 =	vld [tilespmem:s16+$0xFFFFFC60]  }
0xc9: {  	v27 =	vld [tilespmem:s16+$0xFFFFFC10];
	v20 =	vmin.f32 v24, v20  }
0xca: {  	v20 =	vmin.f32 v20, v21;
	v21 =	vld [tilespmem:s16+$0xFFFFFC20]  }
0xcb: {  	v19 =	vmin.f32 v20, v19;
	v20 =	vld [tilespmem:s16+$0xFFFFFC30]  }
0xcc: {  	v18 =	vmin.f32 v19, v18;
	v19 =	vld [tilespmem:s16+$0xFFFFFC70]  }
0xcd: {  	v28 =	vld [tilespmem:s16+$0xFFFFFE30];
	v17 =	vmin.f32 v18, v17  }
0xce: {  	v17 =	vmin.f32 v17, v16;
	v16 =	vld [tilespmem:s16+$0xFFFFFE70]  }
0xcf: {  	v18 =	vmin.f32 v24, v27;
	v17 =	vmin.f32 v17, v15;
	v15 =	vld [tilespmem:s16+$0x30]  }
0xd0: {  	v21 =	vmin.f32 v24, v21;
	v12 =	vmin.f32 v17, v12;
	v20 =	vmin.f32 v24, v20;
	v17 =	vld [tilespmem:s16+$0x70]  }
0xd1: {  	v63 =	vmin.f32 v18, v25;
	v18 =	vld [tilespmem:s16+$0x230];
	v21 =	vmin.f32 v21, v26;
	v19 =	vmin.f32 v20, v19  }
0xd2: {  	s15 =	simm.s32 $0x0;
	v20 =	vmin.f32 v63, v22;
	v21 =	vmin.f32 v21, v23;
	v22 =	vmin.f32 v19, v28;
	v19 =	vld [tilespmem:s16+$0x270];
	s16 =	simm.s32 $0xD00  }
.LBB2_6:
0xd3: {  	v23 =	vld [tilespmem:s16+$0x240];
	v13 =	vmin.f32 v20, v13;
	v14 =	vmin.f32 v21, v14;
	v16 =	vmin.f32 v22, v16  }
0xd4: {  	v20 =	vld [tilespmem:s16+$0x250];
	v10 =	vmin.f32 v13, v10;
	v11 =	vmin.f32 v14, v11;
	v13 =	vmin.f32 v16, v15  }
0xd5: {  	v14 =	vld [tilespmem:s16+$0x260];
	v8 =	vmin.f32 v10, v8;
	v9 =	vmin.f32 v11, v9;
	v10 =	vmin.f32 v13, v17  }
0xd6: {  	v15 =	vld [tilespmem:s16+$0x200];
	v8 =	vmin.f32 v8, v6;
	v7 =	vmin.f32 v9, v7;
	v9 =	vmin.f32 v10, v18  }
0xd7: {  	v6 =	vld [tilespmem:s16+$0x210];
	v17 =	vmin.f32 v8, v4;
	v18 =	vmin.f32 v7, v5;
	v19 =	vmin.f32 v9, v19  }
0xd8: {  	v7 =	vld [tilespmem:s16+$0x220]  }
0xd9: {  	v16 =	vld [tilespmem:s16+$0x40];
	v4 =	vmov v20  }
0xda: {  	v8 =	vld [tilespmem:s16+$0x50];
	v5 =	vmov v14  }
0xdb: {  	v9 =	vld [tilespmem:s16+$0x60]  }
0xdc: {  	v20 =	vld [tilespmem:s16+$0x0]  }
0xdd: {  	v10 =	vld [tilespmem:s16+$0x10]  }
0xde: {  	v11 =	vld [tilespmem:s16+$0x20]  }
0xdf: {  	v21 =	vld [tilespmem:s16+$0xFFFFFE40]  }
0xe0: {  	v13 =	vld [tilespmem:s16+$0xFFFFFE50]  }
0xe1: {  	v14 =	vld [tilespmem:s16+$0xFFFFFE60]  }
0xe2: {  	v22 =	vld [tilespmem:s16+$0xFFFFFE00]  }
0xe3: {  	v24 =	vld [tilespmem:s16+$0xFFFFFC00]  }
0xe4: {  	v25 =	vld [tilespmem:s16+$0xFFFFFC40]  }
0xe5: {  	v26 =	vld [tilespmem:s16+$0xFFFFFE10]  }
0xe6: {  	v27 =	vld [tilespmem:s16+$0xFFFFFE20]  }
0xe7: {  	v28 =	vld [tilespmem:s16+$0xFFFFFC50]  }
0xe8: {  	v12 =	vmin.f32 v12, v24;
	v24 =	vld [tilespmem:s16+$0xFFFFFC60]  }
0xe9: {  	v29 =	vld [tilespmem:s16+$0xFFFFFC10];
	v12 =	vmin.f32 v12, v25  }
0xea: {  	v25 =	vld [tilespmem:s16+$0xFFFFFC20];
	v12 =	vmin.f32 v12, v22  }
0xeb: {  	s15 =	sadd.s32 $0x8, s15;
	v22 =	vld [tilespmem:s16+$0xFFFFFC30];
	v12 =	vmin.f32 v12, v21  }
0xec: {  	p1 =	slt.u32 s15, $0x78;
	v21 =	vld [tilespmem:s16+$0xFFFFFC70];
	v12 =	vmin.f32 v12, v20  }
0xed: {  	v30 =	vld [tilespmem:s16+$0xFFFFFE30];
	v12 =	vmin.f32 v12, v16  }
.Ltmp2:
0xee: {  	v16 =	vld [tilespmem:s16+$0xFFFFFE70];
	v12 =	vmin.f32 v12, v15;
	(pc) =	sbr.rel @p1 .LBB2_6-.Ltmp2, $4  }
0xef: {  	v15 =	vld [tilespmem:s16+$0x30];
	v12 =	vmin.f32 v12, v23  }
0xf0: {  	v20 =	vmin.f32 v17, v29;
	v18 =	vmin.f32 v18, v25;
	v19 =	vmin.f32 v19, v22;
	v17 =	vld [tilespmem:s16+$0x70]  }
0xf1: {  	v20 =	vmin.f32 v20, v28;
	v22 =	vmin.f32 v18, v24;
	v19 =	vmin.f32 v19, v21;
	v18 =	vld [tilespmem:s16+$0x230]  }
0xf2: {  	v20 =	vmin.f32 v20, v26;
	v21 =	vmin.f32 v22, v27;
	v22 =	vmin.f32 v19, v30;
	v19 =	vld [tilespmem:s16+$0x270];
	s16 =	sadd.s32 $0x800, s16  }
0xf3: {  	v13 =	vmin.f32 v20, v13;
	v14 =	vmin.f32 v21, v14;
	v16 =	vmin.f32 v22, v16  }
0xf4: {  	v10 =	vmin.f32 v13, v10;
	v11 =	vmin.f32 v14, v11;
	v13 =	vmin.f32 v16, v15  }
0xf5: {  	v8 =	vmin.f32 v10, v8;
	v9 =	vmin.f32 v11, v9;
	v10 =	vmin.f32 v13, v17  }
0xf6: {  	v6 =	vmin.f32 v8, v6;
	v7 =	vmin.f32 v9, v7;
	v8 =	vmin.f32 v10, v18  }
0xf7: {  	v4 =	vmin.f32 v6, v4;
	v5 =	vmin.f32 v7, v5;
	v6 =	vmin.f32 v8, v19  }
0xf8: {  	v4 =	vmin.f32 v12, v4;
	v5 =	vmin.f32 v5, v6  }
0xf9: {  	v4 =	vmin.f32 v4, v5  }
0xfa: {  	v5 =	vperm.xlane v4, v0;
	_ =	sdelay $0x1  }
0xfb: {  	v4 =	vmin.f32 v4, v5  }
0xfc: {  	v5 =	vperm.xlane v4, v1;
	_ =	sdelay $0x1  }
0xfd: {  	v4 =	vmin.f32 v4, v5  }
0xfe: {  	v5 =	vperm.xlane v4, v2;
	_ =	sdelay $0x1  }
0xff: {  	v4 =	vmin.f32 v4, v5  }
0x100: {  	v5 =	vperm.xlane v4, v3;
	_ =	sdelay $0x1  }
0x101: {  	v4 =	vmin.f32 v4, v5  }
0x102: {  	s16 =	simm.s32 $0x580;
	[tilespmem:$0x10100] =	vst v4  }
0x103: {  	v12 =	vld [tilespmem:s16+$0x240]  }
0x104: {  	v4 =	vld [tilespmem:s16+$0x250]  }
0x105: {  	v5 =	vld [tilespmem:s16+$0x260]  }
0x106: {  	v15 =	vld [tilespmem:s16+$0x200]  }
0x107: {  	v6 =	vld [tilespmem:s16+$0x210]  }
0x108: {  	v7 =	vld [tilespmem:s16+$0x220]  }
0x109: {  	v16 =	vld [tilespmem:s16+$0x40]  }
0x10a: {  	v8 =	vld [tilespmem:s16+$0x50]  }
0x10b: {  	v9 =	vld [tilespmem:s16+$0x60]  }
0x10c: {  	v17 =	vld [tilespmem:s16+$0x0]  }
0x10d: {  	v10 =	vld [tilespmem:s16+$0x10]  }
0x10e: {  	v11 =	vld [tilespmem:s16+$0x20]  }
0x10f: {  	v18 =	vld [tilespmem:s16+$0xFFFFFE40]  }
0x110: {  	v13 =	vld [tilespmem:s16+$0xFFFFFE50]  }
0x111: {  	v14 =	vld [tilespmem:s16+$0xFFFFFE60]  }
0x112: {  	v19 =	vld [tilespmem:s16+$0xFFFFFE00]  }
0x113: {  	v20 =	vld [tilespmem:s16+$0xFFFFFC00]  }
0x114: {  	v21 =	vld [tilespmem:s16+$0xFFFFFC40]  }
0x115: {  	v22 =	vld [tilespmem:s16+$0xFFFFFE10]  }
0x116: {  	v23 =	vld [tilespmem:s16+$0xFFFFFE20]  }
0x117: {  	v25 =	vld [tilespmem:s16+$0xFFFFFC50]  }
0x118: {  	v24 =	vimm.f32 $+Inf;
	v26 =	vld [tilespmem:s16+$0xFFFFFC60]  }
0x119: {  	v27 =	vld [tilespmem:s16+$0xFFFFFC10];
	v20 =	vmin.f32 v24, v20  }
0x11a: {  	v20 =	vmin.f32 v20, v21;
	v21 =	vld [tilespmem:s16+$0xFFFFFC20]  }
0x11b: {  	v19 =	vmin.f32 v20, v19;
	v20 =	vld [tilespmem:s16+$0xFFFFFC30]  }
0x11c: {  	v18 =	vmin.f32 v19, v18;
	v19 =	vld [tilespmem:s16+$0xFFFFFC70]  }
0x11d: {  	v28 =	vld [tilespmem:s16+$0xFFFFFE30];
	v17 =	vmin.f32 v18, v17  }
0x11e: {  	v17 =	vmin.f32 v17, v16;
	v16 =	vld [tilespmem:s16+$0xFFFFFE70]  }
0x11f: {  	v18 =	vmin.f32 v24, v27;
	v17 =	vmin.f32 v17, v15;
	v15 =	vld [tilespmem:s16+$0x30]  }
0x120: {  	v21 =	vmin.f32 v24, v21;
	v12 =	vmin.f32 v17, v12;
	v20 =	vmin.f32 v24, v20;
	v17 =	vld [tilespmem:s16+$0x70]  }
0x121: {  	v63 =	vmin.f32 v18, v25;
	v18 =	vld [tilespmem:s16+$0x230];
	v21 =	vmin.f32 v21, v26;
	v19 =	vmin.f32 v20, v19  }
0x122: {  	s15 =	simm.s32 $0x0;
	v20 =	vmin.f32 v63, v22;
	v21 =	vmin.f32 v21, v23;
	v22 =	vmin.f32 v19, v28;
	v19 =	vld [tilespmem:s16+$0x270];
	s16 =	simm.s32 $0xD80  }
.LBB2_8:
0x123: {  	v23 =	vld [tilespmem:s16+$0x240];
	v13 =	vmin.f32 v20, v13;
	v14 =	vmin.f32 v21, v14;
	v16 =	vmin.f32 v22, v16  }
0x124: {  	v20 =	vld [tilespmem:s16+$0x250];
	v10 =	vmin.f32 v13, v10;
	v11 =	vmin.f32 v14, v11;
	v13 =	vmin.f32 v16, v15  }
0x125: {  	v14 =	vld [tilespmem:s16+$0x260];
	v8 =	vmin.f32 v10, v8;
	v9 =	vmin.f32 v11, v9;
	v10 =	vmin.f32 v13, v17  }
0x126: {  	v15 =	vld [tilespmem:s16+$0x200];
	v8 =	vmin.f32 v8, v6;
	v7 =	vmin.f32 v9, v7;
	v9 =	vmin.f32 v10, v18  }
0x127: {  	v6 =	vld [tilespmem:s16+$0x210];
	v17 =	vmin.f32 v8, v4;
	v18 =	vmin.f32 v7, v5;
	v19 =	vmin.f32 v9, v19  }
0x128: {  	v7 =	vld [tilespmem:s16+$0x220]  }
0x129: {  	v16 =	vld [tilespmem:s16+$0x40];
	v4 =	vmov v20  }
0x12a: {  	v8 =	vld [tilespmem:s16+$0x50];
	v5 =	vmov v14  }
0x12b: {  	v9 =	vld [tilespmem:s16+$0x60]  }
0x12c: {  	v20 =	vld [tilespmem:s16+$0x0]  }
0x12d: {  	v10 =	vld [tilespmem:s16+$0x10]  }
0x12e: {  	v11 =	vld [tilespmem:s16+$0x20]  }
0x12f: {  	v21 =	vld [tilespmem:s16+$0xFFFFFE40]  }
0x130: {  	v13 =	vld [tilespmem:s16+$0xFFFFFE50]  }
0x131: {  	v14 =	vld [tilespmem:s16+$0xFFFFFE60]  }
0x132: {  	v22 =	vld [tilespmem:s16+$0xFFFFFE00]  }
0x133: {  	v24 =	vld [tilespmem:s16+$0xFFFFFC00]  }
0x134: {  	v25 =	vld [tilespmem:s16+$0xFFFFFC40]  }
0x135: {  	v26 =	vld [tilespmem:s16+$0xFFFFFE10]  }
0x136: {  	v27 =	vld [tilespmem:s16+$0xFFFFFE20]  }
0x137: {  	v28 =	vld [tilespmem:s16+$0xFFFFFC50]  }
0x138: {  	v12 =	vmin.f32 v12, v24;
	v24 =	vld [tilespmem:s16+$0xFFFFFC60]  }
0x139: {  	v29 =	vld [tilespmem:s16+$0xFFFFFC10];
	v12 =	vmin.f32 v12, v25  }
0x13a: {  	v25 =	vld [tilespmem:s16+$0xFFFFFC20];
	v12 =	vmin.f32 v12, v22  }
0x13b: {  	s15 =	sadd.s32 $0x8, s15;
	v22 =	vld [tilespmem:s16+$0xFFFFFC30];
	v12 =	vmin.f32 v12, v21  }
0x13c: {  	p1 =	slt.u32 s15, $0x78;
	v21 =	vld [tilespmem:s16+$0xFFFFFC70];
	v12 =	vmin.f32 v12, v20  }
0x13d: {  	v30 =	vld [tilespmem:s16+$0xFFFFFE30];
	v12 =	vmin.f32 v12, v16  }
.Ltmp3:
0x13e: {  	v16 =	vld [tilespmem:s16+$0xFFFFFE70];
	v12 =	vmin.f32 v12, v15;
	(pc) =	sbr.rel @p1 .LBB2_8-.Ltmp3, $4  }
0x13f: {  	v15 =	vld [tilespmem:s16+$0x30];
	v12 =	vmin.f32 v12, v23  }
0x140: {  	v20 =	vmin.f32 v17, v29;
	v18 =	vmin.f32 v18, v25;
	v19 =	vmin.f32 v19, v22;
	v17 =	vld [tilespmem:s16+$0x70]  }
0x141: {  	v20 =	vmin.f32 v20, v28;
	v22 =	vmin.f32 v18, v24;
	v19 =	vmin.f32 v19, v21;
	v18 =	vld [tilespmem:s16+$0x230]  }
0x142: {  	v20 =	vmin.f32 v20, v26;
	v21 =	vmin.f32 v22, v27;
	v22 =	vmin.f32 v19, v30;
	v19 =	vld [tilespmem:s16+$0x270];
	s16 =	sadd.s32 $0x800, s16  }
0x143: {  	v13 =	vmin.f32 v20, v13;
	v14 =	vmin.f32 v21, v14;
	v16 =	vmin.f32 v22, v16  }
0x144: {  	v10 =	vmin.f32 v13, v10;
	v11 =	vmin.f32 v14, v11;
	v13 =	vmin.f32 v16, v15  }
0x145: {  	v8 =	vmin.f32 v10, v8;
	v9 =	vmin.f32 v11, v9;
	v10 =	vmin.f32 v13, v17  }
0x146: {  	v6 =	vmin.f32 v8, v6;
	v7 =	vmin.f32 v9, v7;
	v8 =	vmin.f32 v10, v18  }
0x147: {  	v4 =	vmin.f32 v6, v4;
	v5 =	vmin.f32 v7, v5;
	v6 =	vmin.f32 v8, v19  }
0x148: {  	v4 =	vmin.f32 v12, v4;
	v5 =	vmin.f32 v5, v6  }
0x149: {  	v4 =	vmin.f32 v4, v5  }
0x14a: {  	v5 =	vperm.xlane v4, v0;
	_ =	sdelay $0x1  }
0x14b: {  	v4 =	vmin.f32 v4, v5  }
0x14c: {  	v5 =	vperm.xlane v4, v1;
	_ =	sdelay $0x1  }
0x14d: {  	v4 =	vmin.f32 v4, v5  }
0x14e: {  	v5 =	vperm.xlane v4, v2;
	_ =	sdelay $0x1  }
0x14f: {  	v4 =	vmin.f32 v4, v5  }
0x150: {  	v5 =	vperm.xlane v4, v3;
	_ =	sdelay $0x1  }
0x151: {  	v4 =	vmin.f32 v4, v5  }
0x152: {  	[tilespmem:$0x10180] =	vst v4  }
0x153: {  	_ =	swait.ge [sflag:s11], $0x8000  }
0x154: {  	[sflag:s11] =	ssyncset.done $0x0  }
0x155: {  	s16 =	simm.s32 $0x8670;
	[sflag:s11] =	ssyncadd.s32 $0xFFFF8000  }
0x156: {  	v12 =	vld [tilespmem:s16+$0xFFFFFFD0]  }
0x157: {  	v4 =	vld [tilespmem:s16+$0xFFFFFFE0]  }
0x158: {  	v5 =	vld [tilespmem:s16+$0xFFFFFFF0]  }
0x159: {  	v15 =	vld [tilespmem:s16+$0xFFFFFF90]  }
0x15a: {  	v6 =	vld [tilespmem:s16+$0xFFFFFFA0]  }
0x15b: {  	v7 =	vld [tilespmem:s16+$0xFFFFFFB0]  }
0x15c: {  	v16 =	vld [tilespmem:s16+$0xFFFFFDD0]  }
0x15d: {  	v8 =	vld [tilespmem:s16+$0xFFFFFDE0]  }
0x15e: {  	v9 =	vld [tilespmem:s16+$0xFFFFFDF0]  }
0x15f: {  	v17 =	vld [tilespmem:s16+$0xFFFFFD90]  }
0x160: {  	v10 =	vld [tilespmem:s16+$0xFFFFFDA0]  }
0x161: {  	v11 =	vld [tilespmem:s16+$0xFFFFFDB0]  }
0x162: {  	v18 =	vld [tilespmem:s16+$0xFFFFFBD0]  }
0x163: {  	v13 =	vld [tilespmem:s16+$0xFFFFFBE0]  }
0x164: {  	v14 =	vld [tilespmem:s16+$0xFFFFFBF0]  }
0x165: {  	v19 =	vld [tilespmem:s16+$0xFFFFFB90]  }
0x166: {  	v20 =	vld [tilespmem:s16+$0xFFFFF990]  }
0x167: {  	v21 =	vld [tilespmem:s16+$0xFFFFF9D0]  }
0x168: {  	v22 =	vld [tilespmem:s16+$0xFFFFFBA0]  }
0x169: {  	v23 =	vld [tilespmem:s16+$0xFFFFFBB0]  }
0x16a: {  	v25 =	vld [tilespmem:s16+$0xFFFFF9E0]  }
0x16b: {  	v24 =	vimm.f32 $+Inf;
	v26 =	vld [tilespmem:s16+$0xFFFFF9F0]  }
0x16c: {  	v27 =	vld [tilespmem:s16+$0xFFFFF9A0];
	v20 =	vmin.f32 v24, v20  }
0x16d: {  	v20 =	vmin.f32 v20, v21;
	v21 =	vld [tilespmem:s16+$0xFFFFF9B0]  }
0x16e: {  	v19 =	vmin.f32 v20, v19;
	v20 =	vld [tilespmem:s16+$0xFFFFF9C0]  }
0x16f: {  	v18 =	vmin.f32 v19, v18;
	v19 =	vld [tilespmem:s16+$0xFFFFFA00]  }
0x170: {  	v28 =	vld [tilespmem:s16+$0xFFFFFBC0];
	v17 =	vmin.f32 v18, v17  }
0x171: {  	v17 =	vmin.f32 v17, v16;
	v16 =	vld [tilespmem:s16+$0xFFFFFC00]  }
0x172: {  	v18 =	vmin.f32 v24, v27;
	v17 =	vmin.f32 v17, v15;
	v15 =	vld [tilespmem:s16+$0xFFFFFDC0]  }
0x173: {  	v21 =	vmin.f32 v24, v21;
	v12 =	vmin.f32 v17, v12;
	v20 =	vmin.f32 v24, v20;
	v17 =	vld [tilespmem:s16+$0xFFFFFE00]  }
0x174: {  	v63 =	vmin.f32 v18, v25;
	v18 =	vld [tilespmem:s16+$0xFFFFFFC0];
	v21 =	vmin.f32 v21, v26;
	v19 =	vmin.f32 v20, v19  }
0x175: {  	s15 =	simm.s32 $0x0;
	v20 =	vmin.f32 v63, v22;
	v21 =	vmin.f32 v21, v23;
	v22 =	vmin.f32 v19, v28;
	v19 =	vld [tilespmem:s16+$0x0];
	s16 =	simm.s32 $0x8E70  }
.LBB2_10:
0x176: {  	v23 =	vld [tilespmem:s16+$0xFFFFFFD0];
	v13 =	vmin.f32 v20, v13;
	v14 =	vmin.f32 v21, v14;
	v16 =	vmin.f32 v22, v16  }
0x177: {  	v20 =	vld [tilespmem:s16+$0xFFFFFFE0];
	v10 =	vmin.f32 v13, v10;
	v11 =	vmin.f32 v14, v11;
	v13 =	vmin.f32 v16, v15  }
0x178: {  	v14 =	vld [tilespmem:s16+$0xFFFFFFF0];
	v8 =	vmin.f32 v10, v8;
	v9 =	vmin.f32 v11, v9;
	v10 =	vmin.f32 v13, v17  }
0x179: {  	v15 =	vld [tilespmem:s16+$0xFFFFFF90];
	v8 =	vmin.f32 v8, v6;
	v7 =	vmin.f32 v9, v7;
	v9 =	vmin.f32 v10, v18  }
0x17a: {  	v6 =	vld [tilespmem:s16+$0xFFFFFFA0];
	v17 =	vmin.f32 v8, v4;
	v18 =	vmin.f32 v7, v5;
	v19 =	vmin.f32 v9, v19  }
0x17b: {  	v7 =	vld [tilespmem:s16+$0xFFFFFFB0]  }
0x17c: {  	v16 =	vld [tilespmem:s16+$0xFFFFFDD0];
	v4 =	vmov v20  }
0x17d: {  	v8 =	vld [tilespmem:s16+$0xFFFFFDE0];
	v5 =	vmov v14  }
0x17e: {  	v9 =	vld [tilespmem:s16+$0xFFFFFDF0]  }
0x17f: {  	v20 =	vld [tilespmem:s16+$0xFFFFFD90]  }
0x180: {  	v10 =	vld [tilespmem:s16+$0xFFFFFDA0]  }
0x181: {  	v11 =	vld [tilespmem:s16+$0xFFFFFDB0]  }
0x182: {  	v21 =	vld [tilespmem:s16+$0xFFFFFBD0]  }
0x183: {  	v13 =	vld [tilespmem:s16+$0xFFFFFBE0]  }
0x184: {  	v14 =	vld [tilespmem:s16+$0xFFFFFBF0]  }
0x185: {  	v22 =	vld [tilespmem:s16+$0xFFFFFB90]  }
0x186: {  	v24 =	vld [tilespmem:s16+$0xFFFFF990]  }
0x187: {  	v25 =	vld [tilespmem:s16+$0xFFFFF9D0]  }
0x188: {  	v26 =	vld [tilespmem:s16+$0xFFFFFBA0]  }
0x189: {  	v27 =	vld [tilespmem:s16+$0xFFFFFBB0]  }
0x18a: {  	v28 =	vld [tilespmem:s16+$0xFFFFF9E0]  }
0x18b: {  	v12 =	vmin.f32 v12, v24;
	v24 =	vld [tilespmem:s16+$0xFFFFF9F0]  }
0x18c: {  	v29 =	vld [tilespmem:s16+$0xFFFFF9A0];
	v12 =	vmin.f32 v12, v25  }
0x18d: {  	v25 =	vld [tilespmem:s16+$0xFFFFF9B0];
	v12 =	vmin.f32 v12, v22  }
0x18e: {  	s15 =	sadd.s32 $0x8, s15;
	v22 =	vld [tilespmem:s16+$0xFFFFF9C0];
	v12 =	vmin.f32 v12, v21  }
0x18f: {  	p1 =	slt.u32 s15, $0x78;
	v21 =	vld [tilespmem:s16+$0xFFFFFA00];
	v12 =	vmin.f32 v12, v20  }
0x190: {  	v30 =	vld [tilespmem:s16+$0xFFFFFBC0];
	v12 =	vmin.f32 v12, v16  }
.Ltmp4:
0x191: {  	v16 =	vld [tilespmem:s16+$0xFFFFFC00];
	v12 =	vmin.f32 v12, v15;
	(pc) =	sbr.rel @p1 .LBB2_10-.Ltmp4, $4  }
0x192: {  	v15 =	vld [tilespmem:s16+$0xFFFFFDC0];
	v12 =	vmin.f32 v12, v23  }
0x193: {  	v20 =	vmin.f32 v17, v29;
	v18 =	vmin.f32 v18, v25;
	v19 =	vmin.f32 v19, v22;
	v17 =	vld [tilespmem:s16+$0xFFFFFE00]  }
0x194: {  	v20 =	vmin.f32 v20, v28;
	v22 =	vmin.f32 v18, v24;
	v19 =	vmin.f32 v19, v21;
	v18 =	vld [tilespmem:s16+$0xFFFFFFC0]  }
0x195: {  	v20 =	vmin.f32 v20, v26;
	v21 =	vmin.f32 v22, v27;
	v22 =	vmin.f32 v19, v30;
	v19 =	vld [tilespmem:s16+$0x0];
	s16 =	sadd.s32 $0x800, s16  }
0x196: {  	v13 =	vmin.f32 v20, v13;
	v14 =	vmin.f32 v21, v14;
	v16 =	vmin.f32 v22, v16  }
0x197: {  	v10 =	vmin.f32 v13, v10;
	v11 =	vmin.f32 v14, v11;
	v13 =	vmin.f32 v16, v15  }
0x198: {  	v8 =	vmin.f32 v10, v8;
	v9 =	vmin.f32 v11, v9;
	v10 =	vmin.f32 v13, v17  }
0x199: {  	v6 =	vmin.f32 v8, v6;
	v7 =	vmin.f32 v9, v7;
	v8 =	vmin.f32 v10, v18  }
0x19a: {  	v4 =	vmin.f32 v6, v4;
	v5 =	vmin.f32 v7, v5;
	v6 =	vmin.f32 v8, v19  }
0x19b: {  	v4 =	vmin.f32 v12, v4;
	v5 =	vmin.f32 v5, v6  }
0x19c: {  	v4 =	vmin.f32 v4, v5  }
0x19d: {  	v5 =	vperm.xlane v4, v0;
	_ =	sdelay $0x1  }
0x19e: {  	v4 =	vmin.f32 v4, v5  }
0x19f: {  	v5 =	vperm.xlane v4, v1;
	_ =	sdelay $0x1  }
0x1a0: {  	v4 =	vmin.f32 v4, v5  }
0x1a1: {  	v5 =	vperm.xlane v4, v2;
	_ =	sdelay $0x1  }
0x1a2: {  	v4 =	vmin.f32 v4, v5  }
0x1a3: {  	v5 =	vperm.xlane v4, v3;
	_ =	sdelay $0x1  }
0x1a4: {  	v4 =	vmin.f32 v4, v5  }
0x1a5: {  	s16 =	simm.s32 $0x86F0;
	[tilespmem:$0x10200] =	vst v4  }
0x1a6: {  	v12 =	vld [tilespmem:s16+$0xFFFFFFD0]  }
0x1a7: {  	v4 =	vld [tilespmem:s16+$0xFFFFFFE0]  }
0x1a8: {  	v5 =	vld [tilespmem:s16+$0xFFFFFFF0]  }
0x1a9: {  	v15 =	vld [tilespmem:s16+$0xFFFFFF90]  }
0x1aa: {  	v6 =	vld [tilespmem:s16+$0xFFFFFFA0]  }
0x1ab: {  	v7 =	vld [tilespmem:s16+$0xFFFFFFB0]  }
0x1ac: {  	v16 =	vld [tilespmem:s16+$0xFFFFFDD0]  }
0x1ad: {  	v8 =	vld [tilespmem:s16+$0xFFFFFDE0]  }
0x1ae: {  	v9 =	vld [tilespmem:s16+$0xFFFFFDF0]  }
0x1af: {  	v17 =	vld [tilespmem:s16+$0xFFFFFD90]  }
0x1b0: {  	v10 =	vld [tilespmem:s16+$0xFFFFFDA0]  }
0x1b1: {  	v11 =	vld [tilespmem:s16+$0xFFFFFDB0]  }
0x1b2: {  	v18 =	vld [tilespmem:s16+$0xFFFFFBD0]  }
0x1b3: {  	v13 =	vld [tilespmem:s16+$0xFFFFFBE0]  }
0x1b4: {  	v14 =	vld [tilespmem:s16+$0xFFFFFBF0]  }
0x1b5: {  	v19 =	vld [tilespmem:s16+$0xFFFFFB90]  }
0x1b6: {  	v20 =	vld [tilespmem:s16+$0xFFFFF990]  }
0x1b7: {  	v21 =	vld [tilespmem:s16+$0xFFFFF9D0]  }
0x1b8: {  	v22 =	vld [tilespmem:s16+$0xFFFFFBA0]  }
0x1b9: {  	v23 =	vld [tilespmem:s16+$0xFFFFFBB0]  }
0x1ba: {  	v25 =	vld [tilespmem:s16+$0xFFFFF9E0]  }
0x1bb: {  	v24 =	vimm.f32 $+Inf;
	v26 =	vld [tilespmem:s16+$0xFFFFF9F0]  }
0x1bc: {  	v27 =	vld [tilespmem:s16+$0xFFFFF9A0];
	v20 =	vmin.f32 v24, v20  }
0x1bd: {  	v20 =	vmin.f32 v20, v21;
	v21 =	vld [tilespmem:s16+$0xFFFFF9B0]  }
0x1be: {  	v19 =	vmin.f32 v20, v19;
	v20 =	vld [tilespmem:s16+$0xFFFFF9C0]  }
0x1bf: {  	v18 =	vmin.f32 v19, v18;
	v19 =	vld [tilespmem:s16+$0xFFFFFA00]  }
0x1c0: {  	v28 =	vld [tilespmem:s16+$0xFFFFFBC0];
	v17 =	vmin.f32 v18, v17  }
0x1c1: {  	v17 =	vmin.f32 v17, v16;
	v16 =	vld [tilespmem:s16+$0xFFFFFC00]  }
0x1c2: {  	v18 =	vmin.f32 v24, v27;
	v17 =	vmin.f32 v17, v15;
	v15 =	vld [tilespmem:s16+$0xFFFFFDC0]  }
0x1c3: {  	v21 =	vmin.f32 v24, v21;
	v12 =	vmin.f32 v17, v12;
	v20 =	vmin.f32 v24, v20;
	v17 =	vld [tilespmem:s16+$0xFFFFFE00]  }
0x1c4: {  	v63 =	vmin.f32 v18, v25;
	v18 =	vld [tilespmem:s16+$0xFFFFFFC0];
	v21 =	vmin.f32 v21, v26;
	v19 =	vmin.f32 v20, v19  }
0x1c5: {  	s15 =	simm.s32 $0x0;
	v20 =	vmin.f32 v63, v22;
	v21 =	vmin.f32 v21, v23;
	v22 =	vmin.f32 v19, v28;
	v19 =	vld [tilespmem:s16+$0x0];
	s16 =	simm.s32 $0x8EF0  }
.LBB2_12:
0x1c6: {  	v23 =	vld [tilespmem:s16+$0xFFFFFFD0];
	v13 =	vmin.f32 v20, v13;
	v14 =	vmin.f32 v21, v14;
	v16 =	vmin.f32 v22, v16  }
0x1c7: {  	v20 =	vld [tilespmem:s16+$0xFFFFFFE0];
	v10 =	vmin.f32 v13, v10;
	v11 =	vmin.f32 v14, v11;
	v13 =	vmin.f32 v16, v15  }
0x1c8: {  	v14 =	vld [tilespmem:s16+$0xFFFFFFF0];
	v8 =	vmin.f32 v10, v8;
	v9 =	vmin.f32 v11, v9;
	v10 =	vmin.f32 v13, v17  }
0x1c9: {  	v15 =	vld [tilespmem:s16+$0xFFFFFF90];
	v8 =	vmin.f32 v8, v6;
	v7 =	vmin.f32 v9, v7;
	v9 =	vmin.f32 v10, v18  }
0x1ca: {  	v6 =	vld [tilespmem:s16+$0xFFFFFFA0];
	v17 =	vmin.f32 v8, v4;
	v18 =	vmin.f32 v7, v5;
	v19 =	vmin.f32 v9, v19  }
0x1cb: {  	v7 =	vld [tilespmem:s16+$0xFFFFFFB0]  }
0x1cc: {  	v16 =	vld [tilespmem:s16+$0xFFFFFDD0];
	v4 =	vmov v20  }
0x1cd: {  	v8 =	vld [tilespmem:s16+$0xFFFFFDE0];
	v5 =	vmov v14  }
0x1ce: {  	v9 =	vld [tilespmem:s16+$0xFFFFFDF0]  }
0x1cf: {  	v20 =	vld [tilespmem:s16+$0xFFFFFD90]  }
0x1d0: {  	v10 =	vld [tilespmem:s16+$0xFFFFFDA0]  }
0x1d1: {  	v11 =	vld [tilespmem:s16+$0xFFFFFDB0]  }
0x1d2: {  	v21 =	vld [tilespmem:s16+$0xFFFFFBD0]  }
0x1d3: {  	v13 =	vld [tilespmem:s16+$0xFFFFFBE0]  }
0x1d4: {  	v14 =	vld [tilespmem:s16+$0xFFFFFBF0]  }
0x1d5: {  	v22 =	vld [tilespmem:s16+$0xFFFFFB90]  }
0x1d6: {  	v24 =	vld [tilespmem:s16+$0xFFFFF990]  }
0x1d7: {  	v25 =	vld [tilespmem:s16+$0xFFFFF9D0]  }
0x1d8: {  	v26 =	vld [tilespmem:s16+$0xFFFFFBA0]  }
0x1d9: {  	v27 =	vld [tilespmem:s16+$0xFFFFFBB0]  }
0x1da: {  	v28 =	vld [tilespmem:s16+$0xFFFFF9E0]  }
0x1db: {  	v12 =	vmin.f32 v12, v24;
	v24 =	vld [tilespmem:s16+$0xFFFFF9F0]  }
0x1dc: {  	v29 =	vld [tilespmem:s16+$0xFFFFF9A0];
	v12 =	vmin.f32 v12, v25  }
0x1dd: {  	v25 =	vld [tilespmem:s16+$0xFFFFF9B0];
	v12 =	vmin.f32 v12, v22  }
0x1de: {  	s15 =	sadd.s32 $0x8, s15;
	v22 =	vld [tilespmem:s16+$0xFFFFF9C0];
	v12 =	vmin.f32 v12, v21  }
0x1df: {  	p1 =	slt.u32 s15, $0x78;
	v21 =	vld [tilespmem:s16+$0xFFFFFA00];
	v12 =	vmin.f32 v12, v20  }
0x1e0: {  	v30 =	vld [tilespmem:s16+$0xFFFFFBC0];
	v12 =	vmin.f32 v12, v16  }
.Ltmp5:
0x1e1: {  	v16 =	vld [tilespmem:s16+$0xFFFFFC00];
	v12 =	vmin.f32 v12, v15;
	(pc) =	sbr.rel @p1 .LBB2_12-.Ltmp5, $4  }
0x1e2: {  	v15 =	vld [tilespmem:s16+$0xFFFFFDC0];
	v12 =	vmin.f32 v12, v23  }
0x1e3: {  	v20 =	vmin.f32 v17, v29;
	v18 =	vmin.f32 v18, v25;
	v19 =	vmin.f32 v19, v22;
	v17 =	vld [tilespmem:s16+$0xFFFFFE00]  }
0x1e4: {  	v20 =	vmin.f32 v20, v28;
	v22 =	vmin.f32 v18, v24;
	v19 =	vmin.f32 v19, v21;
	v18 =	vld [tilespmem:s16+$0xFFFFFFC0]  }
0x1e5: {  	v20 =	vmin.f32 v20, v26;
	v21 =	vmin.f32 v22, v27;
	v22 =	vmin.f32 v19, v30;
	v19 =	vld [tilespmem:s16+$0x0];
	s16 =	sadd.s32 $0x800, s16  }
0x1e6: {  	v13 =	vmin.f32 v20, v13;
	v14 =	vmin.f32 v21, v14;
	v16 =	vmin.f32 v22, v16  }
0x1e7: {  	v10 =	vmin.f32 v13, v10;
	v11 =	vmin.f32 v14, v11;
	v13 =	vmin.f32 v16, v15  }
0x1e8: {  	v8 =	vmin.f32 v10, v8;
	v9 =	vmin.f32 v11, v9;
	v10 =	vmin.f32 v13, v17  }
0x1e9: {  	v6 =	vmin.f32 v8, v6;
	v7 =	vmin.f32 v9, v7;
	v8 =	vmin.f32 v10, v18  }
0x1ea: {  	v4 =	vmin.f32 v6, v4;
	v5 =	vmin.f32 v7, v5;
	v6 =	vmin.f32 v8, v19  }
0x1eb: {  	v4 =	vmin.f32 v12, v4;
	v5 =	vmin.f32 v5, v6  }
0x1ec: {  	v4 =	vmin.f32 v4, v5  }
0x1ed: {  	v5 =	vperm.xlane v4, v0;
	_ =	sdelay $0x1  }
0x1ee: {  	v4 =	vmin.f32 v4, v5  }
0x1ef: {  	v5 =	vperm.xlane v4, v1;
	_ =	sdelay $0x1  }
0x1f0: {  	v4 =	vmin.f32 v4, v5  }
0x1f1: {  	v5 =	vperm.xlane v4, v2;
	_ =	sdelay $0x1  }
0x1f2: {  	v4 =	vmin.f32 v4, v5  }
0x1f3: {  	v5 =	vperm.xlane v4, v3;
	_ =	sdelay $0x1  }
0x1f4: {  	v4 =	vmin.f32 v4, v5  }
0x1f5: {  	s16 =	simm.s32 $0x8770;
	[tilespmem:$0x10280] =	vst v4  }
0x1f6: {  	v12 =	vld [tilespmem:s16+$0xFFFFFFD0]  }
0x1f7: {  	v4 =	vld [tilespmem:s16+$0xFFFFFFE0]  }
0x1f8: {  	v5 =	vld [tilespmem:s16+$0xFFFFFFF0]  }
0x1f9: {  	v15 =	vld [tilespmem:s16+$0xFFFFFF90]  }
0x1fa: {  	v6 =	vld [tilespmem:s16+$0xFFFFFFA0]  }
0x1fb: {  	v7 =	vld [tilespmem:s16+$0xFFFFFFB0]  }
0x1fc: {  	v16 =	vld [tilespmem:s16+$0xFFFFFDD0]  }
0x1fd: {  	v8 =	vld [tilespmem:s16+$0xFFFFFDE0]  }
0x1fe: {  	v9 =	vld [tilespmem:s16+$0xFFFFFDF0]  }
0x1ff: {  	v17 =	vld [tilespmem:s16+$0xFFFFFD90]  }
0x200: {  	v10 =	vld [tilespmem:s16+$0xFFFFFDA0]  }
0x201: {  	v11 =	vld [tilespmem:s16+$0xFFFFFDB0]  }
0x202: {  	v18 =	vld [tilespmem:s16+$0xFFFFFBD0]  }
0x203: {  	v13 =	vld [tilespmem:s16+$0xFFFFFBE0]  }
0x204: {  	v14 =	vld [tilespmem:s16+$0xFFFFFBF0]  }
0x205: {  	v19 =	vld [tilespmem:s16+$0xFFFFFB90]  }
0x206: {  	v20 =	vld [tilespmem:s16+$0xFFFFF990]  }
0x207: {  	v21 =	vld [tilespmem:s16+$0xFFFFF9D0]  }
0x208: {  	v22 =	vld [tilespmem:s16+$0xFFFFFBA0]  }
0x209: {  	v23 =	vld [tilespmem:s16+$0xFFFFFBB0]  }
0x20a: {  	v25 =	vld [tilespmem:s16+$0xFFFFF9E0]  }
0x20b: {  	v24 =	vimm.f32 $+Inf;
	v26 =	vld [tilespmem:s16+$0xFFFFF9F0]  }
0x20c: {  	v27 =	vld [tilespmem:s16+$0xFFFFF9A0];
	v20 =	vmin.f32 v24, v20  }
0x20d: {  	v20 =	vmin.f32 v20, v21;
	v21 =	vld [tilespmem:s16+$0xFFFFF9B0]  }
0x20e: {  	v19 =	vmin.f32 v20, v19;
	v20 =	vld [tilespmem:s16+$0xFFFFF9C0]  }
0x20f: {  	v18 =	vmin.f32 v19, v18;
	v19 =	vld [tilespmem:s16+$0xFFFFFA00]  }
0x210: {  	v28 =	vld [tilespmem:s16+$0xFFFFFBC0];
	v17 =	vmin.f32 v18, v17  }
0x211: {  	v17 =	vmin.f32 v17, v16;
	v16 =	vld [tilespmem:s16+$0xFFFFFC00]  }
0x212: {  	v18 =	vmin.f32 v24, v27;
	v17 =	vmin.f32 v17, v15;
	v15 =	vld [tilespmem:s16+$0xFFFFFDC0]  }
0x213: {  	v21 =	vmin.f32 v24, v21;
	v12 =	vmin.f32 v17, v12;
	v20 =	vmin.f32 v24, v20;
	v17 =	vld [tilespmem:s16+$0xFFFFFE00]  }
0x214: {  	v63 =	vmin.f32 v18, v25;
	v18 =	vld [tilespmem:s16+$0xFFFFFFC0];
	v21 =	vmin.f32 v21, v26;
	v19 =	vmin.f32 v20, v19  }
0x215: {  	s15 =	simm.s32 $0x0;
	v20 =	vmin.f32 v63, v22;
	v21 =	vmin.f32 v21, v23;
	v22 =	vmin.f32 v19, v28;
	v19 =	vld [tilespmem:s16+$0x0];
	s16 =	simm.s32 $0x8F70  }
.LBB2_14:
0x216: {  	v23 =	vld [tilespmem:s16+$0xFFFFFFD0];
	v13 =	vmin.f32 v20, v13;
	v14 =	vmin.f32 v21, v14;
	v16 =	vmin.f32 v22, v16  }
0x217: {  	v20 =	vld [tilespmem:s16+$0xFFFFFFE0];
	v10 =	vmin.f32 v13, v10;
	v11 =	vmin.f32 v14, v11;
	v13 =	vmin.f32 v16, v15  }
0x218: {  	v14 =	vld [tilespmem:s16+$0xFFFFFFF0];
	v8 =	vmin.f32 v10, v8;
	v9 =	vmin.f32 v11, v9;
	v10 =	vmin.f32 v13, v17  }
0x219: {  	v15 =	vld [tilespmem:s16+$0xFFFFFF90];
	v8 =	vmin.f32 v8, v6;
	v7 =	vmin.f32 v9, v7;
	v9 =	vmin.f32 v10, v18  }
0x21a: {  	v6 =	vld [tilespmem:s16+$0xFFFFFFA0];
	v17 =	vmin.f32 v8, v4;
	v18 =	vmin.f32 v7, v5;
	v19 =	vmin.f32 v9, v19  }
0x21b: {  	v7 =	vld [tilespmem:s16+$0xFFFFFFB0]  }
0x21c: {  	v16 =	vld [tilespmem:s16+$0xFFFFFDD0];
	v4 =	vmov v20  }
0x21d: {  	v8 =	vld [tilespmem:s16+$0xFFFFFDE0];
	v5 =	vmov v14  }
0x21e: {  	v9 =	vld [tilespmem:s16+$0xFFFFFDF0]  }
0x21f: {  	v20 =	vld [tilespmem:s16+$0xFFFFFD90]  }
0x220: {  	v10 =	vld [tilespmem:s16+$0xFFFFFDA0]  }
0x221: {  	v11 =	vld [tilespmem:s16+$0xFFFFFDB0]  }
0x222: {  	v21 =	vld [tilespmem:s16+$0xFFFFFBD0]  }
0x223: {  	v13 =	vld [tilespmem:s16+$0xFFFFFBE0]  }
0x224: {  	v14 =	vld [tilespmem:s16+$0xFFFFFBF0]  }
0x225: {  	v22 =	vld [tilespmem:s16+$0xFFFFFB90]  }
0x226: {  	v24 =	vld [tilespmem:s16+$0xFFFFF990]  }
0x227: {  	v25 =	vld [tilespmem:s16+$0xFFFFF9D0]  }
0x228: {  	v26 =	vld [tilespmem:s16+$0xFFFFFBA0]  }
0x229: {  	v27 =	vld [tilespmem:s16+$0xFFFFFBB0]  }
0x22a: {  	v28 =	vld [tilespmem:s16+$0xFFFFF9E0]  }
0x22b: {  	v12 =	vmin.f32 v12, v24;
	v24 =	vld [tilespmem:s16+$0xFFFFF9F0]  }
0x22c: {  	v29 =	vld [tilespmem:s16+$0xFFFFF9A0];
	v12 =	vmin.f32 v12, v25  }
0x22d: {  	v25 =	vld [tilespmem:s16+$0xFFFFF9B0];
	v12 =	vmin.f32 v12, v22  }
0x22e: {  	s15 =	sadd.s32 $0x8, s15;
	v22 =	vld [tilespmem:s16+$0xFFFFF9C0];
	v12 =	vmin.f32 v12, v21  }
0x22f: {  	p1 =	slt.u32 s15, $0x78;
	v21 =	vld [tilespmem:s16+$0xFFFFFA00];
	v12 =	vmin.f32 v12, v20  }
0x230: {  	v30 =	vld [tilespmem:s16+$0xFFFFFBC0];
	v12 =	vmin.f32 v12, v16  }
.Ltmp6:
0x231: {  	v16 =	vld [tilespmem:s16+$0xFFFFFC00];
	v12 =	vmin.f32 v12, v15;
	(pc) =	sbr.rel @p1 .LBB2_14-.Ltmp6, $4  }
0x232: {  	v15 =	vld [tilespmem:s16+$0xFFFFFDC0];
	v12 =	vmin.f32 v12, v23  }
0x233: {  	v20 =	vmin.f32 v17, v29;
	v18 =	vmin.f32 v18, v25;
	v19 =	vmin.f32 v19, v22;
	v17 =	vld [tilespmem:s16+$0xFFFFFE00]  }
0x234: {  	v20 =	vmin.f32 v20, v28;
	v22 =	vmin.f32 v18, v24;
	v19 =	vmin.f32 v19, v21;
	v18 =	vld [tilespmem:s16+$0xFFFFFFC0]  }
0x235: {  	v20 =	vmin.f32 v20, v26;
	v21 =	vmin.f32 v22, v27;
	v22 =	vmin.f32 v19, v30;
	v19 =	vld [tilespmem:s16+$0x0];
	s16 =	sadd.s32 $0x800, s16  }
0x236: {  	v13 =	vmin.f32 v20, v13;
	v14 =	vmin.f32 v21, v14;
	v16 =	vmin.f32 v22, v16  }
0x237: {  	v10 =	vmin.f32 v13, v10;
	v11 =	vmin.f32 v14, v11;
	v13 =	vmin.f32 v16, v15  }
0x238: {  	v8 =	vmin.f32 v10, v8;
	v9 =	vmin.f32 v11, v9;
	v10 =	vmin.f32 v13, v17  }
0x239: {  	v6 =	vmin.f32 v8, v6;
	v7 =	vmin.f32 v9, v7;
	v8 =	vmin.f32 v10, v18  }
0x23a: {  	v4 =	vmin.f32 v6, v4;
	v5 =	vmin.f32 v7, v5;
	v6 =	vmin.f32 v8, v19  }
0x23b: {  	v4 =	vmin.f32 v12, v4;
	v5 =	vmin.f32 v5, v6  }
0x23c: {  	v4 =	vmin.f32 v4, v5  }
0x23d: {  	v5 =	vperm.xlane v4, v0;
	_ =	sdelay $0x1  }
0x23e: {  	v4 =	vmin.f32 v4, v5  }
0x23f: {  	v5 =	vperm.xlane v4, v1;
	_ =	sdelay $0x1  }
0x240: {  	v4 =	vmin.f32 v4, v5  }
0x241: {  	v5 =	vperm.xlane v4, v2;
	_ =	sdelay $0x1  }
0x242: {  	v4 =	vmin.f32 v4, v5  }
0x243: {  	v5 =	vperm.xlane v4, v3;
	_ =	sdelay $0x1  }
0x244: {  	v4 =	vmin.f32 v4, v5  }
0x245: {  	s16 =	simm.s32 $0x87F0;
	[tilespmem:$0x10300] =	vst v4  }
0x246: {  	v12 =	vld [tilespmem:s16+$0xFFFFFFD0]  }
0x247: {  	v4 =	vld [tilespmem:s16+$0xFFFFFFE0]  }
0x248: {  	v5 =	vld [tilespmem:s16+$0xFFFFFFF0]  }
0x249: {  	v15 =	vld [tilespmem:s16+$0xFFFFFF90]  }
0x24a: {  	v6 =	vld [tilespmem:s16+$0xFFFFFFA0]  }
0x24b: {  	v7 =	vld [tilespmem:s16+$0xFFFFFFB0]  }
0x24c: {  	v16 =	vld [tilespmem:s16+$0xFFFFFDD0]  }
0x24d: {  	v8 =	vld [tilespmem:s16+$0xFFFFFDE0]  }
0x24e: {  	v9 =	vld [tilespmem:s16+$0xFFFFFDF0]  }
0x24f: {  	v17 =	vld [tilespmem:s16+$0xFFFFFD90]  }
0x250: {  	v10 =	vld [tilespmem:s16+$0xFFFFFDA0]  }
0x251: {  	v11 =	vld [tilespmem:s16+$0xFFFFFDB0]  }
0x252: {  	v18 =	vld [tilespmem:s16+$0xFFFFFBD0]  }
0x253: {  	v13 =	vld [tilespmem:s16+$0xFFFFFBE0]  }
0x254: {  	v14 =	vld [tilespmem:s16+$0xFFFFFBF0]  }
0x255: {  	v19 =	vld [tilespmem:s16+$0xFFFFFB90]  }
0x256: {  	v20 =	vld [tilespmem:s16+$0xFFFFF990]  }
0x257: {  	v21 =	vld [tilespmem:s16+$0xFFFFF9D0]  }
0x258: {  	v22 =	vld [tilespmem:s16+$0xFFFFFBA0]  }
0x259: {  	v23 =	vld [tilespmem:s16+$0xFFFFFBB0]  }
0x25a: {  	v25 =	vld [tilespmem:s16+$0xFFFFF9E0]  }
0x25b: {  	v24 =	vimm.f32 $+Inf;
	v26 =	vld [tilespmem:s16+$0xFFFFF9F0]  }
0x25c: {  	v27 =	vld [tilespmem:s16+$0xFFFFF9A0];
	v20 =	vmin.f32 v24, v20  }
0x25d: {  	v20 =	vmin.f32 v20, v21;
	v21 =	vld [tilespmem:s16+$0xFFFFF9B0]  }
0x25e: {  	v19 =	vmin.f32 v20, v19;
	v20 =	vld [tilespmem:s16+$0xFFFFF9C0]  }
0x25f: {  	v18 =	vmin.f32 v19, v18;
	v19 =	vld [tilespmem:s16+$0xFFFFFA00]  }
0x260: {  	v28 =	vld [tilespmem:s16+$0xFFFFFBC0];
	v17 =	vmin.f32 v18, v17  }
0x261: {  	v17 =	vmin.f32 v17, v16;
	v16 =	vld [tilespmem:s16+$0xFFFFFC00]  }
0x262: {  	v18 =	vmin.f32 v24, v27;
	v17 =	vmin.f32 v17, v15;
	v15 =	vld [tilespmem:s16+$0xFFFFFDC0]  }
0x263: {  	v21 =	vmin.f32 v24, v21;
	v12 =	vmin.f32 v17, v12;
	v20 =	vmin.f32 v24, v20;
	v17 =	vld [tilespmem:s16+$0xFFFFFE00]  }
0x264: {  	v63 =	vmin.f32 v18, v25;
	v18 =	vld [tilespmem:s16+$0xFFFFFFC0];
	v21 =	vmin.f32 v21, v26;
	v19 =	vmin.f32 v20, v19  }
0x265: {  	s15 =	simm.s32 $0x0;
	v20 =	vmin.f32 v63, v22;
	v21 =	vmin.f32 v21, v23;
	v22 =	vmin.f32 v19, v28;
	v19 =	vld [tilespmem:s16+$0x0];
	s16 =	simm.s32 $0x8FF0  }
.LBB2_16:
0x266: {  	v23 =	vld [tilespmem:s16+$0xFFFFFFD0];
	v13 =	vmin.f32 v20, v13;
	v14 =	vmin.f32 v21, v14;
	v16 =	vmin.f32 v22, v16  }
0x267: {  	v20 =	vld [tilespmem:s16+$0xFFFFFFE0];
	v10 =	vmin.f32 v13, v10;
	v11 =	vmin.f32 v14, v11;
	v13 =	vmin.f32 v16, v15  }
0x268: {  	v14 =	vld [tilespmem:s16+$0xFFFFFFF0];
	v8 =	vmin.f32 v10, v8;
	v9 =	vmin.f32 v11, v9;
	v10 =	vmin.f32 v13, v17  }
0x269: {  	v15 =	vld [tilespmem:s16+$0xFFFFFF90];
	v8 =	vmin.f32 v8, v6;
	v7 =	vmin.f32 v9, v7;
	v9 =	vmin.f32 v10, v18  }
0x26a: {  	v6 =	vld [tilespmem:s16+$0xFFFFFFA0];
	v17 =	vmin.f32 v8, v4;
	v18 =	vmin.f32 v7, v5;
	v19 =	vmin.f32 v9, v19  }
0x26b: {  	v7 =	vld [tilespmem:s16+$0xFFFFFFB0]  }
0x26c: {  	v16 =	vld [tilespmem:s16+$0xFFFFFDD0];
	v4 =	vmov v20  }
0x26d: {  	v8 =	vld [tilespmem:s16+$0xFFFFFDE0];
	v5 =	vmov v14  }
0x26e: {  	v9 =	vld [tilespmem:s16+$0xFFFFFDF0]  }
0x26f: {  	v20 =	vld [tilespmem:s16+$0xFFFFFD90]  }
0x270: {  	v10 =	vld [tilespmem:s16+$0xFFFFFDA0]  }
0x271: {  	v11 =	vld [tilespmem:s16+$0xFFFFFDB0]  }
0x272: {  	v21 =	vld [tilespmem:s16+$0xFFFFFBD0]  }
0x273: {  	v13 =	vld [tilespmem:s16+$0xFFFFFBE0]  }
0x274: {  	v14 =	vld [tilespmem:s16+$0xFFFFFBF0]  }
0x275: {  	v22 =	vld [tilespmem:s16+$0xFFFFFB90]  }
0x276: {  	v24 =	vld [tilespmem:s16+$0xFFFFF990]  }
0x277: {  	v25 =	vld [tilespmem:s16+$0xFFFFF9D0]  }
0x278: {  	v26 =	vld [tilespmem:s16+$0xFFFFFBA0]  }
0x279: {  	v27 =	vld [tilespmem:s16+$0xFFFFFBB0]  }
0x27a: {  	v28 =	vld [tilespmem:s16+$0xFFFFF9E0]  }
0x27b: {  	v12 =	vmin.f32 v12, v24;
	v24 =	vld [tilespmem:s16+$0xFFFFF9F0]  }
0x27c: {  	v29 =	vld [tilespmem:s16+$0xFFFFF9A0];
	v12 =	vmin.f32 v12, v25  }
0x27d: {  	v25 =	vld [tilespmem:s16+$0xFFFFF9B0];
	v12 =	vmin.f32 v12, v22  }
0x27e: {  	s15 =	sadd.s32 $0x8, s15;
	v22 =	vld [tilespmem:s16+$0xFFFFF9C0];
	v12 =	vmin.f32 v12, v21  }
0x27f: {  	p1 =	slt.u32 s15, $0x78;
	v21 =	vld [tilespmem:s16+$0xFFFFFA00];
	v12 =	vmin.f32 v12, v20  }
0x280: {  	v30 =	vld [tilespmem:s16+$0xFFFFFBC0];
	v12 =	vmin.f32 v12, v16  }
.Ltmp7:
0x281: {  	v16 =	vld [tilespmem:s16+$0xFFFFFC00];
	v12 =	vmin.f32 v12, v15;
	(pc) =	sbr.rel @p1 .LBB2_16-.Ltmp7, $4  }
0x282: {  	v15 =	vld [tilespmem:s16+$0xFFFFFDC0];
	v12 =	vmin.f32 v12, v23  }
0x283: {  	v20 =	vmin.f32 v17, v29;
	v18 =	vmin.f32 v18, v25;
	v19 =	vmin.f32 v19, v22;
	v17 =	vld [tilespmem:s16+$0xFFFFFE00]  }
0x284: {  	v20 =	vmin.f32 v20, v28;
	v22 =	vmin.f32 v18, v24;
	v19 =	vmin.f32 v19, v21;
	v18 =	vld [tilespmem:s16+$0xFFFFFFC0]  }
0x285: {  	v20 =	vmin.f32 v20, v26;
	v21 =	vmin.f32 v22, v27;
	v22 =	vmin.f32 v19, v30;
	v19 =	vld [tilespmem:s16+$0x0];
	s16 =	sadd.s32 $0x800, s16  }
0x286: {  	v13 =	vmin.f32 v20, v13;
	v14 =	vmin.f32 v21, v14;
	v16 =	vmin.f32 v22, v16  }
0x287: {  	v10 =	vmin.f32 v13, v10;
	v11 =	vmin.f32 v14, v11;
	v60 =	vmin.f32 v16, v15  }
0x288: {  	v8 =	vmin.f32 v10, v8;
	v9 =	vmin.f32 v11, v9;
	v61 =	vmin.f32 v60, v17  }
0x289: {  	v6 =	vmin.f32 v8, v6;
	v7 =	vmin.f32 v9, v7;
	v62 =	vmin.f32 v61, v18  }
0x28a: {  	v4 =	vmin.f32 v6, v4;
	v5 =	vmin.f32 v7, v5;
	v63 =	vmin.f32 v62, v19  }
0x28b: {  	v4 =	vmin.f32 v12, v4;
	v5 =	vmin.f32 v5, v63  }
0x28c: {  	v4 =	vmin.f32 v4, v5  }
0x28d: {  	v5 =	vperm.xlane v4, v0;
	_ =	sdelay $0x1  }
0x28e: {  	v4 =	vmin.f32 v4, v5  }
0x28f: {  	v5 =	vperm.xlane v4, v1;
	_ =	sdelay $0x1  }
0x290: {  	v4 =	vmin.f32 v4, v5  }
0x291: {  	v5 =	vperm.xlane v4, v2;
	_ =	sdelay $0x1  }
0x292: {  	v4 =	vmin.f32 v4, v5  }
0x293: {  	v5 =	vperm.xlane v4, v3;
	_ =	sdelay $0x1  }
0x294: {  	v4 =	vmin.f32 v4, v5  }
0x295: {  	[tilespmem:$0x10380] =	vst v4  }
0x296: {  	[hbm4b:s6+s1] =	stream.linear.scatter [tilespmem:s12], [sflag:$0x3], $0x400, $0x38;
	[tilespmem:$0x10480] =	vst v63  }
0x297: {  	_ =	swait.ge [sflag:s13], $0x400  }
0x298: {  	[sflag:s13] =	ssyncset.done $0x0  }
0x299: {  	s14 =	sadd.s32 $0x1, s14;
	v4 =	vimm.f32 @!p0 $0.0e+00;
	[sflag:s13] =	ssyncadd.s32 $0xFFFFFC00  }
0x29a: {  	s15 =	simm.s32 @!p0 $0x0;
	s16 =	simm.s32 @!p0 $0x10400;
	p1 =	sne.s32 s14, s7;
	[tilespmem:$0x10400] =	vst @!p0 v4  }
0x29b: {  	[hbm4b:s3+s15] =	stream.linear.scatter @!p0 [tilespmem:s16], [sflag:$0x3], $0x80, $0x38;
	[tilespmem:$0x10480] =	vst v63  }
.Ltmp8:
0x29c: {  	_ = 	snop;
	(pc) =	sbr.rel @p1 .LBB2_1-.Ltmp8, $4  }
0x29d: {  	s15 =	simm.s32 @!p0 $0x3  }
0x29e: {  	_ =	swait.ge @!p0 [sflag:s15], $0x80  }
0x29f: {  	[sflag:s15] =	ssyncset.done @!p0 $0x0  }
0x2a0: {  	[sflag:s15] =	ssyncadd.s32 @!p0 $0xFFFFFF80  }
0x2a1: {  	_ =	sfence.sel $0x180000  }
0x2a2: {  	[bflag:$0x0] =	sbarrier.arrive $0xFFFF  }
0x2a3: {  	p0 =	sne.s32 s2, $0x0;
	_ =	strace $0x90000047  }
0x2a4: {  	s0 =	sadd.s32 @!p0 $0x100000, s0;
	[bflag:$0x2] =	sbarrier.arrive $0xFFFF  }
0x2a5: {  	[sflag:s0] =	ssyncadd.tile.s32 @!p0 $0x1;
	_ =	shalt  }
.Lfunc_end2:
_tile_overlayer_lowered:
.L_overlay_start_2:
0x2a6: {  	(tag) =	ssettag $0x2  }
0x2a7: {  	s0 =	rddreg [dreg:$0x0];
	s2 =	stileid.u32  }
0x2a8: {  	s1 =	rddreg [dreg:$0x1];
	p0 =	sne.s32 s2, $0x0  }
0x2a9: {  	s3 =	rddreg [dreg:$0x2];
	[bflag:$0x3] =	sbarrier.arrive $0xFFFF;
	s2 =	simm.s32 @!p0 $0x1C03  }
0x2aa: {  	[timem:s3], [sflag:s2] =	dma.local @!p0 [hbm:s0], s1  }
0x2ab: {  	s0 =	simm.s32 @!p0 $0x3  }
0x2ac: {  	_ =	swait.ge @!p0 [sflag:s0], s1  }
0x2ad: {  	s1 =	ssub.s32 @!p0 $0x0, s1;
	[sflag:s0] =	ssyncset.done @!p0 $0x0  }
0x2ae: {  	[sflag:s0] =	ssyncadd.s32 @!p0 s1  }
0x2af: {  	[bflag:$0x3] =	sbarrier.arrive $0xFFFF  }
0x2b0: {  	_ =	shalt  }

</sc_bundles>
